<compile_context>
chip_gen: v7x
topology: tpu7x:2x2x1
jax: 0.10.2.dev20260603
libtpu: 0.0.44.dev20260713+nightly
codegen_flags: <defaults>
</compile_context>

<pallas_src>
import functools

import jax
import jax.numpy as jnp
from jax import lax
from jax.experimental import pallas as pl
from jax.experimental.pallas import tpu as pltpu
from jax.experimental.pallas import tpu_sc as plsc

N_USER = 4000
N_NODES = 10000
EMBED = 128
NC, NS = 2, 16
NW = NC * NS
CHUNK = 128
NROWS = 10240
ROWS_PER_TILE = NROWS // NS
E_HALF = 160000
HCH = 1280
CPW = HCH // NS
SEGCH = 40
TRASH_ROW = N_NODES
SPM_ROWS = N_NODES + 16

_SC_MESH = dict(core_axis_name="c", subcore_axis_name="s",
                num_cores=NC, num_subcores=NS)


def _sc_pipeline(table, acc, src_v, dst_v, bufs, gsems, ssems, ncw):
    nh = len(bufs) // 2
    A = tuple(range(nh))
    B = tuple(range(nh, 2 * nh))

    def fire_g(b, j):
        pltpu.async_copy(table.at[src_v.at[j]], bufs[b], gsems[b])

    def wait_g(b):
        pltpu.make_async_copy(table.at[src_v.at[0]], bufs[b], gsems[b]).wait()

    def fire_s(b, j):
        pltpu.async_copy(bufs[b], acc.at[dst_v.at[j]], ssems[b], add=True)

    def wait_s(b):
        pltpu.make_async_copy(bufs[b], acc.at[dst_v.at[0]], ssems[b]).wait()

    for i, b in enumerate(A):
        fire_g(b, i)

    def body(g2, carry):
        j0 = 2 * nh * g2
        for i, b in enumerate(B):
            @pl.when(g2 > 0)
            def _(b=b):
                wait_s(b)
            fire_g(b, j0 + nh + i)
        for i, b in enumerate(A):
            wait_g(b)
            fire_s(b, j0 + i)
        for i, b in enumerate(A):
            wait_s(b)

            @pl.when(j0 + 2 * nh + i < ncw)
            def _(b=b, i=i, j0=j0):
                fire_g(b, j0 + 2 * nh + i)
        for i, b in enumerate(B):
            wait_g(b)
            fire_s(b, j0 + nh + i)
        return carry

    lax.fori_loop(0, ncw // (2 * nh), body, 0)
    for b in B:
        wait_s(b)


def _cnt16():

    @functools.partial(
        pl.kernel,
        mesh=plsc.VectorSubcoreMesh(**_SC_MESH),
        compiler_params=pltpu.CompilerParams(use_tc_tiling_on_sc=False),
        out_type=jax.ShapeDtypeStruct((NC, NROWS, 16), jnp.float32),
        scratch_types=[
            pltpu.VMEM((CPW, CHUNK), jnp.int32),
        ] + [pltpu.VMEM((CHUNK, 16), jnp.float32)] * 2 + [
            pltpu.VMEM_SHARED((NROWS, 16), jnp.float32),
        ] + [pltpu.SemaphoreType.DMA] * 2,
    )
    def cnt(dst0_hbm, dst1_hbm, zeros_hbm, out_hbm, dst_v, *rest):
        bufs, acc, ssems = rest[:2], rest[2], rest[3:5]
        cid = lax.axis_index("c")
        sid = lax.axis_index("s")
        rpt = pl.ds(sid * ROWS_PER_TILE, ROWS_PER_TILE)
        pltpu.sync_copy(zeros_hbm, acc.at[rpt])

        @pl.when(cid == 0)
        def _():
            pltpu.sync_copy(dst0_hbm.at[pl.ds(sid * CPW, CPW)], dst_v)

        @pl.when(cid == 1)
        def _():
            pltpu.sync_copy(dst1_hbm.at[pl.ds(sid * CPW, CPW)], dst_v)
        for b in range(2):
            def fill(i, carry, b=b):
                bufs[b][i, :] = jnp.ones((16,), jnp.float32)
                return carry
            lax.fori_loop(0, CHUNK, fill, 0)
        plsc.subcore_barrier()

        def body(j2, carry):
            for b in range(2):
                @pl.when(j2 > 0)
                def _(b=b):
                    pltpu.make_async_copy(
                        bufs[b], acc.at[dst_v.at[0]], ssems[b]).wait()
                pltpu.async_copy(
                    bufs[b], acc.at[dst_v.at[2 * j2 + b]], ssems[b], add=True)
            return carry

        lax.fori_loop(0, CPW // 2, body, 0)
        for b in range(2):
            pltpu.make_async_copy(bufs[b], acc.at[dst_v.at[0]], ssems[b]).wait()
        plsc.subcore_barrier()
        pltpu.sync_copy(acc.at[rpt], out_hbm.at[cid, rpt])

    return cnt


def _seg16():

    @functools.partial(
        pl.kernel,
        mesh=plsc.VectorSubcoreMesh(**_SC_MESH),
        compiler_params=pltpu.CompilerParams(use_tc_tiling_on_sc=False),
        out_type=jax.ShapeDtypeStruct((NC, NROWS, 16), jnp.float32),
        scratch_types=[
            pltpu.VMEM((CPW, CHUNK), jnp.int32),
            pltpu.VMEM((CPW, CHUNK), jnp.int32),
        ] + [pltpu.VMEM((CHUNK, 16), jnp.float32)] * 4 + [
            pltpu.VMEM_SHARED((NROWS, 16), jnp.float32),
            pltpu.VMEM_SHARED((NROWS, 16), jnp.float32),
        ] + [pltpu.SemaphoreType.DMA] * 8,
    )
    def seg(table_hbm, src0_hbm, src1_hbm, dst0_hbm, dst1_hbm, zeros_hbm,
            out_hbm, src_v, dst_v, *rest):
        bufs, acc, tbl, gsems, ssems = rest[:4], rest[4], rest[5], rest[6:10], rest[10:14]
        cid = lax.axis_index("c")
        sid = lax.axis_index("s")
        rpt = pl.ds(sid * ROWS_PER_TILE, ROWS_PER_TILE)
        pltpu.sync_copy(zeros_hbm, acc.at[rpt])
        pltpu.sync_copy(table_hbm.at[rpt], tbl.at[rpt])

        @pl.when(cid == 0)
        def _():
            pltpu.sync_copy(src0_hbm.at[pl.ds(sid * CPW, CPW)], src_v)
            pltpu.sync_copy(dst0_hbm.at[pl.ds(sid * CPW, CPW)], dst_v)

        @pl.when(cid == 1)
        def _():
            pltpu.sync_copy(src1_hbm.at[pl.ds(sid * CPW, CPW)], src_v)
            pltpu.sync_copy(dst1_hbm.at[pl.ds(sid * CPW, CPW)], dst_v)
        plsc.subcore_barrier()
        _sc_pipeline(tbl, acc, src_v, dst_v, bufs, gsems, ssems, CPW)
        plsc.subcore_barrier()
        pltpu.sync_copy(acc.at[pl.ds(sid * ROWS_PER_TILE, ROWS_PER_TILE)],
                        out_hbm.at[cid, pl.ds(sid * ROWS_PER_TILE, ROWS_PER_TILE)])

    return seg


def _segfull():

    @functools.partial(
        pl.kernel,
        mesh=plsc.VectorSubcoreMesh(**_SC_MESH),
        compiler_params=pltpu.CompilerParams(use_tc_tiling_on_sc=False),
        out_type=jax.ShapeDtypeStruct((N_NODES, EMBED), jnp.float32),
        scratch_types=[
            pltpu.VMEM((SEGCH, CHUNK), jnp.int32),
            pltpu.VMEM((SEGCH, CHUNK), jnp.int32),
        ] + [pltpu.VMEM((CHUNK, EMBED), jnp.float32)] * 2 + [
            pltpu.VMEM_SHARED((SPM_ROWS, EMBED), jnp.float32),
        ] + [pltpu.SemaphoreType.DMA] * 4,
    )
    def seg(table_hbm, src0_hbm, src1_hbm, dst0_hbm, dst1_hbm, zeros_hbm,
            out_hbm, src_v, dst_v, *rest):
        bufs, spm, gsems, ssems = rest[:2], rest[2], rest[3:5], rest[5:7]
        cid = lax.axis_index("c")
        sid = lax.axis_index("s")

        @pl.when(cid == 0)
        def _():
            pltpu.sync_copy(table_hbm.at[pl.ds(sid * 250, 250)],
                            spm.at[pl.ds(sid * 250, 250)])
            pltpu.sync_copy(zeros_hbm,
                            spm.at[pl.ds(N_USER + sid * 376, 376)])

        @pl.when(cid == 1)
        def _():
            pltpu.sync_copy(table_hbm.at[pl.ds(N_USER + sid * 375, 375)],
                            spm.at[pl.ds(N_USER + sid * 375, 375)])
            pltpu.sync_copy(zeros_hbm.at[pl.ds(0, 250)],
                            spm.at[pl.ds(sid * 250, 250)])
        plsc.subcore_barrier()

        def seg_body(s, carry):
            base = sid * CPW + s * SEGCH

            @pl.when(cid == 0)
            def _():
                pltpu.sync_copy(src0_hbm.at[pl.ds(base, SEGCH)], src_v)
                pltpu.sync_copy(dst0_hbm.at[pl.ds(base, SEGCH)], dst_v)

            @pl.when(cid == 1)
            def _():
                pltpu.sync_copy(src1_hbm.at[pl.ds(base, SEGCH)], src_v)
                pltpu.sync_copy(dst1_hbm.at[pl.ds(base, SEGCH)], dst_v)
            _sc_pipeline(spm, spm, src_v, dst_v, bufs, gsems, ssems, SEGCH)
            return carry

        lax.fori_loop(0, CPW // SEGCH, seg_body, 0)
        plsc.subcore_barrier()

        @pl.when(cid == 0)
        def _():
            pltpu.sync_copy(spm.at[pl.ds(N_USER + sid * 375, 375)],
                            out_hbm.at[pl.ds(N_USER + sid * 375, 375)])

        @pl.when(cid == 1)
        def _():
            pltpu.sync_copy(spm.at[pl.ds(sid * 250, 250)],
                            out_hbm.at[pl.ds(sid * 250, 250)])

    return seg


_seg16_k = functools.cache(_seg16)
_cnt16_k = functools.cache(_cnt16)
_segfull_k = functools.cache(_segfull)

_B_IDX = 96


def _final_gather(t0, t1, t2, t3, idx2d):

    @functools.partial(
        pl.kernel,
        mesh=plsc.VectorSubcoreMesh(**_SC_MESH),
        out_type=jax.ShapeDtypeStruct((NW * _B_IDX, 4 * EMBED), jnp.float32),
        scratch_types=[
            pltpu.VMEM((_B_IDX,), jnp.int32),
            pltpu.VMEM((_B_IDX, EMBED), jnp.float32),
            pltpu.SemaphoreType.DMA,
        ],
    )
    def gath(tab0, tab1, tab2, tab3, idx_hbm, out_hbm, idx_v, rows_v, sem):
        cid = lax.axis_index("c")
        sid = lax.axis_index("s")
        wid = cid * NS + sid
        pltpu.sync_copy(idx_hbm.at[wid], idx_v)
        for t, tab in enumerate((tab0, tab1, tab2, tab3)):
            pltpu.async_copy(tab.at[idx_v], rows_v, sem).wait()
            pltpu.sync_copy(rows_v,
                            out_hbm.at[pl.ds(wid * _B_IDX, _B_IDX),
                                       pl.ds(t * EMBED, EMBED)])

    return gath(t0, t1, t2, t3, idx2d)


_DBLK = 2000


def _prep_kernel(emd, cnt_parts):
    def body(emd_ref, cnt_ref, r_ref, hs0_ref):
        ind = cnt_ref[0] + cnt_ref[1]
        r = jnp.where(ind > 0, lax.rsqrt(jnp.maximum(ind, 1e-30)), 0.0)
        r_ref[...] = r
        hs0_ref[...] = emd_ref[...] * r[:, :1]

    grid = N_NODES // _DBLK
    return pl.pallas_call(
        body,
        grid=(grid,),
        in_specs=[
            pl.BlockSpec((_DBLK, EMBED), lambda i: (i, 0)),
            pl.BlockSpec((2, _DBLK, 16), lambda i: (0, i, 0)),
        ],
        out_specs=[
            pl.BlockSpec((_DBLK, 16), lambda i: (i, 0)),
            pl.BlockSpec((_DBLK, EMBED), lambda i: (i, 0)),
        ],
        out_shape=[
            jax.ShapeDtypeStruct((NROWS, 16), jnp.float32),
            jax.ShapeDtypeStruct((N_NODES, EMBED), jnp.float32),
        ],
    )(emd, cnt_parts)


def _dense_layer(h, a, r16, csum_parts, W1, b1, W2, b2, need_hs=True):
    def body(h_ref, a_ref, r_ref, cs_ref, w1_ref, b1_ref, w2_ref, b2_ref,
             hn_ref, hs_ref=None):
        h = h_ref[...]
        self_node = jnp.dot(h, w1_ref[...], preferred_element_type=jnp.float32) \
            + b1_ref[...]
        a = a_ref[...]
        r = r_ref[:, :1]
        c = r * (cs_ref[0][:, :1] + cs_ref[1][:, :1])
        t = (a * r) * h
        inter = jnp.dot(t, w2_ref[...], preferred_element_type=jnp.float32)
        pre = self_node + (self_node + b2_ref[...]) * c + inter
        hn = jnp.where(pre >= 0, pre, 0.2 * pre)
        nrm = jnp.sqrt(jnp.sum(hn * hn, axis=1, keepdims=True))
        hn = hn / jnp.maximum(nrm, 1e-12)
        hn_ref[...] = hn
        if need_hs:
            hs_ref[...] = hn * r

    grid = N_NODES // _DBLK
    wspec = pl.BlockSpec((EMBED, EMBED), lambda i: (0, 0))
    bspec = pl.BlockSpec((1, EMBED), lambda i: (0, 0))
    return pl.pallas_call(
        body,
        grid=(grid,),
        in_specs=[
            pl.BlockSpec((_DBLK, EMBED), lambda i: (i, 0)),
            pl.BlockSpec((_DBLK, EMBED), lambda i: (i, 0)),
            pl.BlockSpec((_DBLK, 16), lambda i: (i, 0)),
            pl.BlockSpec((2, _DBLK, 16), lambda i: (0, i, 0)),
            wspec, bspec, wspec, bspec,
        ],
        out_specs=[pl.BlockSpec((_DBLK, EMBED), lambda i: (i, 0))] * (
            2 if need_hs else 1),
        out_shape=[jax.ShapeDtypeStruct((N_NODES, EMBED), jnp.float32)] * (
            2 if need_hs else 1),
    )(h, a, r16, csum_parts, W1, b1, W2, b2)


def kernel(user, pos_item, neg_item, src, dst, emd,
           W1_0, b1_0, W2_0, b2_0,
           W1_1, b1_1, W2_1, b2_1,
           W1_2, b1_2, W2_2, b2_2):
    params = [(W1_0, b1_0, W2_0, b2_0),
              (W1_1, b1_1, W2_1, b2_1),
              (W1_2, b1_2, W2_2, b2_2)]

    hpad = HCH * CHUNK - E_HALF
    si = src.astype(jnp.int32)
    di = dst.astype(jnp.int32)
    p0 = jnp.zeros((hpad,), jnp.int32)
    p1 = jnp.full((hpad,), N_USER, jnp.int32)
    pt = jnp.full((hpad,), TRASH_ROW, jnp.int32)
    src0 = jnp.concatenate([si[:E_HALF], p0]).reshape(HCH, CHUNK)
    src1 = jnp.concatenate([si[E_HALF:], p1]).reshape(HCH, CHUNK)
    dst0 = jnp.concatenate([di[:E_HALF], pt]).reshape(HCH, CHUNK)
    dst1 = jnp.concatenate([di[E_HALF:], pt]).reshape(HCH, CHUNK)

    z16 = jnp.zeros((ROWS_PER_TILE, 16), jnp.float32)
    z128 = jnp.zeros((376, EMBED), jnp.float32)

    cnt_parts = _cnt16_k()(dst0, dst1, z16)
    r16, hs = _prep_kernel(emd, cnt_parts)
    csum_parts = _seg16_k()(r16, src0, src1, dst0, dst1, z16)

    h = emd
    h_tables = []
    for li, (W1, b1, W2, b2) in enumerate(params):
        a = _segfull_k()(hs, src0, src1, dst0, dst1, z128)
        out = _dense_layer(h, a, r16, csum_parts, W1, b1, W2, b2,
                           need_hs=(li < 2))
        h = out[0]
        hs = out[1] if li < 2 else None
        h_tables.append(h)

    idx = jnp.concatenate([user.astype(jnp.int32),
                           N_USER + pos_item.astype(jnp.int32),
                           N_USER + neg_item.astype(jnp.int32)]).reshape(NW, _B_IDX)
    res = _final_gather(emd, h_tables[0], h_tables[1], h_tables[2], idx)
    return (res[0:1024], res[1024:2048], res[2048:3072])

# --- scband reference (transcript-rebuilt; emitter-appended) ---
"""Pipeline reference for scband-ngcf-dgl-53051436040896 (READ-ONLY COPY).

The authoritative reference and input builder live on the scoring server;
editing this copy changes nothing except your own understanding.
"""

import jax, jax.numpy as jnp
import numpy as np

N_USER = 4000
N_ITEM = 6000
N_NODES = N_USER + N_ITEM
EMBED = 128
LAYERS = 3
E_HALF = 160000
BATCH = 1024


def _xavier(key, shape):
    fan_in, fan_out = shape[0], shape[1]
    b = float(np.sqrt(6.0 / (fan_in + fan_out)))
    return jax.random.uniform(key, shape, jnp.float32, -b, b)


def setup_inputs(seed: int = 0) -> dict:
    key = jax.random.key(seed)
    ks = jax.random.split(key, 6 + 4 * LAYERS)
    u = jax.random.randint(ks[0], (E_HALF,), 0, N_USER)
    it = jax.random.randint(ks[1], (E_HALF,), 0, N_ITEM) + N_USER
    src = jnp.concatenate([u, it])
    dst = jnp.concatenate([it, u])
    inp = {
        'user': jax.random.randint(ks[2], (BATCH,), 0, N_USER),
        'pos_item': jax.random.randint(ks[3], (BATCH,), 0, N_ITEM),
        'neg_item': jax.random.randint(ks[4], (BATCH,), 0, N_ITEM),
        'src': src,
        'dst': dst,
        'emd': _xavier(ks[5], (N_NODES, EMBED)),
    }
    for k in range(LAYERS):
        inp['W1_%d' % k] = _xavier(ks[6 + 4 * k], (EMBED, EMBED))
        inp['b1_%d' % k] = _xavier(ks[7 + 4 * k], (1, EMBED))
        inp['W2_%d' % k] = _xavier(ks[8 + 4 * k], (EMBED, EMBED))
        inp['b2_%d' % k] = _xavier(ks[9 + 4 * k], (1, EMBED))
    return inp


def reference(user, pos_item, neg_item, src, dst, emd,
              W1_0, b1_0, W2_0, b2_0,
              W1_1, b1_1, W2_1, b2_1,
              W1_2, b1_2, W2_2, b2_2):
    params = [(W1_0, b1_0, W2_0, b2_0),
              (W1_1, b1_1, W2_1, b2_1),
              (W1_2, b1_2, W2_2, b2_2)]
    N = emd.shape[0]
    in_d = jnp.bincount(dst, length=N).astype(jnp.float32)
    all_emb = [emd]
    h = emd
    for (W1, b1, W2, b2) in params:
        # message function: self_information + interaction_information, degree-normalized
        self_node = h @ W1 + b1                      # node-level transform, gathered at dst
        self_info = self_node[dst]                   # [E, d]
        inter = (h[src] * h[dst]) @ W2 + b2          # [E, d]
        norm = jnp.sqrt(in_d[src]) * jnp.sqrt(in_d[dst])  # [E]
        msg = (self_info + inter) / norm[:, None]
        new_emd = jax.ops.segment_sum(msg, dst, num_segments=N)
        h = jax.nn.leaky_relu(h @ W1 + b1 + new_emd, negative_slope=0.2)
        h = h / jnp.maximum(jnp.linalg.norm(h, axis=1, keepdims=True), 1e-12)
        all_emb.append(h)
    all_emb = jnp.concatenate(all_emb, axis=1)       # [N, EMBED*(LAYERS+1)]
    user_e = all_emb[user]
    pos_e = all_emb[N_USER + pos_item]
    neg_e = all_emb[N_USER + neg_item]
    return (user_e, pos_e, neg_e)

if __name__ == "__main__":
    import jax
    _d = setup_inputs()
    print(jax.jit(kernel)(*tuple(_d.values())))

</pallas_src>

<mosaic_0001>
#map = affine_map<(d0, d1) -> (0, 0)>
module attributes {stable_mosaic.version = 14 : i64} {
  func.func @seg(%arg0: i32, %arg1: i32, %arg2: memref<10000x128xf32, #tpu.memory_space<hbm>>, %arg3: memref<1280x128xi32, #tpu.memory_space<hbm>>, %arg4: memref<1280x128xi32, #tpu.memory_space<hbm>>, %arg5: memref<1280x128xi32, #tpu.memory_space<hbm>>, %arg6: memref<1280x128xi32, #tpu.memory_space<hbm>>, %arg7: memref<376x128xf32, #tpu.memory_space<hbm>>, %arg8: memref<10000x128xf32, #tpu.memory_space<hbm>>, %arg9: memref<40x128xi32, #tpu.memory_space<vmem>>, %arg10: memref<40x128xi32, #tpu.memory_space<vmem>>, %arg11: memref<128x128xf32, #tpu.memory_space<vmem>>, %arg12: memref<128x128xf32, #tpu.memory_space<vmem>>, %arg13: memref<10016x128xf32, #tpu.memory_space<vmem_shared>>, %arg14: memref<!tpu.dma_semaphore, #tpu.memory_space<semaphore_mem>>, %arg15: memref<!tpu.dma_semaphore, #tpu.memory_space<semaphore_mem>>, %arg16: memref<!tpu.dma_semaphore, #tpu.memory_space<semaphore_mem>>, %arg17: memref<!tpu.dma_semaphore, #tpu.memory_space<semaphore_mem>>) attributes {dimension_semantics = [#tpu.dimension_semantics<core_parallel>, #tpu.dimension_semantics<subcore_parallel>], iteration_bounds = array<i64: 2, 16>, scalar_prefetch = 0 : i64, scratch_operands = 9 : i64, tpu.core_type = #tpu.core_type<sc_vector_subcore>, window_params = [{transform_indices = #map}, {transform_indices = #map}, {transform_indices = #map}, {transform_indices = #map}, {transform_indices = #map}, {transform_indices = #map}, {transform_indices = #map}]} {
    %eq3A = arith.constant 0 : i32
    %eq3A_0 = arith.cmpi eq, %arg0, %eq3A : i32
    %convert_element_type3A = arith.extui %eq3A_0 : i1 to i32
    %cond3A = arith.constant 0 : i32
    %cond3A_1 = arith.cmpi ne, %convert_element_type3A, %cond3A : i32
    scf.if %cond3A_1 {
      %mul3A = arith.constant 250 : i32
      %mul3A_23 = arith.muli %arg1, %mul3A : i32
      %mul3A_24 = arith.constant 250 : i32
      %mul3A_25 = arith.muli %arg1, %mul3A_24 : i32
      "tpu.region"() ({
        %run_scoped3A = tpu.sem_alloc : memref<!tpu.dma_semaphore, #tpu.memory_space<semaphore_mem>>
        %dma_start3A = arith.constant 0 : i32
        %dma_start3A_29 = tpu.memref_slice %arg13[%mul3A_25, %dma_start3A] : memref<10016x128xf32, #tpu.memory_space<vmem_shared>> -> memref<250x128xf32, #tpu.memory_space<vmem_shared>>
        %dma_start3A_30 = arith.constant 0 : i32
        %dma_start3A_31 = tpu.memref_slice %arg2[%mul3A_23, %dma_start3A_30] : memref<10000x128xf32, #tpu.memory_space<hbm>> -> memref<250x128xf32, #tpu.memory_space<hbm>>
        tpu.enqueue_dma source(%dma_start3A_31 : memref<250x128xf32, #tpu.memory_space<hbm>>) target(%dma_start3A_29 : memref<250x128xf32, #tpu.memory_space<vmem_shared>>) target_semaphore(%run_scoped3A : memref<!tpu.dma_semaphore, #tpu.memory_space<semaphore_mem>>)
        %dma_wait3A = arith.constant 0 : i32
        %dma_wait3A_32 = tpu.memref_slice %arg13[%mul3A_25, %dma_wait3A] : memref<10016x128xf32, #tpu.memory_space<vmem_shared>> -> memref<250x128xf32, #tpu.memory_space<vmem_shared>>
        %dma_wait3A_33 = arith.constant 0 : i32
        %dma_wait3A_34 = tpu.memref_slice %arg2[%mul3A_23, %dma_wait3A_33] : memref<10000x128xf32, #tpu.memory_space<hbm>> -> memref<250x128xf32, #tpu.memory_space<hbm>>
        tpu.wait_dma2 semaphore(%run_scoped3A : memref<!tpu.dma_semaphore, #tpu.memory_space<semaphore_mem>>) src(%dma_wait3A_34 : memref<250x128xf32, #tpu.memory_space<hbm>>) dst(%dma_wait3A_32 : memref<250x128xf32, #tpu.memory_space<vmem_shared>>)
        tpu.yield
      }) : () -> ()
      %mul3A_26 = arith.constant 376 : i32
      %mul3A_27 = arith.muli %arg1, %mul3A_26 : i32
      %add3A = arith.constant 4000 : i32
      %add3A_28 = arith.addi %add3A, %mul3A_27 : i32
      "tpu.region"() ({
        %run_scoped3A = tpu.sem_alloc : memref<!tpu.dma_semaphore, #tpu.memory_space<semaphore_mem>>
        %dma_start3A = arith.constant 0 : i32
        %dma_start3A_29 = tpu.memref_slice %arg13[%add3A_28, %dma_start3A] : memref<10016x128xf32, #tpu.memory_space<vmem_shared>> -> memref<376x128xf32, #tpu.memory_space<vmem_shared>>
        tpu.enqueue_dma source(%arg7 : memref<376x128xf32, #tpu.memory_space<hbm>>) target(%dma_start3A_29 : memref<376x128xf32, #tpu.memory_space<vmem_shared>>) target_semaphore(%run_scoped3A : memref<!tpu.dma_semaphore, #tpu.memory_space<semaphore_mem>>)
        %dma_wait3A = arith.constant 0 : i32
        %dma_wait3A_30 = tpu.memref_slice %arg13[%add3A_28, %dma_wait3A] : memref<10016x128xf32, #tpu.memory_space<vmem_shared>> -> memref<376x128xf32, #tpu.memory_space<vmem_shared>>
        tpu.wait_dma2 semaphore(%run_scoped3A : memref<!tpu.dma_semaphore, #tpu.memory_space<semaphore_mem>>) src(%arg7 : memref<376x128xf32, #tpu.memory_space<hbm>>) dst(%dma_wait3A_30 : memref<376x128xf32, #tpu.memory_space<vmem_shared>>)
        tpu.yield
      }) : () -> ()
    } else {
    }
    %eq3A_2 = arith.constant 1 : i32
    %eq3A_3 = arith.cmpi eq, %arg0, %eq3A_2 : i32
    %convert_element_type3A_4 = arith.extui %eq3A_3 : i1 to i32
    %cond3A_5 = arith.constant 0 : i32
    %cond3A_6 = arith.cmpi ne, %convert_element_type3A_4, %cond3A_5 : i32
    scf.if %cond3A_6 {
      %mul3A = arith.constant 375 : i32
      %mul3A_23 = arith.muli %arg1, %mul3A : i32
      %add3A = arith.constant 4000 : i32
      %add3A_24 = arith.addi %add3A, %mul3A_23 : i32
      %mul3A_25 = arith.constant 375 : i32
      %mul3A_26 = arith.muli %arg1, %mul3A_25 : i32
      %add3A_27 = arith.constant 4000 : i32
      %add3A_28 = arith.addi %add3A_27, %mul3A_26 : i32
      "tpu.region"() ({
        %run_scoped3A = tpu.sem_alloc : memref<!tpu.dma_semaphore, #tpu.memory_space<semaphore_mem>>
        %dma_start3A = arith.constant 0 : i32
        %dma_start3A_31 = tpu.memref_slice %arg13[%add3A_28, %dma_start3A] : memref<10016x128xf32, #tpu.memory_space<vmem_shared>> -> memref<375x128xf32, #tpu.memory_space<vmem_shared>>
        %dma_start3A_32 = arith.constant 0 : i32
        %dma_start3A_33 = tpu.memref_slice %arg2[%add3A_24, %dma_start3A_32] : memref<10000x128xf32, #tpu.memory_space<hbm>> -> memref<375x128xf32, #tpu.memory_space<hbm>>
        tpu.enqueue_dma source(%dma_start3A_33 : memref<375x128xf32, #tpu.memory_space<hbm>>) target(%dma_start3A_31 : memref<375x128xf32, #tpu.memory_space<vmem_shared>>) target_semaphore(%run_scoped3A : memref<!tpu.dma_semaphore, #tpu.memory_space<semaphore_mem>>)
        %dma_wait3A = arith.constant 0 : i32
        %dma_wait3A_34 = tpu.memref_slice %arg13[%add3A_28, %dma_wait3A] : memref<10016x128xf32, #tpu.memory_space<vmem_shared>> -> memref<375x128xf32, #tpu.memory_space<vmem_shared>>
        %dma_wait3A_35 = arith.constant 0 : i32
        %dma_wait3A_36 = tpu.memref_slice %arg2[%add3A_24, %dma_wait3A_35] : memref<10000x128xf32, #tpu.memory_space<hbm>> -> memref<375x128xf32, #tpu.memory_space<hbm>>
        tpu.wait_dma2 semaphore(%run_scoped3A : memref<!tpu.dma_semaphore, #tpu.memory_space<semaphore_mem>>) src(%dma_wait3A_36 : memref<375x128xf32, #tpu.memory_space<hbm>>) dst(%dma_wait3A_34 : memref<375x128xf32, #tpu.memory_space<vmem_shared>>)
        tpu.yield
      }) : () -> ()
      %mul3A_29 = arith.constant 250 : i32
      %mul3A_30 = arith.muli %arg1, %mul3A_29 : i32
      "tpu.region"() ({
        %run_scoped3A = tpu.sem_alloc : memref<!tpu.dma_semaphore, #tpu.memory_space<semaphore_mem>>
        %dma_start3A = arith.constant 0 : i32
        %dma_start3A_31 = tpu.memref_slice %arg13[%mul3A_30, %dma_start3A] : memref<10016x128xf32, #tpu.memory_space<vmem_shared>> -> memref<250x128xf32, #tpu.memory_space<vmem_shared>>
        %dma_start3A_32 = arith.constant 0 : i32
        %dma_start3A_33 = arith.constant 0 : i32
        %dma_start3A_34 = tpu.memref_slice %arg7[%dma_start3A_32, %dma_start3A_33] : memref<376x128xf32, #tpu.memory_space<hbm>> -> memref<250x128xf32, #tpu.memory_space<hbm>>
        tpu.enqueue_dma source(%dma_start3A_34 : memref<250x128xf32, #tpu.memory_space<hbm>>) target(%dma_start3A_31 : memref<250x128xf32, #tpu.memory_space<vmem_shared>>) target_semaphore(%run_scoped3A : memref<!tpu.dma_semaphore, #tpu.memory_space<semaphore_mem>>)
        %dma_wait3A = arith.constant 0 : i32
        %dma_wait3A_35 = tpu.memref_slice %arg13[%mul3A_30, %dma_wait3A] : memref<10016x128xf32, #tpu.memory_space<vmem_shared>> -> memref<250x128xf32, #tpu.memory_space<vmem_shared>>
        %dma_wait3A_36 = arith.constant 0 : i32
        %dma_wait3A_37 = arith.constant 0 : i32
        %dma_wait3A_38 = tpu.memref_slice %arg7[%dma_wait3A_36, %dma_wait3A_37] : memref<376x128xf32, #tpu.memory_space<hbm>> -> memref<250x128xf32, #tpu.memory_space<hbm>>
        tpu.wait_dma2 semaphore(%run_scoped3A : memref<!tpu.dma_semaphore, #tpu.memory_space<semaphore_mem>>) src(%dma_wait3A_38 : memref<250x128xf32, #tpu.memory_space<hbm>>) dst(%dma_wait3A_35 : memref<250x128xf32, #tpu.memory_space<vmem_shared>>)
        tpu.yield
      }) : () -> ()
    } else {
    }
    %barrier3A = arith.constant 0 : index
    tpu.barrier barrier_id(%barrier3A)
    %scan3A = arith.constant 0 : i32
    %scan3A_7 = arith.constant 0 : i32
    %scan3A_8 = arith.constant 2 : i32
    %scan3A_9 = arith.addi %scan3A_7, %scan3A_8 : i32
    %scan3A_10 = arith.constant 1 : i32
    scf.for %scan3A_23 = %scan3A_7 to %scan3A_9 step %scan3A_10  : i32 {
      %mul3A = arith.constant 80 : i32
      %mul3A_24 = arith.muli %arg1, %mul3A : i32
      %mul3A_25 = arith.constant 40 : i32
      %mul3A_26 = arith.muli %scan3A_23, %mul3A_25 : i32
      %add3A = arith.addi %mul3A_24, %mul3A_26 : i32
      %eq3A_27 = arith.constant 0 : i32
      %eq3A_28 = arith.cmpi eq, %arg0, %eq3A_27 : i32
      %convert_element_type3A_29 = arith.extui %eq3A_28 : i1 to i32
      %cond3A_30 = arith.constant 0 : i32
      %cond3A_31 = arith.cmpi ne, %convert_element_type3A_29, %cond3A_30 : i32
      scf.if %cond3A_31 {
        "tpu.region"() ({
          %run_scoped3A = tpu.sem_alloc : memref<!tpu.dma_semaphore, #tpu.memory_space<semaphore_mem>>
          %dma_start3A_55 = arith.constant 0 : i32
          %dma_start3A_56 = tpu.memref_slice %arg3[%add3A, %dma_start3A_55] : memref<1280x128xi32, #tpu.memory_space<hbm>> -> memref<40x128xi32, #tpu.memory_space<hbm>>
          %dma_start3A_57 = arith.constant 0 : i32
          %dma_start3A_58 = tpu.memref_slice %arg3[%add3A, %dma_start3A_57] : memref<1280x128xi32, #tpu.memory_space<hbm>> -> memref<40x128xi32, #tpu.memory_space<hbm>>
          tpu.enqueue_dma source(%dma_start3A_58 : memref<40x128xi32, #tpu.memory_space<hbm>>) target(%arg9 : memref<40x128xi32, #tpu.memory_space<vmem>>) target_semaphore(%run_scoped3A : memref<!tpu.dma_semaphore, #tpu.memory_space<semaphore_mem>>)
          %dma_wait3A_59 = arith.constant 0 : i32
          %dma_wait3A_60 = tpu.memref_slice %arg3[%add3A, %dma_wait3A_59] : memref<1280x128xi32, #tpu.memory_space<hbm>> -> memref<40x128xi32, #tpu.memory_space<hbm>>
          %dma_wait3A_61 = arith.constant 0 : i32
          %dma_wait3A_62 = tpu.memref_slice %arg3[%add3A, %dma_wait3A_61] : memref<1280x128xi32, #tpu.memory_space<hbm>> -> memref<40x128xi32, #tpu.memory_space<hbm>>
          tpu.wait_dma2 semaphore(%run_scoped3A : memref<!tpu.dma_semaphore, #tpu.memory_space<semaphore_mem>>) src(%dma_wait3A_62 : memref<40x128xi32, #tpu.memory_space<hbm>>) dst(%arg9 : memref<40x128xi32, #tpu.memory_space<vmem>>)
          tpu.yield
        }) : () -> ()
        "tpu.region"() ({
          %run_scoped3A = tpu.sem_alloc : memref<!tpu.dma_semaphore, #tpu.memory_space<semaphore_mem>>
          %dma_start3A_55 = arith.constant 0 : i32
          %dma_start3A_56 = tpu.memref_slice %arg5[%add3A, %dma_start3A_55] : memref<1280x128xi32, #tpu.memory_space<hbm>> -> memref<40x128xi32, #tpu.memory_space<hbm>>
          %dma_start3A_57 = arith.constant 0 : i32
          %dma_start3A_58 = tpu.memref_slice %arg5[%add3A, %dma_start3A_57] : memref<1280x128xi32, #tpu.memory_space<hbm>> -> memref<40x128xi32, #tpu.memory_space<hbm>>
          tpu.enqueue_dma source(%dma_start3A_58 : memref<40x128xi32, #tpu.memory_space<hbm>>) target(%arg10 : memref<40x128xi32, #tpu.memory_space<vmem>>) target_semaphore(%run_scoped3A : memref<!tpu.dma_semaphore, #tpu.memory_space<semaphore_mem>>)
          %dma_wait3A_59 = arith.constant 0 : i32
          %dma_wait3A_60 = tpu.memref_slice %arg5[%add3A, %dma_wait3A_59] : memref<1280x128xi32, #tpu.memory_space<hbm>> -> memref<40x128xi32, #tpu.memory_space<hbm>>
          %dma_wait3A_61 = arith.constant 0 : i32
          %dma_wait3A_62 = tpu.memref_slice %arg5[%add3A, %dma_wait3A_61] : memref<1280x128xi32, #tpu.memory_space<hbm>> -> memref<40x128xi32, #tpu.memory_space<hbm>>
          tpu.wait_dma2 semaphore(%run_scoped3A : memref<!tpu.dma_semaphore, #tpu.memory_space<semaphore_mem>>) src(%dma_wait3A_62 : memref<40x128xi32, #tpu.memory_space<hbm>>) dst(%arg10 : memref<40x128xi32, #tpu.memory_space<vmem>>)
          tpu.yield
        }) : () -> ()
      } else {
      }
      %eq3A_32 = arith.constant 1 : i32
      %eq3A_33 = arith.cmpi eq, %arg0, %eq3A_32 : i32
      %convert_element_type3A_34 = arith.extui %eq3A_33 : i1 to i32
      %cond3A_35 = arith.constant 0 : i32
      %cond3A_36 = arith.cmpi ne, %convert_element_type3A_34, %cond3A_35 : i32
      scf.if %cond3A_36 {
        "tpu.region"() ({
          %run_scoped3A = tpu.sem_alloc : memref<!tpu.dma_semaphore, #tpu.memory_space<semaphore_mem>>
          %dma_start3A_55 = arith.constant 0 : i32
          %dma_start3A_56 = tpu.memref_slice %arg4[%add3A, %dma_start3A_55] : memref<1280x128xi32, #tpu.memory_space<hbm>> -> memref<40x128xi32, #tpu.memory_space<hbm>>
          %dma_start3A_57 = arith.constant 0 : i32
          %dma_start3A_58 = tpu.memref_slice %arg4[%add3A, %dma_start3A_57] : memref<1280x128xi32, #tpu.memory_space<hbm>> -> memref<40x128xi32, #tpu.memory_space<hbm>>
          tpu.enqueue_dma source(%dma_start3A_58 : memref<40x128xi32, #tpu.memory_space<hbm>>) target(%arg9 : memref<40x128xi32, #tpu.memory_space<vmem>>) target_semaphore(%run_scoped3A : memref<!tpu.dma_semaphore, #tpu.memory_space<semaphore_mem>>)
          %dma_wait3A_59 = arith.constant 0 : i32
          %dma_wait3A_60 = tpu.memref_slice %arg4[%add3A, %dma_wait3A_59] : memref<1280x128xi32, #tpu.memory_space<hbm>> -> memref<40x128xi32, #tpu.memory_space<hbm>>
          %dma_wait3A_61 = arith.constant 0 : i32
          %dma_wait3A_62 = tpu.memref_slice %arg4[%add3A, %dma_wait3A_61] : memref<1280x128xi32, #tpu.memory_space<hbm>> -> memref<40x128xi32, #tpu.memory_space<hbm>>
          tpu.wait_dma2 semaphore(%run_scoped3A : memref<!tpu.dma_semaphore, #tpu.memory_space<semaphore_mem>>) src(%dma_wait3A_62 : memref<40x128xi32, #tpu.memory_space<hbm>>) dst(%arg9 : memref<40x128xi32, #tpu.memory_space<vmem>>)
          tpu.yield
        }) : () -> ()
        "tpu.region"() ({
          %run_scoped3A = tpu.sem_alloc : memref<!tpu.dma_semaphore, #tpu.memory_space<semaphore_mem>>
          %dma_start3A_55 = arith.constant 0 : i32
          %dma_start3A_56 = tpu.memref_slice %arg6[%add3A, %dma_start3A_55] : memref<1280x128xi32, #tpu.memory_space<hbm>> -> memref<40x128xi32, #tpu.memory_space<hbm>>
          %dma_start3A_57 = arith.constant 0 : i32
          %dma_start3A_58 = tpu.memref_slice %arg6[%add3A, %dma_start3A_57] : memref<1280x128xi32, #tpu.memory_space<hbm>> -> memref<40x128xi32, #tpu.memory_space<hbm>>
          tpu.enqueue_dma source(%dma_start3A_58 : memref<40x128xi32, #tpu.memory_space<hbm>>) target(%arg10 : memref<40x128xi32, #tpu.memory_space<vmem>>) target_semaphore(%run_scoped3A : memref<!tpu.dma_semaphore, #tpu.memory_space<semaphore_mem>>)
          %dma_wait3A_59 = arith.constant 0 : i32
          %dma_wait3A_60 = tpu.memref_slice %arg6[%add3A, %dma_wait3A_59] : memref<1280x128xi32, #tpu.memory_space<hbm>> -> memref<40x128xi32, #tpu.memory_space<hbm>>
          %dma_wait3A_61 = arith.constant 0 : i32
          %dma_wait3A_62 = tpu.memref_slice %arg6[%add3A, %dma_wait3A_61] : memref<1280x128xi32, #tpu.memory_space<hbm>> -> memref<40x128xi32, #tpu.memory_space<hbm>>
          tpu.wait_dma2 semaphore(%run_scoped3A : memref<!tpu.dma_semaphore, #tpu.memory_space<semaphore_mem>>) src(%dma_wait3A_62 : memref<40x128xi32, #tpu.memory_space<hbm>>) dst(%arg10 : memref<40x128xi32, #tpu.memory_space<vmem>>)
          tpu.yield
        }) : () -> ()
      } else {
      }
      %dma_start3A = arith.constant 0 : i32
      %dma_start3A_37 = arith.constant 0 : i32
      %dma_start3A_38 = tpu.memref_slice %arg9[%dma_start3A, %dma_start3A_37] : memref<40x128xi32, #tpu.memory_space<vmem>> -> memref<1x128xi32, #tpu.memory_space<vmem>>
      %dma_start3A_39 = tpu.memref_squeeze %dma_start3A_38 : memref<1x128xi32, #tpu.memory_space<vmem>> -> memref<128xi32, #tpu.memory_space<vmem>>
      %dma_start3A_40 = arith.constant 0 : i32
      %dma_start3A_41 = arith.constant 0 : i32
      %dma_start3A_42 = tpu.memref_slice %arg13[%dma_start3A_40, %dma_start3A_41] : memref<10016x128xf32, #tpu.memory_space<vmem_shared>> -> memref<10016x128xf32, #tpu.memory_space<vmem_shared>>
      tpu.enqueue_indirect_dma source(%dma_start3A_42 : memref<10016x128xf32, #tpu.memory_space<vmem_shared>>) target(%arg11 : memref<128x128xf32, #tpu.memory_space<vmem>>) offsets(%dma_start3A_39 : memref<128xi32, #tpu.memory_space<vmem>>) semaphore(%arg14 : memref<!tpu.dma_semaphore, #tpu.memory_space<semaphore_mem>>)
      %scan3A_43 = arith.constant 0 : i32
      %scan3A_44 = arith.constant 0 : i32
      %scan3A_45 = arith.constant 20 : i32
      %scan3A_46 = arith.addi %scan3A_44, %scan3A_45 : i32
      %scan3A_47 = arith.constant 1 : i32
      scf.for %scan3A_55 = %scan3A_44 to %scan3A_46 step %scan3A_47  : i32 {
        %mul3A_56 = arith.constant 2 : i32
        %mul3A_57 = arith.muli %mul3A_56, %scan3A_55 : i32
        %gt3A = arith.constant 0 : i32
        %gt3A_58 = arith.cmpi sgt, %scan3A_55, %gt3A : i32
        %convert_element_type3A_59 = arith.extui %gt3A_58 : i1 to i32
        %cond3A_60 = arith.constant 0 : i32
        %cond3A_61 = arith.cmpi ne, %convert_element_type3A_59, %cond3A_60 : i32
        scf.if %cond3A_61 {
          %dma_wait3A_119 = arith.constant 0 : i32
          %dma_wait3A_120 = arith.constant 0 : i32
          %dma_wait3A_121 = tpu.memref_slice %arg10[%dma_wait3A_119, %dma_wait3A_120] : memref<40x128xi32, #tpu.memory_space<vmem>> -> memref<1x128xi32, #tpu.memory_space<vmem>>
          %dma_wait3A_122 = tpu.memref_squeeze %dma_wait3A_121 : memref<1x128xi32, #tpu.memory_space<vmem>> -> memref<128xi32, #tpu.memory_space<vmem>>
          %dma_wait3A_123 = arith.constant 0 : i32
          %dma_wait3A_124 = arith.constant 0 : i32
          %dma_wait3A_125 = tpu.memref_slice %arg13[%dma_wait3A_123, %dma_wait3A_124] : memref<10016x128xf32, #tpu.memory_space<vmem_shared>> -> memref<10016x128xf32, #tpu.memory_space<vmem_shared>>
          tpu.wait_indirect_dma semaphore(%arg17 : memref<!tpu.dma_semaphore, #tpu.memory_space<semaphore_mem>>) src(%arg12 : memref<128x128xf32, #tpu.memory_space<vmem>>) dst(%dma_wait3A_125 : memref<10016x128xf32, #tpu.memory_space<vmem_shared>>)
        } else {
        }
        %add3A_62 = arith.constant 1 : i32
        %add3A_63 = arith.addi %mul3A_57, %add3A_62 : i32
        %add3A_64 = arith.constant 0 : i32
        %add3A_65 = arith.addi %add3A_63, %add3A_64 : i32
        %dma_start3A_66 = arith.constant 0 : i32
        %dma_start3A_67 = tpu.memref_slice %arg9[%add3A_65, %dma_start3A_66] : memref<40x128xi32, #tpu.memory_space<vmem>> -> memref<1x128xi32, #tpu.memory_space<vmem>>
        %dma_start3A_68 = tpu.memref_squeeze %dma_start3A_67 : memref<1x128xi32, #tpu.memory_space<vmem>> -> memref<128xi32, #tpu.memory_space<vmem>>
        %dma_start3A_69 = arith.constant 0 : i32
        %dma_start3A_70 = arith.constant 0 : i32
        %dma_start3A_71 = tpu.memref_slice %arg13[%dma_start3A_69, %dma_start3A_70] : memref<10016x128xf32, #tpu.memory_space<vmem_shared>> -> memref<10016x128xf32, #tpu.memory_space<vmem_shared>>
        tpu.enqueue_indirect_dma source(%dma_start3A_71 : memref<10016x128xf32, #tpu.memory_space<vmem_shared>>) target(%arg12 : memref<128x128xf32, #tpu.memory_space<vmem>>) offsets(%dma_start3A_68 : memref<128xi32, #tpu.memory_space<vmem>>) semaphore(%arg15 : memref<!tpu.dma_semaphore, #tpu.memory_space<semaphore_mem>>)
        %dma_wait3A_72 = arith.constant 0 : i32
        %dma_wait3A_73 = arith.constant 0 : i32
        %dma_wait3A_74 = tpu.memref_slice %arg9[%dma_wait3A_72, %dma_wait3A_73] : memref<40x128xi32, #tpu.memory_space<vmem>> -> memref<1x128xi32, #tpu.memory_space<vmem>>
        %dma_wait3A_75 = tpu.memref_squeeze %dma_wait3A_74 : memref<1x128xi32, #tpu.memory_space<vmem>> -> memref<128xi32, #tpu.memory_space<vmem>>
        %dma_wait3A_76 = arith.constant 0 : i32
        %dma_wait3A_77 = arith.constant 0 : i32
        %dma_wait3A_78 = tpu.memref_slice %arg13[%dma_wait3A_76, %dma_wait3A_77] : memref<10016x128xf32, #tpu.memory_space<vmem_shared>> -> memref<10016x128xf32, #tpu.memory_space<vmem_shared>>
        tpu.wait_indirect_dma semaphore(%arg14 : memref<!tpu.dma_semaphore, #tpu.memory_space<semaphore_mem>>) src(%dma_wait3A_78 : memref<10016x128xf32, #tpu.memory_space<vmem_shared>>) dst(%arg11 : memref<128x128xf32, #tpu.memory_space<vmem>>)
        %add3A_79 = arith.constant 0 : i32
        %add3A_80 = arith.addi %mul3A_57, %add3A_79 : i32
        %dma_start3A_81 = arith.constant 0 : i32
        %dma_start3A_82 = tpu.memref_slice %arg10[%add3A_80, %dma_start3A_81] : memref<40x128xi32, #tpu.memory_space<vmem>> -> memref<1x128xi32, #tpu.memory_space<vmem>>
        %dma_start3A_83 = tpu.memref_squeeze %dma_start3A_82 : memref<1x128xi32, #tpu.memory_space<vmem>> -> memref<128xi32, #tpu.memory_space<vmem>>
        %dma_start3A_84 = arith.constant 0 : i32
        %dma_start3A_85 = arith.constant 0 : i32
        %dma_start3A_86 = tpu.memref_slice %arg13[%dma_start3A_84, %dma_start3A_85] : memref<10016x128xf32, #tpu.memory_space<vmem_shared>> -> memref<10016x128xf32, #tpu.memory_space<vmem_shared>>
        tpu.enqueue_indirect_dma source(%arg11 : memref<128x128xf32, #tpu.memory_space<vmem>>) target(%dma_start3A_86 : memref<10016x128xf32, #tpu.memory_space<vmem_shared>>) offsets(%dma_start3A_83 : memref<128xi32, #tpu.memory_space<vmem>>) semaphore(%arg16 : memref<!tpu.dma_semaphore, #tpu.memory_space<semaphore_mem>>) {add = true}
        %dma_wait3A_87 = arith.constant 0 : i32
        %dma_wait3A_88 = arith.constant 0 : i32
        %dma_wait3A_89 = tpu.memref_slice %arg10[%dma_wait3A_87, %dma_wait3A_88] : memref<40x128xi32, #tpu.memory_space<vmem>> -> memref<1x128xi32, #tpu.memory_space<vmem>>
        %dma_wait3A_90 = tpu.memref_squeeze %dma_wait3A_89 : memref<1x128xi32, #tpu.memory_space<vmem>> -> memref<128xi32, #tpu.memory_space<vmem>>
        %dma_wait3A_91 = arith.constant 0 : i32
        %dma_wait3A_92 = arith.constant 0 : i32
        %dma_wait3A_93 = tpu.memref_slice %arg13[%dma_wait3A_91, %dma_wait3A_92] : memref<10016x128xf32, #tpu.memory_space<vmem_shared>> -> memref<10016x128xf32, #tpu.memory_space<vmem_shared>>
        tpu.wait_indirect_dma semaphore(%arg16 : memref<!tpu.dma_semaphore, #tpu.memory_space<semaphore_mem>>) src(%arg11 : memref<128x128xf32, #tpu.memory_space<vmem>>) dst(%dma_wait3A_93 : memref<10016x128xf32, #tpu.memory_space<vmem_shared>>)
        %add3A_94 = arith.constant 2 : i32
        %add3A_95 = arith.addi %mul3A_57, %add3A_94 : i32
        %add3A_96 = arith.constant 0 : i32
        %add3A_97 = arith.addi %add3A_95, %add3A_96 : i32
        %lt3A = arith.constant 40 : i32
        %lt3A_98 = arith.cmpi slt, %add3A_97, %lt3A : i32
        %convert_element_type3A_99 = arith.extui %lt3A_98 : i1 to i32
        %cond3A_100 = arith.constant 0 : i32
        %cond3A_101 = arith.cmpi ne, %convert_element_type3A_99, %cond3A_100 : i32
        scf.if %cond3A_101 {
          %add3A_119 = arith.constant 2 : i32
          %add3A_120 = arith.addi %mul3A_57, %add3A_119 : i32
          %add3A_121 = arith.constant 0 : i32
          %add3A_122 = arith.addi %add3A_120, %add3A_121 : i32
          %dma_start3A_123 = arith.constant 0 : i32
          %dma_start3A_124 = tpu.memref_slice %arg9[%add3A_122, %dma_start3A_123] : memref<40x128xi32, #tpu.memory_space<vmem>> -> memref<1x128xi32, #tpu.memory_space<vmem>>
          %dma_start3A_125 = tpu.memref_squeeze %dma_start3A_124 : memref<1x128xi32, #tpu.memory_space<vmem>> -> memref<128xi32, #tpu.memory_space<vmem>>
          %dma_start3A_126 = arith.constant 0 : i32
          %dma_start3A_127 = arith.constant 0 : i32
          %dma_start3A_128 = tpu.memref_slice %arg13[%dma_start3A_126, %dma_start3A_127] : memref<10016x128xf32, #tpu.memory_space<vmem_shared>> -> memref<10016x128xf32, #tpu.memory_space<vmem_shared>>
          tpu.enqueue_indirect_dma source(%dma_start3A_128 : memref<10016x128xf32, #tpu.memory_space<vmem_shared>>) target(%arg11 : memref<128x128xf32, #tpu.memory_space<vmem>>) offsets(%dma_start3A_125 : memref<128xi32, #tpu.memory_space<vmem>>) semaphore(%arg14 : memref<!tpu.dma_semaphore, #tpu.memory_space<semaphore_mem>>)
        } else {
        }
        %dma_wait3A_102 = arith.constant 0 : i32
        %dma_wait3A_103 = arith.constant 0 : i32
        %dma_wait3A_104 = tpu.memref_slice %arg9[%dma_wait3A_102, %dma_wait3A_103] : memref<40x128xi32, #tpu.memory_space<vmem>> -> memref<1x128xi32, #tpu.memory_space<vmem>>
        %dma_wait3A_105 = tpu.memref_squeeze %dma_wait3A_104 : memref<1x128xi32, #tpu.memory_space<vmem>> -> memref<128xi32, #tpu.memory_space<vmem>>
        %dma_wait3A_106 = arith.constant 0 : i32
        %dma_wait3A_107 = arith.constant 0 : i32
        %dma_wait3A_108 = tpu.memref_slice %arg13[%dma_wait3A_106, %dma_wait3A_107] : memref<10016x128xf32, #tpu.memory_space<vmem_shared>> -> memref<10016x128xf32, #tpu.memory_space<vmem_shared>>
        tpu.wait_indirect_dma semaphore(%arg15 : memref<!tpu.dma_semaphore, #tpu.memory_space<semaphore_mem>>) src(%dma_wait3A_108 : memref<10016x128xf32, #tpu.memory_space<vmem_shared>>) dst(%arg12 : memref<128x128xf32, #tpu.memory_space<vmem>>)
        %add3A_109 = arith.constant 1 : i32
        %add3A_110 = arith.addi %mul3A_57, %add3A_109 : i32
        %add3A_111 = arith.constant 0 : i32
        %add3A_112 = arith.addi %add3A_110, %add3A_111 : i32
        %dma_start3A_113 = arith.constant 0 : i32
        %dma_start3A_114 = tpu.memref_slice %arg10[%add3A_112, %dma_start3A_113] : memref<40x128xi32, #tpu.memory_space<vmem>> -> memref<1x128xi32, #tpu.memory_space<vmem>>
        %dma_start3A_115 = tpu.memref_squeeze %dma_start3A_114 : memref<1x128xi32, #tpu.memory_space<vmem>> -> memref<128xi32, #tpu.memory_space<vmem>>
        %dma_start3A_116 = arith.constant 0 : i32
        %dma_start3A_117 = arith.constant 0 : i32
        %dma_start3A_118 = tpu.memref_slice %arg13[%dma_start3A_116, %dma_start3A_117] : memref<10016x128xf32, #tpu.memory_space<vmem_shared>> -> memref<10016x128xf32, #tpu.memory_space<vmem_shared>>
        tpu.enqueue_indirect_dma source(%arg12 : memref<128x128xf32, #tpu.memory_space<vmem>>) target(%dma_start3A_118 : memref<10016x128xf32, #tpu.memory_space<vmem_shared>>) offsets(%dma_start3A_115 : memref<128xi32, #tpu.memory_space<vmem>>) semaphore(%arg17 : memref<!tpu.dma_semaphore, #tpu.memory_space<semaphore_mem>>) {add = true}
      }
      %scan3A_48 = arith.constant 20 : i32
      %dma_wait3A = arith.constant 0 : i32
      %dma_wait3A_49 = arith.constant 0 : i32
      %dma_wait3A_50 = tpu.memref_slice %arg10[%dma_wait3A, %dma_wait3A_49] : memref<40x128xi32, #tpu.memory_space<vmem>> -> memref<1x128xi32, #tpu.memory_space<vmem>>
      %dma_wait3A_51 = tpu.memref_squeeze %dma_wait3A_50 : memref<1x128xi32, #tpu.memory_space<vmem>> -> memref<128xi32, #tpu.memory_space<vmem>>
      %dma_wait3A_52 = arith.constant 0 : i32
      %dma_wait3A_53 = arith.constant 0 : i32
      %dma_wait3A_54 = tpu.memref_slice %arg13[%dma_wait3A_52, %dma_wait3A_53] : memref<10016x128xf32, #tpu.memory_space<vmem_shared>> -> memref<10016x128xf32, #tpu.memory_space<vmem_shared>>
      tpu.wait_indirect_dma semaphore(%arg17 : memref<!tpu.dma_semaphore, #tpu.memory_space<semaphore_mem>>) src(%arg12 : memref<128x128xf32, #tpu.memory_space<vmem>>) dst(%dma_wait3A_54 : memref<10016x128xf32, #tpu.memory_space<vmem_shared>>)
    }
    %scan3A_11 = arith.constant 2 : i32
    %barrier3A_12 = arith.constant 0 : index
    tpu.barrier barrier_id(%barrier3A_12)
    %eq3A_13 = arith.constant 0 : i32
    %eq3A_14 = arith.cmpi eq, %arg0, %eq3A_13 : i32
    %convert_element_type3A_15 = arith.extui %eq3A_14 : i1 to i32
    %cond3A_16 = arith.constant 0 : i32
    %cond3A_17 = arith.cmpi ne, %convert_element_type3A_15, %cond3A_16 : i32
    scf.if %cond3A_17 {
      %mul3A = arith.constant 375 : i32
      %mul3A_23 = arith.muli %arg1, %mul3A : i32
      %add3A = arith.constant 4000 : i32
      %add3A_24 = arith.addi %add3A, %mul3A_23 : i32
      %mul3A_25 = arith.constant 375 : i32
      %mul3A_26 = arith.muli %arg1, %mul3A_25 : i32
      %add3A_27 = arith.constant 4000 : i32
      %add3A_28 = arith.addi %add3A_27, %mul3A_26 : i32
      "tpu.region"() ({
        %run_scoped3A = tpu.sem_alloc : memref<!tpu.dma_semaphore, #tpu.memory_space<semaphore_mem>>
        %dma_start3A = arith.constant 0 : i32
        %dma_start3A_29 = tpu.memref_slice %arg8[%add3A_28, %dma_start3A] : memref<10000x128xf32, #tpu.memory_space<hbm>> -> memref<375x128xf32, #tpu.memory_space<hbm>>
        %dma_start3A_30 = arith.constant 0 : i32
        %dma_start3A_31 = tpu.memref_slice %arg13[%add3A_24, %dma_start3A_30] : memref<10016x128xf32, #tpu.memory_space<vmem_shared>> -> memref<375x128xf32, #tpu.memory_space<vmem_shared>>
        tpu.enqueue_dma source(%dma_start3A_31 : memref<375x128xf32, #tpu.memory_space<vmem_shared>>) target(%dma_start3A_29 : memref<375x128xf32, #tpu.memory_space<hbm>>) target_semaphore(%run_scoped3A : memref<!tpu.dma_semaphore, #tpu.memory_space<semaphore_mem>>)
        %dma_wait3A = arith.constant 0 : i32
        %dma_wait3A_32 = tpu.memref_slice %arg8[%add3A_28, %dma_wait3A] : memref<10000x128xf32, #tpu.memory_space<hbm>> -> memref<375x128xf32, #tpu.memory_space<hbm>>
        %dma_wait3A_33 = arith.constant 0 : i32
        %dma_wait3A_34 = tpu.memref_slice %arg13[%add3A_24, %dma_wait3A_33] : memref<10016x128xf32, #tpu.memory_space<vmem_shared>> -> memref<375x128xf32, #tpu.memory_space<vmem_shared>>
        tpu.wait_dma2 semaphore(%run_scoped3A : memref<!tpu.dma_semaphore, #tpu.memory_space<semaphore_mem>>) src(%dma_wait3A_34 : memref<375x128xf32, #tpu.memory_space<vmem_shared>>) dst(%dma_wait3A_32 : memref<375x128xf32, #tpu.memory_space<hbm>>)
        tpu.yield
      }) : () -> ()
    } else {
    }
    %eq3A_18 = arith.constant 1 : i32
    %eq3A_19 = arith.cmpi eq, %arg0, %eq3A_18 : i32
    %convert_element_type3A_20 = arith.extui %eq3A_19 : i1 to i32
    %cond3A_21 = arith.constant 0 : i32
    %cond3A_22 = arith.cmpi ne, %convert_element_type3A_20, %cond3A_21 : i32
    scf.if %cond3A_22 {
      %mul3A = arith.constant 250 : i32
      %mul3A_23 = arith.muli %arg1, %mul3A : i32
      %mul3A_24 = arith.constant 250 : i32
      %mul3A_25 = arith.muli %arg1, %mul3A_24 : i32
      "tpu.region"() ({
        %run_scoped3A = tpu.sem_alloc : memref<!tpu.dma_semaphore, #tpu.memory_space<semaphore_mem>>
        %dma_start3A = arith.constant 0 : i32
        %dma_start3A_26 = tpu.memref_slice %arg8[%mul3A_25, %dma_start3A] : memref<10000x128xf32, #tpu.memory_space<hbm>> -> memref<250x128xf32, #tpu.memory_space<hbm>>
        %dma_start3A_27 = arith.constant 0 : i32
        %dma_start3A_28 = tpu.memref_slice %arg13[%mul3A_23, %dma_start3A_27] : memref<10016x128xf32, #tpu.memory_space<vmem_shared>> -> memref<250x128xf32, #tpu.memory_space<vmem_shared>>
        tpu.enqueue_dma source(%dma_start3A_28 : memref<250x128xf32, #tpu.memory_space<vmem_shared>>) target(%dma_start3A_26 : memref<250x128xf32, #tpu.memory_space<hbm>>) target_semaphore(%run_scoped3A : memref<!tpu.dma_semaphore, #tpu.memory_space<semaphore_mem>>)
        %dma_wait3A = arith.constant 0 : i32
        %dma_wait3A_29 = tpu.memref_slice %arg8[%mul3A_25, %dma_wait3A] : memref<10000x128xf32, #tpu.memory_space<hbm>> -> memref<250x128xf32, #tpu.memory_space<hbm>>
        %dma_wait3A_30 = arith.constant 0 : i32
        %dma_wait3A_31 = tpu.memref_slice %arg13[%mul3A_23, %dma_wait3A_30] : memref<10016x128xf32, #tpu.memory_space<vmem_shared>> -> memref<250x128xf32, #tpu.memory_space<vmem_shared>>
        tpu.wait_dma2 semaphore(%run_scoped3A : memref<!tpu.dma_semaphore, #tpu.memory_space<semaphore_mem>>) src(%dma_wait3A_31 : memref<250x128xf32, #tpu.memory_space<vmem_shared>>) dst(%dma_wait3A_29 : memref<250x128xf32, #tpu.memory_space<hbm>>)
        tpu.yield
      }) : () -> ()
    } else {
    }
    return
  }
}

#map = affine_map<(d0, d1) -> (0, 0)>
#map1 = affine_map<(d0, d1) -> (0, 0, 0)>
module attributes {stable_mosaic.version = 14 : i64} {
  func.func @cnt(%arg0: i32, %arg1: i32, %arg2: memref<1280x128xi32, #tpu.memory_space<hbm>>, %arg3: memref<1280x128xi32, #tpu.memory_space<hbm>>, %arg4: memref<640x16xf32, #tpu.memory_space<hbm>>, %arg5: memref<2x10240x16xf32, #tpu.memory_space<hbm>>, %arg6: memref<80x128xi32, #tpu.memory_space<vmem>>, %arg7: memref<128x16xf32, #tpu.memory_space<vmem>>, %arg8: memref<128x16xf32, #tpu.memory_space<vmem>>, %arg9: memref<10240x16xf32, #tpu.memory_space<vmem_shared>>, %arg10: memref<!tpu.dma_semaphore, #tpu.memory_space<semaphore_mem>>, %arg11: memref<!tpu.dma_semaphore, #tpu.memory_space<semaphore_mem>>) attributes {dimension_semantics = [#tpu.dimension_semantics<core_parallel>, #tpu.dimension_semantics<subcore_parallel>], iteration_bounds = array<i64: 2, 16>, scalar_prefetch = 0 : i64, scratch_operands = 6 : i64, tpu.core_type = #tpu.core_type<sc_vector_subcore>, window_params = [{transform_indices = #map}, {transform_indices = #map}, {transform_indices = #map}, {transform_indices = #map1}]} {
    %mul3A = arith.constant 640 : i32
    %mul3A_0 = arith.muli %arg1, %mul3A : i32
    "tpu.region"() ({
      %run_scoped3A = tpu.sem_alloc : memref<!tpu.dma_semaphore, #tpu.memory_space<semaphore_mem>>
      %dma_start3A = arith.constant 0 : i32
      %dma_start3A_39 = tpu.memref_slice %arg9[%mul3A_0, %dma_start3A] : memref<10240x16xf32, #tpu.memory_space<vmem_shared>> -> memref<640x16xf32, #tpu.memory_space<vmem_shared>>
      tpu.enqueue_dma source(%arg4 : memref<640x16xf32, #tpu.memory_space<hbm>>) target(%dma_start3A_39 : memref<640x16xf32, #tpu.memory_space<vmem_shared>>) target_semaphore(%run_scoped3A : memref<!tpu.dma_semaphore, #tpu.memory_space<semaphore_mem>>)
      %dma_wait3A_40 = arith.constant 0 : i32
      %dma_wait3A_41 = tpu.memref_slice %arg9[%mul3A_0, %dma_wait3A_40] : memref<10240x16xf32, #tpu.memory_space<vmem_shared>> -> memref<640x16xf32, #tpu.memory_space<vmem_shared>>
      tpu.wait_dma2 semaphore(%run_scoped3A : memref<!tpu.dma_semaphore, #tpu.memory_space<semaphore_mem>>) src(%arg4 : memref<640x16xf32, #tpu.memory_space<hbm>>) dst(%dma_wait3A_41 : memref<640x16xf32, #tpu.memory_space<vmem_shared>>)
      tpu.yield
    }) : () -> ()
    %eq3A = arith.constant 0 : i32
    %eq3A_1 = arith.cmpi eq, %arg0, %eq3A : i32
    %convert_element_type3A = arith.extui %eq3A_1 : i1 to i32
    %cond3A = arith.constant 0 : i32
    %cond3A_2 = arith.cmpi ne, %convert_element_type3A, %cond3A : i32
    scf.if %cond3A_2 {
      %mul3A_39 = arith.constant 80 : i32
      %mul3A_40 = arith.muli %arg1, %mul3A_39 : i32
      "tpu.region"() ({
        %run_scoped3A = tpu.sem_alloc : memref<!tpu.dma_semaphore, #tpu.memory_space<semaphore_mem>>
        %dma_start3A = arith.constant 0 : i32
        %dma_start3A_41 = tpu.memref_slice %arg2[%mul3A_40, %dma_start3A] : memref<1280x128xi32, #tpu.memory_space<hbm>> -> memref<80x128xi32, #tpu.memory_space<hbm>>
        %dma_start3A_42 = arith.constant 0 : i32
        %dma_start3A_43 = tpu.memref_slice %arg2[%mul3A_40, %dma_start3A_42] : memref<1280x128xi32, #tpu.memory_space<hbm>> -> memref<80x128xi32, #tpu.memory_space<hbm>>
        tpu.enqueue_dma source(%dma_start3A_43 : memref<80x128xi32, #tpu.memory_space<hbm>>) target(%arg6 : memref<80x128xi32, #tpu.memory_space<vmem>>) target_semaphore(%run_scoped3A : memref<!tpu.dma_semaphore, #tpu.memory_space<semaphore_mem>>)
        %dma_wait3A_44 = arith.constant 0 : i32
        %dma_wait3A_45 = tpu.memref_slice %arg2[%mul3A_40, %dma_wait3A_44] : memref<1280x128xi32, #tpu.memory_space<hbm>> -> memref<80x128xi32, #tpu.memory_space<hbm>>
        %dma_wait3A_46 = arith.constant 0 : i32
        %dma_wait3A_47 = tpu.memref_slice %arg2[%mul3A_40, %dma_wait3A_46] : memref<1280x128xi32, #tpu.memory_space<hbm>> -> memref<80x128xi32, #tpu.memory_space<hbm>>
        tpu.wait_dma2 semaphore(%run_scoped3A : memref<!tpu.dma_semaphore, #tpu.memory_space<semaphore_mem>>) src(%dma_wait3A_47 : memref<80x128xi32, #tpu.memory_space<hbm>>) dst(%arg6 : memref<80x128xi32, #tpu.memory_space<vmem>>)
        tpu.yield
      }) : () -> ()
    } else {
    }
    %eq3A_3 = arith.constant 1 : i32
    %eq3A_4 = arith.cmpi eq, %arg0, %eq3A_3 : i32
    %convert_element_type3A_5 = arith.extui %eq3A_4 : i1 to i32
    %cond3A_6 = arith.constant 0 : i32
    %cond3A_7 = arith.cmpi ne, %convert_element_type3A_5, %cond3A_6 : i32
    scf.if %cond3A_7 {
      %mul3A_39 = arith.constant 80 : i32
      %mul3A_40 = arith.muli %arg1, %mul3A_39 : i32
      "tpu.region"() ({
        %run_scoped3A = tpu.sem_alloc : memref<!tpu.dma_semaphore, #tpu.memory_space<semaphore_mem>>
        %dma_start3A = arith.constant 0 : i32
        %dma_start3A_41 = tpu.memref_slice %arg3[%mul3A_40, %dma_start3A] : memref<1280x128xi32, #tpu.memory_space<hbm>> -> memref<80x128xi32, #tpu.memory_space<hbm>>
        %dma_start3A_42 = arith.constant 0 : i32
        %dma_start3A_43 = tpu.memref_slice %arg3[%mul3A_40, %dma_start3A_42] : memref<1280x128xi32, #tpu.memory_space<hbm>> -> memref<80x128xi32, #tpu.memory_space<hbm>>
        tpu.enqueue_dma source(%dma_start3A_43 : memref<80x128xi32, #tpu.memory_space<hbm>>) target(%arg6 : memref<80x128xi32, #tpu.memory_space<vmem>>) target_semaphore(%run_scoped3A : memref<!tpu.dma_semaphore, #tpu.memory_space<semaphore_mem>>)
        %dma_wait3A_44 = arith.constant 0 : i32
        %dma_wait3A_45 = tpu.memref_slice %arg3[%mul3A_40, %dma_wait3A_44] : memref<1280x128xi32, #tpu.memory_space<hbm>> -> memref<80x128xi32, #tpu.memory_space<hbm>>
        %dma_wait3A_46 = arith.constant 0 : i32
        %dma_wait3A_47 = tpu.memref_slice %arg3[%mul3A_40, %dma_wait3A_46] : memref<1280x128xi32, #tpu.memory_space<hbm>> -> memref<80x128xi32, #tpu.memory_space<hbm>>
        tpu.wait_dma2 semaphore(%run_scoped3A : memref<!tpu.dma_semaphore, #tpu.memory_space<semaphore_mem>>) src(%dma_wait3A_47 : memref<80x128xi32, #tpu.memory_space<hbm>>) dst(%arg6 : memref<80x128xi32, #tpu.memory_space<vmem>>)
        tpu.yield
      }) : () -> ()
    } else {
    }
    %scan3A = arith.constant 0 : i32
    %scan3A_8 = arith.constant 0 : i32
    %scan3A_9 = arith.constant 128 : i32
    %scan3A_10 = arith.addi %scan3A_8, %scan3A_9 : i32
    %scan3A_11 = arith.constant 1 : i32
    scf.for %scan3A_39 = %scan3A_8 to %scan3A_10 step %scan3A_11  : i32 {
      %broadcast_in_dim3A = arith.constant 1.000000e+00 : f32
      %broadcast_in_dim3A_40 = vector.broadcast %broadcast_in_dim3A : f32 to vector<16xf32>
      %swap3A = arith.index_cast %scan3A_39 : i32 to index
      %swap3A_41 = arith.constant 0 : index
      %swap3A_42 = tpu.vector_load %arg7[%swap3A, %swap3A_41] {strides = array<i32>} : memref<128x16xf32, #tpu.memory_space<vmem>>, vector<1x16xf32>,
      %swap3A_43 = vector.shape_cast %swap3A_42 : vector<1x16xf32> to vector<16xf32>
      %swap3A_44 = vector.shape_cast %broadcast_in_dim3A_40 : vector<16xf32> to vector<1x16xf32>
      tpu.vector_store %arg7[%swap3A, %swap3A_41], %swap3A_44 {strides = array<i32>} : memref<128x16xf32, #tpu.memory_space<vmem>>, vector<1x16xf32>,
    }
    %scan3A_12 = arith.constant 128 : i32
    %scan3A_13 = arith.constant 0 : i32
    %scan3A_14 = arith.constant 0 : i32
    %scan3A_15 = arith.constant 128 : i32
    %scan3A_16 = arith.addi %scan3A_14, %scan3A_15 : i32
    %scan3A_17 = arith.constant 1 : i32
    scf.for %scan3A_39 = %scan3A_14 to %scan3A_16 step %scan3A_17  : i32 {
      %broadcast_in_dim3A = arith.constant 1.000000e+00 : f32
      %broadcast_in_dim3A_40 = vector.broadcast %broadcast_in_dim3A : f32 to vector<16xf32>
      %swap3A = arith.index_cast %scan3A_39 : i32 to index
      %swap3A_41 = arith.constant 0 : index
      %swap3A_42 = tpu.vector_load %arg8[%swap3A, %swap3A_41] {strides = array<i32>} : memref<128x16xf32, #tpu.memory_space<vmem>>, vector<1x16xf32>,
      %swap3A_43 = vector.shape_cast %swap3A_42 : vector<1x16xf32> to vector<16xf32>
      %swap3A_44 = vector.shape_cast %broadcast_in_dim3A_40 : vector<16xf32> to vector<1x16xf32>
      tpu.vector_store %arg8[%swap3A, %swap3A_41], %swap3A_44 {strides = array<i32>} : memref<128x16xf32, #tpu.memory_space<vmem>>, vector<1x16xf32>,
    }
    %scan3A_18 = arith.constant 128 : i32
    %barrier3A = arith.constant 0 : index
    tpu.barrier barrier_id(%barrier3A)
    %scan3A_19 = arith.constant 0 : i32
    %scan3A_20 = arith.constant 0 : i32
    %scan3A_21 = arith.constant 40 : i32
    %scan3A_22 = arith.addi %scan3A_20, %scan3A_21 : i32
    %scan3A_23 = arith.constant 1 : i32
    scf.for %scan3A_39 = %scan3A_20 to %scan3A_22 step %scan3A_23  : i32 {
      %gt3A = arith.constant 0 : i32
      %gt3A_40 = arith.cmpi sgt, %scan3A_39, %gt3A : i32
      %convert_element_type3A_41 = arith.extui %gt3A_40 : i1 to i32
      %cond3A_42 = arith.constant 0 : i32
      %cond3A_43 = arith.cmpi ne, %convert_element_type3A_41, %cond3A_42 : i32
      scf.if %cond3A_43 {
        %dma_wait3A_67 = arith.constant 0 : i32
        %dma_wait3A_68 = arith.constant 0 : i32
        %dma_wait3A_69 = tpu.memref_slice %arg6[%dma_wait3A_67, %dma_wait3A_68] : memref<80x128xi32, #tpu.memory_space<vmem>> -> memref<1x128xi32, #tpu.memory_space<vmem>>
        %dma_wait3A_70 = tpu.memref_squeeze %dma_wait3A_69 : memref<1x128xi32, #tpu.memory_space<vmem>> -> memref<128xi32, #tpu.memory_space<vmem>>
        %dma_wait3A_71 = arith.constant 0 : i32
        %dma_wait3A_72 = arith.constant 0 : i32
        %dma_wait3A_73 = tpu.memref_slice %arg9[%dma_wait3A_71, %dma_wait3A_72] : memref<10240x16xf32, #tpu.memory_space<vmem_shared>> -> memref<10240x16xf32, #tpu.memory_space<vmem_shared>>
        tpu.wait_indirect_dma semaphore(%arg10 : memref<!tpu.dma_semaphore, #tpu.memory_space<semaphore_mem>>) src(%arg7 : memref<128x16xf32, #tpu.memory_space<vmem>>) dst(%dma_wait3A_73 : memref<10240x16xf32, #tpu.memory_space<vmem_shared>>)
      } else {
      }
      %mul3A_44 = arith.constant 2 : i32
      %mul3A_45 = arith.muli %mul3A_44, %scan3A_39 : i32
      %add3A = arith.constant 0 : i32
      %add3A_46 = arith.addi %mul3A_45, %add3A : i32
      %dma_start3A = arith.constant 0 : i32
      %dma_start3A_47 = tpu.memref_slice %arg6[%add3A_46, %dma_start3A] : memref<80x128xi32, #tpu.memory_space<vmem>> -> memref<1x128xi32, #tpu.memory_space<vmem>>
      %dma_start3A_48 = tpu.memref_squeeze %dma_start3A_47 : memref<1x128xi32, #tpu.memory_space<vmem>> -> memref<128xi32, #tpu.memory_space<vmem>>
      %dma_start3A_49 = arith.constant 0 : i32
      %dma_start3A_50 = arith.constant 0 : i32
      %dma_start3A_51 = tpu.memref_slice %arg9[%dma_start3A_49, %dma_start3A_50] : memref<10240x16xf32, #tpu.memory_space<vmem_shared>> -> memref<10240x16xf32, #tpu.memory_space<vmem_shared>>
      tpu.enqueue_indirect_dma source(%arg7 : memref<128x16xf32, #tpu.memory_space<vmem>>) target(%dma_start3A_51 : memref<10240x16xf32, #tpu.memory_space<vmem_shared>>) offsets(%dma_start3A_48 : memref<128xi32, #tpu.memory_space<vmem>>) semaphore(%arg10 : memref<!tpu.dma_semaphore, #tpu.memory_space<semaphore_mem>>) {add = true}
      %gt3A_52 = arith.constant 0 : i32
      %gt3A_53 = arith.cmpi sgt, %scan3A_39, %gt3A_52 : i32
      %convert_element_type3A_54 = arith.extui %gt3A_53 : i1 to i32
      %cond3A_55 = arith.constant 0 : i32
      %cond3A_56 = arith.cmpi ne, %convert_element_type3A_54, %cond3A_55 : i32
      scf.if %cond3A_56 {
        %dma_wait3A_67 = arith.constant 0 : i32
        %dma_wait3A_68 = arith.constant 0 : i32
        %dma_wait3A_69 = tpu.memref_slice %arg6[%dma_wait3A_67, %dma_wait3A_68] : memref<80x128xi32, #tpu.memory_space<vmem>> -> memref<1x128xi32, #tpu.memory_space<vmem>>
        %dma_wait3A_70 = tpu.memref_squeeze %dma_wait3A_69 : memref<1x128xi32, #tpu.memory_space<vmem>> -> memref<128xi32, #tpu.memory_space<vmem>>
        %dma_wait3A_71 = arith.constant 0 : i32
        %dma_wait3A_72 = arith.constant 0 : i32
        %dma_wait3A_73 = tpu.memref_slice %arg9[%dma_wait3A_71, %dma_wait3A_72] : memref<10240x16xf32, #tpu.memory_space<vmem_shared>> -> memref<10240x16xf32, #tpu.memory_space<vmem_shared>>
        tpu.wait_indirect_dma semaphore(%arg11 : memref<!tpu.dma_semaphore, #tpu.memory_space<semaphore_mem>>) src(%arg8 : memref<128x16xf32, #tpu.memory_space<vmem>>) dst(%dma_wait3A_73 : memref<10240x16xf32, #tpu.memory_space<vmem_shared>>)
      } else {
      }
      %mul3A_57 = arith.constant 2 : i32
      %mul3A_58 = arith.muli %mul3A_57, %scan3A_39 : i32
      %add3A_59 = arith.constant 1 : i32
      %add3A_60 = arith.addi %mul3A_58, %add3A_59 : i32
      %dma_start3A_61 = arith.constant 0 : i32
      %dma_start3A_62 = tpu.memref_slice %arg6[%add3A_60, %dma_start3A_61] : memref<80x128xi32, #tpu.memory_space<vmem>> -> memref<1x128xi32, #tpu.memory_space<vmem>>
      %dma_start3A_63 = tpu.memref_squeeze %dma_start3A_62 : memref<1x128xi32, #tpu.memory_space<vmem>> -> memref<128xi32, #tpu.memory_space<vmem>>
      %dma_start3A_64 = arith.constant 0 : i32
      %dma_start3A_65 = arith.constant 0 : i32
      %dma_start3A_66 = tpu.memref_slice %arg9[%dma_start3A_64, %dma_start3A_65] : memref<10240x16xf32, #tpu.memory_space<vmem_shared>> -> memref<10240x16xf32, #tpu.memory_space<vmem_shared>>
      tpu.enqueue_indirect_dma source(%arg8 : memref<128x16xf32, #tpu.memory_space<vmem>>) target(%dma_start3A_66 : memref<10240x16xf32, #tpu.memory_space<vmem_shared>>) offsets(%dma_start3A_63 : memref<128xi32, #tpu.memory_space<vmem>>) semaphore(%arg11 : memref<!tpu.dma_semaphore, #tpu.memory_space<semaphore_mem>>) {add = true}
    }
    %scan3A_24 = arith.constant 40 : i32
    %dma_wait3A = arith.constant 0 : i32
    %dma_wait3A_25 = arith.constant 0 : i32
    %dma_wait3A_26 = tpu.memref_slice %arg6[%dma_wait3A, %dma_wait3A_25] : memref<80x128xi32, #tpu.memory_space<vmem>> -> memref<1x128xi32, #tpu.memory_space<vmem>>
    %dma_wait3A_27 = tpu.memref_squeeze %dma_wait3A_26 : memref<1x128xi32, #tpu.memory_space<vmem>> -> memref<128xi32, #tpu.memory_space<vmem>>
    %dma_wait3A_28 = arith.constant 0 : i32
    %dma_wait3A_29 = arith.constant 0 : i32
    %dma_wait3A_30 = tpu.memref_slice %arg9[%dma_wait3A_28, %dma_wait3A_29] : memref<10240x16xf32, #tpu.memory_space<vmem_shared>> -> memref<10240x16xf32, #tpu.memory_space<vmem_shared>>
    tpu.wait_indirect_dma semaphore(%arg10 : memref<!tpu.dma_semaphore, #tpu.memory_space<semaphore_mem>>) src(%arg7 : memref<128x16xf32, #tpu.memory_space<vmem>>) dst(%dma_wait3A_30 : memref<10240x16xf32, #tpu.memory_space<vmem_shared>>)
    %dma_wait3A_31 = arith.constant 0 : i32
    %dma_wait3A_32 = arith.constant 0 : i32
    %dma_wait3A_33 = tpu.memref_slice %arg6[%dma_wait3A_31, %dma_wait3A_32] : memref<80x128xi32, #tpu.memory_space<vmem>> -> memref<1x128xi32, #tpu.memory_space<vmem>>
    %dma_wait3A_34 = tpu.memref_squeeze %dma_wait3A_33 : memref<1x128xi32, #tpu.memory_space<vmem>> -> memref<128xi32, #tpu.memory_space<vmem>>
    %dma_wait3A_35 = arith.constant 0 : i32
    %dma_wait3A_36 = arith.constant 0 : i32
    %dma_wait3A_37 = tpu.memref_slice %arg9[%dma_wait3A_35, %dma_wait3A_36] : memref<10240x16xf32, #tpu.memory_space<vmem_shared>> -> memref<10240x16xf32, #tpu.memory_space<vmem_shared>>
    tpu.wait_indirect_dma semaphore(%arg11 : memref<!tpu.dma_semaphore, #tpu.memory_space<semaphore_mem>>) src(%arg8 : memref<128x16xf32, #tpu.memory_space<vmem>>) dst(%dma_wait3A_37 : memref<10240x16xf32, #tpu.memory_space<vmem_shared>>)
    %barrier3A_38 = arith.constant 0 : index
    tpu.barrier barrier_id(%barrier3A_38)
    "tpu.region"() ({
      %run_scoped3A = tpu.sem_alloc : memref<!tpu.dma_semaphore, #tpu.memory_space<semaphore_mem>>
      %dma_start3A = arith.constant 0 : i32
      %dma_start3A_39 = tpu.memref_slice %arg5[%arg0, %mul3A_0, %dma_start3A] : memref<2x10240x16xf32, #tpu.memory_space<hbm>> -> memref<1x640x16xf32, #tpu.memory_space<hbm>>
      %dma_start3A_40 = tpu.memref_squeeze %dma_start3A_39 : memref<1x640x16xf32, #tpu.memory_space<hbm>> -> memref<640x16xf32, #tpu.memory_space<hbm>>
      %dma_start3A_41 = arith.constant 0 : i32
      %dma_start3A_42 = tpu.memref_slice %arg9[%mul3A_0, %dma_start3A_41] : memref<10240x16xf32, #tpu.memory_space<vmem_shared>> -> memref<640x16xf32, #tpu.memory_space<vmem_shared>>
      tpu.enqueue_dma source(%dma_start3A_42 : memref<640x16xf32, #tpu.memory_space<vmem_shared>>) target(%dma_start3A_40 : memref<640x16xf32, #tpu.memory_space<hbm>>) target_semaphore(%run_scoped3A : memref<!tpu.dma_semaphore, #tpu.memory_space<semaphore_mem>>)
      %dma_wait3A_43 = arith.constant 0 : i32
      %dma_wait3A_44 = tpu.memref_slice %arg5[%arg0, %mul3A_0, %dma_wait3A_43] : memref<2x10240x16xf32, #tpu.memory_space<hbm>> -> memref<1x640x16xf32, #tpu.memory_space<hbm>>
      %dma_wait3A_45 = tpu.memref_squeeze %dma_wait3A_44 : memref<1x640x16xf32, #tpu.memory_space<hbm>> -> memref<640x16xf32, #tpu.memory_space<hbm>>
      %dma_wait3A_46 = arith.constant 0 : i32
      %dma_wait3A_47 = tpu.memref_slice %arg9[%mul3A_0, %dma_wait3A_46] : memref<10240x16xf32, #tpu.memory_space<vmem_shared>> -> memref<640x16xf32, #tpu.memory_space<vmem_shared>>
      tpu.wait_dma2 semaphore(%run_scoped3A : memref<!tpu.dma_semaphore, #tpu.memory_space<semaphore_mem>>) src(%dma_wait3A_47 : memref<640x16xf32, #tpu.memory_space<vmem_shared>>) dst(%dma_wait3A_45 : memref<640x16xf32, #tpu.memory_space<hbm>>)
      tpu.yield
    }) : () -> ()
    return
  }
}

#map = affine_map<(d0, d1) -> (0, 0)>
#map1 = affine_map<(d0, d1) -> (0, 0, 0)>
module attributes {stable_mosaic.version = 14 : i64} {
  func.func @seg(%arg0: i32, %arg1: i32, %arg2: memref<10240x16xf32, #tpu.memory_space<hbm>>, %arg3: memref<1280x128xi32, #tpu.memory_space<hbm>>, %arg4: memref<1280x128xi32, #tpu.memory_space<hbm>>, %arg5: memref<1280x128xi32, #tpu.memory_space<hbm>>, %arg6: memref<1280x128xi32, #tpu.memory_space<hbm>>, %arg7: memref<640x16xf32, #tpu.memory_space<hbm>>, %arg8: memref<2x10240x16xf32, #tpu.memory_space<hbm>>, %arg9: memref<80x128xi32, #tpu.memory_space<vmem>>, %arg10: memref<80x128xi32, #tpu.memory_space<vmem>>, %arg11: memref<128x16xf32, #tpu.memory_space<vmem>>, %arg12: memref<128x16xf32, #tpu.memory_space<vmem>>, %arg13: memref<128x16xf32, #tpu.memory_space<vmem>>, %arg14: memref<128x16xf32, #tpu.memory_space<vmem>>, %arg15: memref<10240x16xf32, #tpu.memory_space<vmem_shared>>, %arg16: memref<10240x16xf32, #tpu.memory_space<vmem_shared>>, %arg17: memref<!tpu.dma_semaphore, #tpu.memory_space<semaphore_mem>>, %arg18: memref<!tpu.dma_semaphore, #tpu.memory_space<semaphore_mem>>, %arg19: memref<!tpu.dma_semaphore, #tpu.memory_space<semaphore_mem>>, %arg20: memref<!tpu.dma_semaphore, #tpu.memory_space<semaphore_mem>>, %arg21: memref<!tpu.dma_semaphore, #tpu.memory_space<semaphore_mem>>, %arg22: memref<!tpu.dma_semaphore, #tpu.memory_space<semaphore_mem>>, %arg23: memref<!tpu.dma_semaphore, #tpu.memory_space<semaphore_mem>>, %arg24: memref<!tpu.dma_semaphore, #tpu.memory_space<semaphore_mem>>) attributes {dimension_semantics = [#tpu.dimension_semantics<core_parallel>, #tpu.dimension_semantics<subcore_parallel>], iteration_bounds = array<i64: 2, 16>, scalar_prefetch = 0 : i64, scratch_operands = 16 : i64, tpu.core_type = #tpu.core_type<sc_vector_subcore>, window_params = [{transform_indices = #map}, {transform_indices = #map}, {transform_indices = #map}, {transform_indices = #map}, {transform_indices = #map}, {transform_indices = #map}, {transform_indices = #map1}]} {
    %mul3A = arith.constant 640 : i32
    %mul3A_0 = arith.muli %arg1, %mul3A : i32
    "tpu.region"() ({
      %run_scoped3A = tpu.sem_alloc : memref<!tpu.dma_semaphore, #tpu.memory_space<semaphore_mem>>
      %dma_start3A_44 = arith.constant 0 : i32
      %dma_start3A_45 = tpu.memref_slice %arg15[%mul3A_0, %dma_start3A_44] : memref<10240x16xf32, #tpu.memory_space<vmem_shared>> -> memref<640x16xf32, #tpu.memory_space<vmem_shared>>
      tpu.enqueue_dma source(%arg7 : memref<640x16xf32, #tpu.memory_space<hbm>>) target(%dma_start3A_45 : memref<640x16xf32, #tpu.memory_space<vmem_shared>>) target_semaphore(%run_scoped3A : memref<!tpu.dma_semaphore, #tpu.memory_space<semaphore_mem>>)
      %dma_wait3A_46 = arith.constant 0 : i32
      %dma_wait3A_47 = tpu.memref_slice %arg15[%mul3A_0, %dma_wait3A_46] : memref<10240x16xf32, #tpu.memory_space<vmem_shared>> -> memref<640x16xf32, #tpu.memory_space<vmem_shared>>
      tpu.wait_dma2 semaphore(%run_scoped3A : memref<!tpu.dma_semaphore, #tpu.memory_space<semaphore_mem>>) src(%arg7 : memref<640x16xf32, #tpu.memory_space<hbm>>) dst(%dma_wait3A_47 : memref<640x16xf32, #tpu.memory_space<vmem_shared>>)
      tpu.yield
    }) : () -> ()
    "tpu.region"() ({
      %run_scoped3A = tpu.sem_alloc : memref<!tpu.dma_semaphore, #tpu.memory_space<semaphore_mem>>
      %dma_start3A_44 = arith.constant 0 : i32
      %dma_start3A_45 = tpu.memref_slice %arg16[%mul3A_0, %dma_start3A_44] : memref<10240x16xf32, #tpu.memory_space<vmem_shared>> -> memref<640x16xf32, #tpu.memory_space<vmem_shared>>
      %dma_start3A_46 = arith.constant 0 : i32
      %dma_start3A_47 = tpu.memref_slice %arg2[%mul3A_0, %dma_start3A_46] : memref<10240x16xf32, #tpu.memory_space<hbm>> -> memref<640x16xf32, #tpu.memory_space<hbm>>
      tpu.enqueue_dma source(%dma_start3A_47 : memref<640x16xf32, #tpu.memory_space<hbm>>) target(%dma_start3A_45 : memref<640x16xf32, #tpu.memory_space<vmem_shared>>) target_semaphore(%run_scoped3A : memref<!tpu.dma_semaphore, #tpu.memory_space<semaphore_mem>>)
      %dma_wait3A_48 = arith.constant 0 : i32
      %dma_wait3A_49 = tpu.memref_slice %arg16[%mul3A_0, %dma_wait3A_48] : memref<10240x16xf32, #tpu.memory_space<vmem_shared>> -> memref<640x16xf32, #tpu.memory_space<vmem_shared>>
      %dma_wait3A_50 = arith.constant 0 : i32
      %dma_wait3A_51 = tpu.memref_slice %arg2[%mul3A_0, %dma_wait3A_50] : memref<10240x16xf32, #tpu.memory_space<hbm>> -> memref<640x16xf32, #tpu.memory_space<hbm>>
      tpu.wait_dma2 semaphore(%run_scoped3A : memref<!tpu.dma_semaphore, #tpu.memory_space<semaphore_mem>>) src(%dma_wait3A_51 : memref<640x16xf32, #tpu.memory_space<hbm>>) dst(%dma_wait3A_49 : memref<640x16xf32, #tpu.memory_space<vmem_shared>>)
      tpu.yield
    }) : () -> ()
    %eq3A = arith.constant 0 : i32
    %eq3A_1 = arith.cmpi eq, %arg0, %eq3A : i32
    %convert_element_type3A = arith.extui %eq3A_1 : i1 to i32
    %cond3A = arith.constant 0 : i32
    %cond3A_2 = arith.cmpi ne, %convert_element_type3A, %cond3A : i32
    scf.if %cond3A_2 {
      %mul3A_44 = arith.constant 80 : i32
      %mul3A_45 = arith.muli %arg1, %mul3A_44 : i32
      "tpu.region"() ({
        %run_scoped3A = tpu.sem_alloc : memref<!tpu.dma_semaphore, #tpu.memory_space<semaphore_mem>>
        %dma_start3A_48 = arith.constant 0 : i32
        %dma_start3A_49 = tpu.memref_slice %arg3[%mul3A_45, %dma_start3A_48] : memref<1280x128xi32, #tpu.memory_space<hbm>> -> memref<80x128xi32, #tpu.memory_space<hbm>>
        %dma_start3A_50 = arith.constant 0 : i32
        %dma_start3A_51 = tpu.memref_slice %arg3[%mul3A_45, %dma_start3A_50] : memref<1280x128xi32, #tpu.memory_space<hbm>> -> memref<80x128xi32, #tpu.memory_space<hbm>>
        tpu.enqueue_dma source(%dma_start3A_51 : memref<80x128xi32, #tpu.memory_space<hbm>>) target(%arg9 : memref<80x128xi32, #tpu.memory_space<vmem>>) target_semaphore(%run_scoped3A : memref<!tpu.dma_semaphore, #tpu.memory_space<semaphore_mem>>)
        %dma_wait3A_52 = arith.constant 0 : i32
        %dma_wait3A_53 = tpu.memref_slice %arg3[%mul3A_45, %dma_wait3A_52] : memref<1280x128xi32, #tpu.memory_space<hbm>> -> memref<80x128xi32, #tpu.memory_space<hbm>>
        %dma_wait3A_54 = arith.constant 0 : i32
        %dma_wait3A_55 = tpu.memref_slice %arg3[%mul3A_45, %dma_wait3A_54] : memref<1280x128xi32, #tpu.memory_space<hbm>> -> memref<80x128xi32, #tpu.memory_space<hbm>>
        tpu.wait_dma2 semaphore(%run_scoped3A : memref<!tpu.dma_semaphore, #tpu.memory_space<semaphore_mem>>) src(%dma_wait3A_55 : memref<80x128xi32, #tpu.memory_space<hbm>>) dst(%arg9 : memref<80x128xi32, #tpu.memory_space<vmem>>)
        tpu.yield
      }) : () -> ()
      %mul3A_46 = arith.constant 80 : i32
      %mul3A_47 = arith.muli %arg1, %mul3A_46 : i32
      "tpu.region"() ({
        %run_scoped3A = tpu.sem_alloc : memref<!tpu.dma_semaphore, #tpu.memory_space<semaphore_mem>>
        %dma_start3A_48 = arith.constant 0 : i32
        %dma_start3A_49 = tpu.memref_slice %arg5[%mul3A_47, %dma_start3A_48] : memref<1280x128xi32, #tpu.memory_space<hbm>> -> memref<80x128xi32, #tpu.memory_space<hbm>>
        %dma_start3A_50 = arith.constant 0 : i32
        %dma_start3A_51 = tpu.memref_slice %arg5[%mul3A_47, %dma_start3A_50] : memref<1280x128xi32, #tpu.memory_space<hbm>> -> memref<80x128xi32, #tpu.memory_space<hbm>>
        tpu.enqueue_dma source(%dma_start3A_51 : memref<80x128xi32, #tpu.memory_space<hbm>>) target(%arg10 : memref<80x128xi32, #tpu.memory_space<vmem>>) target_semaphore(%run_scoped3A : memref<!tpu.dma_semaphore, #tpu.memory_space<semaphore_mem>>)
        %dma_wait3A_52 = arith.constant 0 : i32
        %dma_wait3A_53 = tpu.memref_slice %arg5[%mul3A_47, %dma_wait3A_52] : memref<1280x128xi32, #tpu.memory_space<hbm>> -> memref<80x128xi32, #tpu.memory_space<hbm>>
        %dma_wait3A_54 = arith.constant 0 : i32
        %dma_wait3A_55 = tpu.memref_slice %arg5[%mul3A_47, %dma_wait3A_54] : memref<1280x128xi32, #tpu.memory_space<hbm>> -> memref<80x128xi32, #tpu.memory_space<hbm>>
        tpu.wait_dma2 semaphore(%run_scoped3A : memref<!tpu.dma_semaphore, #tpu.memory_space<semaphore_mem>>) src(%dma_wait3A_55 : memref<80x128xi32, #tpu.memory_space<hbm>>) dst(%arg10 : memref<80x128xi32, #tpu.memory_space<vmem>>)
        tpu.yield
      }) : () -> ()
    } else {
    }
    %eq3A_3 = arith.constant 1 : i32
    %eq3A_4 = arith.cmpi eq, %arg0, %eq3A_3 : i32
    %convert_element_type3A_5 = arith.extui %eq3A_4 : i1 to i32
    %cond3A_6 = arith.constant 0 : i32
    %cond3A_7 = arith.cmpi ne, %convert_element_type3A_5, %cond3A_6 : i32
    scf.if %cond3A_7 {
      %mul3A_44 = arith.constant 80 : i32
      %mul3A_45 = arith.muli %arg1, %mul3A_44 : i32
      "tpu.region"() ({
        %run_scoped3A = tpu.sem_alloc : memref<!tpu.dma_semaphore, #tpu.memory_space<semaphore_mem>>
        %dma_start3A_48 = arith.constant 0 : i32
        %dma_start3A_49 = tpu.memref_slice %arg4[%mul3A_45, %dma_start3A_48] : memref<1280x128xi32, #tpu.memory_space<hbm>> -> memref<80x128xi32, #tpu.memory_space<hbm>>
        %dma_start3A_50 = arith.constant 0 : i32
        %dma_start3A_51 = tpu.memref_slice %arg4[%mul3A_45, %dma_start3A_50] : memref<1280x128xi32, #tpu.memory_space<hbm>> -> memref<80x128xi32, #tpu.memory_space<hbm>>
        tpu.enqueue_dma source(%dma_start3A_51 : memref<80x128xi32, #tpu.memory_space<hbm>>) target(%arg9 : memref<80x128xi32, #tpu.memory_space<vmem>>) target_semaphore(%run_scoped3A : memref<!tpu.dma_semaphore, #tpu.memory_space<semaphore_mem>>)
        %dma_wait3A_52 = arith.constant 0 : i32
        %dma_wait3A_53 = tpu.memref_slice %arg4[%mul3A_45, %dma_wait3A_52] : memref<1280x128xi32, #tpu.memory_space<hbm>> -> memref<80x128xi32, #tpu.memory_space<hbm>>
        %dma_wait3A_54 = arith.constant 0 : i32
        %dma_wait3A_55 = tpu.memref_slice %arg4[%mul3A_45, %dma_wait3A_54] : memref<1280x128xi32, #tpu.memory_space<hbm>> -> memref<80x128xi32, #tpu.memory_space<hbm>>
        tpu.wait_dma2 semaphore(%run_scoped3A : memref<!tpu.dma_semaphore, #tpu.memory_space<semaphore_mem>>) src(%dma_wait3A_55 : memref<80x128xi32, #tpu.memory_space<hbm>>) dst(%arg9 : memref<80x128xi32, #tpu.memory_space<vmem>>)
        tpu.yield
      }) : () -> ()
      %mul3A_46 = arith.constant 80 : i32
      %mul3A_47 = arith.muli %arg1, %mul3A_46 : i32
      "tpu.region"() ({
        %run_scoped3A = tpu.sem_alloc : memref<!tpu.dma_semaphore, #tpu.memory_space<semaphore_mem>>
        %dma_start3A_48 = arith.constant 0 : i32
        %dma_start3A_49 = tpu.memref_slice %arg6[%mul3A_47, %dma_start3A_48] : memref<1280x128xi32, #tpu.memory_space<hbm>> -> memref<80x128xi32, #tpu.memory_space<hbm>>
        %dma_start3A_50 = arith.constant 0 : i32
        %dma_start3A_51 = tpu.memref_slice %arg6[%mul3A_47, %dma_start3A_50] : memref<1280x128xi32, #tpu.memory_space<hbm>> -> memref<80x128xi32, #tpu.memory_space<hbm>>
        tpu.enqueue_dma source(%dma_start3A_51 : memref<80x128xi32, #tpu.memory_space<hbm>>) target(%arg10 : memref<80x128xi32, #tpu.memory_space<vmem>>) target_semaphore(%run_scoped3A : memref<!tpu.dma_semaphore, #tpu.memory_space<semaphore_mem>>)
        %dma_wait3A_52 = arith.constant 0 : i32
        %dma_wait3A_53 = tpu.memref_slice %arg6[%mul3A_47, %dma_wait3A_52] : memref<1280x128xi32, #tpu.memory_space<hbm>> -> memref<80x128xi32, #tpu.memory_space<hbm>>
        %dma_wait3A_54 = arith.constant 0 : i32
        %dma_wait3A_55 = tpu.memref_slice %arg6[%mul3A_47, %dma_wait3A_54] : memref<1280x128xi32, #tpu.memory_space<hbm>> -> memref<80x128xi32, #tpu.memory_space<hbm>>
        tpu.wait_dma2 semaphore(%run_scoped3A : memref<!tpu.dma_semaphore, #tpu.memory_space<semaphore_mem>>) src(%dma_wait3A_55 : memref<80x128xi32, #tpu.memory_space<hbm>>) dst(%arg10 : memref<80x128xi32, #tpu.memory_space<vmem>>)
        tpu.yield
      }) : () -> ()
    } else {
    }
    %barrier3A = arith.constant 0 : index
    tpu.barrier barrier_id(%barrier3A)
    %dma_start3A = arith.constant 0 : i32
    %dma_start3A_8 = arith.constant 0 : i32
    %dma_start3A_9 = tpu.memref_slice %arg9[%dma_start3A, %dma_start3A_8] : memref<80x128xi32, #tpu.memory_space<vmem>> -> memref<1x128xi32, #tpu.memory_space<vmem>>
    %dma_start3A_10 = tpu.memref_squeeze %dma_start3A_9 : memref<1x128xi32, #tpu.memory_space<vmem>> -> memref<128xi32, #tpu.memory_space<vmem>>
    %dma_start3A_11 = arith.constant 0 : i32
    %dma_start3A_12 = arith.constant 0 : i32
    %dma_start3A_13 = tpu.memref_slice %arg16[%dma_start3A_11, %dma_start3A_12] : memref<10240x16xf32, #tpu.memory_space<vmem_shared>> -> memref<10240x16xf32, #tpu.memory_space<vmem_shared>>
    tpu.enqueue_indirect_dma source(%dma_start3A_13 : memref<10240x16xf32, #tpu.memory_space<vmem_shared>>) target(%arg11 : memref<128x16xf32, #tpu.memory_space<vmem>>) offsets(%dma_start3A_10 : memref<128xi32, #tpu.memory_space<vmem>>) semaphore(%arg17 : memref<!tpu.dma_semaphore, #tpu.memory_space<semaphore_mem>>)
    %dma_start3A_14 = arith.constant 1 : i32
    %dma_start3A_15 = arith.constant 0 : i32
    %dma_start3A_16 = tpu.memref_slice %arg9[%dma_start3A_14, %dma_start3A_15] : memref<80x128xi32, #tpu.memory_space<vmem>> -> memref<1x128xi32, #tpu.memory_space<vmem>>
    %dma_start3A_17 = tpu.memref_squeeze %dma_start3A_16 : memref<1x128xi32, #tpu.memory_space<vmem>> -> memref<128xi32, #tpu.memory_space<vmem>>
    %dma_start3A_18 = arith.constant 0 : i32
    %dma_start3A_19 = arith.constant 0 : i32
    %dma_start3A_20 = tpu.memref_slice %arg16[%dma_start3A_18, %dma_start3A_19] : memref<10240x16xf32, #tpu.memory_space<vmem_shared>> -> memref<10240x16xf32, #tpu.memory_space<vmem_shared>>
    tpu.enqueue_indirect_dma source(%dma_start3A_20 : memref<10240x16xf32, #tpu.memory_space<vmem_shared>>) target(%arg12 : memref<128x16xf32, #tpu.memory_space<vmem>>) offsets(%dma_start3A_17 : memref<128xi32, #tpu.memory_space<vmem>>) semaphore(%arg18 : memref<!tpu.dma_semaphore, #tpu.memory_space<semaphore_mem>>)
    %scan3A = arith.constant 0 : i32
    %scan3A_21 = arith.constant 0 : i32
    %scan3A_22 = arith.constant 20 : i32
    %scan3A_23 = arith.addi %scan3A_21, %scan3A_22 : i32
    %scan3A_24 = arith.constant 1 : i32
    scf.for %scan3A_44 = %scan3A_21 to %scan3A_23 step %scan3A_24  : i32 {
      %mul3A_45 = arith.constant 4 : i32
      %mul3A_46 = arith.muli %mul3A_45, %scan3A_44 : i32
      %gt3A = arith.constant 0 : i32
      %gt3A_47 = arith.cmpi sgt, %scan3A_44, %gt3A : i32
      %convert_element_type3A_48 = arith.extui %gt3A_47 : i1 to i32
      %cond3A_49 = arith.constant 0 : i32
      %cond3A_50 = arith.cmpi ne, %convert_element_type3A_48, %cond3A_49 : i32
      scf.if %cond3A_50 {
        %dma_wait3A_170 = arith.constant 0 : i32
        %dma_wait3A_171 = arith.constant 0 : i32
        %dma_wait3A_172 = tpu.memref_slice %arg10[%dma_wait3A_170, %dma_wait3A_171] : memref<80x128xi32, #tpu.memory_space<vmem>> -> memref<1x128xi32, #tpu.memory_space<vmem>>
        %dma_wait3A_173 = tpu.memref_squeeze %dma_wait3A_172 : memref<1x128xi32, #tpu.memory_space<vmem>> -> memref<128xi32, #tpu.memory_space<vmem>>
        %dma_wait3A_174 = arith.constant 0 : i32
        %dma_wait3A_175 = arith.constant 0 : i32
        %dma_wait3A_176 = tpu.memref_slice %arg15[%dma_wait3A_174, %dma_wait3A_175] : memref<10240x16xf32, #tpu.memory_space<vmem_shared>> -> memref<10240x16xf32, #tpu.memory_space<vmem_shared>>
        tpu.wait_indirect_dma semaphore(%arg23 : memref<!tpu.dma_semaphore, #tpu.memory_space<semaphore_mem>>) src(%arg13 : memref<128x16xf32, #tpu.memory_space<vmem>>) dst(%dma_wait3A_176 : memref<10240x16xf32, #tpu.memory_space<vmem_shared>>)
      } else {
      }
      %add3A = arith.constant 2 : i32
      %add3A_51 = arith.addi %mul3A_46, %add3A : i32
      %add3A_52 = arith.constant 0 : i32
      %add3A_53 = arith.addi %add3A_51, %add3A_52 : i32
      %dma_start3A_54 = arith.constant 0 : i32
      %dma_start3A_55 = tpu.memref_slice %arg9[%add3A_53, %dma_start3A_54] : memref<80x128xi32, #tpu.memory_space<vmem>> -> memref<1x128xi32, #tpu.memory_space<vmem>>
      %dma_start3A_56 = tpu.memref_squeeze %dma_start3A_55 : memref<1x128xi32, #tpu.memory_space<vmem>> -> memref<128xi32, #tpu.memory_space<vmem>>
      %dma_start3A_57 = arith.constant 0 : i32
      %dma_start3A_58 = arith.constant 0 : i32
      %dma_start3A_59 = tpu.memref_slice %arg16[%dma_start3A_57, %dma_start3A_58] : memref<10240x16xf32, #tpu.memory_space<vmem_shared>> -> memref<10240x16xf32, #tpu.memory_space<vmem_shared>>
      tpu.enqueue_indirect_dma source(%dma_start3A_59 : memref<10240x16xf32, #tpu.memory_space<vmem_shared>>) target(%arg13 : memref<128x16xf32, #tpu.memory_space<vmem>>) offsets(%dma_start3A_56 : memref<128xi32, #tpu.memory_space<vmem>>) semaphore(%arg19 : memref<!tpu.dma_semaphore, #tpu.memory_space<semaphore_mem>>)
      %gt3A_60 = arith.constant 0 : i32
      %gt3A_61 = arith.cmpi sgt, %scan3A_44, %gt3A_60 : i32
      %convert_element_type3A_62 = arith.extui %gt3A_61 : i1 to i32
      %cond3A_63 = arith.constant 0 : i32
      %cond3A_64 = arith.cmpi ne, %convert_element_type3A_62, %cond3A_63 : i32
      scf.if %cond3A_64 {
        %dma_wait3A_170 = arith.constant 0 : i32
        %dma_wait3A_171 = arith.constant 0 : i32
        %dma_wait3A_172 = tpu.memref_slice %arg10[%dma_wait3A_170, %dma_wait3A_171] : memref<80x128xi32, #tpu.memory_space<vmem>> -> memref<1x128xi32, #tpu.memory_space<vmem>>
        %dma_wait3A_173 = tpu.memref_squeeze %dma_wait3A_172 : memref<1x128xi32, #tpu.memory_space<vmem>> -> memref<128xi32, #tpu.memory_space<vmem>>
        %dma_wait3A_174 = arith.constant 0 : i32
        %dma_wait3A_175 = arith.constant 0 : i32
        %dma_wait3A_176 = tpu.memref_slice %arg15[%dma_wait3A_174, %dma_wait3A_175] : memref<10240x16xf32, #tpu.memory_space<vmem_shared>> -> memref<10240x16xf32, #tpu.memory_space<vmem_shared>>
        tpu.wait_indirect_dma semaphore(%arg24 : memref<!tpu.dma_semaphore, #tpu.memory_space<semaphore_mem>>) src(%arg14 : memref<128x16xf32, #tpu.memory_space<vmem>>) dst(%dma_wait3A_176 : memref<10240x16xf32, #tpu.memory_space<vmem_shared>>)
      } else {
      }
      %add3A_65 = arith.constant 2 : i32
      %add3A_66 = arith.addi %mul3A_46, %add3A_65 : i32
      %add3A_67 = arith.constant 1 : i32
      %add3A_68 = arith.addi %add3A_66, %add3A_67 : i32
      %dma_start3A_69 = arith.constant 0 : i32
      %dma_start3A_70 = tpu.memref_slice %arg9[%add3A_68, %dma_start3A_69] : memref<80x128xi32, #tpu.memory_space<vmem>> -> memref<1x128xi32, #tpu.memory_space<vmem>>
      %dma_start3A_71 = tpu.memref_squeeze %dma_start3A_70 : memref<1x128xi32, #tpu.memory_space<vmem>> -> memref<128xi32, #tpu.memory_space<vmem>>
      %dma_start3A_72 = arith.constant 0 : i32
      %dma_start3A_73 = arith.constant 0 : i32
      %dma_start3A_74 = tpu.memref_slice %arg16[%dma_start3A_72, %dma_start3A_73] : memref<10240x16xf32, #tpu.memory_space<vmem_shared>> -> memref<10240x16xf32, #tpu.memory_space<vmem_shared>>
      tpu.enqueue_indirect_dma source(%dma_start3A_74 : memref<10240x16xf32, #tpu.memory_space<vmem_shared>>) target(%arg14 : memref<128x16xf32, #tpu.memory_space<vmem>>) offsets(%dma_start3A_71 : memref<128xi32, #tpu.memory_space<vmem>>) semaphore(%arg20 : memref<!tpu.dma_semaphore, #tpu.memory_space<semaphore_mem>>)
      %dma_wait3A_75 = arith.constant 0 : i32
      %dma_wait3A_76 = arith.constant 0 : i32
      %dma_wait3A_77 = tpu.memref_slice %arg9[%dma_wait3A_75, %dma_wait3A_76] : memref<80x128xi32, #tpu.memory_space<vmem>> -> memref<1x128xi32, #tpu.memory_space<vmem>>
      %dma_wait3A_78 = tpu.memref_squeeze %dma_wait3A_77 : memref<1x128xi32, #tpu.memory_space<vmem>> -> memref<128xi32, #tpu.memory_space<vmem>>
      %dma_wait3A_79 = arith.constant 0 : i32
      %dma_wait3A_80 = arith.constant 0 : i32
      %dma_wait3A_81 = tpu.memref_slice %arg16[%dma_wait3A_79, %dma_wait3A_80] : memref<10240x16xf32, #tpu.memory_space<vmem_shared>> -> memref<10240x16xf32, #tpu.memory_space<vmem_shared>>
      tpu.wait_indirect_dma semaphore(%arg17 : memref<!tpu.dma_semaphore, #tpu.memory_space<semaphore_mem>>) src(%dma_wait3A_81 : memref<10240x16xf32, #tpu.memory_space<vmem_shared>>) dst(%arg11 : memref<128x16xf32, #tpu.memory_space<vmem>>)
      %add3A_82 = arith.constant 0 : i32
      %add3A_83 = arith.addi %mul3A_46, %add3A_82 : i32
      %dma_start3A_84 = arith.constant 0 : i32
      %dma_start3A_85 = tpu.memref_slice %arg10[%add3A_83, %dma_start3A_84] : memref<80x128xi32, #tpu.memory_space<vmem>> -> memref<1x128xi32, #tpu.memory_space<vmem>>
      %dma_start3A_86 = tpu.memref_squeeze %dma_start3A_85 : memref<1x128xi32, #tpu.memory_space<vmem>> -> memref<128xi32, #tpu.memory_space<vmem>>
      %dma_start3A_87 = arith.constant 0 : i32
      %dma_start3A_88 = arith.constant 0 : i32
      %dma_start3A_89 = tpu.memref_slice %arg15[%dma_start3A_87, %dma_start3A_88] : memref<10240x16xf32, #tpu.memory_space<vmem_shared>> -> memref<10240x16xf32, #tpu.memory_space<vmem_shared>>
      tpu.enqueue_indirect_dma source(%arg11 : memref<128x16xf32, #tpu.memory_space<vmem>>) target(%dma_start3A_89 : memref<10240x16xf32, #tpu.memory_space<vmem_shared>>) offsets(%dma_start3A_86 : memref<128xi32, #tpu.memory_space<vmem>>) semaphore(%arg21 : memref<!tpu.dma_semaphore, #tpu.memory_space<semaphore_mem>>) {add = true}
      %dma_wait3A_90 = arith.constant 0 : i32
      %dma_wait3A_91 = arith.constant 0 : i32
      %dma_wait3A_92 = tpu.memref_slice %arg9[%dma_wait3A_90, %dma_wait3A_91] : memref<80x128xi32, #tpu.memory_space<vmem>> -> memref<1x128xi32, #tpu.memory_space<vmem>>
      %dma_wait3A_93 = tpu.memref_squeeze %dma_wait3A_92 : memref<1x128xi32, #tpu.memory_space<vmem>> -> memref<128xi32, #tpu.memory_space<vmem>>
      %dma_wait3A_94 = arith.constant 0 : i32
      %dma_wait3A_95 = arith.constant 0 : i32
      %dma_wait3A_96 = tpu.memref_slice %arg16[%dma_wait3A_94, %dma_wait3A_95] : memref<10240x16xf32, #tpu.memory_space<vmem_shared>> -> memref<10240x16xf32, #tpu.memory_space<vmem_shared>>
      tpu.wait_indirect_dma semaphore(%arg18 : memref<!tpu.dma_semaphore, #tpu.memory_space<semaphore_mem>>) src(%dma_wait3A_96 : memref<10240x16xf32, #tpu.memory_space<vmem_shared>>) dst(%arg12 : memref<128x16xf32, #tpu.memory_space<vmem>>)
      %add3A_97 = arith.constant 1 : i32
      %add3A_98 = arith.addi %mul3A_46, %add3A_97 : i32
      %dma_start3A_99 = arith.constant 0 : i32
      %dma_start3A_100 = tpu.memref_slice %arg10[%add3A_98, %dma_start3A_99] : memref<80x128xi32, #tpu.memory_space<vmem>> -> memref<1x128xi32, #tpu.memory_space<vmem>>
      %dma_start3A_101 = tpu.memref_squeeze %dma_start3A_100 : memref<1x128xi32, #tpu.memory_space<vmem>> -> memref<128xi32, #tpu.memory_space<vmem>>
      %dma_start3A_102 = arith.constant 0 : i32
      %dma_start3A_103 = arith.constant 0 : i32
      %dma_start3A_104 = tpu.memref_slice %arg15[%dma_start3A_102, %dma_start3A_103] : memref<10240x16xf32, #tpu.memory_space<vmem_shared>> -> memref<10240x16xf32, #tpu.memory_space<vmem_shared>>
      tpu.enqueue_indirect_dma source(%arg12 : memref<128x16xf32, #tpu.memory_space<vmem>>) target(%dma_start3A_104 : memref<10240x16xf32, #tpu.memory_space<vmem_shared>>) offsets(%dma_start3A_101 : memref<128xi32, #tpu.memory_space<vmem>>) semaphore(%arg22 : memref<!tpu.dma_semaphore, #tpu.memory_space<semaphore_mem>>) {add = true}
      %dma_wait3A_105 = arith.constant 0 : i32
      %dma_wait3A_106 = arith.constant 0 : i32
      %dma_wait3A_107 = tpu.memref_slice %arg10[%dma_wait3A_105, %dma_wait3A_106] : memref<80x128xi32, #tpu.memory_space<vmem>> -> memref<1x128xi32, #tpu.memory_space<vmem>>
      %dma_wait3A_108 = tpu.memref_squeeze %dma_wait3A_107 : memref<1x128xi32, #tpu.memory_space<vmem>> -> memref<128xi32, #tpu.memory_space<vmem>>
      %dma_wait3A_109 = arith.constant 0 : i32
      %dma_wait3A_110 = arith.constant 0 : i32
      %dma_wait3A_111 = tpu.memref_slice %arg15[%dma_wait3A_109, %dma_wait3A_110] : memref<10240x16xf32, #tpu.memory_space<vmem_shared>> -> memref<10240x16xf32, #tpu.memory_space<vmem_shared>>
      tpu.wait_indirect_dma semaphore(%arg21 : memref<!tpu.dma_semaphore, #tpu.memory_space<semaphore_mem>>) src(%arg11 : memref<128x16xf32, #tpu.memory_space<vmem>>) dst(%dma_wait3A_111 : memref<10240x16xf32, #tpu.memory_space<vmem_shared>>)
      %add3A_112 = arith.constant 4 : i32
      %add3A_113 = arith.addi %mul3A_46, %add3A_112 : i32
      %add3A_114 = arith.constant 0 : i32
      %add3A_115 = arith.addi %add3A_113, %add3A_114 : i32
      %lt3A = arith.constant 80 : i32
      %lt3A_116 = arith.cmpi slt, %add3A_115, %lt3A : i32
      %convert_element_type3A_117 = arith.extui %lt3A_116 : i1 to i32
      %cond3A_118 = arith.constant 0 : i32
      %cond3A_119 = arith.cmpi ne, %convert_element_type3A_117, %cond3A_118 : i32
      scf.if %cond3A_119 {
        %add3A_170 = arith.constant 4 : i32
        %add3A_171 = arith.addi %mul3A_46, %add3A_170 : i32
        %add3A_172 = arith.constant 0 : i32
        %add3A_173 = arith.addi %add3A_171, %add3A_172 : i32
        %dma_start3A_174 = arith.constant 0 : i32
        %dma_start3A_175 = tpu.memref_slice %arg9[%add3A_173, %dma_start3A_174] : memref<80x128xi32, #tpu.memory_space<vmem>> -> memref<1x128xi32, #tpu.memory_space<vmem>>
        %dma_start3A_176 = tpu.memref_squeeze %dma_start3A_175 : memref<1x128xi32, #tpu.memory_space<vmem>> -> memref<128xi32, #tpu.memory_space<vmem>>
        %dma_start3A_177 = arith.constant 0 : i32
        %dma_start3A_178 = arith.constant 0 : i32
        %dma_start3A_179 = tpu.memref_slice %arg16[%dma_start3A_177, %dma_start3A_178] : memref<10240x16xf32, #tpu.memory_space<vmem_shared>> -> memref<10240x16xf32, #tpu.memory_space<vmem_shared>>
        tpu.enqueue_indirect_dma source(%dma_start3A_179 : memref<10240x16xf32, #tpu.memory_space<vmem_shared>>) target(%arg11 : memref<128x16xf32, #tpu.memory_space<vmem>>) offsets(%dma_start3A_176 : memref<128xi32, #tpu.memory_space<vmem>>) semaphore(%arg17 : memref<!tpu.dma_semaphore, #tpu.memory_space<semaphore_mem>>)
      } else {
      }
      %dma_wait3A_120 = arith.constant 0 : i32
      %dma_wait3A_121 = arith.constant 0 : i32
      %dma_wait3A_122 = tpu.memref_slice %arg10[%dma_wait3A_120, %dma_wait3A_121] : memref<80x128xi32, #tpu.memory_space<vmem>> -> memref<1x128xi32, #tpu.memory_space<vmem>>
      %dma_wait3A_123 = tpu.memref_squeeze %dma_wait3A_122 : memref<1x128xi32, #tpu.memory_space<vmem>> -> memref<128xi32, #tpu.memory_space<vmem>>
      %dma_wait3A_124 = arith.constant 0 : i32
      %dma_wait3A_125 = arith.constant 0 : i32
      %dma_wait3A_126 = tpu.memref_slice %arg15[%dma_wait3A_124, %dma_wait3A_125] : memref<10240x16xf32, #tpu.memory_space<vmem_shared>> -> memref<10240x16xf32, #tpu.memory_space<vmem_shared>>
      tpu.wait_indirect_dma semaphore(%arg22 : memref<!tpu.dma_semaphore, #tpu.memory_space<semaphore_mem>>) src(%arg12 : memref<128x16xf32, #tpu.memory_space<vmem>>) dst(%dma_wait3A_126 : memref<10240x16xf32, #tpu.memory_space<vmem_shared>>)
      %add3A_127 = arith.constant 4 : i32
      %add3A_128 = arith.addi %mul3A_46, %add3A_127 : i32
      %add3A_129 = arith.constant 1 : i32
      %add3A_130 = arith.addi %add3A_128, %add3A_129 : i32
      %lt3A_131 = arith.constant 80 : i32
      %lt3A_132 = arith.cmpi slt, %add3A_130, %lt3A_131 : i32
      %convert_element_type3A_133 = arith.extui %lt3A_132 : i1 to i32
      %cond3A_134 = arith.constant 0 : i32
      %cond3A_135 = arith.cmpi ne, %convert_element_type3A_133, %cond3A_134 : i32
      scf.if %cond3A_135 {
        %add3A_170 = arith.constant 4 : i32
        %add3A_171 = arith.addi %mul3A_46, %add3A_170 : i32
        %add3A_172 = arith.constant 1 : i32
        %add3A_173 = arith.addi %add3A_171, %add3A_172 : i32
        %dma_start3A_174 = arith.constant 0 : i32
        %dma_start3A_175 = tpu.memref_slice %arg9[%add3A_173, %dma_start3A_174] : memref<80x128xi32, #tpu.memory_space<vmem>> -> memref<1x128xi32, #tpu.memory_space<vmem>>
        %dma_start3A_176 = tpu.memref_squeeze %dma_start3A_175 : memref<1x128xi32, #tpu.memory_space<vmem>> -> memref<128xi32, #tpu.memory_space<vmem>>
        %dma_start3A_177 = arith.constant 0 : i32
        %dma_start3A_178 = arith.constant 0 : i32
        %dma_start3A_179 = tpu.memref_slice %arg16[%dma_start3A_177, %dma_start3A_178] : memref<10240x16xf32, #tpu.memory_space<vmem_shared>> -> memref<10240x16xf32, #tpu.memory_space<vmem_shared>>
        tpu.enqueue_indirect_dma source(%dma_start3A_179 : memref<10240x16xf32, #tpu.memory_space<vmem_shared>>) target(%arg12 : memref<128x16xf32, #tpu.memory_space<vmem>>) offsets(%dma_start3A_176 : memref<128xi32, #tpu.memory_space<vmem>>) semaphore(%arg18 : memref<!tpu.dma_semaphore, #tpu.memory_space<semaphore_mem>>)
      } else {
      }
      %dma_wait3A_136 = arith.constant 0 : i32
      %dma_wait3A_137 = arith.constant 0 : i32
      %dma_wait3A_138 = tpu.memref_slice %arg9[%dma_wait3A_136, %dma_wait3A_137] : memref<80x128xi32, #tpu.memory_space<vmem>> -> memref<1x128xi32, #tpu.memory_space<vmem>>
      %dma_wait3A_139 = tpu.memref_squeeze %dma_wait3A_138 : memref<1x128xi32, #tpu.memory_space<vmem>> -> memref<128xi32, #tpu.memory_space<vmem>>
      %dma_wait3A_140 = arith.constant 0 : i32
      %dma_wait3A_141 = arith.constant 0 : i32
      %dma_wait3A_142 = tpu.memref_slice %arg16[%dma_wait3A_140, %dma_wait3A_141] : memref<10240x16xf32, #tpu.memory_space<vmem_shared>> -> memref<10240x16xf32, #tpu.memory_space<vmem_shared>>
      tpu.wait_indirect_dma semaphore(%arg19 : memref<!tpu.dma_semaphore, #tpu.memory_space<semaphore_mem>>) src(%dma_wait3A_142 : memref<10240x16xf32, #tpu.memory_space<vmem_shared>>) dst(%arg13 : memref<128x16xf32, #tpu.memory_space<vmem>>)
      %add3A_143 = arith.constant 2 : i32
      %add3A_144 = arith.addi %mul3A_46, %add3A_143 : i32
      %add3A_145 = arith.constant 0 : i32
      %add3A_146 = arith.addi %add3A_144, %add3A_145 : i32
      %dma_start3A_147 = arith.constant 0 : i32
      %dma_start3A_148 = tpu.memref_slice %arg10[%add3A_146, %dma_start3A_147] : memref<80x128xi32, #tpu.memory_space<vmem>> -> memref<1x128xi32, #tpu.memory_space<vmem>>
      %dma_start3A_149 = tpu.memref_squeeze %dma_start3A_148 : memref<1x128xi32, #tpu.memory_space<vmem>> -> memref<128xi32, #tpu.memory_space<vmem>>
      %dma_start3A_150 = arith.constant 0 : i32
      %dma_start3A_151 = arith.constant 0 : i32
      %dma_start3A_152 = tpu.memref_slice %arg15[%dma_start3A_150, %dma_start3A_151] : memref<10240x16xf32, #tpu.memory_space<vmem_shared>> -> memref<10240x16xf32, #tpu.memory_space<vmem_shared>>
      tpu.enqueue_indirect_dma source(%arg13 : memref<128x16xf32, #tpu.memory_space<vmem>>) target(%dma_start3A_152 : memref<10240x16xf32, #tpu.memory_space<vmem_shared>>) offsets(%dma_start3A_149 : memref<128xi32, #tpu.memory_space<vmem>>) semaphore(%arg23 : memref<!tpu.dma_semaphore, #tpu.memory_space<semaphore_mem>>) {add = true}
      %dma_wait3A_153 = arith.constant 0 : i32
      %dma_wait3A_154 = arith.constant 0 : i32
      %dma_wait3A_155 = tpu.memref_slice %arg9[%dma_wait3A_153, %dma_wait3A_154] : memref<80x128xi32, #tpu.memory_space<vmem>> -> memref<1x128xi32, #tpu.memory_space<vmem>>
      %dma_wait3A_156 = tpu.memref_squeeze %dma_wait3A_155 : memref<1x128xi32, #tpu.memory_space<vmem>> -> memref<128xi32, #tpu.memory_space<vmem>>
      %dma_wait3A_157 = arith.constant 0 : i32
      %dma_wait3A_158 = arith.constant 0 : i32
      %dma_wait3A_159 = tpu.memref_slice %arg16[%dma_wait3A_157, %dma_wait3A_158] : memref<10240x16xf32, #tpu.memory_space<vmem_shared>> -> memref<10240x16xf32, #tpu.memory_space<vmem_shared>>
      tpu.wait_indirect_dma semaphore(%arg20 : memref<!tpu.dma_semaphore, #tpu.memory_space<semaphore_mem>>) src(%dma_wait3A_159 : memref<10240x16xf32, #tpu.memory_space<vmem_shared>>) dst(%arg14 : memref<128x16xf32, #tpu.memory_space<vmem>>)
      %add3A_160 = arith.constant 2 : i32
      %add3A_161 = arith.addi %mul3A_46, %add3A_160 : i32
      %add3A_162 = arith.constant 1 : i32
      %add3A_163 = arith.addi %add3A_161, %add3A_162 : i32
      %dma_start3A_164 = arith.constant 0 : i32
      %dma_start3A_165 = tpu.memref_slice %arg10[%add3A_163, %dma_start3A_164] : memref<80x128xi32, #tpu.memory_space<vmem>> -> memref<1x128xi32, #tpu.memory_space<vmem>>
      %dma_start3A_166 = tpu.memref_squeeze %dma_start3A_165 : memref<1x128xi32, #tpu.memory_space<vmem>> -> memref<128xi32, #tpu.memory_space<vmem>>
      %dma_start3A_167 = arith.constant 0 : i32
      %dma_start3A_168 = arith.constant 0 : i32
      %dma_start3A_169 = tpu.memref_slice %arg15[%dma_start3A_167, %dma_start3A_168] : memref<10240x16xf32, #tpu.memory_space<vmem_shared>> -> memref<10240x16xf32, #tpu.memory_space<vmem_shared>>
      tpu.enqueue_indirect_dma source(%arg14 : memref<128x16xf32, #tpu.memory_space<vmem>>) target(%dma_start3A_169 : memref<10240x16xf32, #tpu.memory_space<vmem_shared>>) offsets(%dma_start3A_166 : memref<128xi32, #tpu.memory_space<vmem>>) semaphore(%arg24 : memref<!tpu.dma_semaphore, #tpu.memory_space<semaphore_mem>>) {add = true}
    }
    %scan3A_25 = arith.constant 20 : i32
    %dma_wait3A = arith.constant 0 : i32
    %dma_wait3A_26 = arith.constant 0 : i32
    %dma_wait3A_27 = tpu.memref_slice %arg10[%dma_wait3A, %dma_wait3A_26] : memref<80x128xi32, #tpu.memory_space<vmem>> -> memref<1x128xi32, #tpu.memory_space<vmem>>
    %dma_wait3A_28 = tpu.memref_squeeze %dma_wait3A_27 : memref<1x128xi32, #tpu.memory_space<vmem>> -> memref<128xi32, #tpu.memory_space<vmem>>
    %dma_wait3A_29 = arith.constant 0 : i32
    %dma_wait3A_30 = arith.constant 0 : i32
    %dma_wait3A_31 = tpu.memref_slice %arg15[%dma_wait3A_29, %dma_wait3A_30] : memref<10240x16xf32, #tpu.memory_space<vmem_shared>> -> memref<10240x16xf32, #tpu.memory_space<vmem_shared>>
    tpu.wait_indirect_dma semaphore(%arg23 : memref<!tpu.dma_semaphore, #tpu.memory_space<semaphore_mem>>) src(%arg13 : memref<128x16xf32, #tpu.memory_space<vmem>>) dst(%dma_wait3A_31 : memref<10240x16xf32, #tpu.memory_space<vmem_shared>>)
    %dma_wait3A_32 = arith.constant 0 : i32
    %dma_wait3A_33 = arith.constant 0 : i32
    %dma_wait3A_34 = tpu.memref_slice %arg10[%dma_wait3A_32, %dma_wait3A_33] : memref<80x128xi32, #tpu.memory_space<vmem>> -> memref<1x128xi32, #tpu.memory_space<vmem>>
    %dma_wait3A_35 = tpu.memref_squeeze %dma_wait3A_34 : memref<1x128xi32, #tpu.memory_space<vmem>> -> memref<128xi32, #tpu.memory_space<vmem>>
    %dma_wait3A_36 = arith.constant 0 : i32
    %dma_wait3A_37 = arith.constant 0 : i32
    %dma_wait3A_38 = tpu.memref_slice %arg15[%dma_wait3A_36, %dma_wait3A_37] : memref<10240x16xf32, #tpu.memory_space<vmem_shared>> -> memref<10240x16xf32, #tpu.memory_space<vmem_shared>>
    tpu.wait_indirect_dma semaphore(%arg24 : memref<!tpu.dma_semaphore, #tpu.memory_space<semaphore_mem>>) src(%arg14 : memref<128x16xf32, #tpu.memory_space<vmem>>) dst(%dma_wait3A_38 : memref<10240x16xf32, #tpu.memory_space<vmem_shared>>)
    %barrier3A_39 = arith.constant 0 : index
    tpu.barrier barrier_id(%barrier3A_39)
    %mul3A_40 = arith.constant 640 : i32
    %mul3A_41 = arith.muli %arg1, %mul3A_40 : i32
    %mul3A_42 = arith.constant 640 : i32
    %mul3A_43 = arith.muli %arg1, %mul3A_42 : i32
    "tpu.region"() ({
      %run_scoped3A = tpu.sem_alloc : memref<!tpu.dma_semaphore, #tpu.memory_space<semaphore_mem>>
      %dma_start3A_44 = arith.constant 0 : i32
      %dma_start3A_45 = tpu.memref_slice %arg8[%arg0, %mul3A_43, %dma_start3A_44] : memref<2x10240x16xf32, #tpu.memory_space<hbm>> -> memref<1x640x16xf32, #tpu.memory_space<hbm>>
      %dma_start3A_46 = tpu.memref_squeeze %dma_start3A_45 : memref<1x640x16xf32, #tpu.memory_space<hbm>> -> memref<640x16xf32, #tpu.memory_space<hbm>>
      %dma_start3A_47 = arith.constant 0 : i32
      %dma_start3A_48 = tpu.memref_slice %arg15[%mul3A_41, %dma_start3A_47] : memref<10240x16xf32, #tpu.memory_space<vmem_shared>> -> memref<640x16xf32, #tpu.memory_space<vmem_shared>>
      tpu.enqueue_dma source(%dma_start3A_48 : memref<640x16xf32, #tpu.memory_space<vmem_shared>>) target(%dma_start3A_46 : memref<640x16xf32, #tpu.memory_space<hbm>>) target_semaphore(%run_scoped3A : memref<!tpu.dma_semaphore, #tpu.memory_space<semaphore_mem>>)
      %dma_wait3A_49 = arith.constant 0 : i32
      %dma_wait3A_50 = tpu.memref_slice %arg8[%arg0, %mul3A_43, %dma_wait3A_49] : memref<2x10240x16xf32, #tpu.memory_space<hbm>> -> memref<1x640x16xf32, #tpu.memory_space<hbm>>
      %dma_wait3A_51 = tpu.memref_squeeze %dma_wait3A_50 : memref<1x640x16xf32, #tpu.memory_space<hbm>> -> memref<640x16xf32, #tpu.memory_space<hbm>>
      %dma_wait3A_52 = arith.constant 0 : i32
      %dma_wait3A_53 = tpu.memref_slice %arg15[%mul3A_41, %dma_wait3A_52] : memref<10240x16xf32, #tpu.memory_space<vmem_shared>> -> memref<640x16xf32, #tpu.memory_space<vmem_shared>>
      tpu.wait_dma2 semaphore(%run_scoped3A : memref<!tpu.dma_semaphore, #tpu.memory_space<semaphore_mem>>) src(%dma_wait3A_53 : memref<640x16xf32, #tpu.memory_space<vmem_shared>>) dst(%dma_wait3A_51 : memref<640x16xf32, #tpu.memory_space<hbm>>)
      tpu.yield
    }) : () -> ()
    return
  }
}

#map = affine_map<(d0, d1) -> (0, 0)>
module attributes {stable_mosaic.version = 14 : i64} {
  func.func @seg(%arg0: i32, %arg1: i32, %arg2: memref<10000x128xf32, #tpu.memory_space<hbm>>, %arg3: memref<1280x128xi32, #tpu.memory_space<hbm>>, %arg4: memref<1280x128xi32, #tpu.memory_space<hbm>>, %arg5: memref<1280x128xi32, #tpu.memory_space<hbm>>, %arg6: memref<1280x128xi32, #tpu.memory_space<hbm>>, %arg7: memref<376x128xf32, #tpu.memory_space<hbm>>, %arg8: memref<10000x128xf32, #tpu.memory_space<hbm>>, %arg9: memref<40x128xi32, #tpu.memory_space<vmem>>, %arg10: memref<40x128xi32, #tpu.memory_space<vmem>>, %arg11: memref<128x128xf32, #tpu.memory_space<vmem>>, %arg12: memref<128x128xf32, #tpu.memory_space<vmem>>, %arg13: memref<10016x128xf32, #tpu.memory_space<vmem_shared>>, %arg14: memref<!tpu.dma_semaphore, #tpu.memory_space<semaphore_mem>>, %arg15: memref<!tpu.dma_semaphore, #tpu.memory_space<semaphore_mem>>, %arg16: memref<!tpu.dma_semaphore, #tpu.memory_space<semaphore_mem>>, %arg17: memref<!tpu.dma_semaphore, #tpu.memory_space<semaphore_mem>>) attributes {dimension_semantics = [#tpu.dimension_semantics<core_parallel>, #tpu.dimension_semantics<subcore_parallel>], iteration_bounds = array<i64: 2, 16>, scalar_prefetch = 0 : i64, scratch_operands = 9 : i64, tpu.core_type = #tpu.core_type<sc_vector_subcore>, window_params = [{transform_indices = #map}, {transform_indices = #map}, {transform_indices = #map}, {transform_indices = #map}, {transform_indices = #map}, {transform_indices = #map}, {transform_indices = #map}]} {
    %eq3A = arith.constant 0 : i32
    %eq3A_0 = arith.cmpi eq, %arg0, %eq3A : i32
    %convert_element_type3A = arith.extui %eq3A_0 : i1 to i32
    %cond3A = arith.constant 0 : i32
    %cond3A_1 = arith.cmpi ne, %convert_element_type3A, %cond3A : i32
    scf.if %cond3A_1 {
      %mul3A = arith.constant 250 : i32
      %mul3A_23 = arith.muli %arg1, %mul3A : i32
      %mul3A_24 = arith.constant 250 : i32
      %mul3A_25 = arith.muli %arg1, %mul3A_24 : i32
      "tpu.region"() ({
        %run_scoped3A = tpu.sem_alloc : memref<!tpu.dma_semaphore, #tpu.memory_space<semaphore_mem>>
        %dma_start3A = arith.constant 0 : i32
        %dma_start3A_29 = tpu.memref_slice %arg13[%mul3A_25, %dma_start3A] : memref<10016x128xf32, #tpu.memory_space<vmem_shared>> -> memref<250x128xf32, #tpu.memory_space<vmem_shared>>
        %dma_start3A_30 = arith.constant 0 : i32
        %dma_start3A_31 = tpu.memref_slice %arg2[%mul3A_23, %dma_start3A_30] : memref<10000x128xf32, #tpu.memory_space<hbm>> -> memref<250x128xf32, #tpu.memory_space<hbm>>
        tpu.enqueue_dma source(%dma_start3A_31 : memref<250x128xf32, #tpu.memory_space<hbm>>) target(%dma_start3A_29 : memref<250x128xf32, #tpu.memory_space<vmem_shared>>) target_semaphore(%run_scoped3A : memref<!tpu.dma_semaphore, #tpu.memory_space<semaphore_mem>>)
        %dma_wait3A = arith.constant 0 : i32
        %dma_wait3A_32 = tpu.memref_slice %arg13[%mul3A_25, %dma_wait3A] : memref<10016x128xf32, #tpu.memory_space<vmem_shared>> -> memref<250x128xf32, #tpu.memory_space<vmem_shared>>
        %dma_wait3A_33 = arith.constant 0 : i32
        %dma_wait3A_34 = tpu.memref_slice %arg2[%mul3A_23, %dma_wait3A_33] : memref<10000x128xf32, #tpu.memory_space<hbm>> -> memref<250x128xf32, #tpu.memory_space<hbm>>
        tpu.wait_dma2 semaphore(%run_scoped3A : memref<!tpu.dma_semaphore, #tpu.memory_space<semaphore_mem>>) src(%dma_wait3A_34 : memref<250x128xf32, #tpu.memory_space<hbm>>) dst(%dma_wait3A_32 : memref<250x128xf32, #tpu.memory_space<vmem_shared>>)
        tpu.yield
      }) : () -> ()
      %mul3A_26 = arith.constant 376 : i32
      %mul3A_27 = arith.muli %arg1, %mul3A_26 : i32
      %add3A = arith.constant 4000 : i32
      %add3A_28 = arith.addi %add3A, %mul3A_27 : i32
      "tpu.region"() ({
        %run_scoped3A = tpu.sem_alloc : memref<!tpu.dma_semaphore, #tpu.memory_space<semaphore_mem>>
        %dma_start3A = arith.constant 0 : i32
        %dma_start3A_29 = tpu.memref_slice %arg13[%add3A_28, %dma_start3A] : memref<10016x128xf32, #tpu.memory_space<vmem_shared>> -> memref<376x128xf32, #tpu.memory_space<vmem_shared>>
        tpu.enqueue_dma source(%arg7 : memref<376x128xf32, #tpu.memory_space<hbm>>) target(%dma_start3A_29 : memref<376x128xf32, #tpu.memory_space<vmem_shared>>) target_semaphore(%run_scoped3A : memref<!tpu.dma_semaphore, #tpu.memory_space<semaphore_mem>>)
        %dma_wait3A = arith.constant 0 : i32
        %dma_wait3A_30 = tpu.memref_slice %arg13[%add3A_28, %dma_wait3A] : memref<10016x128xf32, #tpu.memory_space<vmem_shared>> -> memref<376x128xf32, #tpu.memory_space<vmem_shared>>
        tpu.wait_dma2 semaphore(%run_scoped3A : memref<!tpu.dma_semaphore, #tpu.memory_space<semaphore_mem>>) src(%arg7 : memref<376x128xf32, #tpu.memory_space<hbm>>) dst(%dma_wait3A_30 : memref<376x128xf32, #tpu.memory_space<vmem_shared>>)
        tpu.yield
      }) : () -> ()
    } else {
    }
    %eq3A_2 = arith.constant 1 : i32
    %eq3A_3 = arith.cmpi eq, %arg0, %eq3A_2 : i32
    %convert_element_type3A_4 = arith.extui %eq3A_3 : i1 to i32
    %cond3A_5 = arith.constant 0 : i32
    %cond3A_6 = arith.cmpi ne, %convert_element_type3A_4, %cond3A_5 : i32
    scf.if %cond3A_6 {
      %mul3A = arith.constant 375 : i32
      %mul3A_23 = arith.muli %arg1, %mul3A : i32
      %add3A = arith.constant 4000 : i32
      %add3A_24 = arith.addi %add3A, %mul3A_23 : i32
      %mul3A_25 = arith.constant 375 : i32
      %mul3A_26 = arith.muli %arg1, %mul3A_25 : i32
      %add3A_27 = arith.constant 4000 : i32
      %add3A_28 = arith.addi %add3A_27, %mul3A_26 : i32
      "tpu.region"() ({
        %run_scoped3A = tpu.sem_alloc : memref<!tpu.dma_semaphore, #tpu.memory_space<semaphore_mem>>
        %dma_start3A = arith.constant 0 : i32
        %dma_start3A_31 = tpu.memref_slice %arg13[%add3A_28, %dma_start3A] : memref<10016x128xf32, #tpu.memory_space<vmem_shared>> -> memref<375x128xf32, #tpu.memory_space<vmem_shared>>
        %dma_start3A_32 = arith.constant 0 : i32
        %dma_start3A_33 = tpu.memref_slice %arg2[%add3A_24, %dma_start3A_32] : memref<10000x128xf32, #tpu.memory_space<hbm>> -> memref<375x128xf32, #tpu.memory_space<hbm>>
        tpu.enqueue_dma source(%dma_start3A_33 : memref<375x128xf32, #tpu.memory_space<hbm>>) target(%dma_start3A_31 : memref<375x128xf32, #tpu.memory_space<vmem_shared>>) target_semaphore(%run_scoped3A : memref<!tpu.dma_semaphore, #tpu.memory_space<semaphore_mem>>)
        %dma_wait3A = arith.constant 0 : i32
        %dma_wait3A_34 = tpu.memref_slice %arg13[%add3A_28, %dma_wait3A] : memref<10016x128xf32, #tpu.memory_space<vmem_shared>> -> memref<375x128xf32, #tpu.memory_space<vmem_shared>>
        %dma_wait3A_35 = arith.constant 0 : i32
        %dma_wait3A_36 = tpu.memref_slice %arg2[%add3A_24, %dma_wait3A_35] : memref<10000x128xf32, #tpu.memory_space<hbm>> -> memref<375x128xf32, #tpu.memory_space<hbm>>
        tpu.wait_dma2 semaphore(%run_scoped3A : memref<!tpu.dma_semaphore, #tpu.memory_space<semaphore_mem>>) src(%dma_wait3A_36 : memref<375x128xf32, #tpu.memory_space<hbm>>) dst(%dma_wait3A_34 : memref<375x128xf32, #tpu.memory_space<vmem_shared>>)
        tpu.yield
      }) : () -> ()
      %mul3A_29 = arith.constant 250 : i32
      %mul3A_30 = arith.muli %arg1, %mul3A_29 : i32
      "tpu.region"() ({
        %run_scoped3A = tpu.sem_alloc : memref<!tpu.dma_semaphore, #tpu.memory_space<semaphore_mem>>
        %dma_start3A = arith.constant 0 : i32
        %dma_start3A_31 = tpu.memref_slice %arg13[%mul3A_30, %dma_start3A] : memref<10016x128xf32, #tpu.memory_space<vmem_shared>> -> memref<250x128xf32, #tpu.memory_space<vmem_shared>>
        %dma_start3A_32 = arith.constant 0 : i32
        %dma_start3A_33 = arith.constant 0 : i32
        %dma_start3A_34 = tpu.memref_slice %arg7[%dma_start3A_32, %dma_start3A_33] : memref<376x128xf32, #tpu.memory_space<hbm>> -> memref<250x128xf32, #tpu.memory_space<hbm>>
        tpu.enqueue_dma source(%dma_start3A_34 : memref<250x128xf32, #tpu.memory_space<hbm>>) target(%dma_start3A_31 : memref<250x128xf32, #tpu.memory_space<vmem_shared>>) target_semaphore(%run_scoped3A : memref<!tpu.dma_semaphore, #tpu.memory_space<semaphore_mem>>)
        %dma_wait3A = arith.constant 0 : i32
        %dma_wait3A_35 = tpu.memref_slice %arg13[%mul3A_30, %dma_wait3A] : memref<10016x128xf32, #tpu.memory_space<vmem_shared>> -> memref<250x128xf32, #tpu.memory_space<vmem_shared>>
        %dma_wait3A_36 = arith.constant 0 : i32
        %dma_wait3A_37 = arith.constant 0 : i32
        %dma_wait3A_38 = tpu.memref_slice %arg7[%dma_wait3A_36, %dma_wait3A_37] : memref<376x128xf32, #tpu.memory_space<hbm>> -> memref<250x128xf32, #tpu.memory_space<hbm>>
        tpu.wait_dma2 semaphore(%run_scoped3A : memref<!tpu.dma_semaphore, #tpu.memory_space<semaphore_mem>>) src(%dma_wait3A_38 : memref<250x128xf32, #tpu.memory_space<hbm>>) dst(%dma_wait3A_35 : memref<250x128xf32, #tpu.memory_space<vmem_shared>>)
        tpu.yield
      }) : () -> ()
    } else {
    }
    %barrier3A = arith.constant 0 : index
    tpu.barrier barrier_id(%barrier3A)
    %scan3A = arith.constant 0 : i32
    %scan3A_7 = arith.constant 0 : i32
    %scan3A_8 = arith.constant 2 : i32
    %scan3A_9 = arith.addi %scan3A_7, %scan3A_8 : i32
    %scan3A_10 = arith.constant 1 : i32
    scf.for %scan3A_23 = %scan3A_7 to %scan3A_9 step %scan3A_10  : i32 {
      %mul3A = arith.constant 80 : i32
      %mul3A_24 = arith.muli %arg1, %mul3A : i32
      %mul3A_25 = arith.constant 40 : i32
      %mul3A_26 = arith.muli %scan3A_23, %mul3A_25 : i32
      %add3A = arith.addi %mul3A_24, %mul3A_26 : i32
      %eq3A_27 = arith.constant 0 : i32
      %eq3A_28 = arith.cmpi eq, %arg0, %eq3A_27 : i32
      %convert_element_type3A_29 = arith.extui %eq3A_28 : i1 to i32
      %cond3A_30 = arith.constant 0 : i32
      %cond3A_31 = arith.cmpi ne, %convert_element_type3A_29, %cond3A_30 : i32
      scf.if %cond3A_31 {
        "tpu.region"() ({
          %run_scoped3A = tpu.sem_alloc : memref<!tpu.dma_semaphore, #tpu.memory_space<semaphore_mem>>
          %dma_start3A_55 = arith.constant 0 : i32
          %dma_start3A_56 = tpu.memref_slice %arg3[%add3A, %dma_start3A_55] : memref<1280x128xi32, #tpu.memory_space<hbm>> -> memref<40x128xi32, #tpu.memory_space<hbm>>
          %dma_start3A_57 = arith.constant 0 : i32
          %dma_start3A_58 = tpu.memref_slice %arg3[%add3A, %dma_start3A_57] : memref<1280x128xi32, #tpu.memory_space<hbm>> -> memref<40x128xi32, #tpu.memory_space<hbm>>
          tpu.enqueue_dma source(%dma_start3A_58 : memref<40x128xi32, #tpu.memory_space<hbm>>) target(%arg9 : memref<40x128xi32, #tpu.memory_space<vmem>>) target_semaphore(%run_scoped3A : memref<!tpu.dma_semaphore, #tpu.memory_space<semaphore_mem>>)
          %dma_wait3A_59 = arith.constant 0 : i32
          %dma_wait3A_60 = tpu.memref_slice %arg3[%add3A, %dma_wait3A_59] : memref<1280x128xi32, #tpu.memory_space<hbm>> -> memref<40x128xi32, #tpu.memory_space<hbm>>
          %dma_wait3A_61 = arith.constant 0 : i32
          %dma_wait3A_62 = tpu.memref_slice %arg3[%add3A, %dma_wait3A_61] : memref<1280x128xi32, #tpu.memory_space<hbm>> -> memref<40x128xi32, #tpu.memory_space<hbm>>
          tpu.wait_dma2 semaphore(%run_scoped3A : memref<!tpu.dma_semaphore, #tpu.memory_space<semaphore_mem>>) src(%dma_wait3A_62 : memref<40x128xi32, #tpu.memory_space<hbm>>) dst(%arg9 : memref<40x128xi32, #tpu.memory_space<vmem>>)
          tpu.yield
        }) : () -> ()
        "tpu.region"() ({
          %run_scoped3A = tpu.sem_alloc : memref<!tpu.dma_semaphore, #tpu.memory_space<semaphore_mem>>
          %dma_start3A_55 = arith.constant 0 : i32
          %dma_start3A_56 = tpu.memref_slice %arg5[%add3A, %dma_start3A_55] : memref<1280x128xi32, #tpu.memory_space<hbm>> -> memref<40x128xi32, #tpu.memory_space<hbm>>
          %dma_start3A_57 = arith.constant 0 : i32
          %dma_start3A_58 = tpu.memref_slice %arg5[%add3A, %dma_start3A_57] : memref<1280x128xi32, #tpu.memory_space<hbm>> -> memref<40x128xi32, #tpu.memory_space<hbm>>
          tpu.enqueue_dma source(%dma_start3A_58 : memref<40x128xi32, #tpu.memory_space<hbm>>) target(%arg10 : memref<40x128xi32, #tpu.memory_space<vmem>>) target_semaphore(%run_scoped3A : memref<!tpu.dma_semaphore, #tpu.memory_space<semaphore_mem>>)
          %dma_wait3A_59 = arith.constant 0 : i32
          %dma_wait3A_60 = tpu.memref_slice %arg5[%add3A, %dma_wait3A_59] : memref<1280x128xi32, #tpu.memory_space<hbm>> -> memref<40x128xi32, #tpu.memory_space<hbm>>
          %dma_wait3A_61 = arith.constant 0 : i32
          %dma_wait3A_62 = tpu.memref_slice %arg5[%add3A, %dma_wait3A_61] : memref<1280x128xi32, #tpu.memory_space<hbm>> -> memref<40x128xi32, #tpu.memory_space<hbm>>
          tpu.wait_dma2 semaphore(%run_scoped3A : memref<!tpu.dma_semaphore, #tpu.memory_space<semaphore_mem>>) src(%dma_wait3A_62 : memref<40x128xi32, #tpu.memory_space<hbm>>) dst(%arg10 : memref<40x128xi32, #tpu.memory_space<vmem>>)
          tpu.yield
        }) : () -> ()
      } else {
      }
      %eq3A_32 = arith.constant 1 : i32
      %eq3A_33 = arith.cmpi eq, %arg0, %eq3A_32 : i32
      %convert_element_type3A_34 = arith.extui %eq3A_33 : i1 to i32
      %cond3A_35 = arith.constant 0 : i32
      %cond3A_36 = arith.cmpi ne, %convert_element_type3A_34, %cond3A_35 : i32
      scf.if %cond3A_36 {
        "tpu.region"() ({
          %run_scoped3A = tpu.sem_alloc : memref<!tpu.dma_semaphore, #tpu.memory_space<semaphore_mem>>
          %dma_start3A_55 = arith.constant 0 : i32
          %dma_start3A_56 = tpu.memref_slice %arg4[%add3A, %dma_start3A_55] : memref<1280x128xi32, #tpu.memory_space<hbm>> -> memref<40x128xi32, #tpu.memory_space<hbm>>
          %dma_start3A_57 = arith.constant 0 : i32
          %dma_start3A_58 = tpu.memref_slice %arg4[%add3A, %dma_start3A_57] : memref<1280x128xi32, #tpu.memory_space<hbm>> -> memref<40x128xi32, #tpu.memory_space<hbm>>
          tpu.enqueue_dma source(%dma_start3A_58 : memref<40x128xi32, #tpu.memory_space<hbm>>) target(%arg9 : memref<40x128xi32, #tpu.memory_space<vmem>>) target_semaphore(%run_scoped3A : memref<!tpu.dma_semaphore, #tpu.memory_space<semaphore_mem>>)
          %dma_wait3A_59 = arith.constant 0 : i32
          %dma_wait3A_60 = tpu.memref_slice %arg4[%add3A, %dma_wait3A_59] : memref<1280x128xi32, #tpu.memory_space<hbm>> -> memref<40x128xi32, #tpu.memory_space<hbm>>
          %dma_wait3A_61 = arith.constant 0 : i32
          %dma_wait3A_62 = tpu.memref_slice %arg4[%add3A, %dma_wait3A_61] : memref<1280x128xi32, #tpu.memory_space<hbm>> -> memref<40x128xi32, #tpu.memory_space<hbm>>
          tpu.wait_dma2 semaphore(%run_scoped3A : memref<!tpu.dma_semaphore, #tpu.memory_space<semaphore_mem>>) src(%dma_wait3A_62 : memref<40x128xi32, #tpu.memory_space<hbm>>) dst(%arg9 : memref<40x128xi32, #tpu.memory_space<vmem>>)
          tpu.yield
        }) : () -> ()
        "tpu.region"() ({
          %run_scoped3A = tpu.sem_alloc : memref<!tpu.dma_semaphore, #tpu.memory_space<semaphore_mem>>
          %dma_start3A_55 = arith.constant 0 : i32
          %dma_start3A_56 = tpu.memref_slice %arg6[%add3A, %dma_start3A_55] : memref<1280x128xi32, #tpu.memory_space<hbm>> -> memref<40x128xi32, #tpu.memory_space<hbm>>
          %dma_start3A_57 = arith.constant 0 : i32
          %dma_start3A_58 = tpu.memref_slice %arg6[%add3A, %dma_start3A_57] : memref<1280x128xi32, #tpu.memory_space<hbm>> -> memref<40x128xi32, #tpu.memory_space<hbm>>
          tpu.enqueue_dma source(%dma_start3A_58 : memref<40x128xi32, #tpu.memory_space<hbm>>) target(%arg10 : memref<40x128xi32, #tpu.memory_space<vmem>>) target_semaphore(%run_scoped3A : memref<!tpu.dma_semaphore, #tpu.memory_space<semaphore_mem>>)
          %dma_wait3A_59 = arith.constant 0 : i32
          %dma_wait3A_60 = tpu.memref_slice %arg6[%add3A, %dma_wait3A_59] : memref<1280x128xi32, #tpu.memory_space<hbm>> -> memref<40x128xi32, #tpu.memory_space<hbm>>
          %dma_wait3A_61 = arith.constant 0 : i32
          %dma_wait3A_62 = tpu.memref_slice %arg6[%add3A, %dma_wait3A_61] : memref<1280x128xi32, #tpu.memory_space<hbm>> -> memref<40x128xi32, #tpu.memory_space<hbm>>
          tpu.wait_dma2 semaphore(%run_scoped3A : memref<!tpu.dma_semaphore, #tpu.memory_space<semaphore_mem>>) src(%dma_wait3A_62 : memref<40x128xi32, #tpu.memory_space<hbm>>) dst(%arg10 : memref<40x128xi32, #tpu.memory_space<vmem>>)
          tpu.yield
        }) : () -> ()
      } else {
      }
      %dma_start3A = arith.constant 0 : i32
      %dma_start3A_37 = arith.constant 0 : i32
      %dma_start3A_38 = tpu.memref_slice %arg9[%dma_start3A, %dma_start3A_37] : memref<40x128xi32, #tpu.memory_space<vmem>> -> memref<1x128xi32, #tpu.memory_space<vmem>>
      %dma_start3A_39 = tpu.memref_squeeze %dma_start3A_38 : memref<1x128xi32, #tpu.memory_space<vmem>> -> memref<128xi32, #tpu.memory_space<vmem>>
      %dma_start3A_40 = arith.constant 0 : i32
      %dma_start3A_41 = arith.constant 0 : i32
      %dma_start3A_42 = tpu.memref_slice %arg13[%dma_start3A_40, %dma_start3A_41] : memref<10016x128xf32, #tpu.memory_space<vmem_shared>> -> memref<10016x128xf32, #tpu.memory_space<vmem_shared>>
      tpu.enqueue_indirect_dma source(%dma_start3A_42 : memref<10016x128xf32, #tpu.memory_space<vmem_shared>>) target(%arg11 : memref<128x128xf32, #tpu.memory_space<vmem>>) offsets(%dma_start3A_39 : memref<128xi32, #tpu.memory_space<vmem>>) semaphore(%arg14 : memref<!tpu.dma_semaphore, #tpu.memory_space<semaphore_mem>>)
      %scan3A_43 = arith.constant 0 : i32
      %scan3A_44 = arith.constant 0 : i32
      %scan3A_45 = arith.constant 20 : i32
      %scan3A_46 = arith.addi %scan3A_44, %scan3A_45 : i32
      %scan3A_47 = arith.constant 1 : i32
      scf.for %scan3A_55 = %scan3A_44 to %scan3A_46 step %scan3A_47  : i32 {
        %mul3A_56 = arith.constant 2 : i32
        %mul3A_57 = arith.muli %mul3A_56, %scan3A_55 : i32
        %gt3A = arith.constant 0 : i32
        %gt3A_58 = arith.cmpi sgt, %scan3A_55, %gt3A : i32
        %convert_element_type3A_59 = arith.extui %gt3A_58 : i1 to i32
        %cond3A_60 = arith.constant 0 : i32
        %cond3A_61 = arith.cmpi ne, %convert_element_type3A_59, %cond3A_60 : i32
        scf.if %cond3A_61 {
          %dma_wait3A_119 = arith.constant 0 : i32
          %dma_wait3A_120 = arith.constant 0 : i32
          %dma_wait3A_121 = tpu.memref_slice %arg10[%dma_wait3A_119, %dma_wait3A_120] : memref<40x128xi32, #tpu.memory_space<vmem>> -> memref<1x128xi32, #tpu.memory_space<vmem>>
          %dma_wait3A_122 = tpu.memref_squeeze %dma_wait3A_121 : memref<1x128xi32, #tpu.memory_space<vmem>> -> memref<128xi32, #tpu.memory_space<vmem>>
          %dma_wait3A_123 = arith.constant 0 : i32
          %dma_wait3A_124 = arith.constant 0 : i32
          %dma_wait3A_125 = tpu.memref_slice %arg13[%dma_wait3A_123, %dma_wait3A_124] : memref<10016x128xf32, #tpu.memory_space<vmem_shared>> -> memref<10016x128xf32, #tpu.memory_space<vmem_shared>>
          tpu.wait_indirect_dma semaphore(%arg17 : memref<!tpu.dma_semaphore, #tpu.memory_space<semaphore_mem>>) src(%arg12 : memref<128x128xf32, #tpu.memory_space<vmem>>) dst(%dma_wait3A_125 : memref<10016x128xf32, #tpu.memory_space<vmem_shared>>)
        } else {
        }
        %add3A_62 = arith.constant 1 : i32
        %add3A_63 = arith.addi %mul3A_57, %add3A_62 : i32
        %add3A_64 = arith.constant 0 : i32
        %add3A_65 = arith.addi %add3A_63, %add3A_64 : i32
        %dma_start3A_66 = arith.constant 0 : i32
        %dma_start3A_67 = tpu.memref_slice %arg9[%add3A_65, %dma_start3A_66] : memref<40x128xi32, #tpu.memory_space<vmem>> -> memref<1x128xi32, #tpu.memory_space<vmem>>
        %dma_start3A_68 = tpu.memref_squeeze %dma_start3A_67 : memref<1x128xi32, #tpu.memory_space<vmem>> -> memref<128xi32, #tpu.memory_space<vmem>>
        %dma_start3A_69 = arith.constant 0 : i32
        %dma_start3A_70 = arith.constant 0 : i32
        %dma_start3A_71 = tpu.memref_slice %arg13[%dma_start3A_69, %dma_start3A_70] : memref<10016x128xf32, #tpu.memory_space<vmem_shared>> -> memref<10016x128xf32, #tpu.memory_space<vmem_shared>>
        tpu.enqueue_indirect_dma source(%dma_start3A_71 : memref<10016x128xf32, #tpu.memory_space<vmem_shared>>) target(%arg12 : memref<128x128xf32, #tpu.memory_space<vmem>>) offsets(%dma_start3A_68 : memref<128xi32, #tpu.memory_space<vmem>>) semaphore(%arg15 : memref<!tpu.dma_semaphore, #tpu.memory_space<semaphore_mem>>)
        %dma_wait3A_72 = arith.constant 0 : i32
        %dma_wait3A_73 = arith.constant 0 : i32
        %dma_wait3A_74 = tpu.memref_slice %arg9[%dma_wait3A_72, %dma_wait3A_73] : memref<40x128xi32, #tpu.memory_space<vmem>> -> memref<1x128xi32, #tpu.memory_space<vmem>>
        %dma_wait3A_75 = tpu.memref_squeeze %dma_wait3A_74 : memref<1x128xi32, #tpu.memory_space<vmem>> -> memref<128xi32, #tpu.memory_space<vmem>>
        %dma_wait3A_76 = arith.constant 0 : i32
        %dma_wait3A_77 = arith.constant 0 : i32
        %dma_wait3A_78 = tpu.memref_slice %arg13[%dma_wait3A_76, %dma_wait3A_77] : memref<10016x128xf32, #tpu.memory_space<vmem_shared>> -> memref<10016x128xf32, #tpu.memory_space<vmem_shared>>
        tpu.wait_indirect_dma semaphore(%arg14 : memref<!tpu.dma_semaphore, #tpu.memory_space<semaphore_mem>>) src(%dma_wait3A_78 : memref<10016x128xf32, #tpu.memory_space<vmem_shared>>) dst(%arg11 : memref<128x128xf32, #tpu.memory_space<vmem>>)
        %add3A_79 = arith.constant 0 : i32
        %add3A_80 = arith.addi %mul3A_57, %add3A_79 : i32
        %dma_start3A_81 = arith.constant 0 : i32
        %dma_start3A_82 = tpu.memref_slice %arg10[%add3A_80, %dma_start3A_81] : memref<40x128xi32, #tpu.memory_space<vmem>> -> memref<1x128xi32, #tpu.memory_space<vmem>>
        %dma_start3A_83 = tpu.memref_squeeze %dma_start3A_82 : memref<1x128xi32, #tpu.memory_space<vmem>> -> memref<128xi32, #tpu.memory_space<vmem>>
        %dma_start3A_84 = arith.constant 0 : i32
        %dma_start3A_85 = arith.constant 0 : i32
        %dma_start3A_86 = tpu.memref_slice %arg13[%dma_start3A_84, %dma_start3A_85] : memref<10016x128xf32, #tpu.memory_space<vmem_shared>> -> memref<10016x128xf32, #tpu.memory_space<vmem_shared>>
        tpu.enqueue_indirect_dma source(%arg11 : memref<128x128xf32, #tpu.memory_space<vmem>>) target(%dma_start3A_86 : memref<10016x128xf32, #tpu.memory_space<vmem_shared>>) offsets(%dma_start3A_83 : memref<128xi32, #tpu.memory_space<vmem>>) semaphore(%arg16 : memref<!tpu.dma_semaphore, #tpu.memory_space<semaphore_mem>>) {add = true}
        %dma_wait3A_87 = arith.constant 0 : i32
        %dma_wait3A_88 = arith.constant 0 : i32
        %dma_wait3A_89 = tpu.memref_slice %arg10[%dma_wait3A_87, %dma_wait3A_88] : memref<40x128xi32, #tpu.memory_space<vmem>> -> memref<1x128xi32, #tpu.memory_space<vmem>>
        %dma_wait3A_90 = tpu.memref_squeeze %dma_wait3A_89 : memref<1x128xi32, #tpu.memory_space<vmem>> -> memref<128xi32, #tpu.memory_space<vmem>>
        %dma_wait3A_91 = arith.constant 0 : i32
        %dma_wait3A_92 = arith.constant 0 : i32
        %dma_wait3A_93 = tpu.memref_slice %arg13[%dma_wait3A_91, %dma_wait3A_92] : memref<10016x128xf32, #tpu.memory_space<vmem_shared>> -> memref<10016x128xf32, #tpu.memory_space<vmem_shared>>
        tpu.wait_indirect_dma semaphore(%arg16 : memref<!tpu.dma_semaphore, #tpu.memory_space<semaphore_mem>>) src(%arg11 : memref<128x128xf32, #tpu.memory_space<vmem>>) dst(%dma_wait3A_93 : memref<10016x128xf32, #tpu.memory_space<vmem_shared>>)
        %add3A_94 = arith.constant 2 : i32
        %add3A_95 = arith.addi %mul3A_57, %add3A_94 : i32
        %add3A_96 = arith.constant 0 : i32
        %add3A_97 = arith.addi %add3A_95, %add3A_96 : i32
        %lt3A = arith.constant 40 : i32
        %lt3A_98 = arith.cmpi slt, %add3A_97, %lt3A : i32
        %convert_element_type3A_99 = arith.extui %lt3A_98 : i1 to i32
        %cond3A_100 = arith.constant 0 : i32
        %cond3A_101 = arith.cmpi ne, %convert_element_type3A_99, %cond3A_100 : i32
        scf.if %cond3A_101 {
          %add3A_119 = arith.constant 2 : i32
          %add3A_120 = arith.addi %mul3A_57, %add3A_119 : i32
          %add3A_121 = arith.constant 0 : i32
          %add3A_122 = arith.addi %add3A_120, %add3A_121 : i32
          %dma_start3A_123 = arith.constant 0 : i32
          %dma_start3A_124 = tpu.memref_slice %arg9[%add3A_122, %dma_start3A_123] : memref<40x128xi32, #tpu.memory_space<vmem>> -> memref<1x128xi32, #tpu.memory_space<vmem>>
          %dma_start3A_125 = tpu.memref_squeeze %dma_start3A_124 : memref<1x128xi32, #tpu.memory_space<vmem>> -> memref<128xi32, #tpu.memory_space<vmem>>
          %dma_start3A_126 = arith.constant 0 : i32
          %dma_start3A_127 = arith.constant 0 : i32
          %dma_start3A_128 = tpu.memref_slice %arg13[%dma_start3A_126, %dma_start3A_127] : memref<10016x128xf32, #tpu.memory_space<vmem_shared>> -> memref<10016x128xf32, #tpu.memory_space<vmem_shared>>
          tpu.enqueue_indirect_dma source(%dma_start3A_128 : memref<10016x128xf32, #tpu.memory_space<vmem_shared>>) target(%arg11 : memref<128x128xf32, #tpu.memory_space<vmem>>) offsets(%dma_start3A_125 : memref<128xi32, #tpu.memory_space<vmem>>) semaphore(%arg14 : memref<!tpu.dma_semaphore, #tpu.memory_space<semaphore_mem>>)
        } else {
        }
        %dma_wait3A_102 = arith.constant 0 : i32
        %dma_wait3A_103 = arith.constant 0 : i32
        %dma_wait3A_104 = tpu.memref_slice %arg9[%dma_wait3A_102, %dma_wait3A_103] : memref<40x128xi32, #tpu.memory_space<vmem>> -> memref<1x128xi32, #tpu.memory_space<vmem>>
        %dma_wait3A_105 = tpu.memref_squeeze %dma_wait3A_104 : memref<1x128xi32, #tpu.memory_space<vmem>> -> memref<128xi32, #tpu.memory_space<vmem>>
        %dma_wait3A_106 = arith.constant 0 : i32
        %dma_wait3A_107 = arith.constant 0 : i32
        %dma_wait3A_108 = tpu.memref_slice %arg13[%dma_wait3A_106, %dma_wait3A_107] : memref<10016x128xf32, #tpu.memory_space<vmem_shared>> -> memref<10016x128xf32, #tpu.memory_space<vmem_shared>>
        tpu.wait_indirect_dma semaphore(%arg15 : memref<!tpu.dma_semaphore, #tpu.memory_space<semaphore_mem>>) src(%dma_wait3A_108 : memref<10016x128xf32, #tpu.memory_space<vmem_shared>>) dst(%arg12 : memref<128x128xf32, #tpu.memory_space<vmem>>)
        %add3A_109 = arith.constant 1 : i32
        %add3A_110 = arith.addi %mul3A_57, %add3A_109 : i32
        %add3A_111 = arith.constant 0 : i32
        %add3A_112 = arith.addi %add3A_110, %add3A_111 : i32
        %dma_start3A_113 = arith.constant 0 : i32
        %dma_start3A_114 = tpu.memref_slice %arg10[%add3A_112, %dma_start3A_113] : memref<40x128xi32, #tpu.memory_space<vmem>> -> memref<1x128xi32, #tpu.memory_space<vmem>>
        %dma_start3A_115 = tpu.memref_squeeze %dma_start3A_114 : memref<1x128xi32, #tpu.memory_space<vmem>> -> memref<128xi32, #tpu.memory_space<vmem>>
        %dma_start3A_116 = arith.constant 0 : i32
        %dma_start3A_117 = arith.constant 0 : i32
        %dma_start3A_118 = tpu.memref_slice %arg13[%dma_start3A_116, %dma_start3A_117] : memref<10016x128xf32, #tpu.memory_space<vmem_shared>> -> memref<10016x128xf32, #tpu.memory_space<vmem_shared>>
        tpu.enqueue_indirect_dma source(%arg12 : memref<128x128xf32, #tpu.memory_space<vmem>>) target(%dma_start3A_118 : memref<10016x128xf32, #tpu.memory_space<vmem_shared>>) offsets(%dma_start3A_115 : memref<128xi32, #tpu.memory_space<vmem>>) semaphore(%arg17 : memref<!tpu.dma_semaphore, #tpu.memory_space<semaphore_mem>>) {add = true}
      }
      %scan3A_48 = arith.constant 20 : i32
      %dma_wait3A = arith.constant 0 : i32
      %dma_wait3A_49 = arith.constant 0 : i32
      %dma_wait3A_50 = tpu.memref_slice %arg10[%dma_wait3A, %dma_wait3A_49] : memref<40x128xi32, #tpu.memory_space<vmem>> -> memref<1x128xi32, #tpu.memory_space<vmem>>
      %dma_wait3A_51 = tpu.memref_squeeze %dma_wait3A_50 : memref<1x128xi32, #tpu.memory_space<vmem>> -> memref<128xi32, #tpu.memory_space<vmem>>
      %dma_wait3A_52 = arith.constant 0 : i32
      %dma_wait3A_53 = arith.constant 0 : i32
      %dma_wait3A_54 = tpu.memref_slice %arg13[%dma_wait3A_52, %dma_wait3A_53] : memref<10016x128xf32, #tpu.memory_space<vmem_shared>> -> memref<10016x128xf32, #tpu.memory_space<vmem_shared>>
      tpu.wait_indirect_dma semaphore(%arg17 : memref<!tpu.dma_semaphore, #tpu.memory_space<semaphore_mem>>) src(%arg12 : memref<128x128xf32, #tpu.memory_space<vmem>>) dst(%dma_wait3A_54 : memref<10016x128xf32, #tpu.memory_space<vmem_shared>>)
    }
    %scan3A_11 = arith.constant 2 : i32
    %barrier3A_12 = arith.constant 0 : index
    tpu.barrier barrier_id(%barrier3A_12)
    %eq3A_13 = arith.constant 0 : i32
    %eq3A_14 = arith.cmpi eq, %arg0, %eq3A_13 : i32
    %convert_element_type3A_15 = arith.extui %eq3A_14 : i1 to i32
    %cond3A_16 = arith.constant 0 : i32
    %cond3A_17 = arith.cmpi ne, %convert_element_type3A_15, %cond3A_16 : i32
    scf.if %cond3A_17 {
      %mul3A = arith.constant 375 : i32
      %mul3A_23 = arith.muli %arg1, %mul3A : i32
      %add3A = arith.constant 4000 : i32
      %add3A_24 = arith.addi %add3A, %mul3A_23 : i32
      %mul3A_25 = arith.constant 375 : i32
      %mul3A_26 = arith.muli %arg1, %mul3A_25 : i32
      %add3A_27 = arith.constant 4000 : i32
      %add3A_28 = arith.addi %add3A_27, %mul3A_26 : i32
      "tpu.region"() ({
        %run_scoped3A = tpu.sem_alloc : memref<!tpu.dma_semaphore, #tpu.memory_space<semaphore_mem>>
        %dma_start3A = arith.constant 0 : i32
        %dma_start3A_29 = tpu.memref_slice %arg8[%add3A_28, %dma_start3A] : memref<10000x128xf32, #tpu.memory_space<hbm>> -> memref<375x128xf32, #tpu.memory_space<hbm>>
        %dma_start3A_30 = arith.constant 0 : i32
        %dma_start3A_31 = tpu.memref_slice %arg13[%add3A_24, %dma_start3A_30] : memref<10016x128xf32, #tpu.memory_space<vmem_shared>> -> memref<375x128xf32, #tpu.memory_space<vmem_shared>>
        tpu.enqueue_dma source(%dma_start3A_31 : memref<375x128xf32, #tpu.memory_space<vmem_shared>>) target(%dma_start3A_29 : memref<375x128xf32, #tpu.memory_space<hbm>>) target_semaphore(%run_scoped3A : memref<!tpu.dma_semaphore, #tpu.memory_space<semaphore_mem>>)
        %dma_wait3A = arith.constant 0 : i32
        %dma_wait3A_32 = tpu.memref_slice %arg8[%add3A_28, %dma_wait3A] : memref<10000x128xf32, #tpu.memory_space<hbm>> -> memref<375x128xf32, #tpu.memory_space<hbm>>
        %dma_wait3A_33 = arith.constant 0 : i32
        %dma_wait3A_34 = tpu.memref_slice %arg13[%add3A_24, %dma_wait3A_33] : memref<10016x128xf32, #tpu.memory_space<vmem_shared>> -> memref<375x128xf32, #tpu.memory_space<vmem_shared>>
        tpu.wait_dma2 semaphore(%run_scoped3A : memref<!tpu.dma_semaphore, #tpu.memory_space<semaphore_mem>>) src(%dma_wait3A_34 : memref<375x128xf32, #tpu.memory_space<vmem_shared>>) dst(%dma_wait3A_32 : memref<375x128xf32, #tpu.memory_space<hbm>>)
        tpu.yield
      }) : () -> ()
    } else {
    }
    %eq3A_18 = arith.constant 1 : i32
    %eq3A_19 = arith.cmpi eq, %arg0, %eq3A_18 : i32
    %convert_element_type3A_20 = arith.extui %eq3A_19 : i1 to i32
    %cond3A_21 = arith.constant 0 : i32
    %cond3A_22 = arith.cmpi ne, %convert_element_type3A_20, %cond3A_21 : i32
    scf.if %cond3A_22 {
      %mul3A = arith.constant 250 : i32
      %mul3A_23 = arith.muli %arg1, %mul3A : i32
      %mul3A_24 = arith.constant 250 : i32
      %mul3A_25 = arith.muli %arg1, %mul3A_24 : i32
      "tpu.region"() ({
        %run_scoped3A = tpu.sem_alloc : memref<!tpu.dma_semaphore, #tpu.memory_space<semaphore_mem>>
        %dma_start3A = arith.constant 0 : i32
        %dma_start3A_26 = tpu.memref_slice %arg8[%mul3A_25, %dma_start3A] : memref<10000x128xf32, #tpu.memory_space<hbm>> -> memref<250x128xf32, #tpu.memory_space<hbm>>
        %dma_start3A_27 = arith.constant 0 : i32
        %dma_start3A_28 = tpu.memref_slice %arg13[%mul3A_23, %dma_start3A_27] : memref<10016x128xf32, #tpu.memory_space<vmem_shared>> -> memref<250x128xf32, #tpu.memory_space<vmem_shared>>
        tpu.enqueue_dma source(%dma_start3A_28 : memref<250x128xf32, #tpu.memory_space<vmem_shared>>) target(%dma_start3A_26 : memref<250x128xf32, #tpu.memory_space<hbm>>) target_semaphore(%run_scoped3A : memref<!tpu.dma_semaphore, #tpu.memory_space<semaphore_mem>>)
        %dma_wait3A = arith.constant 0 : i32
        %dma_wait3A_29 = tpu.memref_slice %arg8[%mul3A_25, %dma_wait3A] : memref<10000x128xf32, #tpu.memory_space<hbm>> -> memref<250x128xf32, #tpu.memory_space<hbm>>
        %dma_wait3A_30 = arith.constant 0 : i32
        %dma_wait3A_31 = tpu.memref_slice %arg13[%mul3A_23, %dma_wait3A_30] : memref<10016x128xf32, #tpu.memory_space<vmem_shared>> -> memref<250x128xf32, #tpu.memory_space<vmem_shared>>
        tpu.wait_dma2 semaphore(%run_scoped3A : memref<!tpu.dma_semaphore, #tpu.memory_space<semaphore_mem>>) src(%dma_wait3A_31 : memref<250x128xf32, #tpu.memory_space<vmem_shared>>) dst(%dma_wait3A_29 : memref<250x128xf32, #tpu.memory_space<hbm>>)
        tpu.yield
      }) : () -> ()
    } else {
    }
    return
  }
}

#map = affine_map<(d0, d1) -> (0, 0)>
module attributes {stable_mosaic.version = 14 : i64} {
  func.func @gath(%arg0: i32, %arg1: i32, %arg2: memref<10000x128xf32, #tpu.memory_space<hbm>>, %arg3: memref<10000x128xf32, #tpu.memory_space<hbm>>, %arg4: memref<10000x128xf32, #tpu.memory_space<hbm>>, %arg5: memref<10000x128xf32, #tpu.memory_space<hbm>>, %arg6: memref<32x96xi32, #tpu.memory_space<hbm>>, %arg7: memref<3072x512xf32, #tpu.memory_space<hbm>>, %arg8: memref<96xi32, #tpu.memory_space<vmem>>, %arg9: memref<96x128xf32, #tpu.memory_space<vmem>>, %arg10: memref<!tpu.dma_semaphore, #tpu.memory_space<semaphore_mem>>) attributes {dimension_semantics = [#tpu.dimension_semantics<core_parallel>, #tpu.dimension_semantics<subcore_parallel>], iteration_bounds = array<i64: 2, 16>, scalar_prefetch = 0 : i64, scratch_operands = 3 : i64, tpu.core_type = #tpu.core_type<sc_vector_subcore>, window_params = [{transform_indices = #map}, {transform_indices = #map}, {transform_indices = #map}, {transform_indices = #map}, {transform_indices = #map}, {transform_indices = #map}]} {
    %mul3A = arith.constant 16 : i32
    %mul3A_0 = arith.muli %arg0, %mul3A : i32
    %add3A = arith.addi %mul3A_0, %arg1 : i32
    "tpu.region"() ({
      %run_scoped3A = tpu.sem_alloc : memref<!tpu.dma_semaphore, #tpu.memory_space<semaphore_mem>>
      %dma_start3A_31 = arith.constant 0 : i32
      %dma_start3A_32 = tpu.memref_slice %arg6[%add3A, %dma_start3A_31] : memref<32x96xi32, #tpu.memory_space<hbm>> -> memref<1x96xi32, #tpu.memory_space<hbm>>
      %dma_start3A_33 = tpu.memref_squeeze %dma_start3A_32 : memref<1x96xi32, #tpu.memory_space<hbm>> -> memref<96xi32, #tpu.memory_space<hbm>>
      %dma_start3A_34 = arith.constant 0 : i32
      %dma_start3A_35 = tpu.memref_slice %arg6[%add3A, %dma_start3A_34] : memref<32x96xi32, #tpu.memory_space<hbm>> -> memref<1x96xi32, #tpu.memory_space<hbm>>
      %dma_start3A_36 = tpu.memref_squeeze %dma_start3A_35 : memref<1x96xi32, #tpu.memory_space<hbm>> -> memref<96xi32, #tpu.memory_space<hbm>>
      tpu.enqueue_dma source(%dma_start3A_36 : memref<96xi32, #tpu.memory_space<hbm>>) target(%arg8 : memref<96xi32, #tpu.memory_space<vmem>>) target_semaphore(%run_scoped3A : memref<!tpu.dma_semaphore, #tpu.memory_space<semaphore_mem>>)
      %dma_wait3A_37 = arith.constant 0 : i32
      %dma_wait3A_38 = tpu.memref_slice %arg6[%add3A, %dma_wait3A_37] : memref<32x96xi32, #tpu.memory_space<hbm>> -> memref<1x96xi32, #tpu.memory_space<hbm>>
      %dma_wait3A_39 = tpu.memref_squeeze %dma_wait3A_38 : memref<1x96xi32, #tpu.memory_space<hbm>> -> memref<96xi32, #tpu.memory_space<hbm>>
      %dma_wait3A_40 = arith.constant 0 : i32
      %dma_wait3A_41 = tpu.memref_slice %arg6[%add3A, %dma_wait3A_40] : memref<32x96xi32, #tpu.memory_space<hbm>> -> memref<1x96xi32, #tpu.memory_space<hbm>>
      %dma_wait3A_42 = tpu.memref_squeeze %dma_wait3A_41 : memref<1x96xi32, #tpu.memory_space<hbm>> -> memref<96xi32, #tpu.memory_space<hbm>>
      tpu.wait_dma2 semaphore(%run_scoped3A : memref<!tpu.dma_semaphore, #tpu.memory_space<semaphore_mem>>) src(%dma_wait3A_42 : memref<96xi32, #tpu.memory_space<hbm>>) dst(%arg8 : memref<96xi32, #tpu.memory_space<vmem>>)
      tpu.yield
    }) : () -> ()
    %dma_start3A = arith.constant 0 : i32
    %dma_start3A_1 = arith.constant 0 : i32
    %dma_start3A_2 = tpu.memref_slice %arg2[%dma_start3A, %dma_start3A_1] : memref<10000x128xf32, #tpu.memory_space<hbm>> -> memref<10000x128xf32, #tpu.memory_space<hbm>>
    tpu.enqueue_indirect_dma source(%dma_start3A_2 : memref<10000x128xf32, #tpu.memory_space<hbm>>) target(%arg9 : memref<96x128xf32, #tpu.memory_space<vmem>>) offsets(%arg8 : memref<96xi32, #tpu.memory_space<vmem>>) semaphore(%arg10 : memref<!tpu.dma_semaphore, #tpu.memory_space<semaphore_mem>>)
    %dma_wait3A = arith.constant 0 : i32
    %dma_wait3A_3 = arith.constant 0 : i32
    %dma_wait3A_4 = tpu.memref_slice %arg2[%dma_wait3A, %dma_wait3A_3] : memref<10000x128xf32, #tpu.memory_space<hbm>> -> memref<10000x128xf32, #tpu.memory_space<hbm>>
    tpu.wait_indirect_dma semaphore(%arg10 : memref<!tpu.dma_semaphore, #tpu.memory_space<semaphore_mem>>) src(%dma_wait3A_4 : memref<10000x128xf32, #tpu.memory_space<hbm>>) dst(%arg9 : memref<96x128xf32, #tpu.memory_space<vmem>>)
    %mul3A_5 = arith.constant 96 : i32
    %mul3A_6 = arith.muli %add3A, %mul3A_5 : i32
    "tpu.region"() ({
      %run_scoped3A = tpu.sem_alloc : memref<!tpu.dma_semaphore, #tpu.memory_space<semaphore_mem>>
      %dma_start3A_31 = arith.constant 0 : i32
      %dma_start3A_32 = tpu.memref_slice %arg7[%mul3A_6, %dma_start3A_31] : memref<3072x512xf32, #tpu.memory_space<hbm>> -> memref<96x128xf32, #tpu.memory_space<hbm>>
      %dma_start3A_33 = arith.constant 0 : i32
      %dma_start3A_34 = tpu.memref_slice %arg7[%mul3A_6, %dma_start3A_33] : memref<3072x512xf32, #tpu.memory_space<hbm>> -> memref<96x128xf32, #tpu.memory_space<hbm>>
      tpu.enqueue_dma source(%arg9 : memref<96x128xf32, #tpu.memory_space<vmem>>) target(%dma_start3A_34 : memref<96x128xf32, #tpu.memory_space<hbm>>) target_semaphore(%run_scoped3A : memref<!tpu.dma_semaphore, #tpu.memory_space<semaphore_mem>>)
      %dma_wait3A_35 = arith.constant 0 : i32
      %dma_wait3A_36 = tpu.memref_slice %arg7[%mul3A_6, %dma_wait3A_35] : memref<3072x512xf32, #tpu.memory_space<hbm>> -> memref<96x128xf32, #tpu.memory_space<hbm>>
      %dma_wait3A_37 = arith.constant 0 : i32
      %dma_wait3A_38 = tpu.memref_slice %arg7[%mul3A_6, %dma_wait3A_37] : memref<3072x512xf32, #tpu.memory_space<hbm>> -> memref<96x128xf32, #tpu.memory_space<hbm>>
      tpu.wait_dma2 semaphore(%run_scoped3A : memref<!tpu.dma_semaphore, #tpu.memory_space<semaphore_mem>>) src(%arg9 : memref<96x128xf32, #tpu.memory_space<vmem>>) dst(%dma_wait3A_38 : memref<96x128xf32, #tpu.memory_space<hbm>>)
      tpu.yield
    }) : () -> ()
    %dma_start3A_7 = arith.constant 0 : i32
    %dma_start3A_8 = arith.constant 0 : i32
    %dma_start3A_9 = tpu.memref_slice %arg3[%dma_start3A_7, %dma_start3A_8] : memref<10000x128xf32, #tpu.memory_space<hbm>> -> memref<10000x128xf32, #tpu.memory_space<hbm>>
    tpu.enqueue_indirect_dma source(%dma_start3A_9 : memref<10000x128xf32, #tpu.memory_space<hbm>>) target(%arg9 : memref<96x128xf32, #tpu.memory_space<vmem>>) offsets(%arg8 : memref<96xi32, #tpu.memory_space<vmem>>) semaphore(%arg10 : memref<!tpu.dma_semaphore, #tpu.memory_space<semaphore_mem>>)
    %dma_wait3A_10 = arith.constant 0 : i32
    %dma_wait3A_11 = arith.constant 0 : i32
    %dma_wait3A_12 = tpu.memref_slice %arg3[%dma_wait3A_10, %dma_wait3A_11] : memref<10000x128xf32, #tpu.memory_space<hbm>> -> memref<10000x128xf32, #tpu.memory_space<hbm>>
    tpu.wait_indirect_dma semaphore(%arg10 : memref<!tpu.dma_semaphore, #tpu.memory_space<semaphore_mem>>) src(%dma_wait3A_12 : memref<10000x128xf32, #tpu.memory_space<hbm>>) dst(%arg9 : memref<96x128xf32, #tpu.memory_space<vmem>>)
    %mul3A_13 = arith.constant 96 : i32
    %mul3A_14 = arith.muli %add3A, %mul3A_13 : i32
    "tpu.region"() ({
      %run_scoped3A = tpu.sem_alloc : memref<!tpu.dma_semaphore, #tpu.memory_space<semaphore_mem>>
      %dma_start3A_31 = arith.constant 128 : i32
      %dma_start3A_32 = tpu.memref_slice %arg7[%mul3A_14, %dma_start3A_31] : memref<3072x512xf32, #tpu.memory_space<hbm>> -> memref<96x128xf32, #tpu.memory_space<hbm>>
      %dma_start3A_33 = arith.constant 128 : i32
      %dma_start3A_34 = tpu.memref_slice %arg7[%mul3A_14, %dma_start3A_33] : memref<3072x512xf32, #tpu.memory_space<hbm>> -> memref<96x128xf32, #tpu.memory_space<hbm>>
      tpu.enqueue_dma source(%arg9 : memref<96x128xf32, #tpu.memory_space<vmem>>) target(%dma_start3A_34 : memref<96x128xf32, #tpu.memory_space<hbm>>) target_semaphore(%run_scoped3A : memref<!tpu.dma_semaphore, #tpu.memory_space<semaphore_mem>>)
      %dma_wait3A_35 = arith.constant 128 : i32
      %dma_wait3A_36 = tpu.memref_slice %arg7[%mul3A_14, %dma_wait3A_35] : memref<3072x512xf32, #tpu.memory_space<hbm>> -> memref<96x128xf32, #tpu.memory_space<hbm>>
      %dma_wait3A_37 = arith.constant 128 : i32
      %dma_wait3A_38 = tpu.memref_slice %arg7[%mul3A_14, %dma_wait3A_37] : memref<3072x512xf32, #tpu.memory_space<hbm>> -> memref<96x128xf32, #tpu.memory_space<hbm>>
      tpu.wait_dma2 semaphore(%run_scoped3A : memref<!tpu.dma_semaphore, #tpu.memory_space<semaphore_mem>>) src(%arg9 : memref<96x128xf32, #tpu.memory_space<vmem>>) dst(%dma_wait3A_38 : memref<96x128xf32, #tpu.memory_space<hbm>>)
      tpu.yield
    }) : () -> ()
    %dma_start3A_15 = arith.constant 0 : i32
    %dma_start3A_16 = arith.constant 0 : i32
    %dma_start3A_17 = tpu.memref_slice %arg4[%dma_start3A_15, %dma_start3A_16] : memref<10000x128xf32, #tpu.memory_space<hbm>> -> memref<10000x128xf32, #tpu.memory_space<hbm>>
    tpu.enqueue_indirect_dma source(%dma_start3A_17 : memref<10000x128xf32, #tpu.memory_space<hbm>>) target(%arg9 : memref<96x128xf32, #tpu.memory_space<vmem>>) offsets(%arg8 : memref<96xi32, #tpu.memory_space<vmem>>) semaphore(%arg10 : memref<!tpu.dma_semaphore, #tpu.memory_space<semaphore_mem>>)
    %dma_wait3A_18 = arith.constant 0 : i32
    %dma_wait3A_19 = arith.constant 0 : i32
    %dma_wait3A_20 = tpu.memref_slice %arg4[%dma_wait3A_18, %dma_wait3A_19] : memref<10000x128xf32, #tpu.memory_space<hbm>> -> memref<10000x128xf32, #tpu.memory_space<hbm>>
    tpu.wait_indirect_dma semaphore(%arg10 : memref<!tpu.dma_semaphore, #tpu.memory_space<semaphore_mem>>) src(%dma_wait3A_20 : memref<10000x128xf32, #tpu.memory_space<hbm>>) dst(%arg9 : memref<96x128xf32, #tpu.memory_space<vmem>>)
    %mul3A_21 = arith.constant 96 : i32
    %mul3A_22 = arith.muli %add3A, %mul3A_21 : i32
    "tpu.region"() ({
      %run_scoped3A = tpu.sem_alloc : memref<!tpu.dma_semaphore, #tpu.memory_space<semaphore_mem>>
      %dma_start3A_31 = arith.constant 256 : i32
      %dma_start3A_32 = tpu.memref_slice %arg7[%mul3A_22, %dma_start3A_31] : memref<3072x512xf32, #tpu.memory_space<hbm>> -> memref<96x128xf32, #tpu.memory_space<hbm>>
      %dma_start3A_33 = arith.constant 256 : i32
      %dma_start3A_34 = tpu.memref_slice %arg7[%mul3A_22, %dma_start3A_33] : memref<3072x512xf32, #tpu.memory_space<hbm>> -> memref<96x128xf32, #tpu.memory_space<hbm>>
      tpu.enqueue_dma source(%arg9 : memref<96x128xf32, #tpu.memory_space<vmem>>) target(%dma_start3A_34 : memref<96x128xf32, #tpu.memory_space<hbm>>) target_semaphore(%run_scoped3A : memref<!tpu.dma_semaphore, #tpu.memory_space<semaphore_mem>>)
      %dma_wait3A_35 = arith.constant 256 : i32
      %dma_wait3A_36 = tpu.memref_slice %arg7[%mul3A_22, %dma_wait3A_35] : memref<3072x512xf32, #tpu.memory_space<hbm>> -> memref<96x128xf32, #tpu.memory_space<hbm>>
      %dma_wait3A_37 = arith.constant 256 : i32
      %dma_wait3A_38 = tpu.memref_slice %arg7[%mul3A_22, %dma_wait3A_37] : memref<3072x512xf32, #tpu.memory_space<hbm>> -> memref<96x128xf32, #tpu.memory_space<hbm>>
      tpu.wait_dma2 semaphore(%run_scoped3A : memref<!tpu.dma_semaphore, #tpu.memory_space<semaphore_mem>>) src(%arg9 : memref<96x128xf32, #tpu.memory_space<vmem>>) dst(%dma_wait3A_38 : memref<96x128xf32, #tpu.memory_space<hbm>>)
      tpu.yield
    }) : () -> ()
    %dma_start3A_23 = arith.constant 0 : i32
    %dma_start3A_24 = arith.constant 0 : i32
    %dma_start3A_25 = tpu.memref_slice %arg5[%dma_start3A_23, %dma_start3A_24] : memref<10000x128xf32, #tpu.memory_space<hbm>> -> memref<10000x128xf32, #tpu.memory_space<hbm>>
    tpu.enqueue_indirect_dma source(%dma_start3A_25 : memref<10000x128xf32, #tpu.memory_space<hbm>>) target(%arg9 : memref<96x128xf32, #tpu.memory_space<vmem>>) offsets(%arg8 : memref<96xi32, #tpu.memory_space<vmem>>) semaphore(%arg10 : memref<!tpu.dma_semaphore, #tpu.memory_space<semaphore_mem>>)
    %dma_wait3A_26 = arith.constant 0 : i32
    %dma_wait3A_27 = arith.constant 0 : i32
    %dma_wait3A_28 = tpu.memref_slice %arg5[%dma_wait3A_26, %dma_wait3A_27] : memref<10000x128xf32, #tpu.memory_space<hbm>> -> memref<10000x128xf32, #tpu.memory_space<hbm>>
    tpu.wait_indirect_dma semaphore(%arg10 : memref<!tpu.dma_semaphore, #tpu.memory_space<semaphore_mem>>) src(%dma_wait3A_28 : memref<10000x128xf32, #tpu.memory_space<hbm>>) dst(%arg9 : memref<96x128xf32, #tpu.memory_space<vmem>>)
    %mul3A_29 = arith.constant 96 : i32
    %mul3A_30 = arith.muli %add3A, %mul3A_29 : i32
    "tpu.region"() ({
      %run_scoped3A = tpu.sem_alloc : memref<!tpu.dma_semaphore, #tpu.memory_space<semaphore_mem>>
      %dma_start3A_31 = arith.constant 384 : i32
      %dma_start3A_32 = tpu.memref_slice %arg7[%mul3A_30, %dma_start3A_31] : memref<3072x512xf32, #tpu.memory_space<hbm>> -> memref<96x128xf32, #tpu.memory_space<hbm>>
      %dma_start3A_33 = arith.constant 384 : i32
      %dma_start3A_34 = tpu.memref_slice %arg7[%mul3A_30, %dma_start3A_33] : memref<3072x512xf32, #tpu.memory_space<hbm>> -> memref<96x128xf32, #tpu.memory_space<hbm>>
      tpu.enqueue_dma source(%arg9 : memref<96x128xf32, #tpu.memory_space<vmem>>) target(%dma_start3A_34 : memref<96x128xf32, #tpu.memory_space<hbm>>) target_semaphore(%run_scoped3A : memref<!tpu.dma_semaphore, #tpu.memory_space<semaphore_mem>>)
      %dma_wait3A_35 = arith.constant 384 : i32
      %dma_wait3A_36 = tpu.memref_slice %arg7[%mul3A_30, %dma_wait3A_35] : memref<3072x512xf32, #tpu.memory_space<hbm>> -> memref<96x128xf32, #tpu.memory_space<hbm>>
      %dma_wait3A_37 = arith.constant 384 : i32
      %dma_wait3A_38 = tpu.memref_slice %arg7[%mul3A_30, %dma_wait3A_37] : memref<3072x512xf32, #tpu.memory_space<hbm>> -> memref<96x128xf32, #tpu.memory_space<hbm>>
      tpu.wait_dma2 semaphore(%run_scoped3A : memref<!tpu.dma_semaphore, #tpu.memory_space<semaphore_mem>>) src(%arg9 : memref<96x128xf32, #tpu.memory_space<vmem>>) dst(%dma_wait3A_38 : memref<96x128xf32, #tpu.memory_space<hbm>>)
      tpu.yield
    }) : () -> ()
    return
  }
}

#map = affine_map<(d0, d1) -> (0, 0)>
module attributes {stable_mosaic.version = 14 : i64} {
  func.func @seg(%arg0: i32, %arg1: i32, %arg2: memref<10000x128xf32, #tpu.memory_space<hbm>>, %arg3: memref<1280x128xi32, #tpu.memory_space<hbm>>, %arg4: memref<1280x128xi32, #tpu.memory_space<hbm>>, %arg5: memref<1280x128xi32, #tpu.memory_space<hbm>>, %arg6: memref<1280x128xi32, #tpu.memory_space<hbm>>, %arg7: memref<376x128xf32, #tpu.memory_space<hbm>>, %arg8: memref<10000x128xf32, #tpu.memory_space<hbm>>, %arg9: memref<40x128xi32, #tpu.memory_space<vmem>>, %arg10: memref<40x128xi32, #tpu.memory_space<vmem>>, %arg11: memref<128x128xf32, #tpu.memory_space<vmem>>, %arg12: memref<128x128xf32, #tpu.memory_space<vmem>>, %arg13: memref<10016x128xf32, #tpu.memory_space<vmem_shared>>, %arg14: memref<!tpu.dma_semaphore, #tpu.memory_space<semaphore_mem>>, %arg15: memref<!tpu.dma_semaphore, #tpu.memory_space<semaphore_mem>>, %arg16: memref<!tpu.dma_semaphore, #tpu.memory_space<semaphore_mem>>, %arg17: memref<!tpu.dma_semaphore, #tpu.memory_space<semaphore_mem>>) attributes {dimension_semantics = [#tpu.dimension_semantics<core_parallel>, #tpu.dimension_semantics<subcore_parallel>], iteration_bounds = array<i64: 2, 16>, scalar_prefetch = 0 : i64, scratch_operands = 9 : i64, tpu.core_type = #tpu.core_type<sc_vector_subcore>, window_params = [{transform_indices = #map}, {transform_indices = #map}, {transform_indices = #map}, {transform_indices = #map}, {transform_indices = #map}, {transform_indices = #map}, {transform_indices = #map}]} {
    %eq3A = arith.constant 0 : i32
    %eq3A_0 = arith.cmpi eq, %arg0, %eq3A : i32
    %convert_element_type3A = arith.extui %eq3A_0 : i1 to i32
    %cond3A = arith.constant 0 : i32
    %cond3A_1 = arith.cmpi ne, %convert_element_type3A, %cond3A : i32
    scf.if %cond3A_1 {
      %mul3A = arith.constant 250 : i32
      %mul3A_23 = arith.muli %arg1, %mul3A : i32
      %mul3A_24 = arith.constant 250 : i32
      %mul3A_25 = arith.muli %arg1, %mul3A_24 : i32
      "tpu.region"() ({
        %run_scoped3A = tpu.sem_alloc : memref<!tpu.dma_semaphore, #tpu.memory_space<semaphore_mem>>
        %dma_start3A = arith.constant 0 : i32
        %dma_start3A_29 = tpu.memref_slice %arg13[%mul3A_25, %dma_start3A] : memref<10016x128xf32, #tpu.memory_space<vmem_shared>> -> memref<250x128xf32, #tpu.memory_space<vmem_shared>>
        %dma_start3A_30 = arith.constant 0 : i32
        %dma_start3A_31 = tpu.memref_slice %arg2[%mul3A_23, %dma_start3A_30] : memref<10000x128xf32, #tpu.memory_space<hbm>> -> memref<250x128xf32, #tpu.memory_space<hbm>>
        tpu.enqueue_dma source(%dma_start3A_31 : memref<250x128xf32, #tpu.memory_space<hbm>>) target(%dma_start3A_29 : memref<250x128xf32, #tpu.memory_space<vmem_shared>>) target_semaphore(%run_scoped3A : memref<!tpu.dma_semaphore, #tpu.memory_space<semaphore_mem>>)
        %dma_wait3A = arith.constant 0 : i32
        %dma_wait3A_32 = tpu.memref_slice %arg13[%mul3A_25, %dma_wait3A] : memref<10016x128xf32, #tpu.memory_space<vmem_shared>> -> memref<250x128xf32, #tpu.memory_space<vmem_shared>>
        %dma_wait3A_33 = arith.constant 0 : i32
        %dma_wait3A_34 = tpu.memref_slice %arg2[%mul3A_23, %dma_wait3A_33] : memref<10000x128xf32, #tpu.memory_space<hbm>> -> memref<250x128xf32, #tpu.memory_space<hbm>>
        tpu.wait_dma2 semaphore(%run_scoped3A : memref<!tpu.dma_semaphore, #tpu.memory_space<semaphore_mem>>) src(%dma_wait3A_34 : memref<250x128xf32, #tpu.memory_space<hbm>>) dst(%dma_wait3A_32 : memref<250x128xf32, #tpu.memory_space<vmem_shared>>)
        tpu.yield
      }) : () -> ()
      %mul3A_26 = arith.constant 376 : i32
      %mul3A_27 = arith.muli %arg1, %mul3A_26 : i32
      %add3A = arith.constant 4000 : i32
      %add3A_28 = arith.addi %add3A, %mul3A_27 : i32
      "tpu.region"() ({
        %run_scoped3A = tpu.sem_alloc : memref<!tpu.dma_semaphore, #tpu.memory_space<semaphore_mem>>
        %dma_start3A = arith.constant 0 : i32
        %dma_start3A_29 = tpu.memref_slice %arg13[%add3A_28, %dma_start3A] : memref<10016x128xf32, #tpu.memory_space<vmem_shared>> -> memref<376x128xf32, #tpu.memory_space<vmem_shared>>
        tpu.enqueue_dma source(%arg7 : memref<376x128xf32, #tpu.memory_space<hbm>>) target(%dma_start3A_29 : memref<376x128xf32, #tpu.memory_space<vmem_shared>>) target_semaphore(%run_scoped3A : memref<!tpu.dma_semaphore, #tpu.memory_space<semaphore_mem>>)
        %dma_wait3A = arith.constant 0 : i32
        %dma_wait3A_30 = tpu.memref_slice %arg13[%add3A_28, %dma_wait3A] : memref<10016x128xf32, #tpu.memory_space<vmem_shared>> -> memref<376x128xf32, #tpu.memory_space<vmem_shared>>
        tpu.wait_dma2 semaphore(%run_scoped3A : memref<!tpu.dma_semaphore, #tpu.memory_space<semaphore_mem>>) src(%arg7 : memref<376x128xf32, #tpu.memory_space<hbm>>) dst(%dma_wait3A_30 : memref<376x128xf32, #tpu.memory_space<vmem_shared>>)
        tpu.yield
      }) : () -> ()
    } else {
    }
    %eq3A_2 = arith.constant 1 : i32
    %eq3A_3 = arith.cmpi eq, %arg0, %eq3A_2 : i32
    %convert_element_type3A_4 = arith.extui %eq3A_3 : i1 to i32
    %cond3A_5 = arith.constant 0 : i32
    %cond3A_6 = arith.cmpi ne, %convert_element_type3A_4, %cond3A_5 : i32
    scf.if %cond3A_6 {
      %mul3A = arith.constant 375 : i32
      %mul3A_23 = arith.muli %arg1, %mul3A : i32
      %add3A = arith.constant 4000 : i32
      %add3A_24 = arith.addi %add3A, %mul3A_23 : i32
      %mul3A_25 = arith.constant 375 : i32
      %mul3A_26 = arith.muli %arg1, %mul3A_25 : i32
      %add3A_27 = arith.constant 4000 : i32
      %add3A_28 = arith.addi %add3A_27, %mul3A_26 : i32
      "tpu.region"() ({
        %run_scoped3A = tpu.sem_alloc : memref<!tpu.dma_semaphore, #tpu.memory_space<semaphore_mem>>
        %dma_start3A = arith.constant 0 : i32
        %dma_start3A_31 = tpu.memref_slice %arg13[%add3A_28, %dma_start3A] : memref<10016x128xf32, #tpu.memory_space<vmem_shared>> -> memref<375x128xf32, #tpu.memory_space<vmem_shared>>
        %dma_start3A_32 = arith.constant 0 : i32
        %dma_start3A_33 = tpu.memref_slice %arg2[%add3A_24, %dma_start3A_32] : memref<10000x128xf32, #tpu.memory_space<hbm>> -> memref<375x128xf32, #tpu.memory_space<hbm>>
        tpu.enqueue_dma source(%dma_start3A_33 : memref<375x128xf32, #tpu.memory_space<hbm>>) target(%dma_start3A_31 : memref<375x128xf32, #tpu.memory_space<vmem_shared>>) target_semaphore(%run_scoped3A : memref<!tpu.dma_semaphore, #tpu.memory_space<semaphore_mem>>)
        %dma_wait3A = arith.constant 0 : i32
        %dma_wait3A_34 = tpu.memref_slice %arg13[%add3A_28, %dma_wait3A] : memref<10016x128xf32, #tpu.memory_space<vmem_shared>> -> memref<375x128xf32, #tpu.memory_space<vmem_shared>>
        %dma_wait3A_35 = arith.constant 0 : i32
        %dma_wait3A_36 = tpu.memref_slice %arg2[%add3A_24, %dma_wait3A_35] : memref<10000x128xf32, #tpu.memory_space<hbm>> -> memref<375x128xf32, #tpu.memory_space<hbm>>
        tpu.wait_dma2 semaphore(%run_scoped3A : memref<!tpu.dma_semaphore, #tpu.memory_space<semaphore_mem>>) src(%dma_wait3A_36 : memref<375x128xf32, #tpu.memory_space<hbm>>) dst(%dma_wait3A_34 : memref<375x128xf32, #tpu.memory_space<vmem_shared>>)
        tpu.yield
      }) : () -> ()
      %mul3A_29 = arith.constant 250 : i32
      %mul3A_30 = arith.muli %arg1, %mul3A_29 : i32
      "tpu.region"() ({
        %run_scoped3A = tpu.sem_alloc : memref<!tpu.dma_semaphore, #tpu.memory_space<semaphore_mem>>
        %dma_start3A = arith.constant 0 : i32
        %dma_start3A_31 = tpu.memref_slice %arg13[%mul3A_30, %dma_start3A] : memref<10016x128xf32, #tpu.memory_space<vmem_shared>> -> memref<250x128xf32, #tpu.memory_space<vmem_shared>>
        %dma_start3A_32 = arith.constant 0 : i32
        %dma_start3A_33 = arith.constant 0 : i32
        %dma_start3A_34 = tpu.memref_slice %arg7[%dma_start3A_32, %dma_start3A_33] : memref<376x128xf32, #tpu.memory_space<hbm>> -> memref<250x128xf32, #tpu.memory_space<hbm>>
        tpu.enqueue_dma source(%dma_start3A_34 : memref<250x128xf32, #tpu.memory_space<hbm>>) target(%dma_start3A_31 : memref<250x128xf32, #tpu.memory_space<vmem_shared>>) target_semaphore(%run_scoped3A : memref<!tpu.dma_semaphore, #tpu.memory_space<semaphore_mem>>)
        %dma_wait3A = arith.constant 0 : i32
        %dma_wait3A_35 = tpu.memref_slice %arg13[%mul3A_30, %dma_wait3A] : memref<10016x128xf32, #tpu.memory_space<vmem_shared>> -> memref<250x128xf32, #tpu.memory_space<vmem_shared>>
        %dma_wait3A_36 = arith.constant 0 : i32
        %dma_wait3A_37 = arith.constant 0 : i32
        %dma_wait3A_38 = tpu.memref_slice %arg7[%dma_wait3A_36, %dma_wait3A_37] : memref<376x128xf32, #tpu.memory_space<hbm>> -> memref<250x128xf32, #tpu.memory_space<hbm>>
        tpu.wait_dma2 semaphore(%run_scoped3A : memref<!tpu.dma_semaphore, #tpu.memory_space<semaphore_mem>>) src(%dma_wait3A_38 : memref<250x128xf32, #tpu.memory_space<hbm>>) dst(%dma_wait3A_35 : memref<250x128xf32, #tpu.memory_space<vmem_shared>>)
        tpu.yield
      }) : () -> ()
    } else {
    }
    %barrier3A = arith.constant 0 : index
    tpu.barrier barrier_id(%barrier3A)
    %scan3A = arith.constant 0 : i32
    %scan3A_7 = arith.constant 0 : i32
    %scan3A_8 = arith.constant 2 : i32
    %scan3A_9 = arith.addi %scan3A_7, %scan3A_8 : i32
    %scan3A_10 = arith.constant 1 : i32
    scf.for %scan3A_23 = %scan3A_7 to %scan3A_9 step %scan3A_10  : i32 {
      %mul3A = arith.constant 80 : i32
      %mul3A_24 = arith.muli %arg1, %mul3A : i32
      %mul3A_25 = arith.constant 40 : i32
      %mul3A_26 = arith.muli %scan3A_23, %mul3A_25 : i32
      %add3A = arith.addi %mul3A_24, %mul3A_26 : i32
      %eq3A_27 = arith.constant 0 : i32
      %eq3A_28 = arith.cmpi eq, %arg0, %eq3A_27 : i32
      %convert_element_type3A_29 = arith.extui %eq3A_28 : i1 to i32
      %cond3A_30 = arith.constant 0 : i32
      %cond3A_31 = arith.cmpi ne, %convert_element_type3A_29, %cond3A_30 : i32
      scf.if %cond3A_31 {
        "tpu.region"() ({
          %run_scoped3A = tpu.sem_alloc : memref<!tpu.dma_semaphore, #tpu.memory_space<semaphore_mem>>
          %dma_start3A_55 = arith.constant 0 : i32
          %dma_start3A_56 = tpu.memref_slice %arg3[%add3A, %dma_start3A_55] : memref<1280x128xi32, #tpu.memory_space<hbm>> -> memref<40x128xi32, #tpu.memory_space<hbm>>
          %dma_start3A_57 = arith.constant 0 : i32
          %dma_start3A_58 = tpu.memref_slice %arg3[%add3A, %dma_start3A_57] : memref<1280x128xi32, #tpu.memory_space<hbm>> -> memref<40x128xi32, #tpu.memory_space<hbm>>
          tpu.enqueue_dma source(%dma_start3A_58 : memref<40x128xi32, #tpu.memory_space<hbm>>) target(%arg9 : memref<40x128xi32, #tpu.memory_space<vmem>>) target_semaphore(%run_scoped3A : memref<!tpu.dma_semaphore, #tpu.memory_space<semaphore_mem>>)
          %dma_wait3A_59 = arith.constant 0 : i32
          %dma_wait3A_60 = tpu.memref_slice %arg3[%add3A, %dma_wait3A_59] : memref<1280x128xi32, #tpu.memory_space<hbm>> -> memref<40x128xi32, #tpu.memory_space<hbm>>
          %dma_wait3A_61 = arith.constant 0 : i32
          %dma_wait3A_62 = tpu.memref_slice %arg3[%add3A, %dma_wait3A_61] : memref<1280x128xi32, #tpu.memory_space<hbm>> -> memref<40x128xi32, #tpu.memory_space<hbm>>
          tpu.wait_dma2 semaphore(%run_scoped3A : memref<!tpu.dma_semaphore, #tpu.memory_space<semaphore_mem>>) src(%dma_wait3A_62 : memref<40x128xi32, #tpu.memory_space<hbm>>) dst(%arg9 : memref<40x128xi32, #tpu.memory_space<vmem>>)
          tpu.yield
        }) : () -> ()
        "tpu.region"() ({
          %run_scoped3A = tpu.sem_alloc : memref<!tpu.dma_semaphore, #tpu.memory_space<semaphore_mem>>
          %dma_start3A_55 = arith.constant 0 : i32
          %dma_start3A_56 = tpu.memref_slice %arg5[%add3A, %dma_start3A_55] : memref<1280x128xi32, #tpu.memory_space<hbm>> -> memref<40x128xi32, #tpu.memory_space<hbm>>
          %dma_start3A_57 = arith.constant 0 : i32
          %dma_start3A_58 = tpu.memref_slice %arg5[%add3A, %dma_start3A_57] : memref<1280x128xi32, #tpu.memory_space<hbm>> -> memref<40x128xi32, #tpu.memory_space<hbm>>
          tpu.enqueue_dma source(%dma_start3A_58 : memref<40x128xi32, #tpu.memory_space<hbm>>) target(%arg10 : memref<40x128xi32, #tpu.memory_space<vmem>>) target_semaphore(%run_scoped3A : memref<!tpu.dma_semaphore, #tpu.memory_space<semaphore_mem>>)
          %dma_wait3A_59 = arith.constant 0 : i32
          %dma_wait3A_60 = tpu.memref_slice %arg5[%add3A, %dma_wait3A_59] : memref<1280x128xi32, #tpu.memory_space<hbm>> -> memref<40x128xi32, #tpu.memory_space<hbm>>
          %dma_wait3A_61 = arith.constant 0 : i32
          %dma_wait3A_62 = tpu.memref_slice %arg5[%add3A, %dma_wait3A_61] : memref<1280x128xi32, #tpu.memory_space<hbm>> -> memref<40x128xi32, #tpu.memory_space<hbm>>
          tpu.wait_dma2 semaphore(%run_scoped3A : memref<!tpu.dma_semaphore, #tpu.memory_space<semaphore_mem>>) src(%dma_wait3A_62 : memref<40x128xi32, #tpu.memory_space<hbm>>) dst(%arg10 : memref<40x128xi32, #tpu.memory_space<vmem>>)
          tpu.yield
        }) : () -> ()
      } else {
      }
      %eq3A_32 = arith.constant 1 : i32
      %eq3A_33 = arith.cmpi eq, %arg0, %eq3A_32 : i32
      %convert_element_type3A_34 = arith.extui %eq3A_33 : i1 to i32
      %cond3A_35 = arith.constant 0 : i32
      %cond3A_36 = arith.cmpi ne, %convert_element_type3A_34, %cond3A_35 : i32
      scf.if %cond3A_36 {
        "tpu.region"() ({
          %run_scoped3A = tpu.sem_alloc : memref<!tpu.dma_semaphore, #tpu.memory_space<semaphore_mem>>
          %dma_start3A_55 = arith.constant 0 : i32
          %dma_start3A_56 = tpu.memref_slice %arg4[%add3A, %dma_start3A_55] : memref<1280x128xi32, #tpu.memory_space<hbm>> -> memref<40x128xi32, #tpu.memory_space<hbm>>
          %dma_start3A_57 = arith.constant 0 : i32
          %dma_start3A_58 = tpu.memref_slice %arg4[%add3A, %dma_start3A_57] : memref<1280x128xi32, #tpu.memory_space<hbm>> -> memref<40x128xi32, #tpu.memory_space<hbm>>
          tpu.enqueue_dma source(%dma_start3A_58 : memref<40x128xi32, #tpu.memory_space<hbm>>) target(%arg9 : memref<40x128xi32, #tpu.memory_space<vmem>>) target_semaphore(%run_scoped3A : memref<!tpu.dma_semaphore, #tpu.memory_space<semaphore_mem>>)
          %dma_wait3A_59 = arith.constant 0 : i32
          %dma_wait3A_60 = tpu.memref_slice %arg4[%add3A, %dma_wait3A_59] : memref<1280x128xi32, #tpu.memory_space<hbm>> -> memref<40x128xi32, #tpu.memory_space<hbm>>
          %dma_wait3A_61 = arith.constant 0 : i32
          %dma_wait3A_62 = tpu.memref_slice %arg4[%add3A, %dma_wait3A_61] : memref<1280x128xi32, #tpu.memory_space<hbm>> -> memref<40x128xi32, #tpu.memory_space<hbm>>
          tpu.wait_dma2 semaphore(%run_scoped3A : memref<!tpu.dma_semaphore, #tpu.memory_space<semaphore_mem>>) src(%dma_wait3A_62 : memref<40x128xi32, #tpu.memory_space<hbm>>) dst(%arg9 : memref<40x128xi32, #tpu.memory_space<vmem>>)
          tpu.yield
        }) : () -> ()
        "tpu.region"() ({
          %run_scoped3A = tpu.sem_alloc : memref<!tpu.dma_semaphore, #tpu.memory_space<semaphore_mem>>
          %dma_start3A_55 = arith.constant 0 : i32
          %dma_start3A_56 = tpu.memref_slice %arg6[%add3A, %dma_start3A_55] : memref<1280x128xi32, #tpu.memory_space<hbm>> -> memref<40x128xi32, #tpu.memory_space<hbm>>
          %dma_start3A_57 = arith.constant 0 : i32
          %dma_start3A_58 = tpu.memref_slice %arg6[%add3A, %dma_start3A_57] : memref<1280x128xi32, #tpu.memory_space<hbm>> -> memref<40x128xi32, #tpu.memory_space<hbm>>
          tpu.enqueue_dma source(%dma_start3A_58 : memref<40x128xi32, #tpu.memory_space<hbm>>) target(%arg10 : memref<40x128xi32, #tpu.memory_space<vmem>>) target_semaphore(%run_scoped3A : memref<!tpu.dma_semaphore, #tpu.memory_space<semaphore_mem>>)
          %dma_wait3A_59 = arith.constant 0 : i32
          %dma_wait3A_60 = tpu.memref_slice %arg6[%add3A, %dma_wait3A_59] : memref<1280x128xi32, #tpu.memory_space<hbm>> -> memref<40x128xi32, #tpu.memory_space<hbm>>
          %dma_wait3A_61 = arith.constant 0 : i32
          %dma_wait3A_62 = tpu.memref_slice %arg6[%add3A, %dma_wait3A_61] : memref<1280x128xi32, #tpu.memory_space<hbm>> -> memref<40x128xi32, #tpu.memory_space<hbm>>
          tpu.wait_dma2 semaphore(%run_scoped3A : memref<!tpu.dma_semaphore, #tpu.memory_space<semaphore_mem>>) src(%dma_wait3A_62 : memref<40x128xi32, #tpu.memory_space<hbm>>) dst(%arg10 : memref<40x128xi32, #tpu.memory_space<vmem>>)
          tpu.yield
        }) : () -> ()
      } else {
      }
      %dma_start3A = arith.constant 0 : i32
      %dma_start3A_37 = arith.constant 0 : i32
      %dma_start3A_38 = tpu.memref_slice %arg9[%dma_start3A, %dma_start3A_37] : memref<40x128xi32, #tpu.memory_space<vmem>> -> memref<1x128xi32, #tpu.memory_space<vmem>>
      %dma_start3A_39 = tpu.memref_squeeze %dma_start3A_38 : memref<1x128xi32, #tpu.memory_space<vmem>> -> memref<128xi32, #tpu.memory_space<vmem>>
      %dma_start3A_40 = arith.constant 0 : i32
      %dma_start3A_41 = arith.constant 0 : i32
      %dma_start3A_42 = tpu.memref_slice %arg13[%dma_start3A_40, %dma_start3A_41] : memref<10016x128xf32, #tpu.memory_space<vmem_shared>> -> memref<10016x128xf32, #tpu.memory_space<vmem_shared>>
      tpu.enqueue_indirect_dma source(%dma_start3A_42 : memref<10016x128xf32, #tpu.memory_space<vmem_shared>>) target(%arg11 : memref<128x128xf32, #tpu.memory_space<vmem>>) offsets(%dma_start3A_39 : memref<128xi32, #tpu.memory_space<vmem>>) semaphore(%arg14 : memref<!tpu.dma_semaphore, #tpu.memory_space<semaphore_mem>>)
      %scan3A_43 = arith.constant 0 : i32
      %scan3A_44 = arith.constant 0 : i32
      %scan3A_45 = arith.constant 20 : i32
      %scan3A_46 = arith.addi %scan3A_44, %scan3A_45 : i32
      %scan3A_47 = arith.constant 1 : i32
      scf.for %scan3A_55 = %scan3A_44 to %scan3A_46 step %scan3A_47  : i32 {
        %mul3A_56 = arith.constant 2 : i32
        %mul3A_57 = arith.muli %mul3A_56, %scan3A_55 : i32
        %gt3A = arith.constant 0 : i32
        %gt3A_58 = arith.cmpi sgt, %scan3A_55, %gt3A : i32
        %convert_element_type3A_59 = arith.extui %gt3A_58 : i1 to i32
        %cond3A_60 = arith.constant 0 : i32
        %cond3A_61 = arith.cmpi ne, %convert_element_type3A_59, %cond3A_60 : i32
        scf.if %cond3A_61 {
          %dma_wait3A_119 = arith.constant 0 : i32
          %dma_wait3A_120 = arith.constant 0 : i32
          %dma_wait3A_121 = tpu.memref_slice %arg10[%dma_wait3A_119, %dma_wait3A_120] : memref<40x128xi32, #tpu.memory_space<vmem>> -> memref<1x128xi32, #tpu.memory_space<vmem>>
          %dma_wait3A_122 = tpu.memref_squeeze %dma_wait3A_121 : memref<1x128xi32, #tpu.memory_space<vmem>> -> memref<128xi32, #tpu.memory_space<vmem>>
          %dma_wait3A_123 = arith.constant 0 : i32
          %dma_wait3A_124 = arith.constant 0 : i32
          %dma_wait3A_125 = tpu.memref_slice %arg13[%dma_wait3A_123, %dma_wait3A_124] : memref<10016x128xf32, #tpu.memory_space<vmem_shared>> -> memref<10016x128xf32, #tpu.memory_space<vmem_shared>>
          tpu.wait_indirect_dma semaphore(%arg17 : memref<!tpu.dma_semaphore, #tpu.memory_space<semaphore_mem>>) src(%arg12 : memref<128x128xf32, #tpu.memory_space<vmem>>) dst(%dma_wait3A_125 : memref<10016x128xf32, #tpu.memory_space<vmem_shared>>)
        } else {
        }
        %add3A_62 = arith.constant 1 : i32
        %add3A_63 = arith.addi %mul3A_57, %add3A_62 : i32
        %add3A_64 = arith.constant 0 : i32
        %add3A_65 = arith.addi %add3A_63, %add3A_64 : i32
        %dma_start3A_66 = arith.constant 0 : i32
        %dma_start3A_67 = tpu.memref_slice %arg9[%add3A_65, %dma_start3A_66] : memref<40x128xi32, #tpu.memory_space<vmem>> -> memref<1x128xi32, #tpu.memory_space<vmem>>
        %dma_start3A_68 = tpu.memref_squeeze %dma_start3A_67 : memref<1x128xi32, #tpu.memory_space<vmem>> -> memref<128xi32, #tpu.memory_space<vmem>>
        %dma_start3A_69 = arith.constant 0 : i32
        %dma_start3A_70 = arith.constant 0 : i32
        %dma_start3A_71 = tpu.memref_slice %arg13[%dma_start3A_69, %dma_start3A_70] : memref<10016x128xf32, #tpu.memory_space<vmem_shared>> -> memref<10016x128xf32, #tpu.memory_space<vmem_shared>>
        tpu.enqueue_indirect_dma source(%dma_start3A_71 : memref<10016x128xf32, #tpu.memory_space<vmem_shared>>) target(%arg12 : memref<128x128xf32, #tpu.memory_space<vmem>>) offsets(%dma_start3A_68 : memref<128xi32, #tpu.memory_space<vmem>>) semaphore(%arg15 : memref<!tpu.dma_semaphore, #tpu.memory_space<semaphore_mem>>)
        %dma_wait3A_72 = arith.constant 0 : i32
        %dma_wait3A_73 = arith.constant 0 : i32
        %dma_wait3A_74 = tpu.memref_slice %arg9[%dma_wait3A_72, %dma_wait3A_73] : memref<40x128xi32, #tpu.memory_space<vmem>> -> memref<1x128xi32, #tpu.memory_space<vmem>>
        %dma_wait3A_75 = tpu.memref_squeeze %dma_wait3A_74 : memref<1x128xi32, #tpu.memory_space<vmem>> -> memref<128xi32, #tpu.memory_space<vmem>>
        %dma_wait3A_76 = arith.constant 0 : i32
        %dma_wait3A_77 = arith.constant 0 : i32
        %dma_wait3A_78 = tpu.memref_slice %arg13[%dma_wait3A_76, %dma_wait3A_77] : memref<10016x128xf32, #tpu.memory_space<vmem_shared>> -> memref<10016x128xf32, #tpu.memory_space<vmem_shared>>
        tpu.wait_indirect_dma semaphore(%arg14 : memref<!tpu.dma_semaphore, #tpu.memory_space<semaphore_mem>>) src(%dma_wait3A_78 : memref<10016x128xf32, #tpu.memory_space<vmem_shared>>) dst(%arg11 : memref<128x128xf32, #tpu.memory_space<vmem>>)
        %add3A_79 = arith.constant 0 : i32
        %add3A_80 = arith.addi %mul3A_57, %add3A_79 : i32
        %dma_start3A_81 = arith.constant 0 : i32
        %dma_start3A_82 = tpu.memref_slice %arg10[%add3A_80, %dma_start3A_81] : memref<40x128xi32, #tpu.memory_space<vmem>> -> memref<1x128xi32, #tpu.memory_space<vmem>>
        %dma_start3A_83 = tpu.memref_squeeze %dma_start3A_82 : memref<1x128xi32, #tpu.memory_space<vmem>> -> memref<128xi32, #tpu.memory_space<vmem>>
        %dma_start3A_84 = arith.constant 0 : i32
        %dma_start3A_85 = arith.constant 0 : i32
        %dma_start3A_86 = tpu.memref_slice %arg13[%dma_start3A_84, %dma_start3A_85] : memref<10016x128xf32, #tpu.memory_space<vmem_shared>> -> memref<10016x128xf32, #tpu.memory_space<vmem_shared>>
        tpu.enqueue_indirect_dma source(%arg11 : memref<128x128xf32, #tpu.memory_space<vmem>>) target(%dma_start3A_86 : memref<10016x128xf32, #tpu.memory_space<vmem_shared>>) offsets(%dma_start3A_83 : memref<128xi32, #tpu.memory_space<vmem>>) semaphore(%arg16 : memref<!tpu.dma_semaphore, #tpu.memory_space<semaphore_mem>>) {add = true}
        %dma_wait3A_87 = arith.constant 0 : i32
        %dma_wait3A_88 = arith.constant 0 : i32
        %dma_wait3A_89 = tpu.memref_slice %arg10[%dma_wait3A_87, %dma_wait3A_88] : memref<40x128xi32, #tpu.memory_space<vmem>> -> memref<1x128xi32, #tpu.memory_space<vmem>>
        %dma_wait3A_90 = tpu.memref_squeeze %dma_wait3A_89 : memref<1x128xi32, #tpu.memory_space<vmem>> -> memref<128xi32, #tpu.memory_space<vmem>>
        %dma_wait3A_91 = arith.constant 0 : i32
        %dma_wait3A_92 = arith.constant 0 : i32
        %dma_wait3A_93 = tpu.memref_slice %arg13[%dma_wait3A_91, %dma_wait3A_92] : memref<10016x128xf32, #tpu.memory_space<vmem_shared>> -> memref<10016x128xf32, #tpu.memory_space<vmem_shared>>
        tpu.wait_indirect_dma semaphore(%arg16 : memref<!tpu.dma_semaphore, #tpu.memory_space<semaphore_mem>>) src(%arg11 : memref<128x128xf32, #tpu.memory_space<vmem>>) dst(%dma_wait3A_93 : memref<10016x128xf32, #tpu.memory_space<vmem_shared>>)
        %add3A_94 = arith.constant 2 : i32
        %add3A_95 = arith.addi %mul3A_57, %add3A_94 : i32
        %add3A_96 = arith.constant 0 : i32
        %add3A_97 = arith.addi %add3A_95, %add3A_96 : i32
        %lt3A = arith.constant 40 : i32
        %lt3A_98 = arith.cmpi slt, %add3A_97, %lt3A : i32
        %convert_element_type3A_99 = arith.extui %lt3A_98 : i1 to i32
        %cond3A_100 = arith.constant 0 : i32
        %cond3A_101 = arith.cmpi ne, %convert_element_type3A_99, %cond3A_100 : i32
        scf.if %cond3A_101 {
          %add3A_119 = arith.constant 2 : i32
          %add3A_120 = arith.addi %mul3A_57, %add3A_119 : i32
          %add3A_121 = arith.constant 0 : i32
          %add3A_122 = arith.addi %add3A_120, %add3A_121 : i32
          %dma_start3A_123 = arith.constant 0 : i32
          %dma_start3A_124 = tpu.memref_slice %arg9[%add3A_122, %dma_start3A_123] : memref<40x128xi32, #tpu.memory_space<vmem>> -> memref<1x128xi32, #tpu.memory_space<vmem>>
          %dma_start3A_125 = tpu.memref_squeeze %dma_start3A_124 : memref<1x128xi32, #tpu.memory_space<vmem>> -> memref<128xi32, #tpu.memory_space<vmem>>
          %dma_start3A_126 = arith.constant 0 : i32
          %dma_start3A_127 = arith.constant 0 : i32
          %dma_start3A_128 = tpu.memref_slice %arg13[%dma_start3A_126, %dma_start3A_127] : memref<10016x128xf32, #tpu.memory_space<vmem_shared>> -> memref<10016x128xf32, #tpu.memory_space<vmem_shared>>
          tpu.enqueue_indirect_dma source(%dma_start3A_128 : memref<10016x128xf32, #tpu.memory_space<vmem_shared>>) target(%arg11 : memref<128x128xf32, #tpu.memory_space<vmem>>) offsets(%dma_start3A_125 : memref<128xi32, #tpu.memory_space<vmem>>) semaphore(%arg14 : memref<!tpu.dma_semaphore, #tpu.memory_space<semaphore_mem>>)
        } else {
        }
        %dma_wait3A_102 = arith.constant 0 : i32
        %dma_wait3A_103 = arith.constant 0 : i32
        %dma_wait3A_104 = tpu.memref_slice %arg9[%dma_wait3A_102, %dma_wait3A_103] : memref<40x128xi32, #tpu.memory_space<vmem>> -> memref<1x128xi32, #tpu.memory_space<vmem>>
        %dma_wait3A_105 = tpu.memref_squeeze %dma_wait3A_104 : memref<1x128xi32, #tpu.memory_space<vmem>> -> memref<128xi32, #tpu.memory_space<vmem>>
        %dma_wait3A_106 = arith.constant 0 : i32
        %dma_wait3A_107 = arith.constant 0 : i32
        %dma_wait3A_108 = tpu.memref_slice %arg13[%dma_wait3A_106, %dma_wait3A_107] : memref<10016x128xf32, #tpu.memory_space<vmem_shared>> -> memref<10016x128xf32, #tpu.memory_space<vmem_shared>>
        tpu.wait_indirect_dma semaphore(%arg15 : memref<!tpu.dma_semaphore, #tpu.memory_space<semaphore_mem>>) src(%dma_wait3A_108 : memref<10016x128xf32, #tpu.memory_space<vmem_shared>>) dst(%arg12 : memref<128x128xf32, #tpu.memory_space<vmem>>)
        %add3A_109 = arith.constant 1 : i32
        %add3A_110 = arith.addi %mul3A_57, %add3A_109 : i32
        %add3A_111 = arith.constant 0 : i32
        %add3A_112 = arith.addi %add3A_110, %add3A_111 : i32
        %dma_start3A_113 = arith.constant 0 : i32
        %dma_start3A_114 = tpu.memref_slice %arg10[%add3A_112, %dma_start3A_113] : memref<40x128xi32, #tpu.memory_space<vmem>> -> memref<1x128xi32, #tpu.memory_space<vmem>>
        %dma_start3A_115 = tpu.memref_squeeze %dma_start3A_114 : memref<1x128xi32, #tpu.memory_space<vmem>> -> memref<128xi32, #tpu.memory_space<vmem>>
        %dma_start3A_116 = arith.constant 0 : i32
        %dma_start3A_117 = arith.constant 0 : i32
        %dma_start3A_118 = tpu.memref_slice %arg13[%dma_start3A_116, %dma_start3A_117] : memref<10016x128xf32, #tpu.memory_space<vmem_shared>> -> memref<10016x128xf32, #tpu.memory_space<vmem_shared>>
        tpu.enqueue_indirect_dma source(%arg12 : memref<128x128xf32, #tpu.memory_space<vmem>>) target(%dma_start3A_118 : memref<10016x128xf32, #tpu.memory_space<vmem_shared>>) offsets(%dma_start3A_115 : memref<128xi32, #tpu.memory_space<vmem>>) semaphore(%arg17 : memref<!tpu.dma_semaphore, #tpu.memory_space<semaphore_mem>>) {add = true}
      }
      %scan3A_48 = arith.constant 20 : i32
      %dma_wait3A = arith.constant 0 : i32
      %dma_wait3A_49 = arith.constant 0 : i32
      %dma_wait3A_50 = tpu.memref_slice %arg10[%dma_wait3A, %dma_wait3A_49] : memref<40x128xi32, #tpu.memory_space<vmem>> -> memref<1x128xi32, #tpu.memory_space<vmem>>
      %dma_wait3A_51 = tpu.memref_squeeze %dma_wait3A_50 : memref<1x128xi32, #tpu.memory_space<vmem>> -> memref<128xi32, #tpu.memory_space<vmem>>
      %dma_wait3A_52 = arith.constant 0 : i32
      %dma_wait3A_53 = arith.constant 0 : i32
      %dma_wait3A_54 = tpu.memref_slice %arg13[%dma_wait3A_52, %dma_wait3A_53] : memref<10016x128xf32, #tpu.memory_space<vmem_shared>> -> memref<10016x128xf32, #tpu.memory_space<vmem_shared>>
      tpu.wait_indirect_dma semaphore(%arg17 : memref<!tpu.dma_semaphore, #tpu.memory_space<semaphore_mem>>) src(%arg12 : memref<128x128xf32, #tpu.memory_space<vmem>>) dst(%dma_wait3A_54 : memref<10016x128xf32, #tpu.memory_space<vmem_shared>>)
    }
    %scan3A_11 = arith.constant 2 : i32
    %barrier3A_12 = arith.constant 0 : index
    tpu.barrier barrier_id(%barrier3A_12)
    %eq3A_13 = arith.constant 0 : i32
    %eq3A_14 = arith.cmpi eq, %arg0, %eq3A_13 : i32
    %convert_element_type3A_15 = arith.extui %eq3A_14 : i1 to i32
    %cond3A_16 = arith.constant 0 : i32
    %cond3A_17 = arith.cmpi ne, %convert_element_type3A_15, %cond3A_16 : i32
    scf.if %cond3A_17 {
      %mul3A = arith.constant 375 : i32
      %mul3A_23 = arith.muli %arg1, %mul3A : i32
      %add3A = arith.constant 4000 : i32
      %add3A_24 = arith.addi %add3A, %mul3A_23 : i32
      %mul3A_25 = arith.constant 375 : i32
      %mul3A_26 = arith.muli %arg1, %mul3A_25 : i32
      %add3A_27 = arith.constant 4000 : i32
      %add3A_28 = arith.addi %add3A_27, %mul3A_26 : i32
      "tpu.region"() ({
        %run_scoped3A = tpu.sem_alloc : memref<!tpu.dma_semaphore, #tpu.memory_space<semaphore_mem>>
        %dma_start3A = arith.constant 0 : i32
        %dma_start3A_29 = tpu.memref_slice %arg8[%add3A_28, %dma_start3A] : memref<10000x128xf32, #tpu.memory_space<hbm>> -> memref<375x128xf32, #tpu.memory_space<hbm>>
        %dma_start3A_30 = arith.constant 0 : i32
        %dma_start3A_31 = tpu.memref_slice %arg13[%add3A_24, %dma_start3A_30] : memref<10016x128xf32, #tpu.memory_space<vmem_shared>> -> memref<375x128xf32, #tpu.memory_space<vmem_shared>>
        tpu.enqueue_dma source(%dma_start3A_31 : memref<375x128xf32, #tpu.memory_space<vmem_shared>>) target(%dma_start3A_29 : memref<375x128xf32, #tpu.memory_space<hbm>>) target_semaphore(%run_scoped3A : memref<!tpu.dma_semaphore, #tpu.memory_space<semaphore_mem>>)
        %dma_wait3A = arith.constant 0 : i32
        %dma_wait3A_32 = tpu.memref_slice %arg8[%add3A_28, %dma_wait3A] : memref<10000x128xf32, #tpu.memory_space<hbm>> -> memref<375x128xf32, #tpu.memory_space<hbm>>
        %dma_wait3A_33 = arith.constant 0 : i32
        %dma_wait3A_34 = tpu.memref_slice %arg13[%add3A_24, %dma_wait3A_33] : memref<10016x128xf32, #tpu.memory_space<vmem_shared>> -> memref<375x128xf32, #tpu.memory_space<vmem_shared>>
        tpu.wait_dma2 semaphore(%run_scoped3A : memref<!tpu.dma_semaphore, #tpu.memory_space<semaphore_mem>>) src(%dma_wait3A_34 : memref<375x128xf32, #tpu.memory_space<vmem_shared>>) dst(%dma_wait3A_32 : memref<375x128xf32, #tpu.memory_space<hbm>>)
        tpu.yield
      }) : () -> ()
    } else {
    }
    %eq3A_18 = arith.constant 1 : i32
    %eq3A_19 = arith.cmpi eq, %arg0, %eq3A_18 : i32
    %convert_element_type3A_20 = arith.extui %eq3A_19 : i1 to i32
    %cond3A_21 = arith.constant 0 : i32
    %cond3A_22 = arith.cmpi ne, %convert_element_type3A_20, %cond3A_21 : i32
    scf.if %cond3A_22 {
      %mul3A = arith.constant 250 : i32
      %mul3A_23 = arith.muli %arg1, %mul3A : i32
      %mul3A_24 = arith.constant 250 : i32
      %mul3A_25 = arith.muli %arg1, %mul3A_24 : i32
      "tpu.region"() ({
        %run_scoped3A = tpu.sem_alloc : memref<!tpu.dma_semaphore, #tpu.memory_space<semaphore_mem>>
        %dma_start3A = arith.constant 0 : i32
        %dma_start3A_26 = tpu.memref_slice %arg8[%mul3A_25, %dma_start3A] : memref<10000x128xf32, #tpu.memory_space<hbm>> -> memref<250x128xf32, #tpu.memory_space<hbm>>
        %dma_start3A_27 = arith.constant 0 : i32
        %dma_start3A_28 = tpu.memref_slice %arg13[%mul3A_23, %dma_start3A_27] : memref<10016x128xf32, #tpu.memory_space<vmem_shared>> -> memref<250x128xf32, #tpu.memory_space<vmem_shared>>
        tpu.enqueue_dma source(%dma_start3A_28 : memref<250x128xf32, #tpu.memory_space<vmem_shared>>) target(%dma_start3A_26 : memref<250x128xf32, #tpu.memory_space<hbm>>) target_semaphore(%run_scoped3A : memref<!tpu.dma_semaphore, #tpu.memory_space<semaphore_mem>>)
        %dma_wait3A = arith.constant 0 : i32
        %dma_wait3A_29 = tpu.memref_slice %arg8[%mul3A_25, %dma_wait3A] : memref<10000x128xf32, #tpu.memory_space<hbm>> -> memref<250x128xf32, #tpu.memory_space<hbm>>
        %dma_wait3A_30 = arith.constant 0 : i32
        %dma_wait3A_31 = tpu.memref_slice %arg13[%mul3A_23, %dma_wait3A_30] : memref<10016x128xf32, #tpu.memory_space<vmem_shared>> -> memref<250x128xf32, #tpu.memory_space<vmem_shared>>
        tpu.wait_dma2 semaphore(%run_scoped3A : memref<!tpu.dma_semaphore, #tpu.memory_space<semaphore_mem>>) src(%dma_wait3A_31 : memref<250x128xf32, #tpu.memory_space<vmem_shared>>) dst(%dma_wait3A_29 : memref<250x128xf32, #tpu.memory_space<hbm>>)
        tpu.yield
      }) : () -> ()
    } else {
    }
    return
  }
}

module attributes {stable_mosaic.version = 14 : i64} {
  func.func @body(%arg0: i32, %arg1: memref<2000x128xf32, #tpu.memory_space<vmem>>, %arg2: memref<2x2000x16xf32, #tpu.memory_space<vmem>>, %arg3: memref<2000x16xf32, #tpu.memory_space<vmem>>, %arg4: memref<2000x128xf32, #tpu.memory_space<vmem>>) attributes {dimension_semantics = [#tpu.dimension_semantics<arbitrary>], iteration_bounds = array<i64: 5>, scalar_prefetch = 0 : i64, scratch_operands = 0 : i64, tpu.core_type = #tpu.core_type<tc>, window_params = [{transform_indices = @transform_0, window_bounds = array<i64: 2000, 128>}, {transform_indices = @transform_1, window_bounds = array<i64: 2, 2000, 16>}, {transform_indices = @transform_2, window_bounds = array<i64: 2000, 16>}, {transform_indices = @transform_3, window_bounds = array<i64: 2000, 128>}]} {
    %get3A = arith.constant 0 : index
    %get3A_0 = arith.constant 0 : index
    %get3A_1 = arith.constant 0 : index
    %get3A_2 = vector.load %arg2[%get3A, %get3A_0, %get3A_1] : memref<2x2000x16xf32, #tpu.memory_space<vmem>>, vector<1x2000x16xf32>
    %get3A_3 = vector.shape_cast %get3A_2 : vector<1x2000x16xf32> to vector<2000x16xf32>
    %get3A_4 = arith.constant 1 : index
    %get3A_5 = arith.constant 0 : index
    %get3A_6 = arith.constant 0 : index
    %get3A_7 = vector.load %arg2[%get3A_4, %get3A_5, %get3A_6] : memref<2x2000x16xf32, #tpu.memory_space<vmem>>, vector<1x2000x16xf32>
    %get3A_8 = vector.shape_cast %get3A_7 : vector<1x2000x16xf32> to vector<2000x16xf32>
    %add3A = arith.addf %get3A_3, %get3A_8 : vector<2000x16xf32>
    %gt3A = arith.constant 0.000000e+00 : f32
    %gt3A_9 = vector.broadcast %gt3A : f32 to vector<2000x16xf32>
    %gt3A_10 = arith.cmpf ogt, %add3A, %gt3A_9 : vector<2000x16xf32>
    %max3A = arith.constant 1.000000e-30 : f32
    %max3A_11 = vector.broadcast %max3A : f32 to vector<2000x16xf32>
    %max3A_12 = arith.maximumf %add3A, %max3A_11 : vector<2000x16xf32>
    %rsqrt3A = math.rsqrt %max3A_12 : vector<2000x16xf32>
    %jit3A = arith.constant 0.000000e+00 : f32
    %broadcast_in_dim3A = vector.broadcast %jit3A : f32 to vector<2000x16xf32>
    %select_n3A = arith.select %gt3A_10, %rsqrt3A, %broadcast_in_dim3A : vector<2000x16xi1>, vector<2000x16xf32>
    %swap3A = arith.constant 0 : index
    %swap3A_13 = arith.constant 0 : index
    %swap3A_14 = vector.load %arg3[%swap3A, %swap3A_13] : memref<2000x16xf32, #tpu.memory_space<vmem>>, vector<2000x16xf32>
    tpu.vector_store %arg3[%swap3A, %swap3A_13], %select_n3A {strides = array<i32>} : memref<2000x16xf32, #tpu.memory_space<vmem>>, vector<2000x16xf32>,
    %get3A_15 = arith.constant 0 : index
    %get3A_16 = arith.constant 0 : index
    %get3A_17 = vector.load %arg1[%get3A_15, %get3A_16] : memref<2000x128xf32, #tpu.memory_space<vmem>>, vector<2000x128xf32>
    %slice3A = vector.extract_strided_slice %select_n3A {offsets = [0, 0], sizes = [2000, 1], strides = [1, 1]} : vector<2000x16xf32> to vector<2000x1xf32>
    %mul3A = vector.broadcast %slice3A : vector<2000x1xf32> to vector<2000x128xf32>
    %mul3A_18 = arith.mulf %get3A_17, %mul3A : vector<2000x128xf32>
    %swap3A_19 = arith.constant 0 : index
    %swap3A_20 = arith.constant 0 : index
    %swap3A_21 = vector.load %arg4[%swap3A_19, %swap3A_20] : memref<2000x128xf32, #tpu.memory_space<vmem>>, vector<2000x128xf32>
    tpu.vector_store %arg4[%swap3A_19, %swap3A_20], %mul3A_18 {strides = array<i32>} : memref<2000x128xf32, #tpu.memory_space<vmem>>, vector<2000x128xf32>,
    return
  }
  func.func @transform_0(%arg0: i32) -> (i32, i32) {
    %c0_i32 = arith.constant 0 : i32
    %c0_i32_0 = arith.constant 0 : i32
    return %arg0, %c0_i32 : i32, i32
  }
  func.func @transform_1(%arg0: i32) -> (i32, i32, i32) {
    %c0_i32 = arith.constant 0 : i32
    %c0_i32_0 = arith.constant 0 : i32
    %c0_i32_1 = arith.constant 0 : i32
    return %c0_i32, %arg0, %c0_i32_0 : i32, i32, i32
  }
  func.func @transform_2(%arg0: i32) -> (i32, i32) {
    %c0_i32 = arith.constant 0 : i32
    %c0_i32_0 = arith.constant 0 : i32
    return %arg0, %c0_i32 : i32, i32
  }
  func.func @transform_3(%arg0: i32) -> (i32, i32) {
    %c0_i32 = arith.constant 0 : i32
    %c0_i32_0 = arith.constant 0 : i32
    return %arg0, %c0_i32 : i32, i32
  }
}

module attributes {stable_mosaic.version = 14 : i64} {
  func.func @body(%arg0: i32, %arg1: memref<2000x128xf32, #tpu.memory_space<vmem>>, %arg2: memref<2000x128xf32, #tpu.memory_space<vmem>>, %arg3: memref<2000x16xf32, #tpu.memory_space<vmem>>, %arg4: memref<2x2000x16xf32, #tpu.memory_space<vmem>>, %arg5: memref<128x128xf32, #tpu.memory_space<vmem>>, %arg6: memref<1x128xf32, #tpu.memory_space<vmem>>, %arg7: memref<128x128xf32, #tpu.memory_space<vmem>>, %arg8: memref<1x128xf32, #tpu.memory_space<vmem>>, %arg9: memref<2000x128xf32, #tpu.memory_space<vmem>>, %arg10: memref<2000x128xf32, #tpu.memory_space<vmem>>) attributes {dimension_semantics = [#tpu.dimension_semantics<arbitrary>], iteration_bounds = array<i64: 5>, scalar_prefetch = 0 : i64, scratch_operands = 0 : i64, tpu.core_type = #tpu.core_type<tc>, window_params = [{transform_indices = @transform_0, window_bounds = array<i64: 2000, 128>}, {transform_indices = @transform_1, window_bounds = array<i64: 2000, 128>}, {transform_indices = @transform_2, window_bounds = array<i64: 2000, 16>}, {transform_indices = @transform_3, window_bounds = array<i64: 2, 2000, 16>}, {pipeline_mode = #tpu.pipeline_mode<synchronous>, transform_indices = @transform_4, window_bounds = array<i64: 128, 128>}, {pipeline_mode = #tpu.pipeline_mode<synchronous>, transform_indices = @transform_5, window_bounds = array<i64: 1, 128>}, {pipeline_mode = #tpu.pipeline_mode<synchronous>, transform_indices = @transform_6, window_bounds = array<i64: 128, 128>}, {pipeline_mode = #tpu.pipeline_mode<synchronous>, transform_indices = @transform_7, window_bounds = array<i64: 1, 128>}, {transform_indices = @transform_8, window_bounds = array<i64: 2000, 128>}, {transform_indices = @transform_9, window_bounds = array<i64: 2000, 128>}]} {
    %get3A = arith.constant 0 : index
    %get3A_0 = arith.constant 0 : index
    %get3A_1 = vector.load %arg1[%get3A, %get3A_0] : memref<2000x128xf32, #tpu.memory_space<vmem>>, vector<2000x128xf32>
    %get3A_2 = arith.constant 0 : index
    %get3A_3 = arith.constant 0 : index
    %get3A_4 = vector.load %arg5[%get3A_2, %get3A_3] : memref<128x128xf32, #tpu.memory_space<vmem>>, vector<128x128xf32>
    %dot_general3A = arith.constant dense<0.000000e+00> : vector<2000x128xf32>
    %dot_general3A_5 = tpu.matmul %get3A_1, %get3A_4, %dot_general3A {dimension_numbers = #tpu.dot_dimension_numbers<[1], [0], [0], [1], [0, 0, 1, 1], [], []>, transpose_lhs_hint = false} : vector<2000x128xf32>, vector<128x128xf32>, vector<2000x128xf32> -> vector<2000x128xf32>
    %get3A_6 = arith.constant 0 : index
    %get3A_7 = arith.constant 0 : index
    %get3A_8 = vector.load %arg6[%get3A_6, %get3A_7] : memref<1x128xf32, #tpu.memory_space<vmem>>, vector<1x128xf32>
    %add3A = vector.broadcast %get3A_8 : vector<1x128xf32> to vector<2000x128xf32>
    %add3A_9 = arith.addf %dot_general3A_5, %add3A : vector<2000x128xf32>
    %get3A_10 = arith.constant 0 : index
    %get3A_11 = arith.constant 0 : index
    %get3A_12 = vector.load %arg2[%get3A_10, %get3A_11] : memref<2000x128xf32, #tpu.memory_space<vmem>>, vector<2000x128xf32>
    %get3A_13 = arith.constant 0 : index
    %get3A_14 = arith.constant 0 : index
    %get3A_15 = vector.load %arg3[%get3A_13, %get3A_14] : memref<2000x16xf32, #tpu.memory_space<vmem>>, vector<2000x1xf32>
    %get3A_16 = arith.constant 0 : index
    %get3A_17 = arith.constant 0 : index
    %get3A_18 = arith.constant 0 : index
    %get3A_19 = vector.load %arg4[%get3A_16, %get3A_17, %get3A_18] : memref<2x2000x16xf32, #tpu.memory_space<vmem>>, vector<1x2000x16xf32>
    %get3A_20 = vector.shape_cast %get3A_19 : vector<1x2000x16xf32> to vector<2000x16xf32>
    %slice3A = vector.extract_strided_slice %get3A_20 {offsets = [0, 0], sizes = [2000, 1], strides = [1, 1]} : vector<2000x16xf32> to vector<2000x1xf32>
    %get3A_21 = arith.constant 1 : index
    %get3A_22 = arith.constant 0 : index
    %get3A_23 = arith.constant 0 : index
    %get3A_24 = vector.load %arg4[%get3A_21, %get3A_22, %get3A_23] : memref<2x2000x16xf32, #tpu.memory_space<vmem>>, vector<1x2000x16xf32>
    %get3A_25 = vector.shape_cast %get3A_24 : vector<1x2000x16xf32> to vector<2000x16xf32>
    %slice3A_26 = vector.extract_strided_slice %get3A_25 {offsets = [0, 0], sizes = [2000, 1], strides = [1, 1]} : vector<2000x16xf32> to vector<2000x1xf32>
    %add3A_27 = arith.addf %slice3A, %slice3A_26 : vector<2000x1xf32>
    %mul3A = arith.mulf %get3A_15, %add3A_27 : vector<2000x1xf32>
    %mul3A_28 = vector.broadcast %get3A_15 : vector<2000x1xf32> to vector<2000x128xf32>
    %mul3A_29 = arith.mulf %get3A_12, %mul3A_28 : vector<2000x128xf32>
    %mul3A_30 = arith.mulf %mul3A_29, %get3A_1 : vector<2000x128xf32>
    %get3A_31 = arith.constant 0 : index
    %get3A_32 = arith.constant 0 : index
    %get3A_33 = vector.load %arg7[%get3A_31, %get3A_32] : memref<128x128xf32, #tpu.memory_space<vmem>>, vector<128x128xf32>
    %dot_general3A_34 = arith.constant dense<0.000000e+00> : vector<2000x128xf32>
    %dot_general3A_35 = tpu.matmul %mul3A_30, %get3A_33, %dot_general3A_34 {dimension_numbers = #tpu.dot_dimension_numbers<[1], [0], [0], [1], [0, 0, 1, 1], [], []>, transpose_lhs_hint = false} : vector<2000x128xf32>, vector<128x128xf32>, vector<2000x128xf32> -> vector<2000x128xf32>
    %get3A_36 = arith.constant 0 : index
    %get3A_37 = arith.constant 0 : index
    %get3A_38 = vector.load %arg8[%get3A_36, %get3A_37] : memref<1x128xf32, #tpu.memory_space<vmem>>, vector<1x128xf32>
    %add3A_39 = vector.broadcast %get3A_38 : vector<1x128xf32> to vector<2000x128xf32>
    %add3A_40 = arith.addf %add3A_9, %add3A_39 : vector<2000x128xf32>
    %mul3A_41 = vector.broadcast %mul3A : vector<2000x1xf32> to vector<2000x128xf32>
    %mul3A_42 = arith.mulf %add3A_40, %mul3A_41 : vector<2000x128xf32>
    %add3A_43 = arith.addf %add3A_9, %mul3A_42 : vector<2000x128xf32>
    %add3A_44 = arith.addf %add3A_43, %dot_general3A_35 : vector<2000x128xf32>
    %ge3A = arith.constant 0.000000e+00 : f32
    %ge3A_45 = vector.broadcast %ge3A : f32 to vector<2000x128xf32>
    %ge3A_46 = arith.cmpf oge, %add3A_44, %ge3A_45 : vector<2000x128xf32>
    %mul3A_47 = arith.constant 2.000000e-01 : f32
    %mul3A_48 = vector.broadcast %mul3A_47 : f32 to vector<2000x128xf32>
    %mul3A_49 = arith.mulf %mul3A_48, %add3A_44 : vector<2000x128xf32>
    %select_n3A = arith.select %ge3A_46, %add3A_44, %mul3A_49 : vector<2000x128xi1>, vector<2000x128xf32>
    %mul3A_50 = arith.mulf %select_n3A, %select_n3A : vector<2000x128xf32>
    %reduce_sum3A = arith.constant dense<0.000000e+00> : vector<2000xf32>
    %reduce_sum3A_51 = vector.multi_reduction <add>, %mul3A_50, %reduce_sum3A [1] : vector<2000x128xf32> to vector<2000xf32>
    %broadcast_in_dim3A = vector.shape_cast %reduce_sum3A_51 : vector<2000xf32> to vector<2000x1xf32>
    %sqrt3A = math.sqrt %broadcast_in_dim3A : vector<2000x1xf32>
    %max3A = arith.constant 9.99999996E-13 : f32
    %max3A_52 = vector.broadcast %max3A : f32 to vector<2000x1xf32>
    %max3A_53 = arith.maximumf %sqrt3A, %max3A_52 : vector<2000x1xf32>
    %div3A = vector.broadcast %max3A_53 : vector<2000x1xf32> to vector<2000x128xf32>
    %div3A_54 = arith.divf %select_n3A, %div3A : vector<2000x128xf32>
    %swap3A = arith.constant 0 : index
    %swap3A_55 = arith.constant 0 : index
    %swap3A_56 = vector.load %arg9[%swap3A, %swap3A_55] : memref<2000x128xf32, #tpu.memory_space<vmem>>, vector<2000x128xf32>
    tpu.vector_store %arg9[%swap3A, %swap3A_55], %div3A_54 {strides = array<i32>} : memref<2000x128xf32, #tpu.memory_space<vmem>>, vector<2000x128xf32>,
    %mul3A_57 = vector.broadcast %get3A_15 : vector<2000x1xf32> to vector<2000x128xf32>
    %mul3A_58 = arith.mulf %div3A_54, %mul3A_57 : vector<2000x128xf32>
    %swap3A_59 = arith.constant 0 : index
    %swap3A_60 = arith.constant 0 : index
    %swap3A_61 = vector.load %arg10[%swap3A_59, %swap3A_60] : memref<2000x128xf32, #tpu.memory_space<vmem>>, vector<2000x128xf32>
    tpu.vector_store %arg10[%swap3A_59, %swap3A_60], %mul3A_58 {strides = array<i32>} : memref<2000x128xf32, #tpu.memory_space<vmem>>, vector<2000x128xf32>,
    return
  }
  func.func @transform_0(%arg0: i32) -> (i32, i32) {
    %c0_i32 = arith.constant 0 : i32
    %c0_i32_0 = arith.constant 0 : i32
    return %arg0, %c0_i32 : i32, i32
  }
  func.func @transform_1(%arg0: i32) -> (i32, i32) {
    %c0_i32 = arith.constant 0 : i32
    %c0_i32_0 = arith.constant 0 : i32
    return %arg0, %c0_i32 : i32, i32
  }
  func.func @transform_2(%arg0: i32) -> (i32, i32) {
    %c0_i32 = arith.constant 0 : i32
    %c0_i32_0 = arith.constant 0 : i32
    return %arg0, %c0_i32 : i32, i32
  }
  func.func @transform_3(%arg0: i32) -> (i32, i32, i32) {
    %c0_i32 = arith.constant 0 : i32
    %c0_i32_0 = arith.constant 0 : i32
    %c0_i32_1 = arith.constant 0 : i32
    return %c0_i32, %arg0, %c0_i32_0 : i32, i32, i32
  }
  func.func @transform_4(%arg0: i32) -> (i32, i32) {
    %c0_i32 = arith.constant 0 : i32
    %c0_i32_0 = arith.constant 0 : i32
    %c0_i32_1 = arith.constant 0 : i32
    return %c0_i32, %c0_i32_0 : i32, i32
  }
  func.func @transform_5(%arg0: i32) -> (i32, i32) {
    %c0_i32 = arith.constant 0 : i32
    %c0_i32_0 = arith.constant 0 : i32
    %c0_i32_1 = arith.constant 0 : i32
    return %c0_i32, %c0_i32_0 : i32, i32
  }
  func.func @transform_6(%arg0: i32) -> (i32, i32) {
    %c0_i32 = arith.constant 0 : i32
    %c0_i32_0 = arith.constant 0 : i32
    %c0_i32_1 = arith.constant 0 : i32
    return %c0_i32, %c0_i32_0 : i32, i32
  }
  func.func @transform_7(%arg0: i32) -> (i32, i32) {
    %c0_i32 = arith.constant 0 : i32
    %c0_i32_0 = arith.constant 0 : i32
    %c0_i32_1 = arith.constant 0 : i32
    return %c0_i32, %c0_i32_0 : i32, i32
  }
  func.func @transform_8(%arg0: i32) -> (i32, i32) {
    %c0_i32 = arith.constant 0 : i32
    %c0_i32_0 = arith.constant 0 : i32
    return %arg0, %c0_i32 : i32, i32
  }
  func.func @transform_9(%arg0: i32) -> (i32, i32) {
    %c0_i32 = arith.constant 0 : i32
    %c0_i32_0 = arith.constant 0 : i32
    return %arg0, %c0_i32 : i32, i32
  }
}

module attributes {stable_mosaic.version = 14 : i64} {
  func.func @body(%arg0: i32, %arg1: memref<2000x128xf32, #tpu.memory_space<vmem>>, %arg2: memref<2000x128xf32, #tpu.memory_space<vmem>>, %arg3: memref<2000x16xf32, #tpu.memory_space<vmem>>, %arg4: memref<2x2000x16xf32, #tpu.memory_space<vmem>>, %arg5: memref<128x128xf32, #tpu.memory_space<vmem>>, %arg6: memref<1x128xf32, #tpu.memory_space<vmem>>, %arg7: memref<128x128xf32, #tpu.memory_space<vmem>>, %arg8: memref<1x128xf32, #tpu.memory_space<vmem>>, %arg9: memref<2000x128xf32, #tpu.memory_space<vmem>>) attributes {dimension_semantics = [#tpu.dimension_semantics<arbitrary>], iteration_bounds = array<i64: 5>, scalar_prefetch = 0 : i64, scratch_operands = 0 : i64, tpu.core_type = #tpu.core_type<tc>, window_params = [{transform_indices = @transform_0, window_bounds = array<i64: 2000, 128>}, {transform_indices = @transform_1, window_bounds = array<i64: 2000, 128>}, {transform_indices = @transform_2, window_bounds = array<i64: 2000, 16>}, {transform_indices = @transform_3, window_bounds = array<i64: 2, 2000, 16>}, {pipeline_mode = #tpu.pipeline_mode<synchronous>, transform_indices = @transform_4, window_bounds = array<i64: 128, 128>}, {pipeline_mode = #tpu.pipeline_mode<synchronous>, transform_indices = @transform_5, window_bounds = array<i64: 1, 128>}, {pipeline_mode = #tpu.pipeline_mode<synchronous>, transform_indices = @transform_6, window_bounds = array<i64: 128, 128>}, {pipeline_mode = #tpu.pipeline_mode<synchronous>, transform_indices = @transform_7, window_bounds = array<i64: 1, 128>}, {transform_indices = @transform_8, window_bounds = array<i64: 2000, 128>}]} {
    %get3A = arith.constant 0 : index
    %get3A_0 = arith.constant 0 : index
    %get3A_1 = vector.load %arg1[%get3A, %get3A_0] : memref<2000x128xf32, #tpu.memory_space<vmem>>, vector<2000x128xf32>
    %get3A_2 = arith.constant 0 : index
    %get3A_3 = arith.constant 0 : index
    %get3A_4 = vector.load %arg5[%get3A_2, %get3A_3] : memref<128x128xf32, #tpu.memory_space<vmem>>, vector<128x128xf32>
    %dot_general3A = arith.constant dense<0.000000e+00> : vector<2000x128xf32>
    %dot_general3A_5 = tpu.matmul %get3A_1, %get3A_4, %dot_general3A {dimension_numbers = #tpu.dot_dimension_numbers<[1], [0], [0], [1], [0, 0, 1, 1], [], []>, transpose_lhs_hint = false} : vector<2000x128xf32>, vector<128x128xf32>, vector<2000x128xf32> -> vector<2000x128xf32>
    %get3A_6 = arith.constant 0 : index
    %get3A_7 = arith.constant 0 : index
    %get3A_8 = vector.load %arg6[%get3A_6, %get3A_7] : memref<1x128xf32, #tpu.memory_space<vmem>>, vector<1x128xf32>
    %add3A = vector.broadcast %get3A_8 : vector<1x128xf32> to vector<2000x128xf32>
    %add3A_9 = arith.addf %dot_general3A_5, %add3A : vector<2000x128xf32>
    %get3A_10 = arith.constant 0 : index
    %get3A_11 = arith.constant 0 : index
    %get3A_12 = vector.load %arg2[%get3A_10, %get3A_11] : memref<2000x128xf32, #tpu.memory_space<vmem>>, vector<2000x128xf32>
    %get3A_13 = arith.constant 0 : index
    %get3A_14 = arith.constant 0 : index
    %get3A_15 = vector.load %arg3[%get3A_13, %get3A_14] : memref<2000x16xf32, #tpu.memory_space<vmem>>, vector<2000x1xf32>
    %get3A_16 = arith.constant 0 : index
    %get3A_17 = arith.constant 0 : index
    %get3A_18 = arith.constant 0 : index
    %get3A_19 = vector.load %arg4[%get3A_16, %get3A_17, %get3A_18] : memref<2x2000x16xf32, #tpu.memory_space<vmem>>, vector<1x2000x16xf32>
    %get3A_20 = vector.shape_cast %get3A_19 : vector<1x2000x16xf32> to vector<2000x16xf32>
    %slice3A = vector.extract_strided_slice %get3A_20 {offsets = [0, 0], sizes = [2000, 1], strides = [1, 1]} : vector<2000x16xf32> to vector<2000x1xf32>
    %get3A_21 = arith.constant 1 : index
    %get3A_22 = arith.constant 0 : index
    %get3A_23 = arith.constant 0 : index
    %get3A_24 = vector.load %arg4[%get3A_21, %get3A_22, %get3A_23] : memref<2x2000x16xf32, #tpu.memory_space<vmem>>, vector<1x2000x16xf32>
    %get3A_25 = vector.shape_cast %get3A_24 : vector<1x2000x16xf32> to vector<2000x16xf32>
    %slice3A_26 = vector.extract_strided_slice %get3A_25 {offsets = [0, 0], sizes = [2000, 1], strides = [1, 1]} : vector<2000x16xf32> to vector<2000x1xf32>
    %add3A_27 = arith.addf %slice3A, %slice3A_26 : vector<2000x1xf32>
    %mul3A = arith.mulf %get3A_15, %add3A_27 : vector<2000x1xf32>
    %mul3A_28 = vector.broadcast %get3A_15 : vector<2000x1xf32> to vector<2000x128xf32>
    %mul3A_29 = arith.mulf %get3A_12, %mul3A_28 : vector<2000x128xf32>
    %mul3A_30 = arith.mulf %mul3A_29, %get3A_1 : vector<2000x128xf32>
    %get3A_31 = arith.constant 0 : index
    %get3A_32 = arith.constant 0 : index
    %get3A_33 = vector.load %arg7[%get3A_31, %get3A_32] : memref<128x128xf32, #tpu.memory_space<vmem>>, vector<128x128xf32>
    %dot_general3A_34 = arith.constant dense<0.000000e+00> : vector<2000x128xf32>
    %dot_general3A_35 = tpu.matmul %mul3A_30, %get3A_33, %dot_general3A_34 {dimension_numbers = #tpu.dot_dimension_numbers<[1], [0], [0], [1], [0, 0, 1, 1], [], []>, transpose_lhs_hint = false} : vector<2000x128xf32>, vector<128x128xf32>, vector<2000x128xf32> -> vector<2000x128xf32>
    %get3A_36 = arith.constant 0 : index
    %get3A_37 = arith.constant 0 : index
    %get3A_38 = vector.load %arg8[%get3A_36, %get3A_37] : memref<1x128xf32, #tpu.memory_space<vmem>>, vector<1x128xf32>
    %add3A_39 = vector.broadcast %get3A_38 : vector<1x128xf32> to vector<2000x128xf32>
    %add3A_40 = arith.addf %add3A_9, %add3A_39 : vector<2000x128xf32>
    %mul3A_41 = vector.broadcast %mul3A : vector<2000x1xf32> to vector<2000x128xf32>
    %mul3A_42 = arith.mulf %add3A_40, %mul3A_41 : vector<2000x128xf32>
    %add3A_43 = arith.addf %add3A_9, %mul3A_42 : vector<2000x128xf32>
    %add3A_44 = arith.addf %add3A_43, %dot_general3A_35 : vector<2000x128xf32>
    %ge3A = arith.constant 0.000000e+00 : f32
    %ge3A_45 = vector.broadcast %ge3A : f32 to vector<2000x128xf32>
    %ge3A_46 = arith.cmpf oge, %add3A_44, %ge3A_45 : vector<2000x128xf32>
    %mul3A_47 = arith.constant 2.000000e-01 : f32
    %mul3A_48 = vector.broadcast %mul3A_47 : f32 to vector<2000x128xf32>
    %mul3A_49 = arith.mulf %mul3A_48, %add3A_44 : vector<2000x128xf32>
    %select_n3A = arith.select %ge3A_46, %add3A_44, %mul3A_49 : vector<2000x128xi1>, vector<2000x128xf32>
    %mul3A_50 = arith.mulf %select_n3A, %select_n3A : vector<2000x128xf32>
    %reduce_sum3A = arith.constant dense<0.000000e+00> : vector<2000xf32>
    %reduce_sum3A_51 = vector.multi_reduction <add>, %mul3A_50, %reduce_sum3A [1] : vector<2000x128xf32> to vector<2000xf32>
    %broadcast_in_dim3A = vector.shape_cast %reduce_sum3A_51 : vector<2000xf32> to vector<2000x1xf32>
    %sqrt3A = math.sqrt %broadcast_in_dim3A : vector<2000x1xf32>
    %max3A = arith.constant 9.99999996E-13 : f32
    %max3A_52 = vector.broadcast %max3A : f32 to vector<2000x1xf32>
    %max3A_53 = arith.maximumf %sqrt3A, %max3A_52 : vector<2000x1xf32>
    %div3A = vector.broadcast %max3A_53 : vector<2000x1xf32> to vector<2000x128xf32>
    %div3A_54 = arith.divf %select_n3A, %div3A : vector<2000x128xf32>
    %swap3A = arith.constant 0 : index
    %swap3A_55 = arith.constant 0 : index
    %swap3A_56 = vector.load %arg9[%swap3A, %swap3A_55] : memref<2000x128xf32, #tpu.memory_space<vmem>>, vector<2000x128xf32>
    tpu.vector_store %arg9[%swap3A, %swap3A_55], %div3A_54 {strides = array<i32>} : memref<2000x128xf32, #tpu.memory_space<vmem>>, vector<2000x128xf32>,
    return
  }
  func.func @transform_0(%arg0: i32) -> (i32, i32) {
    %c0_i32 = arith.constant 0 : i32
    %c0_i32_0 = arith.constant 0 : i32
    return %arg0, %c0_i32 : i32, i32
  }
  func.func @transform_1(%arg0: i32) -> (i32, i32) {
    %c0_i32 = arith.constant 0 : i32
    %c0_i32_0 = arith.constant 0 : i32
    return %arg0, %c0_i32 : i32, i32
  }
  func.func @transform_2(%arg0: i32) -> (i32, i32) {
    %c0_i32 = arith.constant 0 : i32
    %c0_i32_0 = arith.constant 0 : i32
    return %arg0, %c0_i32 : i32, i32
  }
  func.func @transform_3(%arg0: i32) -> (i32, i32, i32) {
    %c0_i32 = arith.constant 0 : i32
    %c0_i32_0 = arith.constant 0 : i32
    %c0_i32_1 = arith.constant 0 : i32
    return %c0_i32, %arg0, %c0_i32_0 : i32, i32, i32
  }
  func.func @transform_4(%arg0: i32) -> (i32, i32) {
    %c0_i32 = arith.constant 0 : i32
    %c0_i32_0 = arith.constant 0 : i32
    %c0_i32_1 = arith.constant 0 : i32
    return %c0_i32, %c0_i32_0 : i32, i32
  }
  func.func @transform_5(%arg0: i32) -> (i32, i32) {
    %c0_i32 = arith.constant 0 : i32
    %c0_i32_0 = arith.constant 0 : i32
    %c0_i32_1 = arith.constant 0 : i32
    return %c0_i32, %c0_i32_0 : i32, i32
  }
  func.func @transform_6(%arg0: i32) -> (i32, i32) {
    %c0_i32 = arith.constant 0 : i32
    %c0_i32_0 = arith.constant 0 : i32
    %c0_i32_1 = arith.constant 0 : i32
    return %c0_i32, %c0_i32_0 : i32, i32
  }
  func.func @transform_7(%arg0: i32) -> (i32, i32) {
    %c0_i32 = arith.constant 0 : i32
    %c0_i32_0 = arith.constant 0 : i32
    %c0_i32_1 = arith.constant 0 : i32
    return %c0_i32, %c0_i32_0 : i32, i32
  }
  func.func @transform_8(%arg0: i32) -> (i32, i32) {
    %c0_i32 = arith.constant 0 : i32
    %c0_i32_0 = arith.constant 0 : i32
    return %arg0, %c0_i32 : i32, i32
  }
}

</mosaic_0001>

<sc_bundles>
// kernel: kernel.12.cloned.1.call-start
scs
__scs_entry_jumppad:
0x0: {  	(pc) =	sbr.rel $0x88, $3  }
0x1: {  	(tag) =	ssettag $0x0;
	lr =	simm.s32 $0x1  }
0x2: {  	[smem:$0x3F8F] =	sst lr;
	_ =	strace $0xD0000000  }
0x3: {  	_ = 	snop  }
0x4: {  	_ = 	snop  }
0x5: {  	_ = 	snop  }
0x6: {  	_ = 	snop  }
0x7: {  	_ = 	snop  }
__scs_overlays_trampoline_lowered:
0x8: {  	[smem:$0x3F9E] =	sst s0  }
0x9: {  	[smem:$0x3F9F] =	sst s1  }
0xa: {  	[smem:$0x3FA0] =	sst s2  }
0xb: {  	[smem:$0x3FA1] =	sst s3  }
0xc: {  	[smem:$0x3FA2] =	sst s4  }
0xd: {  	[smem:$0x3FA3] =	sst s5  }
0xe: {  	[smem:$0x3FA4] =	sst s6  }
0xf: {  	[smem:$0x3FA5] =	sst s7  }
0x10: {  	[smem:$0x3FA6] =	sst s8  }
0x11: {  	[smem:$0x3FA7] =	sst s9;
	s0 =	simm.s32 @!p0 $0x0  }
0x12: {  	s1 =	sld [smem:$0x3F8D];
	s0 =	simm.s32 @p0 $0x1  }
0x13: {  	[smem:$0x3FA8] =	sst s0;
	s0 =	simm.s32 @!p1 $0x0  }
0x14: {  	s2 =	sld [smem:$0x3F8C];
	s0 =	simm.s32 @p1 $0x1  }
0x15: {  	[smem:$0x3FA9] =	sst s0;
	s0 =	simm.s32 @!p2 $0x0  }
0x16: {  	s3 =	sld [smem:$0x3FDB];
	s0 =	simm.s32 @p2 $0x1  }
0x17: {  	s4 =	simm.s32 $0x1BF5;
	[smem:$0x3FAB] =	sst s0  }
0x18: {  	s0 =	sld [smem:$0x3F8E];
	_ =	swait.ge [sflag:s4], $0x0  }
0x19: {  	s7 =	sld [smem:$0x3F8F]  }
0x1a: {  	s8 =	sadd.s32 $0xFFFFE003, lr  }
0x1b: {  	s9 =	sadd.s32 $0xFFFFFEF7, lr;
	s5 =	simm.s32 $0xFFFFFFFF;
	p2 =	slt.u32 s8, $0xFFFFF086  }
0x1c: {  	p1 =	slt.u32 s9, $0xF7A;
	s5 =	simm.s32 @!p2 $0x0  }
0x1d: {  	s5 =	simm.s32 @p1 $0x1;
	p0 =	seq.s32 s7, s2  }
0x1e: {  	s7 =	smul.u32 @!p0 $0xF7A, s2;
	p2 =	seq.s32 @!p0 s5, $0x0  }
0x1f: {  	s9 =	smul.u32 $0xF7A, s1;
	s8 =	simm.s32 @!p0 $0x1BF5;
	p2 =	por !p2, p0  }
0x20: {  	[sflag:s8] =	ssyncset.s32 @!p0 $0xFFFFF086;
	s6 =	sadd.s32 @!p0 s3, s7;
	s7 =	simm.s32 @!p0 $0x108  }
0x21: {  	s3 =	sadd.s32 s3, s9;
	s6 =	sadd.s32 @!p0 $0x88, s6;
	s7 =	simm.s32 @p2 $0x1082  }
0x22: {  	[simem:s7], [sflag:s8] =	dma.local @!p0 [hbm:s6], $0xF7A  }
0x23: {  	s9 =	sor.u32 $0xD0000000, s2;
	s6 =	simm.s32 $0x108;
	_ =	swait.ge @!p0 [sflag:s8], $0x0  }
0x24: {  	s3 =	sadd.s32 $0x88, s3;
	s6 =	simm.s32 @!p1 $0x1082;
	[sflag:s4] =	ssyncset.s32 $0xFFFFF086  }
0x25: {  	[simem:s6], [sflag:s4] =	dma.local [hbm:s3], $0xF7A  }
0x26: {  	[smem:$0x3F8F] =	sst s1;
	(tag) =	ssettag s2;
	_ =	strace s9  }
0x27: {  	s1 =	sld [smem:$0x3F9F]  }
0x28: {  	s2 =	sld [smem:$0x3FA0]  }
0x29: {  	s4 =	sld [smem:$0x3FA2]  }
0x2a: {  	p0 =	seq.s32 s5, $0x0;
	s5 =	sld [smem:$0x3FA3]  }
0x2b: {  	s6 =	sld [smem:$0x3FA4]  }
0x2c: {  	s7 =	sld [smem:$0x3FA5]  }
0x2d: {  	s3 =	simm.s32 $0x108;
	s8 =	sld [smem:$0x3FA6]  }
0x2e: {  	s3 =	simm.s32 @!p0 $0x1082;
	s9 =	sld [smem:$0x3FA7]  }
0x2f: {  	lr =	sadd.s32 s0, s3;
	s0 =	sld [smem:$0x3F9E]  }
0x30: {  	s3 =	sld [smem:$0x3FA1]  }
0x31: {  	[smem:$0x3FAA] =	sst s10  }
0x32: {  	s10 =	sld [smem:$0x3FA8];
	_ =	sdelay $0x3  }
0x33: {  	p0 =	seq.s32 s10, $0x1;
	s10 =	sld [smem:$0x3FAA];
	_ =	sdelay $0x3  }
0x34: {  	[smem:$0x3FAA] =	sst s10  }
0x35: {  	s10 =	sld [smem:$0x3FA9];
	_ =	sdelay $0x3  }
0x36: {  	p1 =	seq.s32 s10, $0x1;
	s10 =	sld [smem:$0x3FAA];
	_ =	sdelay $0x3  }
0x37: {  	[smem:$0x3FAA] =	sst s10  }
0x38: {  	s10 =	sld [smem:$0x3FAB]  }
0x39: {  	_ = 	snop;
	(pc) =	sbr.ind lr, $3  }
0x3a: {  	_ = 	snop  }
0x3b: {  	_ = 	snop  }
0x3c: {  	p2 =	seq.s32 s10, $0x1;
	s10 =	sld [smem:$0x3FAA]  }
0x3d: {  	_ =	shalt  }
0x3e: {  	_ =	shalt  }
0x3f: {  	_ =	shalt  }
0x40: {  	_ =	shalt  }
0x41: {  	_ =	shalt  }
0x42: {  	_ =	shalt  }
0x43: {  	_ =	shalt  }
0x44: {  	_ =	shalt  }
0x45: {  	_ =	shalt  }
0x46: {  	_ =	shalt  }
0x47: {  	_ =	shalt  }
0x48: {  	_ =	shalt  }
0x49: {  	_ =	shalt  }
0x4a: {  	_ =	shalt  }
0x4b: {  	_ =	shalt  }
0x4c: {  	_ =	shalt  }
0x4d: {  	_ =	shalt  }
0x4e: {  	_ =	shalt  }
0x4f: {  	_ =	shalt  }
0x50: {  	_ =	shalt  }
0x51: {  	_ =	shalt  }
0x52: {  	_ =	shalt  }
0x53: {  	_ =	shalt  }
0x54: {  	_ =	shalt  }
0x55: {  	_ =	shalt  }
0x56: {  	_ =	shalt  }
0x57: {  	_ =	shalt  }
0x58: {  	_ =	shalt  }
0x59: {  	_ =	shalt  }
0x5a: {  	_ =	shalt  }
0x5b: {  	_ =	shalt  }
0x5c: {  	_ =	shalt  }
0x5d: {  	_ =	shalt  }
0x5e: {  	_ =	shalt  }
0x5f: {  	_ =	shalt  }
0x60: {  	_ =	shalt  }
0x61: {  	_ =	shalt  }
0x62: {  	_ =	shalt  }
0x63: {  	_ =	shalt  }
0x64: {  	_ =	shalt  }
0x65: {  	_ =	shalt  }
0x66: {  	_ =	shalt  }
0x67: {  	_ =	shalt  }
0x68: {  	_ =	shalt  }
0x69: {  	_ =	shalt  }
0x6a: {  	_ =	shalt  }
0x6b: {  	_ =	shalt  }
0x6c: {  	_ =	shalt  }
0x6d: {  	_ =	shalt  }
0x6e: {  	_ =	shalt  }
0x6f: {  	_ =	shalt  }
0x70: {  	_ =	shalt  }
0x71: {  	_ =	shalt  }
0x72: {  	_ =	shalt  }
0x73: {  	_ =	shalt  }
0x74: {  	_ =	shalt  }
0x75: {  	_ =	shalt  }
0x76: {  	_ =	shalt  }
0x77: {  	_ =	shalt  }
0x78: {  	_ =	shalt  }
0x79: {  	_ =	shalt  }
0x7a: {  	_ =	shalt  }
0x7b: {  	_ =	shalt  }
0x7c: {  	_ =	shalt  }
0x7d: {  	_ =	shalt  }
0x7e: {  	_ =	shalt  }
0x7f: {  	_ =	shalt  }
0x80: {  	_ =	shalt  }
0x81: {  	_ =	shalt  }
0x82: {  	_ =	shalt  }
0x83: {  	_ =	shalt  }
0x84: {  	_ =	shalt  }
0x85: {  	_ =	shalt  }
0x86: {  	_ =	shalt  }
0x87: {  	_ =	shalt  }
.Lfunc_end0:
.L_simem_size_0:
called_computation_lowered:
.L_overlay_start_0:
0x88: {  	s2 =	sld [smem:$0x3FD9]  }
0x89: {  	s3 =	sld [smem:$0x3FFE];
	_ =	sdelay $0x1  }
0x8a: {  	s1 =	srdreg.scid  }
0x8b: {  	s0 =	sand.u32 $0x1, s1  }
0x8c: {  	s14 =	sshll.u32 s0, $0xA;
	s2 =	sadd.s32 s3, s2  }
0x8d: {  	s2 =	sadd.s32 s2, s14  }
0x8e: {  	[smem:$0x3FB6] =	sst s2  }
0x8f: {  	_ = 	snop  }
0x90: {  	s2 =	sld [smem:$0x3FD0];
	_ =	sdelay $0x2  }
0x91: {  	s15 =	simm.s32 $0xB;
	s4 =	simm.s32 $0x10  }
0x92: {  	[smem:s4], [sflag:s15] =	dma.local [hbm:s2], $0x1  }
0x93: {  	_ =	swait.eq [sflag:s15], $0x1  }
0x94: {  	[sflag:s15] =	ssyncset.done $0x0  }
0x95: {  	s16 =	sld [smem:$0x10];
	[sflag:s15] =	ssyncadd.s32 $0xFFFFFFFF  }
0x96: {  	s17 =	sld [smem:$0x12];
	(tm) =	ssettm $0x1  }
0x97: {  	s18 =	sld [smem:$0x3FFB];
	_ =	sdelay $0x3  }
0x98: {  	_ =	strace s18  }
0x99: {  	s4 =	sld [smem:$0x3FFC];
	_ =	sdelay $0x3  }
0x9a: {  	_ =	strace s4  }
0x9b: {  	s4 =	sld [smem:$0x3FFD];
	_ =	sdelay $0x3  }
0x9c: {  	_ =	strace s4  }
0x9d: {  	_ =	strace $0x8FFFFFFF  }
0x9e: {  	s19 =	sld [smem:$0x3FDB];
	_ =	sdelay $0x1  }
0x9f: {  	s5 =	simm.s32 $_scs_section_size  }
0xa0: {  	s6 =	simm.s32 $_size__tile_overlayer_lowered;
	s7 =	simm.s32 $_tile_overlayer_lowered  }
0xa1: {  	s22 =	simm.s32 $0x1BFF;
	s21 =	sshll.u32 s7, $0x1;
	s4 =	sadd.s32 s5, s19  }
0xa2: {  	s8 =	simm.s32 $0x0;
	s20 =	sshll.u32 s6, $0x1;
	s6 =	sadd.s32 s21, s4  }
0xa3: {  	[timem:s8], [sflag:s22] =	dma.local [hbm:s6], s20  }
0xa4: {  	_ =	swait.ge [sflag:s22], s20  }
0xa5: {  	s5 =	ssub.s32 $0x0, s20;
	[sflag:s22] =	ssyncset.done $0x0  }
0xa6: {  	[sflag:s22] =	ssyncadd.s32 s5;
	_ =	sdelay $0x1  }
0xa7: {  	s23 =	simm.s32 $0x1B8B  }
0xa8: {  	_ =	swait.ge [sflag:s23], $0x1  }
0xa9: {  	[sflag:s23] =	ssyncset.done $0x0  }
0xaa: {  	s25 =	simm.s32 $0x1B8E;
	s24 =	sld [smem:$0x3FFE];
	[sflag:s23] =	ssyncadd.s32 $0xFFFFFFFF  }
0xab: {  	s26 =	simm.s32 $execute0_lowered;
	[smem:$0x3FD2] =	sst s25  }
0xac: {  	s6 =	sshll.u32 s26, $0x1;
	_ =	strace $0x80000046;
	[dreg:$0x1] =	wrdreg $0xFFFFFFFF  }
0xad: {  	s28 =	simm.s32 $_size_execute0_lowered;
	s4 =	sadd.s32 s4, s6;
	[dreg:$0x0] =	wrdreg $0x0  }
0xae: {  	s6 =	sshll.u32 s28, $0x1;
	[dreg:$0x2] =	wrdreg s4  }
0xaf: {  	[dreg:$0x3] =	wrdreg s6  }
0xb0: {  	[dreg:$0x4] =	wrdreg $0xC0  }
0xb1: {  	_ =	task [dreg:s8], $0x5FFFF  }
0xb2: {  	[dreg:$0x1] =	wrdreg $0xFFFFFFFF  }
0xb3: {  	[dreg:$0x0] =	wrdreg $0x60  }
0xb4: {  	[dreg:$0x2] =	wrdreg s17  }
0xb5: {  	[dreg:$0x3] =	wrdreg s24  }
0xb6: {  	[dreg:$0x4] =	wrdreg s16  }
0xb7: {  	[dreg:$0x5] =	wrdreg $0x38000  }
0xb8: {  	[dreg:$0x6] =	wrdreg $0x9  }
0xb9: {  	_ =	task.clear_ibuf [dreg:s8], $0x7FFFF;
	_ =	strace $0x90000046  }
0xba: {  	s29 =	simm.s32 $0x9;
	_ =	strace $0x80000048  }
0xbb: {  	_ =	swait.ge [sflag:s29], $0x1  }
0xbc: {  	[sflag:s29] =	ssyncadd.s32 $0xFFFFFFFF  }
0xbd: {  	_ =	strace $0x90000048  }
0xbe: {  	_ =	sfence  }
0xbf: {  	s30 =	sld [smem:$0x0];
	_ =	sdelay $0x2  }
0xc0: {  	s31 =	sshll.u32 s1, $0xD;
	s1 =	sshrl.u32 s1, $0x2  }
0xc1: {  	s3 =	sand.u32 $0x4000, s31;
	s1 =	sadd.s32 s1, s30  }
0xc2: {  	s0 =	sor.u32 s3, s0;
	s1 =	sshll.u32 s1, $0x11  }
0xc3: {  	s0 =	sor.u32 s1, s0  }
0xc4: {  	s0 =	sadd.s32 $0x8F2B, s0  }
0xc5: {  	[sflag:s0] =	ssyncadd.remote.s32 $0x1  }
0xc6: {  	_ =	sfence.sel $0xFFFF  }
0xc7: {  	[dreg:$0x0] =	wrdreg $0xFFFFFFFF;
	(pc) =	sbr.abs _section_cstart, $3  }
0xc8: {  	[dreg:$0x1] =	wrdreg $0xFFFFFFFF  }
0xc9: {  	_ =	task.clear_ibuf [dreg:s8], $0x2FFFF;
	_ =	strace $0x9FFFFFFF  }
0xca: {  	(tm) =	ssettm $0x7FFFFFFF  }
0xcb: {  	_ =	shalt  }
tec
execute0_lowered:
.L_overlay_start_1:
0x0: {  	(tag) =	ssettag $0x1  }
0x1: {  	s8 =	rddreg [dreg:$0x0]  }
0x2: {  	s4 =	rddreg [dreg:$0x1]  }
0x3: {  	s6 =	rddreg [dreg:$0x2]  }
0x4: {  	s1 =	rddreg [dreg:$0x3]  }
0x5: {  	s0 =	rddreg [dreg:$0x4];
	s3 =	simm.s32 $0x0;
	s5 =	srdreg.scid  }
0x6: {  	s2 =	stileid.u32;
	s14 =	simm.s32 $0x1;
	s15 =	simm.s32 $0x2  }
0x7: {  	s16 =	simm.s32 $0x0;
	[smem:$0x7FF] =	sst s3;
	s7 =	sand.u32 $0x1, s5  }
0x8: {  	s9 =	smul.u32 $0x2800, s2;
	s10 =	sadd.s32 $0x6800, s4;
	s4 =	sadd.s32 $0xB800, s4  }
0x9: {  	s29 =	sshll.u32 s2, $0x6;
	s30 =	smul.u32 $0x500, s2;
	_ =	strace $0x80000047  }
0xa: {  	s5 =	ssub.s32 $0x2, s7;
	s12 =	smul.u32 $0x28000, s7;
	p0 =	seq.s32 s7, $0x1  }
0xb: {  	s11 =	sshrl.u32 s5, $0x1;
	s13 =	sadd.s32 s9, s1;
	s8 =	smov.u32 @p0 s10  }
0xc: {  	s10 =	simm.s32 $0x3;
	s11 =	ssub.s32 s5, s11;
	s5 =	sor.u32 $0x1C03, s29  }
0xd: {  	s9 =	sadd.s32 s9, s12;
	s8 =	sadd.s32 s8, s30;
	s12 =	simm.s32 $0x2800  }
0xe: {  	s31 =	sshrl.u32 s9, $0x3;
	s7 =	smax.u32 s11, $0x1;
	s9 =	sshrl.u32 s13, $0x3  }
0xf: {  	v0 =	vimm.f32 $1.000000000e+00;
	s11 =	simm.s32 $0x80;
	s13 =	simm.s32 $0x3000;
	s6 =	sadd.s32 s6, s31  }
.LBB2_1:
0x10: {  	[spmem:s9], [sflag:s5] =	dma.local [hbm:s4], $0x500  }
0x11: {  	_ =	swait.ge [sflag:s10], $0x500  }
0x12: {  	[sflag:s10] =	ssyncset.done $0x0  }
0x13: {  	[sflag:s10] =	ssyncadd.s32 $0xFFFFFB00  }
0x14: {  	[tilespmem:s3], [sflag:$0x3] =	stream.linear.gather [hbm4b:s8+s3], $0x2800, $0x38;
	[tilespmem:$0x6000] =	vst v63  }
0x15: {  	_ =	swait.ge [sflag:s10], $0x2800  }
0x16: {  	[sflag:s10] =	ssyncset.done $0x0  }
0x17: {  	s17 =	simm.s32 $0x0;
	[sflag:s10] =	ssyncadd.s32 $0xFFFFD800  }
.LBB2_2:
0x18: {  	p0 =	sne.s32 s17, $0x1FC0  }
.Ltmp0:
0x19: {  	_ = 	snop;
	(pc) =	sbr.rel @p0 .LBB2_2-.Ltmp0, $3  }
0x1a: {  	_ =	sdelay $0x1  }
0x1b: {  	s18 =	sshra.s32 s17, $0x2  }
0x1c: {  	s17 =	sadd.s32 $0x40, s17;
	[tilespmem:s18+$0x2800] =	vst v0  }
0x1d: {  	s17 =	simm.s32 $0x40;
	s18 =	simm.s32 $0x0  }
.LBB2_4:
0x1e: {  	p0 =	sne.s32 s17, $0x1FC0;
	[tilespmem:s18+$0x3000] =	vst v0;
	s18 =	smov.u32 s17;
	s17 =	sadd.s32 $0x40, s17  }
.Ltmp1:
0x1f: {  	(pc) =	sbr.rel @p0 .LBB2_4-.Ltmp1, $2  }
0x20: {  	_ =	sdelay $0x2  }
0x21: {  	s18 =	sshra.s32 s18, $0x2  }
0x22: {  	[tilespmem:s18+$0x3000] =	vst v0  }
0x23: {  	[bflag:$0x0] =	sbarrier.arrive $0xFFFF  }
0x24: {  	[spmem:s1] =	stream.indirect.scatter.add.f32 [tilespmem:s12], [sflag:$0x1], $0x10, s3, s11, $0xb8;
	[tilespmem:$0x6000] =	vst v63  }
0x25: {  	_ = 	snop  }
0x26: {  	[spmem:s1] =	stream.indirect.scatter.add.f32 [tilespmem:s13], [sflag:$0x2], $0x10, s11, s11, $0xb8;
	[tilespmem:$0x6000] =	vst v63  }
0x27: {  	_ =	swait.ge [sflag:s14], $0x800  }
0x28: {  	[sflag:s14] =	ssyncset.done $0x0  }
0x29: {  	s17 =	simm.s32 $0x100;
	[sflag:s14] =	ssyncadd.s32 $0xFFFFF800  }
0x2a: {  	[spmem:s1] =	stream.indirect.scatter.add.f32 [tilespmem:s12], [sflag:$0x1], $0x10, s17, s11, $0xb8;
	[tilespmem:$0x6000] =	vst v63  }
0x2b: {  	_ =	swait.ge [sflag:s15], $0x800  }
0x2c: {  	[sflag:s15] =	ssyncset.done $0x0  }
0x2d: {  	s18 =	simm.s32 $0x180;
	s17 =	simm.s32 $0xFFFF6800;
	[sflag:s15] =	ssyncadd.s32 $0xFFFFF800  }
.LBB2_6:
0x2e: {  	[spmem:s1] =	stream.indirect.scatter.add.f32 [tilespmem:s13], [sflag:$0x2], $0x10, s18, s11, $0xb8;
	[tilespmem:$0x6000] =	vst v63  }
0x2f: {  	s18 =	smov.u32 s17  }
0x30: {  	p0 =	sne.s32 s17, $0xFFFFFC00;
	s17 =	sadd.s32 $0x400, s17;
	_ =	swait.ge [sflag:s14], $0x800  }
0x31: {  	s18 =	sshra.s32 s18, $0x2;
	[sflag:s14] =	ssyncset.done $0x0  }
.Ltmp2:
0x32: {  	s19 =	sadd.s32 $0x2800, s18;
	[sflag:s14] =	ssyncadd.s32 $0xFFFFF800;
	(pc) =	sbr.rel @p0 .LBB2_6-.Ltmp2, $4  }
0x33: {  	[spmem:s1] =	stream.indirect.scatter.add.f32 [tilespmem:s12], [sflag:$0x1], $0x10, s19, s11, $0xb8;
	[tilespmem:$0x6000] =	vst v63  }
0x34: {  	_ =	swait.ge [sflag:s15], $0x800  }
0x35: {  	[sflag:s15] =	ssyncset.done $0x0  }
0x36: {  	s18 =	sadd.s32 $0x2880, s18;
	[sflag:s15] =	ssyncadd.s32 $0xFFFFF800  }
0x37: {  	[spmem:s1] =	stream.indirect.scatter.add.f32 [tilespmem:s13], [sflag:$0x2], $0x10, s18, s11, $0xb8;
	[tilespmem:$0x6000] =	vst v63  }
0x38: {  	_ =	swait.ge [sflag:s14], $0x800  }
0x39: {  	[sflag:s14] =	ssyncset.done $0x0  }
0x3a: {  	[sflag:s14] =	ssyncadd.s32 $0xFFFFF800  }
0x3b: {  	_ =	swait.ge [sflag:s15], $0x800  }
0x3c: {  	s16 =	sadd.s32 $0x1, s16;
	[sflag:s15] =	ssyncset.done $0x0  }
0x3d: {  	p0 =	sne.s32 s16, s7;
	[sflag:s15] =	ssyncadd.s32 $0xFFFFF800  }
.Ltmp3:
0x3e: {  	[bflag:$0x0] =	sbarrier.arrive $0xFFFF;
	(pc) =	sbr.rel @p0 .LBB2_1-.Ltmp3, $4  }
0x3f: {  	[hbm:s6], [sflag:s5] =	dma.local [spmem:s9], $0x500  }
0x40: {  	_ =	swait.ge [sflag:s10], $0x500  }
0x41: {  	[sflag:s10] =	ssyncset.done $0x0  }
0x42: {  	[sflag:s10] =	ssyncadd.s32 $0xFFFFFB00  }
0x43: {  	_ =	sfence.sel $0x180000  }
0x44: {  	[bflag:$0x0] =	sbarrier.arrive $0xFFFF  }
0x45: {  	p0 =	sne.s32 s2, $0x0;
	_ =	strace $0x90000047  }
0x46: {  	s0 =	sadd.s32 @!p0 $0x100000, s0;
	[bflag:$0x2] =	sbarrier.arrive $0xFFFF  }
0x47: {  	[sflag:s0] =	ssyncadd.tile.s32 @!p0 $0x1;
	_ =	shalt  }
.Lfunc_end2:
_tile_overlayer_lowered:
.L_overlay_start_2:
0x48: {  	(tag) =	ssettag $0x2  }
0x49: {  	s0 =	rddreg [dreg:$0x0];
	s2 =	stileid.u32  }
0x4a: {  	s1 =	rddreg [dreg:$0x1];
	p0 =	sne.s32 s2, $0x0  }
0x4b: {  	s3 =	rddreg [dreg:$0x2];
	[bflag:$0x3] =	sbarrier.arrive $0xFFFF;
	s2 =	simm.s32 @!p0 $0x1C03  }
0x4c: {  	[timem:s3], [sflag:s2] =	dma.local @!p0 [hbm:s0], s1  }
0x4d: {  	s0 =	simm.s32 @!p0 $0x3  }
0x4e: {  	_ =	swait.ge @!p0 [sflag:s0], s1  }
0x4f: {  	s1 =	ssub.s32 @!p0 $0x0, s1;
	[sflag:s0] =	ssyncset.done @!p0 $0x0  }
0x50: {  	[sflag:s0] =	ssyncadd.s32 @!p0 s1  }
0x51: {  	[bflag:$0x3] =	sbarrier.arrive $0xFFFF  }
0x52: {  	_ =	shalt  }

// kernel: kernel.15.cloned.1.call-start
scs
__scs_entry_jumppad:
0x0: {  	(pc) =	sbr.rel $0x88, $3  }
0x1: {  	(tag) =	ssettag $0x0;
	lr =	simm.s32 $0x1  }
0x2: {  	[smem:$0x3F8F] =	sst lr;
	_ =	strace $0xD0000000  }
0x3: {  	_ = 	snop  }
0x4: {  	_ = 	snop  }
0x5: {  	_ = 	snop  }
0x6: {  	_ = 	snop  }
0x7: {  	_ = 	snop  }
__scs_overlays_trampoline_lowered:
0x8: {  	[smem:$0x3F9E] =	sst s0  }
0x9: {  	[smem:$0x3F9F] =	sst s1  }
0xa: {  	[smem:$0x3FA0] =	sst s2  }
0xb: {  	[smem:$0x3FA1] =	sst s3  }
0xc: {  	[smem:$0x3FA2] =	sst s4  }
0xd: {  	[smem:$0x3FA3] =	sst s5  }
0xe: {  	[smem:$0x3FA4] =	sst s6  }
0xf: {  	[smem:$0x3FA5] =	sst s7  }
0x10: {  	[smem:$0x3FA6] =	sst s8  }
0x11: {  	[smem:$0x3FA7] =	sst s9;
	s0 =	simm.s32 @!p0 $0x0  }
0x12: {  	s1 =	sld [smem:$0x3F8D];
	s0 =	simm.s32 @p0 $0x1  }
0x13: {  	[smem:$0x3FA8] =	sst s0;
	s0 =	simm.s32 @!p1 $0x0  }
0x14: {  	s2 =	sld [smem:$0x3F8C];
	s0 =	simm.s32 @p1 $0x1  }
0x15: {  	[smem:$0x3FA9] =	sst s0;
	s0 =	simm.s32 @!p2 $0x0  }
0x16: {  	s3 =	sld [smem:$0x3FDB];
	s0 =	simm.s32 @p2 $0x1  }
0x17: {  	s4 =	simm.s32 $0x1BF5;
	[smem:$0x3FAB] =	sst s0  }
0x18: {  	s0 =	sld [smem:$0x3F8E];
	_ =	swait.ge [sflag:s4], $0x0  }
0x19: {  	s7 =	sld [smem:$0x3F8F]  }
0x1a: {  	s8 =	sadd.s32 $0xFFFFE003, lr  }
0x1b: {  	s9 =	sadd.s32 $0xFFFFFEF7, lr;
	s5 =	simm.s32 $0xFFFFFFFF;
	p2 =	slt.u32 s8, $0xFFFFF086  }
0x1c: {  	p1 =	slt.u32 s9, $0xF7A;
	s5 =	simm.s32 @!p2 $0x0  }
0x1d: {  	s5 =	simm.s32 @p1 $0x1;
	p0 =	seq.s32 s7, s2  }
0x1e: {  	s7 =	smul.u32 @!p0 $0xF7A, s2;
	p2 =	seq.s32 @!p0 s5, $0x0  }
0x1f: {  	s9 =	smul.u32 $0xF7A, s1;
	s8 =	simm.s32 @!p0 $0x1BF5;
	p2 =	por !p2, p0  }
0x20: {  	[sflag:s8] =	ssyncset.s32 @!p0 $0xFFFFF086;
	s6 =	sadd.s32 @!p0 s3, s7;
	s7 =	simm.s32 @!p0 $0x108  }
0x21: {  	s3 =	sadd.s32 s3, s9;
	s6 =	sadd.s32 @!p0 $0x88, s6;
	s7 =	simm.s32 @p2 $0x1082  }
0x22: {  	[simem:s7], [sflag:s8] =	dma.local @!p0 [hbm:s6], $0xF7A  }
0x23: {  	s9 =	sor.u32 $0xD0000000, s2;
	s6 =	simm.s32 $0x108;
	_ =	swait.ge @!p0 [sflag:s8], $0x0  }
0x24: {  	s3 =	sadd.s32 $0x88, s3;
	s6 =	simm.s32 @!p1 $0x1082;
	[sflag:s4] =	ssyncset.s32 $0xFFFFF086  }
0x25: {  	[simem:s6], [sflag:s4] =	dma.local [hbm:s3], $0xF7A  }
0x26: {  	[smem:$0x3F8F] =	sst s1;
	(tag) =	ssettag s2;
	_ =	strace s9  }
0x27: {  	s1 =	sld [smem:$0x3F9F]  }
0x28: {  	s2 =	sld [smem:$0x3FA0]  }
0x29: {  	s4 =	sld [smem:$0x3FA2]  }
0x2a: {  	p0 =	seq.s32 s5, $0x0;
	s5 =	sld [smem:$0x3FA3]  }
0x2b: {  	s6 =	sld [smem:$0x3FA4]  }
0x2c: {  	s7 =	sld [smem:$0x3FA5]  }
0x2d: {  	s3 =	simm.s32 $0x108;
	s8 =	sld [smem:$0x3FA6]  }
0x2e: {  	s3 =	simm.s32 @!p0 $0x1082;
	s9 =	sld [smem:$0x3FA7]  }
0x2f: {  	lr =	sadd.s32 s0, s3;
	s0 =	sld [smem:$0x3F9E]  }
0x30: {  	s3 =	sld [smem:$0x3FA1]  }
0x31: {  	[smem:$0x3FAA] =	sst s10  }
0x32: {  	s10 =	sld [smem:$0x3FA8];
	_ =	sdelay $0x3  }
0x33: {  	p0 =	seq.s32 s10, $0x1;
	s10 =	sld [smem:$0x3FAA];
	_ =	sdelay $0x3  }
0x34: {  	[smem:$0x3FAA] =	sst s10  }
0x35: {  	s10 =	sld [smem:$0x3FA9];
	_ =	sdelay $0x3  }
0x36: {  	p1 =	seq.s32 s10, $0x1;
	s10 =	sld [smem:$0x3FAA];
	_ =	sdelay $0x3  }
0x37: {  	[smem:$0x3FAA] =	sst s10  }
0x38: {  	s10 =	sld [smem:$0x3FAB]  }
0x39: {  	_ = 	snop;
	(pc) =	sbr.ind lr, $3  }
0x3a: {  	_ = 	snop  }
0x3b: {  	_ = 	snop  }
0x3c: {  	p2 =	seq.s32 s10, $0x1;
	s10 =	sld [smem:$0x3FAA]  }
0x3d: {  	_ =	shalt  }
0x3e: {  	_ =	shalt  }
0x3f: {  	_ =	shalt  }
0x40: {  	_ =	shalt  }
0x41: {  	_ =	shalt  }
0x42: {  	_ =	shalt  }
0x43: {  	_ =	shalt  }
0x44: {  	_ =	shalt  }
0x45: {  	_ =	shalt  }
0x46: {  	_ =	shalt  }
0x47: {  	_ =	shalt  }
0x48: {  	_ =	shalt  }
0x49: {  	_ =	shalt  }
0x4a: {  	_ =	shalt  }
0x4b: {  	_ =	shalt  }
0x4c: {  	_ =	shalt  }
0x4d: {  	_ =	shalt  }
0x4e: {  	_ =	shalt  }
0x4f: {  	_ =	shalt  }
0x50: {  	_ =	shalt  }
0x51: {  	_ =	shalt  }
0x52: {  	_ =	shalt  }
0x53: {  	_ =	shalt  }
0x54: {  	_ =	shalt  }
0x55: {  	_ =	shalt  }
0x56: {  	_ =	shalt  }
0x57: {  	_ =	shalt  }
0x58: {  	_ =	shalt  }
0x59: {  	_ =	shalt  }
0x5a: {  	_ =	shalt  }
0x5b: {  	_ =	shalt  }
0x5c: {  	_ =	shalt  }
0x5d: {  	_ =	shalt  }
0x5e: {  	_ =	shalt  }
0x5f: {  	_ =	shalt  }
0x60: {  	_ =	shalt  }
0x61: {  	_ =	shalt  }
0x62: {  	_ =	shalt  }
0x63: {  	_ =	shalt  }
0x64: {  	_ =	shalt  }
0x65: {  	_ =	shalt  }
0x66: {  	_ =	shalt  }
0x67: {  	_ =	shalt  }
0x68: {  	_ =	shalt  }
0x69: {  	_ =	shalt  }
0x6a: {  	_ =	shalt  }
0x6b: {  	_ =	shalt  }
0x6c: {  	_ =	shalt  }
0x6d: {  	_ =	shalt  }
0x6e: {  	_ =	shalt  }
0x6f: {  	_ =	shalt  }
0x70: {  	_ =	shalt  }
0x71: {  	_ =	shalt  }
0x72: {  	_ =	shalt  }
0x73: {  	_ =	shalt  }
0x74: {  	_ =	shalt  }
0x75: {  	_ =	shalt  }
0x76: {  	_ =	shalt  }
0x77: {  	_ =	shalt  }
0x78: {  	_ =	shalt  }
0x79: {  	_ =	shalt  }
0x7a: {  	_ =	shalt  }
0x7b: {  	_ =	shalt  }
0x7c: {  	_ =	shalt  }
0x7d: {  	_ =	shalt  }
0x7e: {  	_ =	shalt  }
0x7f: {  	_ =	shalt  }
0x80: {  	_ =	shalt  }
0x81: {  	_ =	shalt  }
0x82: {  	_ =	shalt  }
0x83: {  	_ =	shalt  }
0x84: {  	_ =	shalt  }
0x85: {  	_ =	shalt  }
0x86: {  	_ =	shalt  }
0x87: {  	_ =	shalt  }
.Lfunc_end0:
.L_simem_size_0:
called_computation.1_lowered:
.L_overlay_start_0:
0x88: {  	s2 =	sld [smem:$0x3FD9]  }
0x89: {  	s3 =	sld [smem:$0x3FFE];
	_ =	sdelay $0x1  }
0x8a: {  	s1 =	srdreg.scid  }
0x8b: {  	s0 =	sand.u32 $0x1, s1  }
0x8c: {  	s14 =	sshll.u32 s0, $0xA;
	s2 =	sadd.s32 s3, s2  }
0x8d: {  	s2 =	sadd.s32 s2, s14  }
0x8e: {  	[smem:$0x3FB6] =	sst s2  }
0x8f: {  	_ = 	snop  }
0x90: {  	s2 =	sld [smem:$0x3FD0];
	_ =	sdelay $0x2  }
0x91: {  	s15 =	simm.s32 $0xB;
	s4 =	simm.s32 $0x10  }
0x92: {  	[smem:s4], [sflag:s15] =	dma.local [hbm:s2], $0x1  }
0x93: {  	_ =	swait.eq [sflag:s15], $0x1  }
0x94: {  	s16 =	sld [smem:$0x10];
	[sflag:s15] =	ssyncset.done $0x0  }
0x95: {  	s17 =	sld [smem:$0x11];
	[sflag:s15] =	ssyncadd.s32 $0xFFFFFFFF  }
0x96: {  	s18 =	sld [smem:$0x12];
	(tm) =	ssettm $0x1  }
0x97: {  	s5 =	sld [smem:$0x3FFB];
	_ =	sdelay $0x3  }
0x98: {  	_ =	strace s5  }
0x99: {  	s5 =	sld [smem:$0x3FFC];
	_ =	sdelay $0x3  }
0x9a: {  	_ =	strace s5  }
0x9b: {  	s5 =	sld [smem:$0x3FFD];
	_ =	sdelay $0x3  }
0x9c: {  	_ =	strace s5  }
0x9d: {  	_ =	strace $0x8FFFFFFF  }
0x9e: {  	s19 =	sld [smem:$0x3FDB];
	_ =	sdelay $0x1  }
0x9f: {  	s6 =	simm.s32 $_scs_section_size  }
0xa0: {  	s7 =	simm.s32 $_size__tile_overlayer_lowered;
	s8 =	simm.s32 $_tile_overlayer_lowered  }
0xa1: {  	s22 =	simm.s32 $0x1BFF;
	s21 =	sshll.u32 s8, $0x1;
	s5 =	sadd.s32 s6, s19  }
0xa2: {  	s9 =	simm.s32 $0x0;
	s20 =	sshll.u32 s7, $0x1;
	s7 =	sadd.s32 s21, s5  }
0xa3: {  	[timem:s9], [sflag:s22] =	dma.local [hbm:s7], s20  }
0xa4: {  	_ =	swait.ge [sflag:s22], s20  }
0xa5: {  	s6 =	ssub.s32 $0x0, s20;
	[sflag:s22] =	ssyncset.done $0x0  }
0xa6: {  	[sflag:s22] =	ssyncadd.s32 s6;
	_ =	sdelay $0x1  }
0xa7: {  	s23 =	simm.s32 $0x1B8B  }
0xa8: {  	_ =	swait.ge [sflag:s23], $0x1  }
0xa9: {  	[sflag:s23] =	ssyncset.done $0x0  }
0xaa: {  	s25 =	simm.s32 $0x1B8E;
	s24 =	sld [smem:$0x3FFE];
	[sflag:s23] =	ssyncadd.s32 $0xFFFFFFFF  }
0xab: {  	s26 =	simm.s32 $execute0_lowered;
	[smem:$0x3FD2] =	sst s25  }
0xac: {  	s7 =	sshll.u32 s26, $0x1;
	_ =	strace $0x80000049;
	[dreg:$0x1] =	wrdreg $0xFFFFFFFF  }
0xad: {  	s28 =	simm.s32 $_size_execute0_lowered;
	s5 =	sadd.s32 s5, s7;
	[dreg:$0x0] =	wrdreg $0x0  }
0xae: {  	s7 =	sshll.u32 s28, $0x1;
	[dreg:$0x2] =	wrdreg s5  }
0xaf: {  	[dreg:$0x3] =	wrdreg s7  }
0xb0: {  	[dreg:$0x4] =	wrdreg $0xC0  }
0xb1: {  	_ =	task [dreg:s9], $0x5FFFF  }
0xb2: {  	[dreg:$0x1] =	wrdreg $0xFFFFFFFF  }
0xb3: {  	[dreg:$0x0] =	wrdreg $0x60  }
0xb4: {  	[dreg:$0x2] =	wrdreg s24  }
0xb5: {  	[dreg:$0x3] =	wrdreg s17  }
0xb6: {  	[dreg:$0x4] =	wrdreg s18  }
0xb7: {  	[dreg:$0x5] =	wrdreg s16  }
0xb8: {  	[dreg:$0x6] =	wrdreg $0x70000  }
0xb9: {  	[dreg:$0x7] =	wrdreg $0x98000  }
0xba: {  	[dreg:$0x8] =	wrdreg $0x9  }
0xbb: {  	_ =	task.clear_ibuf [dreg:s9], $0x9FFFF;
	_ =	strace $0x90000049  }
0xbc: {  	s29 =	simm.s32 $0x9;
	_ =	strace $0x8000004B  }
0xbd: {  	_ =	swait.ge [sflag:s29], $0x1  }
0xbe: {  	[sflag:s29] =	ssyncadd.s32 $0xFFFFFFFF  }
0xbf: {  	_ =	strace $0x9000004B  }
0xc0: {  	_ =	sfence  }
0xc1: {  	s30 =	sld [smem:$0x0];
	_ =	sdelay $0x2  }
0xc2: {  	s31 =	sshll.u32 s1, $0xD;
	s1 =	sshrl.u32 s1, $0x2  }
0xc3: {  	s3 =	sand.u32 $0x4000, s31;
	s1 =	sadd.s32 s1, s30  }
0xc4: {  	s0 =	sor.u32 s3, s0;
	s1 =	sshll.u32 s1, $0x11  }
0xc5: {  	s0 =	sor.u32 s1, s0  }
0xc6: {  	s0 =	sadd.s32 $0x8F2B, s0  }
0xc7: {  	[sflag:s0] =	ssyncadd.remote.s32 $0x1  }
0xc8: {  	_ =	sfence.sel $0xFFFF  }
0xc9: {  	[dreg:$0x0] =	wrdreg $0xFFFFFFFF;
	(pc) =	sbr.abs _section_cstart, $3  }
0xca: {  	[dreg:$0x1] =	wrdreg $0xFFFFFFFF  }
0xcb: {  	_ =	task.clear_ibuf [dreg:s9], $0x2FFFF;
	_ =	strace $0x9FFFFFFF  }
0xcc: {  	(tm) =	ssettm $0x7FFFFFFF  }
0xcd: {  	_ =	shalt  }
tec
execute0_lowered:
.L_overlay_start_1:
0x0: {  	(tag) =	ssettag $0x1  }
0x1: {  	s0 =	rddreg [dreg:$0x0]  }
0x2: {  	s1 =	rddreg [dreg:$0x1]  }
0x3: {  	s11 =	rddreg [dreg:$0x2]  }
0x4: {  	s8 =	rddreg [dreg:$0x3]  }
0x5: {  	s2 =	rddreg [dreg:$0x4]  }
0x6: {  	s3 =	rddreg [dreg:$0x5];
	s17 =	stileid.u32  }
0x7: {  	s4 =	simm.s32 $0x0;
	s5 =	srdreg.scid;
	s18 =	simm.s32 $0x5800  }
0x8: {  	s20 =	simm.s32 $0x6000;
	s22 =	simm.s32 $0x6800;
	s29 =	simm.s32 $0x6  }
0x9: {  	s31 =	simm.s32 $0x3;
	s21 =	simm.s32 $0x7;
	s7 =	smul.u32 $0x2800, s17  }
0xa: {  	[smem:$0x7FF] =	sst s4;
	s9 =	sand.u32 $0x1, s5;
	s12 =	sadd.s32 $0xBE00, s0  }
0xb: {  	s13 =	sadd.s32 $0x6800, s0;
	s5 =	sadd.s32 $0xB800, s0;
	s25 =	sshll.u32 s17, $0x6  }
0xc: {  	s30 =	smul.u32 $0x500, s17;
	s17 =	simm.s32 $0x5000;
	_ =	strace $0x8000004A  }
0xd: {  	s23 =	ssub.s32 $0x2, s9;
	s15 =	smul.u32 $0x28000, s9;
	p0 =	seq.s32 s9, $0x1  }
0xe: {  	s6 =	sshrl.u32 s7, $0x3;
	s14 =	sshrl.u32 s23, $0x1;
	s26 =	sadd.s32 s7, s2  }
0xf: {  	s16 =	sadd.s32 s7, s3;
	s1 =	smov.u32 @p0 s12;
	s11 =	smov.u32 @p0 s13  }
0x10: {  	s13 =	simm.s32 $0x9;
	s10 =	sadd.s32 s6, s0;
	s24 =	ssub.s32 s23, s14  }
0x11: {  	s6 =	sor.u32 $0x1C09, s25;
	s15 =	sadd.s32 s7, s15;
	s11 =	sadd.s32 s11, s30  }
0x12: {  	s12 =	sshrl.u32 s26, $0x3;
	s14 =	sshrl.u32 s16, $0x3;
	s16 =	simm.s32 $0x80  }
0x13: {  	s23 =	simm.s32 $0x1;
	s26 =	simm.s32 $0x5;
	s25 =	simm.s32 $0x8  }
0x14: {  	s0 =	simm.s32 $0x0;
	s7 =	sadd.s32 $0x60000, s10;
	s28 =	sshrl.u32 s15, $0x3  }
0x15: {  	s9 =	smax.u32 s24, $0x1;
	s10 =	sadd.s32 s1, s30;
	s15 =	simm.s32 $0x2800  }
0x16: {  	s24 =	simm.s32 $0x2;
	s1 =	simm.s32 $0x4;
	s8 =	sadd.s32 s8, s28  }
.LBB2_1:
0x17: {  	[spmem:s12], [sflag:s6] =	dma.local [hbm:s5], $0x500  }
0x18: {  	_ =	swait.ge [sflag:s13], $0x500  }
0x19: {  	[sflag:s13] =	ssyncset.done $0x0  }
0x1a: {  	[sflag:s13] =	ssyncadd.s32 $0xFFFFFB00  }
0x1b: {  	[spmem:s14], [sflag:s6] =	dma.local [hbm:s7], $0x500  }
0x1c: {  	_ =	swait.ge [sflag:s13], $0x500  }
0x1d: {  	[sflag:s13] =	ssyncset.done $0x0  }
0x1e: {  	[sflag:s13] =	ssyncadd.s32 $0xFFFFFB00  }
0x1f: {  	[tilespmem:s4], [sflag:$0x9] =	stream.linear.gather [hbm4b:s10+s4], $0x2800, $0x38;
	[tilespmem:$0xC000] =	vst v63  }
0x20: {  	_ =	swait.ge [sflag:s13], $0x2800  }
0x21: {  	[sflag:s13] =	ssyncset.done $0x0  }
0x22: {  	[sflag:s13] =	ssyncadd.s32 $0xFFFFD800  }
0x23: {  	[tilespmem:s15], [sflag:$0x9] =	stream.linear.gather [hbm4b:s11+s4], $0x2800, $0x38;
	[tilespmem:$0xC000] =	vst v63  }
0x24: {  	_ =	swait.ge [sflag:s13], $0x2800  }
0x25: {  	[sflag:s13] =	ssyncset.done $0x0  }
0x26: {  	[sflag:s13] =	ssyncadd.s32 $0xFFFFD800  }
0x27: {  	[bflag:$0x0] =	sbarrier.arrive $0xFFFF  }
0x28: {  	[tilespmem:s17], [sflag:$0x1] =	stream.indirect.gather [spmem:s3], $0x10, s4, s16, $0xb8;
	[tilespmem:$0xC000] =	vst v63  }
0x29: {  	_ = 	snop  }
0x2a: {  	[tilespmem:s18], [sflag:$0x2] =	stream.indirect.gather [spmem:s3], $0x10, s16, s16, $0xb8;
	[tilespmem:$0xC000] =	vst v63  }
0x2b: {  	s19 =	simm.s32 $0x100  }
0x2c: {  	[tilespmem:s20], [sflag:$0x3] =	stream.indirect.gather [spmem:s3], $0x10, s19, s16, $0xb8;
	[tilespmem:$0xC000] =	vst v63  }
0x2d: {  	s30 =	simm.s32 $0x180  }
0x2e: {  	[tilespmem:s22], [sflag:$0x4] =	stream.indirect.gather [spmem:s3], $0x10, s30, s16, $0xb8;
	[tilespmem:$0xC000] =	vst v63  }
0x2f: {  	_ =	swait.ge [sflag:s23], $0x800  }
0x30: {  	[sflag:s23] =	ssyncset.done $0x0  }
0x31: {  	[sflag:s23] =	ssyncadd.s32 $0xFFFFF800  }
0x32: {  	[spmem:s2] =	stream.indirect.scatter.add.f32 [tilespmem:s17], [sflag:$0x5], $0x10, s15, s16, $0xb8;
	[tilespmem:$0xC000] =	vst v63  }
0x33: {  	_ =	swait.ge [sflag:s24], $0x800  }
0x34: {  	[sflag:s24] =	ssyncset.done $0x0  }
0x35: {  	s30 =	simm.s32 $0x2880;
	[sflag:s24] =	ssyncadd.s32 $0xFFFFF800  }
0x36: {  	[spmem:s2] =	stream.indirect.scatter.add.f32 [tilespmem:s18], [sflag:$0x6], $0x10, s30, s16, $0xb8;
	[tilespmem:$0xC000] =	vst v63  }
0x37: {  	_ =	swait.ge [sflag:s26], $0x800  }
0x38: {  	[sflag:s26] =	ssyncset.done $0x0  }
0x39: {  	s30 =	simm.s32 $0x200;
	[sflag:s26] =	ssyncadd.s32 $0xFFFFF800  }
0x3a: {  	[tilespmem:s17], [sflag:$0x1] =	stream.indirect.gather [spmem:s3], $0x10, s30, s16, $0xb8;
	[tilespmem:$0xC000] =	vst v63  }
0x3b: {  	_ =	swait.ge [sflag:s29], $0x800  }
0x3c: {  	[sflag:s29] =	ssyncset.done $0x0  }
0x3d: {  	s30 =	simm.s32 $0x280;
	[sflag:s29] =	ssyncadd.s32 $0xFFFFF800  }
0x3e: {  	[tilespmem:s18], [sflag:$0x2] =	stream.indirect.gather [spmem:s3], $0x10, s30, s16, $0xb8;
	[tilespmem:$0xC000] =	vst v63  }
0x3f: {  	_ =	swait.ge [sflag:s31], $0x800  }
0x40: {  	[sflag:s31] =	ssyncset.done $0x0  }
0x41: {  	s30 =	simm.s32 $0x2900;
	[sflag:s31] =	ssyncadd.s32 $0xFFFFF800  }
0x42: {  	[spmem:s2] =	stream.indirect.scatter.add.f32 [tilespmem:s20], [sflag:$0x7], $0x10, s30, s16, $0xb8;
	[tilespmem:$0xC000] =	vst v63  }
0x43: {  	_ =	swait.ge [sflag:s1], $0x800  }
0x44: {  	[sflag:s1] =	ssyncset.done $0x0  }
0x45: {  	s30 =	simm.s32 $0x2980;
	[sflag:s1] =	ssyncadd.s32 $0xFFFFF800  }
0x46: {  	[spmem:s2] =	stream.indirect.scatter.add.f32 [tilespmem:s22], [sflag:$0x8], $0x10, s30, s16, $0xb8;
	[tilespmem:$0xC000] =	vst v63  }
0x47: {  	_ =	swait.ge [sflag:s21], $0x800  }
0x48: {  	[sflag:s21] =	ssyncset.done $0x0  }
0x49: {  	s30 =	simm.s32 $0x300;
	[sflag:s21] =	ssyncadd.s32 $0xFFFFF800  }
0x4a: {  	[tilespmem:s20], [sflag:$0x3] =	stream.indirect.gather [spmem:s3], $0x10, s30, s16, $0xb8;
	[tilespmem:$0xC000] =	vst v63  }
0x4b: {  	_ =	swait.ge [sflag:s25], $0x800  }
0x4c: {  	[sflag:s25] =	ssyncset.done $0x0  }
0x4d: {  	s30 =	simm.s32 $0x380;
	[sflag:s25] =	ssyncadd.s32 $0xFFFFF800  }
0x4e: {  	[tilespmem:s22], [sflag:$0x4] =	stream.indirect.gather [spmem:s3], $0x10, s30, s16, $0xb8;
	[tilespmem:$0xC000] =	vst v63  }
0x4f: {  	_ =	swait.ge [sflag:s23], $0x800  }
0x50: {  	[sflag:s23] =	ssyncset.done $0x0  }
0x51: {  	s30 =	simm.s32 $0x2A00;
	[sflag:s23] =	ssyncadd.s32 $0xFFFFF800  }
0x52: {  	[spmem:s2] =	stream.indirect.scatter.add.f32 [tilespmem:s17], [sflag:$0x5], $0x10, s30, s16, $0xb8;
	[tilespmem:$0xC000] =	vst v63  }
0x53: {  	_ =	swait.ge [sflag:s24], $0x800  }
0x54: {  	[sflag:s24] =	ssyncset.done $0x0  }
0x55: {  	s30 =	simm.s32 $0x2A80;
	[sflag:s24] =	ssyncadd.s32 $0xFFFFF800  }
0x56: {  	[spmem:s2] =	stream.indirect.scatter.add.f32 [tilespmem:s18], [sflag:$0x6], $0x10, s30, s16, $0xb8;
	[tilespmem:$0xC000] =	vst v63  }
0x57: {  	_ =	swait.ge [sflag:s26], $0x800  }
0x58: {  	[sflag:s26] =	ssyncset.done $0x0  }
0x59: {  	s30 =	simm.s32 $0x400;
	[sflag:s26] =	ssyncadd.s32 $0xFFFFF800  }
0x5a: {  	[tilespmem:s17], [sflag:$0x1] =	stream.indirect.gather [spmem:s3], $0x10, s30, s16, $0xb8;
	[tilespmem:$0xC000] =	vst v63  }
0x5b: {  	_ =	swait.ge [sflag:s29], $0x800  }
0x5c: {  	[sflag:s29] =	ssyncset.done $0x0  }
0x5d: {  	s30 =	simm.s32 $0x480;
	[sflag:s29] =	ssyncadd.s32 $0xFFFFF800  }
0x5e: {  	[tilespmem:s18], [sflag:$0x2] =	stream.indirect.gather [spmem:s3], $0x10, s30, s16, $0xb8;
	[tilespmem:$0xC000] =	vst v63  }
0x5f: {  	_ =	swait.ge [sflag:s31], $0x800  }
0x60: {  	[sflag:s31] =	ssyncset.done $0x0  }
0x61: {  	s30 =	simm.s32 $0x2B00;
	[sflag:s31] =	ssyncadd.s32 $0xFFFFF800  }
0x62: {  	[spmem:s2] =	stream.indirect.scatter.add.f32 [tilespmem:s20], [sflag:$0x7], $0x10, s30, s16, $0xb8;
	[tilespmem:$0xC000] =	vst v63  }
0x63: {  	_ =	swait.ge [sflag:s1], $0x800  }
0x64: {  	[sflag:s1] =	ssyncset.done $0x0  }
0x65: {  	s28 =	simm.s32 $0x2B80;
	s19 =	simm.s32 $0x800;
	[sflag:s1] =	ssyncadd.s32 $0xFFFFF800  }
.LBB2_2:
0x66: {  	[spmem:s2] =	stream.indirect.scatter.add.f32 [tilespmem:s22], [sflag:$0x8], $0x10, s28, s16, $0xb8;
	[tilespmem:$0xC000] =	vst v63  }
0x67: {  	s28 =	smov.u32 s19  }
0x68: {  	p0 =	sne.s32 s19, $0x8800;
	s19 =	sadd.s32 $0x800, s19;
	_ =	swait.ge [sflag:s21], $0x800  }
0x69: {  	s28 =	sshra.s32 s28, $0x2;
	[sflag:s21] =	ssyncset.done $0x0  }
0x6a: {  	s30 =	sadd.s32 $0x300, s28;
	[sflag:s21] =	ssyncadd.s32 $0xFFFFF800  }
0x6b: {  	[tilespmem:s20], [sflag:$0x3] =	stream.indirect.gather [spmem:s3], $0x10, s30, s16, $0xb8;
	[tilespmem:$0xC000] =	vst v63  }
0x6c: {  	_ =	swait.ge [sflag:s25], $0x800  }
0x6d: {  	[sflag:s25] =	ssyncset.done $0x0  }
0x6e: {  	s30 =	sadd.s32 $0x380, s28;
	[sflag:s25] =	ssyncadd.s32 $0xFFFFF800  }
0x6f: {  	[tilespmem:s22], [sflag:$0x4] =	stream.indirect.gather [spmem:s3], $0x10, s30, s16, $0xb8;
	[tilespmem:$0xC000] =	vst v63  }
0x70: {  	_ =	swait.ge [sflag:s23], $0x800  }
0x71: {  	[sflag:s23] =	ssyncset.done $0x0  }
0x72: {  	s30 =	sadd.s32 $0x2A00, s28;
	[sflag:s23] =	ssyncadd.s32 $0xFFFFF800  }
0x73: {  	[spmem:s2] =	stream.indirect.scatter.add.f32 [tilespmem:s17], [sflag:$0x5], $0x10, s30, s16, $0xb8;
	[tilespmem:$0xC000] =	vst v63  }
0x74: {  	_ =	swait.ge [sflag:s24], $0x800  }
0x75: {  	[sflag:s24] =	ssyncset.done $0x0  }
0x76: {  	s30 =	sadd.s32 $0x2A80, s28;
	[sflag:s24] =	ssyncadd.s32 $0xFFFFF800  }
0x77: {  	[spmem:s2] =	stream.indirect.scatter.add.f32 [tilespmem:s18], [sflag:$0x6], $0x10, s30, s16, $0xb8;
	[tilespmem:$0xC000] =	vst v63  }
0x78: {  	_ =	swait.ge [sflag:s26], $0x800  }
0x79: {  	[sflag:s26] =	ssyncset.done $0x0  }
0x7a: {  	s30 =	sadd.s32 $0x400, s28;
	[sflag:s26] =	ssyncadd.s32 $0xFFFFF800  }
0x7b: {  	[tilespmem:s17], [sflag:$0x1] =	stream.indirect.gather [spmem:s3], $0x10, s30, s16, $0xb8;
	[tilespmem:$0xC000] =	vst v63  }
0x7c: {  	_ =	swait.ge [sflag:s29], $0x800  }
0x7d: {  	[sflag:s29] =	ssyncset.done $0x0  }
0x7e: {  	s30 =	sadd.s32 $0x480, s28;
	[sflag:s29] =	ssyncadd.s32 $0xFFFFF800  }
0x7f: {  	[tilespmem:s18], [sflag:$0x2] =	stream.indirect.gather [spmem:s3], $0x10, s30, s16, $0xb8;
	[tilespmem:$0xC000] =	vst v63  }
0x80: {  	_ =	swait.ge [sflag:s31], $0x800  }
0x81: {  	[sflag:s31] =	ssyncset.done $0x0  }
.Ltmp0:
0x82: {  	s30 =	sadd.s32 $0x2B00, s28;
	[sflag:s31] =	ssyncadd.s32 $0xFFFFF800;
	(pc) =	sbr.rel @p0 .LBB2_2-.Ltmp0, $4  }
0x83: {  	[spmem:s2] =	stream.indirect.scatter.add.f32 [tilespmem:s20], [sflag:$0x7], $0x10, s30, s16, $0xb8;
	[tilespmem:$0xC000] =	vst v63  }
0x84: {  	_ =	swait.ge [sflag:s1], $0x800  }
0x85: {  	[sflag:s1] =	ssyncset.done $0x0  }
0x86: {  	s28 =	sadd.s32 $0x2B80, s28;
	[sflag:s1] =	ssyncadd.s32 $0xFFFFF800  }
0x87: {  	[spmem:s2] =	stream.indirect.scatter.add.f32 [tilespmem:s22], [sflag:$0x8], $0x10, s28, s16, $0xb8;
	[tilespmem:$0xC000] =	vst v63  }
0x88: {  	_ =	swait.ge [sflag:s21], $0x800  }
0x89: {  	[sflag:s21] =	ssyncset.done $0x0  }
0x8a: {  	s19 =	simm.s32 $0x2700;
	[sflag:s21] =	ssyncadd.s32 $0xFFFFF800  }
0x8b: {  	[tilespmem:s20], [sflag:$0x3] =	stream.indirect.gather [spmem:s3], $0x10, s19, s16, $0xb8;
	[tilespmem:$0xC000] =	vst v63  }
0x8c: {  	_ =	swait.ge [sflag:s25], $0x800  }
0x8d: {  	[sflag:s25] =	ssyncset.done $0x0  }
0x8e: {  	s30 =	simm.s32 $0x2780;
	[sflag:s25] =	ssyncadd.s32 $0xFFFFF800  }
0x8f: {  	[tilespmem:s22], [sflag:$0x4] =	stream.indirect.gather [spmem:s3], $0x10, s30, s16, $0xb8;
	[tilespmem:$0xC000] =	vst v63  }
0x90: {  	_ =	swait.ge [sflag:s23], $0x800  }
0x91: {  	[sflag:s23] =	ssyncset.done $0x0  }
0x92: {  	s28 =	simm.s32 $0x4E00;
	[sflag:s23] =	ssyncadd.s32 $0xFFFFF800  }
0x93: {  	[spmem:s2] =	stream.indirect.scatter.add.f32 [tilespmem:s17], [sflag:$0x5], $0x10, s28, s16, $0xb8;
	[tilespmem:$0xC000] =	vst v63  }
0x94: {  	_ =	swait.ge [sflag:s24], $0x800  }
0x95: {  	[sflag:s24] =	ssyncset.done $0x0  }
0x96: {  	s30 =	simm.s32 $0x4E80;
	[sflag:s24] =	ssyncadd.s32 $0xFFFFF800  }
0x97: {  	[spmem:s2] =	stream.indirect.scatter.add.f32 [tilespmem:s18], [sflag:$0x6], $0x10, s30, s16, $0xb8;
	[tilespmem:$0xC000] =	vst v63  }
0x98: {  	_ =	swait.ge [sflag:s26], $0x800  }
0x99: {  	[sflag:s26] =	ssyncset.done $0x0  }
0x9a: {  	[sflag:s26] =	ssyncadd.s32 $0xFFFFF800  }
0x9b: {  	_ =	swait.ge [sflag:s29], $0x800  }
0x9c: {  	[sflag:s29] =	ssyncset.done $0x0  }
0x9d: {  	[sflag:s29] =	ssyncadd.s32 $0xFFFFF800  }
0x9e: {  	_ =	swait.ge [sflag:s31], $0x800  }
0x9f: {  	[sflag:s31] =	ssyncset.done $0x0  }
0xa0: {  	s28 =	simm.s32 $0x4F00;
	[sflag:s31] =	ssyncadd.s32 $0xFFFFF800  }
0xa1: {  	[spmem:s2] =	stream.indirect.scatter.add.f32 [tilespmem:s20], [sflag:$0x7], $0x10, s28, s16, $0xb8;
	[tilespmem:$0xC000] =	vst v63  }
0xa2: {  	_ =	swait.ge [sflag:s1], $0x800  }
0xa3: {  	[sflag:s1] =	ssyncset.done $0x0  }
0xa4: {  	s30 =	simm.s32 $0x4F80;
	[sflag:s1] =	ssyncadd.s32 $0xFFFFF800  }
0xa5: {  	[spmem:s2] =	stream.indirect.scatter.add.f32 [tilespmem:s22], [sflag:$0x8], $0x10, s30, s16, $0xb8;
	[tilespmem:$0xC000] =	vst v63  }
0xa6: {  	_ =	swait.ge [sflag:s21], $0x800  }
0xa7: {  	[sflag:s21] =	ssyncset.done $0x0  }
0xa8: {  	[sflag:s21] =	ssyncadd.s32 $0xFFFFF800  }
0xa9: {  	_ =	swait.ge [sflag:s25], $0x800  }
0xaa: {  	s0 =	sadd.s32 $0x1, s0;
	[sflag:s25] =	ssyncset.done $0x0  }
0xab: {  	p0 =	sne.s32 s0, s9;
	[sflag:s25] =	ssyncadd.s32 $0xFFFFF800  }
.Ltmp1:
0xac: {  	[bflag:$0x0] =	sbarrier.arrive $0xFFFF;
	(pc) =	sbr.rel @p0 .LBB2_1-.Ltmp1, $4  }
0xad: {  	[hbm:s8], [sflag:s6] =	dma.local [spmem:s12], $0x500  }
0xae: {  	_ =	swait.ge [sflag:s13], $0x500  }
0xaf: {  	[sflag:s13] =	ssyncset.done $0x0  }
0xb0: {  	[sflag:s13] =	ssyncadd.s32 $0xFFFFFB00  }
0xb1: {  	_ =	sfence.sel $0x180000  }
0xb2: {  	[bflag:$0x0] =	sbarrier.arrive $0xFFFF  }
0xb3: {  	_ =	strace $0x9000004A  }
0xb4: {  	s0 =	stileid.u32;
	[bflag:$0x2] =	sbarrier.arrive $0xFFFF  }
0xb5: {  	p0 =	sne.s32 s0, $0x0;
	s0 =	rddreg [dreg:$0x6]  }
0xb6: {  	s0 =	sadd.s32 @!p0 $0x100000, s0  }
0xb7: {  	[sflag:s0] =	ssyncadd.tile.s32 @!p0 $0x1;
	_ =	shalt  }
.Lfunc_end2:
_tile_overlayer_lowered:
.L_overlay_start_2:
0xb8: {  	(tag) =	ssettag $0x2  }
0xb9: {  	s0 =	rddreg [dreg:$0x0];
	s2 =	stileid.u32  }
0xba: {  	s1 =	rddreg [dreg:$0x1];
	p0 =	sne.s32 s2, $0x0  }
0xbb: {  	s3 =	rddreg [dreg:$0x2];
	[bflag:$0x3] =	sbarrier.arrive $0xFFFF;
	s2 =	simm.s32 @!p0 $0x1C09  }
0xbc: {  	[timem:s3], [sflag:s2] =	dma.local @!p0 [hbm:s0], s1  }
0xbd: {  	s0 =	simm.s32 @!p0 $0x9  }
0xbe: {  	_ =	swait.ge @!p0 [sflag:s0], s1  }
0xbf: {  	s1 =	ssub.s32 @!p0 $0x0, s1;
	[sflag:s0] =	ssyncset.done @!p0 $0x0  }
0xc0: {  	[sflag:s0] =	ssyncadd.s32 @!p0 s1  }
0xc1: {  	[bflag:$0x3] =	sbarrier.arrive $0xFFFF  }
0xc2: {  	_ =	shalt  }

// kernel: kernel.18.cloned.1.call-start
scs
__scs_entry_jumppad:
0x0: {  	(pc) =	sbr.rel $0x88, $3  }
0x1: {  	(tag) =	ssettag $0x0;
	lr =	simm.s32 $0x1  }
0x2: {  	[smem:$0x3F8F] =	sst lr;
	_ =	strace $0xD0000000  }
0x3: {  	_ = 	snop  }
0x4: {  	_ = 	snop  }
0x5: {  	_ = 	snop  }
0x6: {  	_ = 	snop  }
0x7: {  	_ = 	snop  }
__scs_overlays_trampoline_lowered:
0x8: {  	[smem:$0x3F9E] =	sst s0  }
0x9: {  	[smem:$0x3F9F] =	sst s1  }
0xa: {  	[smem:$0x3FA0] =	sst s2  }
0xb: {  	[smem:$0x3FA1] =	sst s3  }
0xc: {  	[smem:$0x3FA2] =	sst s4  }
0xd: {  	[smem:$0x3FA3] =	sst s5  }
0xe: {  	[smem:$0x3FA4] =	sst s6  }
0xf: {  	[smem:$0x3FA5] =	sst s7  }
0x10: {  	[smem:$0x3FA6] =	sst s8  }
0x11: {  	[smem:$0x3FA7] =	sst s9;
	s0 =	simm.s32 @!p0 $0x0  }
0x12: {  	s1 =	sld [smem:$0x3F8D];
	s0 =	simm.s32 @p0 $0x1  }
0x13: {  	[smem:$0x3FA8] =	sst s0;
	s0 =	simm.s32 @!p1 $0x0  }
0x14: {  	s2 =	sld [smem:$0x3F8C];
	s0 =	simm.s32 @p1 $0x1  }
0x15: {  	[smem:$0x3FA9] =	sst s0;
	s0 =	simm.s32 @!p2 $0x0  }
0x16: {  	s3 =	sld [smem:$0x3FDB];
	s0 =	simm.s32 @p2 $0x1  }
0x17: {  	s4 =	simm.s32 $0x1BF5;
	[smem:$0x3FAB] =	sst s0  }
0x18: {  	s0 =	sld [smem:$0x3F8E];
	_ =	swait.ge [sflag:s4], $0x0  }
0x19: {  	s7 =	sld [smem:$0x3F8F]  }
0x1a: {  	s8 =	sadd.s32 $0xFFFFE003, lr  }
0x1b: {  	s9 =	sadd.s32 $0xFFFFFEF7, lr;
	s5 =	simm.s32 $0xFFFFFFFF;
	p2 =	slt.u32 s8, $0xFFFFF086  }
0x1c: {  	p1 =	slt.u32 s9, $0xF7A;
	s5 =	simm.s32 @!p2 $0x0  }
0x1d: {  	s5 =	simm.s32 @p1 $0x1;
	p0 =	seq.s32 s7, s2  }
0x1e: {  	s7 =	smul.u32 @!p0 $0xF7A, s2;
	p2 =	seq.s32 @!p0 s5, $0x0  }
0x1f: {  	s9 =	smul.u32 $0xF7A, s1;
	s8 =	simm.s32 @!p0 $0x1BF5;
	p2 =	por !p2, p0  }
0x20: {  	[sflag:s8] =	ssyncset.s32 @!p0 $0xFFFFF086;
	s6 =	sadd.s32 @!p0 s3, s7;
	s7 =	simm.s32 @!p0 $0x108  }
0x21: {  	s3 =	sadd.s32 s3, s9;
	s6 =	sadd.s32 @!p0 $0x88, s6;
	s7 =	simm.s32 @p2 $0x1082  }
0x22: {  	[simem:s7], [sflag:s8] =	dma.local @!p0 [hbm:s6], $0xF7A  }
0x23: {  	s9 =	sor.u32 $0xD0000000, s2;
	s6 =	simm.s32 $0x108;
	_ =	swait.ge @!p0 [sflag:s8], $0x0  }
0x24: {  	s3 =	sadd.s32 $0x88, s3;
	s6 =	simm.s32 @!p1 $0x1082;
	[sflag:s4] =	ssyncset.s32 $0xFFFFF086  }
0x25: {  	[simem:s6], [sflag:s4] =	dma.local [hbm:s3], $0xF7A  }
0x26: {  	[smem:$0x3F8F] =	sst s1;
	(tag) =	ssettag s2;
	_ =	strace s9  }
0x27: {  	s1 =	sld [smem:$0x3F9F]  }
0x28: {  	s2 =	sld [smem:$0x3FA0]  }
0x29: {  	s4 =	sld [smem:$0x3FA2]  }
0x2a: {  	p0 =	seq.s32 s5, $0x0;
	s5 =	sld [smem:$0x3FA3]  }
0x2b: {  	s6 =	sld [smem:$0x3FA4]  }
0x2c: {  	s7 =	sld [smem:$0x3FA5]  }
0x2d: {  	s3 =	simm.s32 $0x108;
	s8 =	sld [smem:$0x3FA6]  }
0x2e: {  	s3 =	simm.s32 @!p0 $0x1082;
	s9 =	sld [smem:$0x3FA7]  }
0x2f: {  	lr =	sadd.s32 s0, s3;
	s0 =	sld [smem:$0x3F9E]  }
0x30: {  	s3 =	sld [smem:$0x3FA1]  }
0x31: {  	[smem:$0x3FAA] =	sst s10  }
0x32: {  	s10 =	sld [smem:$0x3FA8];
	_ =	sdelay $0x3  }
0x33: {  	p0 =	seq.s32 s10, $0x1;
	s10 =	sld [smem:$0x3FAA];
	_ =	sdelay $0x3  }
0x34: {  	[smem:$0x3FAA] =	sst s10  }
0x35: {  	s10 =	sld [smem:$0x3FA9];
	_ =	sdelay $0x3  }
0x36: {  	p1 =	seq.s32 s10, $0x1;
	s10 =	sld [smem:$0x3FAA];
	_ =	sdelay $0x3  }
0x37: {  	[smem:$0x3FAA] =	sst s10  }
0x38: {  	s10 =	sld [smem:$0x3FAB]  }
0x39: {  	_ = 	snop;
	(pc) =	sbr.ind lr, $3  }
0x3a: {  	_ = 	snop  }
0x3b: {  	_ = 	snop  }
0x3c: {  	p2 =	seq.s32 s10, $0x1;
	s10 =	sld [smem:$0x3FAA]  }
0x3d: {  	_ =	shalt  }
0x3e: {  	_ =	shalt  }
0x3f: {  	_ =	shalt  }
0x40: {  	_ =	shalt  }
0x41: {  	_ =	shalt  }
0x42: {  	_ =	shalt  }
0x43: {  	_ =	shalt  }
0x44: {  	_ =	shalt  }
0x45: {  	_ =	shalt  }
0x46: {  	_ =	shalt  }
0x47: {  	_ =	shalt  }
0x48: {  	_ =	shalt  }
0x49: {  	_ =	shalt  }
0x4a: {  	_ =	shalt  }
0x4b: {  	_ =	shalt  }
0x4c: {  	_ =	shalt  }
0x4d: {  	_ =	shalt  }
0x4e: {  	_ =	shalt  }
0x4f: {  	_ =	shalt  }
0x50: {  	_ =	shalt  }
0x51: {  	_ =	shalt  }
0x52: {  	_ =	shalt  }
0x53: {  	_ =	shalt  }
0x54: {  	_ =	shalt  }
0x55: {  	_ =	shalt  }
0x56: {  	_ =	shalt  }
0x57: {  	_ =	shalt  }
0x58: {  	_ =	shalt  }
0x59: {  	_ =	shalt  }
0x5a: {  	_ =	shalt  }
0x5b: {  	_ =	shalt  }
0x5c: {  	_ =	shalt  }
0x5d: {  	_ =	shalt  }
0x5e: {  	_ =	shalt  }
0x5f: {  	_ =	shalt  }
0x60: {  	_ =	shalt  }
0x61: {  	_ =	shalt  }
0x62: {  	_ =	shalt  }
0x63: {  	_ =	shalt  }
0x64: {  	_ =	shalt  }
0x65: {  	_ =	shalt  }
0x66: {  	_ =	shalt  }
0x67: {  	_ =	shalt  }
0x68: {  	_ =	shalt  }
0x69: {  	_ =	shalt  }
0x6a: {  	_ =	shalt  }
0x6b: {  	_ =	shalt  }
0x6c: {  	_ =	shalt  }
0x6d: {  	_ =	shalt  }
0x6e: {  	_ =	shalt  }
0x6f: {  	_ =	shalt  }
0x70: {  	_ =	shalt  }
0x71: {  	_ =	shalt  }
0x72: {  	_ =	shalt  }
0x73: {  	_ =	shalt  }
0x74: {  	_ =	shalt  }
0x75: {  	_ =	shalt  }
0x76: {  	_ =	shalt  }
0x77: {  	_ =	shalt  }
0x78: {  	_ =	shalt  }
0x79: {  	_ =	shalt  }
0x7a: {  	_ =	shalt  }
0x7b: {  	_ =	shalt  }
0x7c: {  	_ =	shalt  }
0x7d: {  	_ =	shalt  }
0x7e: {  	_ =	shalt  }
0x7f: {  	_ =	shalt  }
0x80: {  	_ =	shalt  }
0x81: {  	_ =	shalt  }
0x82: {  	_ =	shalt  }
0x83: {  	_ =	shalt  }
0x84: {  	_ =	shalt  }
0x85: {  	_ =	shalt  }
0x86: {  	_ =	shalt  }
0x87: {  	_ =	shalt  }
.Lfunc_end0:
.L_simem_size_0:
called_computation.2_lowered:
.L_overlay_start_0:
0x88: {  	s2 =	sld [smem:$0x3FD9]  }
0x89: {  	s3 =	sld [smem:$0x3FFE];
	_ =	sdelay $0x1  }
0x8a: {  	s1 =	srdreg.scid  }
0x8b: {  	s0 =	sand.u32 $0x1, s1  }
0x8c: {  	s15 =	sshll.u32 s0, $0xA;
	s2 =	sadd.s32 s3, s2  }
0x8d: {  	s2 =	sadd.s32 s2, s15  }
0x8e: {  	[smem:$0x3FB6] =	sst s2  }
0x8f: {  	_ = 	snop  }
0x90: {  	s2 =	sld [smem:$0x3FD0];
	_ =	sdelay $0x2  }
0x91: {  	s4 =	simm.s32 $0xB;
	s16 =	simm.s32 $0x10  }
0x92: {  	[smem:s16], [sflag:s4] =	dma.local [hbm:s2], $0x1  }
0x93: {  	_ =	swait.eq [sflag:s4], $0x1  }
0x94: {  	[sflag:s4] =	ssyncset.done $0x0  }
0x95: {  	s17 =	sld [smem:$0x11];
	[sflag:s4] =	ssyncadd.s32 $0xFFFFFFFF  }
0x96: {  	s18 =	sld [smem:$0x12];
	(tm) =	ssettm $0x1  }
0x97: {  	s19 =	sld [smem:$0x3FFB];
	_ =	sdelay $0x3  }
0x98: {  	_ =	strace s19  }
0x99: {  	s2 =	sld [smem:$0x3FFC];
	_ =	sdelay $0x3  }
0x9a: {  	_ =	strace s2  }
0x9b: {  	s2 =	sld [smem:$0x3FFD];
	_ =	sdelay $0x3  }
0x9c: {  	_ =	strace s2  }
0x9d: {  	_ =	strace $0x8FFFFFFF  }
0x9e: {  	s20 =	sld [smem:$0x3FDB];
	_ =	sdelay $0x1  }
0x9f: {  	s5 =	simm.s32 $_scs_section_size  }
0xa0: {  	s6 =	simm.s32 $_size__tile_overlayer_lowered;
	s7 =	simm.s32 $_tile_overlayer_lowered  }
0xa1: {  	s8 =	simm.s32 $0x1BFF;
	s21 =	sshll.u32 s7, $0x1;
	s5 =	sadd.s32 s5, s20  }
0xa2: {  	s22 =	simm.s32 $0x0;
	s6 =	sshll.u32 s6, $0x1;
	s7 =	sadd.s32 s21, s5  }
0xa3: {  	[timem:s22], [sflag:s8] =	dma.local [hbm:s7], s6  }
0xa4: {  	_ =	swait.ge [sflag:s8], s6  }
0xa5: {  	s6 =	ssub.s32 $0x0, s6;
	[sflag:s8] =	ssyncset.done $0x0  }
0xa6: {  	[sflag:s8] =	ssyncadd.s32 s6;
	_ =	sdelay $0x1  }
0xa7: {  	s23 =	simm.s32 $0x1B8B  }
0xa8: {  	_ =	swait.ge [sflag:s23], $0x1  }
0xa9: {  	[sflag:s23] =	ssyncset.done $0x0  }
0xaa: {  	[sflag:s23] =	ssyncadd.s32 $0xFFFFFFFF  }
0xab: {  	s6 =	sld [smem:$0x0]  }
0xac: {  	s7 =	sand.u32 $0xFFFFFFFE, s1  }
0xad: {  	p0 =	sne.s32 s1, s7  }
0xae: {  	s7 =	sshll.u32 @p0 s7, $0xE  }
0xaf: {  	s7 =	sadd.s32 @p0 $0x11B8D, s7;
	s8 =	sshll.u32 @p0 s6, $0x11  }
0xb0: {  	s7 =	sor.u32 @p0 s8, s7  }
0xb1: {  	[sflag:s7] =	ssyncadd.remote.s32 @p0 $0x1;
	_ =	sdelay $0x1  }
0xb2: {  	s7 =	simm.s32 @p0 $0x1B8D  }
0xb3: {  	_ =	swait.eq @p0 [sflag:s7], $0x1  }
0xb4: {  	[sflag:s7] =	ssyncadd.s32 @p0 $0xFFFFFFFF  }
0xb5: {  	s8 =	sshll.u32 @!p0 s1, $0xE  }
0xb6: {  	s8 =	sor.u32 @!p0 $0x4000, s8;
	s7 =	simm.s32 @!p0 $0x1B8D  }
0xb7: {  	s6 =	sshll.u32 @!p0 s6, $0x11;
	s8 =	sadd.s32 @!p0 $0x11B8D, s8;
	_ =	swait.eq @!p0 [sflag:s7], $0x1  }
0xb8: {  	s6 =	sor.u32 @!p0 s6, s8;
	[sflag:s7] =	ssyncadd.s32 @!p0 $0xFFFFFFFF  }
0xb9: {  	s25 =	simm.s32 $0x1B8E;
	s24 =	sld [smem:$0x3FFE];
	[sflag:s6] =	ssyncadd.remote.s32 @!p0 $0x1  }
0xba: {  	s26 =	simm.s32 $execute0_lowered;
	[smem:$0x3FD2] =	sst s25  }
0xbb: {  	s7 =	sshll.u32 s26, $0x1;
	_ =	strace $0x8000004C;
	[dreg:$0x1] =	wrdreg $0xFFFFFFFF  }
0xbc: {  	s28 =	simm.s32 $_size_execute0_lowered;
	s5 =	sadd.s32 s5, s7;
	[dreg:$0x0] =	wrdreg $0x0  }
0xbd: {  	s7 =	sshll.u32 s28, $0x1;
	[dreg:$0x2] =	wrdreg s5  }
0xbe: {  	[dreg:$0x3] =	wrdreg s7  }
0xbf: {  	[dreg:$0x4] =	wrdreg $0xC0  }
0xc0: {  	_ =	task [dreg:s22], $0x5FFFF  }
0xc1: {  	[dreg:$0x1] =	wrdreg $0xFFFFFFFF  }
0xc2: {  	[dreg:$0x0] =	wrdreg $0x60  }
0xc3: {  	[dreg:$0x2] =	wrdreg s24  }
0xc4: {  	[dreg:$0x3] =	wrdreg s17  }
0xc5: {  	[dreg:$0x4] =	wrdreg s18  }
0xc6: {  	[dreg:$0x5] =	wrdreg $0xA8000  }
0xc7: {  	[dreg:$0x6] =	wrdreg $0xA  }
0xc8: {  	_ =	task.clear_ibuf [dreg:s22], $0x7FFFF;
	_ =	strace $0x9000004C  }
0xc9: {  	s29 =	simm.s32 $0xA;
	_ =	strace $0x8000004E  }
0xca: {  	_ =	swait.ge [sflag:s29], $0x1  }
0xcb: {  	[sflag:s29] =	ssyncadd.s32 $0xFFFFFFFF  }
0xcc: {  	_ =	strace $0x9000004E  }
0xcd: {  	_ =	sfence  }
0xce: {  	s30 =	sld [smem:$0x0];
	_ =	sdelay $0x2  }
0xcf: {  	s31 =	sshll.u32 s1, $0xD;
	s1 =	sshrl.u32 s1, $0x2  }
0xd0: {  	s4 =	sand.u32 $0x4000, s31;
	s1 =	sadd.s32 s1, s30  }
0xd1: {  	s0 =	sor.u32 s4, s0;
	s1 =	sshll.u32 s1, $0x11  }
0xd2: {  	s0 =	sor.u32 s1, s0  }
0xd3: {  	s0 =	sadd.s32 $0x8F2B, s0  }
0xd4: {  	[sflag:s0] =	ssyncadd.remote.s32 $0x1  }
0xd5: {  	_ =	sfence.sel $0xFFFF  }
0xd6: {  	[dreg:$0x0] =	wrdreg $0xFFFFFFFF;
	(pc) =	sbr.abs _section_cstart, $3  }
0xd7: {  	[dreg:$0x1] =	wrdreg $0xFFFFFFFF  }
0xd8: {  	_ =	task.clear_ibuf [dreg:s22], $0x2FFFF;
	_ =	strace $0x9FFFFFFF  }
0xd9: {  	(tm) =	ssettm $0x7FFFFFFF  }
tec
execute0_lowered:
.L_overlay_start_1:
0x0: {  	(tag) =	ssettag $0x1  }
0x1: {  	s0 =	rddreg [dreg:$0x0]  }
0x2: {  	s3 =	rddreg [dreg:$0x1]  }
0x3: {  	s7 =	rddreg [dreg:$0x2]  }
0x4: {  	s1 =	rddreg [dreg:$0x3]  }
0x5: {  	s2 =	simm.s32 $0x0;
	s5 =	srdreg.scid;
	s18 =	stileid.u32  }
0x6: {  	s21 =	simm.s32 $0x5;
	s28 =	simm.s32 $0x3;
	s29 =	simm.s32 $0x100  }
0x7: {  	s30 =	simm.s32 $0x2;
	s31 =	simm.s32 $0x1480;
	[smem:$0x7FF] =	sst s2  }
0x8: {  	s8 =	sadd.s32 $0x38E00, s0;
	s4 =	sadd.s32 $0xBE00, s0;
	s12 =	smul.u32 $0xBB80, s18  }
0x9: {  	s9 =	sand.u32 $0x1, s5;
	s5 =	sadd.s32 $0x6800, s0;
	s22 =	smul.u32 $0x1F400, s18  }
0xa: {  	s6 =	sadd.s32 $0x65000, s0;
	s0 =	sadd.s32 $0x66800, s0;
	s13 =	smul.u32 $0x2F000, s18  }
0xb: {  	s14 =	smul.u32 $0x7D00, s18;
	_ =	strace $0x8000004D;
	s10 =	ssub.s32 $0x2, s9  }
0xc: {  	p0 =	seq.s32 s9, $0x0;
	s11 =	sshrl.u32 s10, $0x1;
	s12 =	sadd.s32 $0x7D000, s12  }
0xd: {  	s13 =	sshrl.u32 s13, $0x2;
	s23 =	sshrl.u32 s14, $0x3;
	s4 =	smov.u32 @p0 s3  }
0xe: {  	s5 =	smov.u32 @p0 s7;
	p0 =	sne.s32 s9, $0x0;
	s7 =	simm.s32 $0x2780  }
0xf: {  	s10 =	ssub.s32 s10, s11;
	s16 =	sadd.s32 s12, s1;
	s12 =	sshrl.u32 s12, $0x3  }
0x10: {  	s11 =	sshrl.u32 s22, $0x2;
	s24 =	sadd.s32 s13, s1;
	s13 =	sadd.s32 s14, s1  }
0x11: {  	s25 =	sadd.s32 s0, s23;
	s3 =	sshll.u32 @p0 s18, $0x6;
	s22 =	simm.s32 $0x1400  }
0x12: {  	s15 =	sadd.s32 s8, s12;
	s17 =	sadd.s32 s11, s1;
	s8 =	sadd.s32 s8, s23  }
0x13: {  	s11 =	smul.u32 $0x50, s18;
	[dreg:$0x7] =	wrdreg s25;
	s0 =	sadd.s32 s0, s12  }
0x14: {  	s26 =	smax.u32 s10, $0x1;
	s14 =	smov.u32 s16;
	[dreg:$0x5] =	wrdreg s15  }
0x15: {  	s19 =	sshrl.u32 @!p0 s13, $0x3;
	s23 =	simm.s32 $0x80;
	[dreg:$0x6] =	wrdreg s8  }
0x16: {  	s25 =	simm.s32 $0x6800;
	s10 =	simm.s32 $0x0;
	[dreg:$0x8] =	wrdreg s0  }
0x17: {  	s8 =	sadd.s32 $0x7D000, s24;
	[dreg:$0x9] =	wrdreg s26;
	s15 =	sor.u32 @p0 $0x1C05, s3  }
0x18: {  	s0 =	sshrl.u32 @p0 s16, $0x3;
	s17 =	sshrl.u32 @p0 s17, $0x3;
	s16 =	smov.u32 s13  }
0x19: {  	s24 =	simm.s32 $0x2800;
	s26 =	simm.s32 $0x1;
	s3 =	simm.s32 $0x1380  }
0x1a: {  	[dreg:$0xa] =	wrdreg s0;
	s0 =	sshll.u32 @!p0 s18, $0x6;
	s20 =	sshrl.u32 @!p0 s8, $0x3  }
0x1b: {  	s8 =	simm.s32 $0x2700;
	s18 =	sor.u32 @!p0 $0x1C05, s0;
	s0 =	simm.s32 $0x4  }
.LBB2_1:
0x1c: {  	s9 =	rddreg [dreg:$0x5]  }
0x1d: {  	s12 =	rddreg [dreg:$0xa]  }
0x1e: {  	[spmem:s12], [sflag:s15] =	dma.local @p0 [hbm:s9], $0x1770  }
0x1f: {  	s9 =	simm.s32 @p0 $0x5  }
0x20: {  	_ =	swait.ge @p0 [sflag:s9], $0x1770  }
0x21: {  	[sflag:s9] =	ssyncset.done @p0 $0x0  }
0x22: {  	[sflag:s9] =	ssyncadd.s32 @p0 $0xFFFFE890  }
0x23: {  	[spmem:s17], [sflag:s15] =	dma.local @p0 [hbm:s6], $0xFA0  }
0x24: {  	_ =	swait.ge @p0 [sflag:s9], $0xFA0  }
0x25: {  	[sflag:s9] =	ssyncset.done @p0 $0x0  }
0x26: {  	[sflag:s9] =	ssyncadd.s32 @p0 $0xFFFFF060;
	s9 =	rddreg [dreg:$0x6]  }
0x27: {  	[spmem:s19], [sflag:s18] =	dma.local @!p0 [hbm:s9], $0xFA0  }
0x28: {  	s9 =	simm.s32 @!p0 $0x5  }
0x29: {  	_ =	swait.ge @!p0 [sflag:s9], $0xFA0  }
0x2a: {  	[sflag:s9] =	ssyncset.done @!p0 $0x0  }
0x2b: {  	[sflag:s9] =	ssyncadd.s32 @!p0 $0xFFFFF060  }
0x2c: {  	[spmem:s20], [sflag:s18] =	dma.local @!p0 [hbm:s6], $0x1780  }
0x2d: {  	_ =	swait.ge @!p0 [sflag:s9], $0x1780  }
0x2e: {  	[sflag:s9] =	ssyncset.done @!p0 $0x0  }
0x2f: {  	[sflag:s9] =	ssyncadd.s32 @!p0 $0xFFFFE880  }
0x30: {  	p2 =	por $0x1, $0x1;
	s9 =	simm.s32 $0x0;
	[bflag:$0x0] =	sbarrier.arrive $0xFFFF  }
.LBB2_2:
0x31: {  	s9 =	sadd.s32 s11, s9  }
0x32: {  	s9 =	sshll.u32 s9, $0x4  }
0x33: {  	s12 =	sadd.s32 s4, s9  }
0x34: {  	[tilespmem:s2], [sflag:$0x5] =	stream.linear.gather [hbm4b:s12+s2], $0x1400, $0x38;
	[tilespmem:$0x1E100] =	vst v63  }
0x35: {  	_ =	swait.ge [sflag:s21], $0x1400  }
0x36: {  	[sflag:s21] =	ssyncset.done $0x0  }
0x37: {  	s9 =	sadd.s32 s5, s9;
	[sflag:s21] =	ssyncadd.s32 $0xFFFFEC00  }
0x38: {  	[tilespmem:s22], [sflag:$0x5] =	stream.linear.gather [hbm4b:s9+s2], $0x1400, $0x38;
	[tilespmem:$0x1E100] =	vst v63  }
0x39: {  	_ =	swait.ge [sflag:s21], $0x1400  }
0x3a: {  	[sflag:s21] =	ssyncset.done $0x0  }
0x3b: {  	[sflag:s21] =	ssyncadd.s32 $0xFFFFEC00  }
0x3c: {  	[tilespmem:s24], [sflag:$0x1] =	stream.indirect.gather [spmem:s1], $0x80, s2, s23, $0xb8;
	[tilespmem:$0x1E100] =	vst v63  }
0x3d: {  	_ = 	snop  }
0x3e: {  	[tilespmem:s25], [sflag:$0x2] =	stream.indirect.gather [spmem:s1], $0x80, s23, s23, $0xb8;
	[tilespmem:$0x1E100] =	vst v63  }
0x3f: {  	_ =	swait.ge [sflag:s26], $0x4000  }
0x40: {  	[sflag:s26] =	ssyncset.done $0x0  }
0x41: {  	[sflag:s26] =	ssyncadd.s32 $0xFFFFC000  }
0x42: {  	[spmem:s1] =	stream.indirect.scatter.add.f32 [tilespmem:s24], [sflag:$0x3], $0x80, s22, s23, $0xb8;
	[tilespmem:$0x1E100] =	vst v63  }
0x43: {  	_ =	swait.ge [sflag:s28], $0x4000  }
0x44: {  	[sflag:s28] =	ssyncset.done $0x0  }
0x45: {  	[sflag:s28] =	ssyncadd.s32 $0xFFFFC000  }
0x46: {  	[tilespmem:s24], [sflag:$0x1] =	stream.indirect.gather [spmem:s1], $0x80, s29, s23, $0xb8;
	[tilespmem:$0x1E100] =	vst v63  }
0x47: {  	_ =	swait.ge [sflag:s30], $0x4000  }
0x48: {  	[sflag:s30] =	ssyncset.done $0x0  }
0x49: {  	[sflag:s30] =	ssyncadd.s32 $0xFFFFC000  }
0x4a: {  	[spmem:s1] =	stream.indirect.scatter.add.f32 [tilespmem:s25], [sflag:$0x4], $0x80, s31, s23, $0xb8;
	[tilespmem:$0x1E100] =	vst v63  }
0x4b: {  	_ =	swait.ge [sflag:s0], $0x4000  }
0x4c: {  	[sflag:s0] =	ssyncset.done $0x0  }
0x4d: {  	s13 =	simm.s32 $0x180;
	[sflag:s0] =	ssyncadd.s32 $0xFFFFC000  }
0x4e: {  	[tilespmem:s25], [sflag:$0x2] =	stream.indirect.gather [spmem:s1], $0x80, s13, s23, $0xb8;
	[tilespmem:$0x1E100] =	vst v63  }
0x4f: {  	_ =	swait.ge [sflag:s26], $0x4000  }
0x50: {  	[sflag:s26] =	ssyncset.done $0x0  }
0x51: {  	s12 =	simm.s32 $0x1500;
	[sflag:s26] =	ssyncadd.s32 $0xFFFFC000  }
0x52: {  	[spmem:s1] =	stream.indirect.scatter.add.f32 [tilespmem:s24], [sflag:$0x3], $0x80, s12, s23, $0xb8;
	[tilespmem:$0x1E100] =	vst v63  }
0x53: {  	_ =	swait.ge [sflag:s28], $0x4000  }
0x54: {  	[sflag:s28] =	ssyncset.done $0x0  }
0x55: {  	s13 =	simm.s32 $0x200;
	[sflag:s28] =	ssyncadd.s32 $0xFFFFC000  }
0x56: {  	[tilespmem:s24], [sflag:$0x1] =	stream.indirect.gather [spmem:s1], $0x80, s13, s23, $0xb8;
	[tilespmem:$0x1E100] =	vst v63  }
0x57: {  	_ =	swait.ge [sflag:s30], $0x4000  }
0x58: {  	p1 =	por p2, p2;
	[sflag:s30] =	ssyncset.done $0x0  }
0x59: {  	s9 =	simm.s32 $0xFFFFBC00;
	s12 =	simm.s32 $0x1580;
	[sflag:s30] =	ssyncadd.s32 $0xFFFFC000  }
.LBB2_3:
0x5a: {  	[spmem:s1] =	stream.indirect.scatter.add.f32 [tilespmem:s25], [sflag:$0x4], $0x80, s12, s23, $0xb8;
	[tilespmem:$0x1E100] =	vst v63  }
0x5b: {  	s12 =	smov.u32 s9  }
0x5c: {  	p2 =	sne.s32 s9, $0xFFFFFC00;
	s9 =	sadd.s32 $0x400, s9;
	_ =	swait.ge [sflag:s0], $0x4000  }
0x5d: {  	s12 =	sshra.s32 s12, $0x2;
	[sflag:s0] =	ssyncset.done $0x0  }
0x5e: {  	s13 =	sadd.s32 $0x1380, s12;
	[sflag:s0] =	ssyncadd.s32 $0xFFFFC000  }
0x5f: {  	[tilespmem:s25], [sflag:$0x2] =	stream.indirect.gather [spmem:s1], $0x80, s13, s23, $0xb8;
	[tilespmem:$0x1E100] =	vst v63  }
0x60: {  	_ =	swait.ge [sflag:s26], $0x4000  }
0x61: {  	[sflag:s26] =	ssyncset.done $0x0  }
0x62: {  	s13 =	sadd.s32 $0x2700, s12;
	[sflag:s26] =	ssyncadd.s32 $0xFFFFC000  }
0x63: {  	[spmem:s1] =	stream.indirect.scatter.add.f32 [tilespmem:s24], [sflag:$0x3], $0x80, s13, s23, $0xb8;
	[tilespmem:$0x1E100] =	vst v63  }
0x64: {  	_ =	swait.ge [sflag:s28], $0x4000  }
0x65: {  	[sflag:s28] =	ssyncset.done $0x0  }
.Ltmp0:
0x66: {  	s13 =	sadd.s32 $0x1400, s12;
	[sflag:s28] =	ssyncadd.s32 $0xFFFFC000;
	(pc) =	sbr.rel @p2 .LBB2_3-.Ltmp0, $4  }
0x67: {  	[tilespmem:s24], [sflag:$0x1] =	stream.indirect.gather [spmem:s1], $0x80, s13, s23, $0xb8;
	[tilespmem:$0x1E100] =	vst v63  }
0x68: {  	_ =	swait.ge [sflag:s30], $0x4000  }
0x69: {  	[sflag:s30] =	ssyncset.done $0x0  }
0x6a: {  	s12 =	sadd.s32 $0x2780, s12;
	[sflag:s30] =	ssyncadd.s32 $0xFFFFC000  }
0x6b: {  	[spmem:s1] =	stream.indirect.scatter.add.f32 [tilespmem:s25], [sflag:$0x4], $0x80, s12, s23, $0xb8;
	[tilespmem:$0x1E100] =	vst v63  }
0x6c: {  	_ =	swait.ge [sflag:s0], $0x4000  }
0x6d: {  	[sflag:s0] =	ssyncset.done $0x0  }
0x6e: {  	[sflag:s0] =	ssyncadd.s32 $0xFFFFC000  }
0x6f: {  	[tilespmem:s25], [sflag:$0x2] =	stream.indirect.gather [spmem:s1], $0x80, s3, s23, $0xb8;
	[tilespmem:$0x1E100] =	vst v63  }
0x70: {  	_ =	swait.ge [sflag:s26], $0x4000  }
0x71: {  	[sflag:s26] =	ssyncset.done $0x0  }
0x72: {  	[sflag:s26] =	ssyncadd.s32 $0xFFFFC000  }
0x73: {  	[spmem:s1] =	stream.indirect.scatter.add.f32 [tilespmem:s24], [sflag:$0x3], $0x80, s8, s23, $0xb8;
	[tilespmem:$0x1E100] =	vst v63  }
0x74: {  	_ =	swait.ge [sflag:s28], $0x4000  }
0x75: {  	[sflag:s28] =	ssyncset.done $0x0  }
0x76: {  	[sflag:s28] =	ssyncadd.s32 $0xFFFFC000  }
0x77: {  	_ =	swait.ge [sflag:s30], $0x4000  }
0x78: {  	[sflag:s30] =	ssyncset.done $0x0  }
.Ltmp1:
0x79: {  	[sflag:s30] =	ssyncadd.s32 $0xFFFFC000;
	(pc) =	sbr.rel @p1 .LBB2_2-.Ltmp1, $4  }
0x7a: {  	[spmem:s1] =	stream.indirect.scatter.add.f32 [tilespmem:s25], [sflag:$0x4], $0x80, s7, s23, $0xb8;
	[tilespmem:$0x1E100] =	vst v63  }
0x7b: {  	_ =	swait.ge [sflag:s0], $0x4000  }
0x7c: {  	[sflag:s0] =	ssyncset.done $0x0  }
0x7d: {  	s9 =	simm.s32 $0x28;
	p2 =	por $0x0, $0x0;
	[sflag:s0] =	ssyncadd.s32 $0xFFFFC000  }
0x7e: {  	[bflag:$0x0] =	sbarrier.arrive $0xFFFF  }
0x7f: {  	s9 =	sshrl.u32 @p0 s16, $0x3;
	s12 =	rddreg [dreg:$0x7]  }
0x80: {  	[hbm:s12], [sflag:s15] =	dma.local @p0 [spmem:s9], $0xFA0  }
0x81: {  	s9 =	simm.s32 @p0 $0x5  }
0x82: {  	_ =	swait.ge @p0 [sflag:s9], $0xFA0  }
0x83: {  	[sflag:s9] =	ssyncset.done @p0 $0x0  }
0x84: {  	s12 =	rddreg [dreg:$0x8];
	[sflag:s9] =	ssyncadd.s32 @p0 $0xFFFFF060;
	s9 =	sshrl.u32 @!p0 s14, $0x3  }
0x85: {  	[hbm:s12], [sflag:s18] =	dma.local @!p0 [spmem:s9], $0x1770  }
0x86: {  	s9 =	simm.s32 @!p0 $0x5  }
0x87: {  	_ =	swait.ge @!p0 [sflag:s9], $0x1770  }
0x88: {  	s10 =	sadd.s32 $0x1, s10;
	s13 =	rddreg [dreg:$0x9]  }
0x89: {  	p1 =	sne.s32 s10, s13  }
.Ltmp2:
0x8a: {  	_ = 	snop;
	(pc) =	sbr.rel @p1 .LBB2_1-.Ltmp2, $3  }
0x8b: {  	_ =	sdelay $0x1  }
0x8c: {  	[sflag:s9] =	ssyncset.done @!p0 $0x0  }
0x8d: {  	[sflag:s9] =	ssyncadd.s32 @!p0 $0xFFFFE890  }
0x8e: {  	_ =	sfence.sel $0x180000  }
0x8f: {  	[bflag:$0x0] =	sbarrier.arrive $0xFFFF  }
0x90: {  	_ =	strace $0x9000004D  }
0x91: {  	s0 =	stileid.u32;
	[bflag:$0x2] =	sbarrier.arrive $0xFFFF  }
0x92: {  	p0 =	sne.s32 s0, $0x0;
	s0 =	rddreg [dreg:$0x4]  }
0x93: {  	s0 =	sadd.s32 @!p0 $0x100000, s0  }
0x94: {  	[sflag:s0] =	ssyncadd.tile.s32 @!p0 $0x1;
	_ =	shalt  }
.Lfunc_end2:
_tile_overlayer_lowered:
.L_overlay_start_2:
0x95: {  	(tag) =	ssettag $0x2  }
0x96: {  	s0 =	rddreg [dreg:$0x0];
	s2 =	stileid.u32  }
0x97: {  	s1 =	rddreg [dreg:$0x1];
	p0 =	sne.s32 s2, $0x0  }
0x98: {  	s3 =	rddreg [dreg:$0x2];
	[bflag:$0x3] =	sbarrier.arrive $0xFFFF;
	s2 =	simm.s32 @!p0 $0x1C05  }
0x99: {  	[timem:s3], [sflag:s2] =	dma.local @!p0 [hbm:s0], s1  }
0x9a: {  	s0 =	simm.s32 @!p0 $0x5  }
0x9b: {  	_ =	swait.ge @!p0 [sflag:s0], s1  }
0x9c: {  	s1 =	ssub.s32 @!p0 $0x0, s1;
	[sflag:s0] =	ssyncset.done @!p0 $0x0  }
0x9d: {  	[sflag:s0] =	ssyncadd.s32 @!p0 s1  }
0x9e: {  	[bflag:$0x3] =	sbarrier.arrive $0xFFFF  }
0x9f: {  	_ =	shalt  }

// kernel: kernel.21.cloned.1.call-start
scs
__scs_entry_jumppad:
0x0: {  	(pc) =	sbr.rel $0x88, $3  }
0x1: {  	(tag) =	ssettag $0x0;
	lr =	simm.s32 $0x1  }
0x2: {  	[smem:$0x3F8F] =	sst lr;
	_ =	strace $0xD0000000  }
0x3: {  	_ = 	snop  }
0x4: {  	_ = 	snop  }
0x5: {  	_ = 	snop  }
0x6: {  	_ = 	snop  }
0x7: {  	_ = 	snop  }
__scs_overlays_trampoline_lowered:
0x8: {  	[smem:$0x3F9E] =	sst s0  }
0x9: {  	[smem:$0x3F9F] =	sst s1  }
0xa: {  	[smem:$0x3FA0] =	sst s2  }
0xb: {  	[smem:$0x3FA1] =	sst s3  }
0xc: {  	[smem:$0x3FA2] =	sst s4  }
0xd: {  	[smem:$0x3FA3] =	sst s5  }
0xe: {  	[smem:$0x3FA4] =	sst s6  }
0xf: {  	[smem:$0x3FA5] =	sst s7  }
0x10: {  	[smem:$0x3FA6] =	sst s8  }
0x11: {  	[smem:$0x3FA7] =	sst s9;
	s0 =	simm.s32 @!p0 $0x0  }
0x12: {  	s1 =	sld [smem:$0x3F8D];
	s0 =	simm.s32 @p0 $0x1  }
0x13: {  	[smem:$0x3FA8] =	sst s0;
	s0 =	simm.s32 @!p1 $0x0  }
0x14: {  	s2 =	sld [smem:$0x3F8C];
	s0 =	simm.s32 @p1 $0x1  }
0x15: {  	[smem:$0x3FA9] =	sst s0;
	s0 =	simm.s32 @!p2 $0x0  }
0x16: {  	s3 =	sld [smem:$0x3FDB];
	s0 =	simm.s32 @p2 $0x1  }
0x17: {  	s4 =	simm.s32 $0x1BF5;
	[smem:$0x3FAB] =	sst s0  }
0x18: {  	s0 =	sld [smem:$0x3F8E];
	_ =	swait.ge [sflag:s4], $0x0  }
0x19: {  	s7 =	sld [smem:$0x3F8F]  }
0x1a: {  	s8 =	sadd.s32 $0xFFFFE003, lr  }
0x1b: {  	s9 =	sadd.s32 $0xFFFFFEF7, lr;
	s5 =	simm.s32 $0xFFFFFFFF;
	p2 =	slt.u32 s8, $0xFFFFF086  }
0x1c: {  	p1 =	slt.u32 s9, $0xF7A;
	s5 =	simm.s32 @!p2 $0x0  }
0x1d: {  	s5 =	simm.s32 @p1 $0x1;
	p0 =	seq.s32 s7, s2  }
0x1e: {  	s7 =	smul.u32 @!p0 $0xF7A, s2;
	p2 =	seq.s32 @!p0 s5, $0x0  }
0x1f: {  	s9 =	smul.u32 $0xF7A, s1;
	s8 =	simm.s32 @!p0 $0x1BF5;
	p2 =	por !p2, p0  }
0x20: {  	[sflag:s8] =	ssyncset.s32 @!p0 $0xFFFFF086;
	s6 =	sadd.s32 @!p0 s3, s7;
	s7 =	simm.s32 @!p0 $0x108  }
0x21: {  	s3 =	sadd.s32 s3, s9;
	s6 =	sadd.s32 @!p0 $0x88, s6;
	s7 =	simm.s32 @p2 $0x1082  }
0x22: {  	[simem:s7], [sflag:s8] =	dma.local @!p0 [hbm:s6], $0xF7A  }
0x23: {  	s9 =	sor.u32 $0xD0000000, s2;
	s6 =	simm.s32 $0x108;
	_ =	swait.ge @!p0 [sflag:s8], $0x0  }
0x24: {  	s3 =	sadd.s32 $0x88, s3;
	s6 =	simm.s32 @!p1 $0x1082;
	[sflag:s4] =	ssyncset.s32 $0xFFFFF086  }
0x25: {  	[simem:s6], [sflag:s4] =	dma.local [hbm:s3], $0xF7A  }
0x26: {  	[smem:$0x3F8F] =	sst s1;
	(tag) =	ssettag s2;
	_ =	strace s9  }
0x27: {  	s1 =	sld [smem:$0x3F9F]  }
0x28: {  	s2 =	sld [smem:$0x3FA0]  }
0x29: {  	s4 =	sld [smem:$0x3FA2]  }
0x2a: {  	p0 =	seq.s32 s5, $0x0;
	s5 =	sld [smem:$0x3FA3]  }
0x2b: {  	s6 =	sld [smem:$0x3FA4]  }
0x2c: {  	s7 =	sld [smem:$0x3FA5]  }
0x2d: {  	s3 =	simm.s32 $0x108;
	s8 =	sld [smem:$0x3FA6]  }
0x2e: {  	s3 =	simm.s32 @!p0 $0x1082;
	s9 =	sld [smem:$0x3FA7]  }
0x2f: {  	lr =	sadd.s32 s0, s3;
	s0 =	sld [smem:$0x3F9E]  }
0x30: {  	s3 =	sld [smem:$0x3FA1]  }
0x31: {  	[smem:$0x3FAA] =	sst s10  }
0x32: {  	s10 =	sld [smem:$0x3FA8];
	_ =	sdelay $0x3  }
0x33: {  	p0 =	seq.s32 s10, $0x1;
	s10 =	sld [smem:$0x3FAA];
	_ =	sdelay $0x3  }
0x34: {  	[smem:$0x3FAA] =	sst s10  }
0x35: {  	s10 =	sld [smem:$0x3FA9];
	_ =	sdelay $0x3  }
0x36: {  	p1 =	seq.s32 s10, $0x1;
	s10 =	sld [smem:$0x3FAA];
	_ =	sdelay $0x3  }
0x37: {  	[smem:$0x3FAA] =	sst s10  }
0x38: {  	s10 =	sld [smem:$0x3FAB]  }
0x39: {  	_ = 	snop;
	(pc) =	sbr.ind lr, $3  }
0x3a: {  	_ = 	snop  }
0x3b: {  	_ = 	snop  }
0x3c: {  	p2 =	seq.s32 s10, $0x1;
	s10 =	sld [smem:$0x3FAA]  }
0x3d: {  	_ =	shalt  }
0x3e: {  	_ =	shalt  }
0x3f: {  	_ =	shalt  }
0x40: {  	_ =	shalt  }
0x41: {  	_ =	shalt  }
0x42: {  	_ =	shalt  }
0x43: {  	_ =	shalt  }
0x44: {  	_ =	shalt  }
0x45: {  	_ =	shalt  }
0x46: {  	_ =	shalt  }
0x47: {  	_ =	shalt  }
0x48: {  	_ =	shalt  }
0x49: {  	_ =	shalt  }
0x4a: {  	_ =	shalt  }
0x4b: {  	_ =	shalt  }
0x4c: {  	_ =	shalt  }
0x4d: {  	_ =	shalt  }
0x4e: {  	_ =	shalt  }
0x4f: {  	_ =	shalt  }
0x50: {  	_ =	shalt  }
0x51: {  	_ =	shalt  }
0x52: {  	_ =	shalt  }
0x53: {  	_ =	shalt  }
0x54: {  	_ =	shalt  }
0x55: {  	_ =	shalt  }
0x56: {  	_ =	shalt  }
0x57: {  	_ =	shalt  }
0x58: {  	_ =	shalt  }
0x59: {  	_ =	shalt  }
0x5a: {  	_ =	shalt  }
0x5b: {  	_ =	shalt  }
0x5c: {  	_ =	shalt  }
0x5d: {  	_ =	shalt  }
0x5e: {  	_ =	shalt  }
0x5f: {  	_ =	shalt  }
0x60: {  	_ =	shalt  }
0x61: {  	_ =	shalt  }
0x62: {  	_ =	shalt  }
0x63: {  	_ =	shalt  }
0x64: {  	_ =	shalt  }
0x65: {  	_ =	shalt  }
0x66: {  	_ =	shalt  }
0x67: {  	_ =	shalt  }
0x68: {  	_ =	shalt  }
0x69: {  	_ =	shalt  }
0x6a: {  	_ =	shalt  }
0x6b: {  	_ =	shalt  }
0x6c: {  	_ =	shalt  }
0x6d: {  	_ =	shalt  }
0x6e: {  	_ =	shalt  }
0x6f: {  	_ =	shalt  }
0x70: {  	_ =	shalt  }
0x71: {  	_ =	shalt  }
0x72: {  	_ =	shalt  }
0x73: {  	_ =	shalt  }
0x74: {  	_ =	shalt  }
0x75: {  	_ =	shalt  }
0x76: {  	_ =	shalt  }
0x77: {  	_ =	shalt  }
0x78: {  	_ =	shalt  }
0x79: {  	_ =	shalt  }
0x7a: {  	_ =	shalt  }
0x7b: {  	_ =	shalt  }
0x7c: {  	_ =	shalt  }
0x7d: {  	_ =	shalt  }
0x7e: {  	_ =	shalt  }
0x7f: {  	_ =	shalt  }
0x80: {  	_ =	shalt  }
0x81: {  	_ =	shalt  }
0x82: {  	_ =	shalt  }
0x83: {  	_ =	shalt  }
0x84: {  	_ =	shalt  }
0x85: {  	_ =	shalt  }
0x86: {  	_ =	shalt  }
0x87: {  	_ =	shalt  }
.Lfunc_end0:
.L_simem_size_0:
called_computation.3_lowered:
.L_overlay_start_0:
0x88: {  	s2 =	sld [smem:$0x3FD9]  }
0x89: {  	s3 =	sld [smem:$0x3FFE];
	_ =	sdelay $0x1  }
0x8a: {  	s1 =	srdreg.scid  }
0x8b: {  	s0 =	sand.u32 $0x1, s1  }
0x8c: {  	s14 =	sshll.u32 s0, $0xA;
	s2 =	sadd.s32 s3, s2  }
0x8d: {  	s2 =	sadd.s32 s2, s14  }
0x8e: {  	[smem:$0x3FB6] =	sst s2  }
0x8f: {  	_ = 	snop  }
0x90: {  	s2 =	sld [smem:$0x3FD0];
	_ =	sdelay $0x2  }
0x91: {  	s15 =	simm.s32 $0xB;
	s4 =	simm.s32 $0x10  }
0x92: {  	[smem:s4], [sflag:s15] =	dma.local [hbm:s2], $0x1  }
0x93: {  	_ =	swait.eq [sflag:s15], $0x1  }
0x94: {  	[sflag:s15] =	ssyncset.done $0x0  }
0x95: {  	s16 =	sld [smem:$0x11];
	[sflag:s15] =	ssyncadd.s32 $0xFFFFFFFF  }
0x96: {  	s17 =	sld [smem:$0x12];
	(tm) =	ssettm $0x1  }
0x97: {  	s18 =	sld [smem:$0x3FFB];
	_ =	sdelay $0x3  }
0x98: {  	_ =	strace s18  }
0x99: {  	s4 =	sld [smem:$0x3FFC];
	_ =	sdelay $0x3  }
0x9a: {  	_ =	strace s4  }
0x9b: {  	s4 =	sld [smem:$0x3FFD];
	_ =	sdelay $0x3  }
0x9c: {  	_ =	strace s4  }
0x9d: {  	_ =	strace $0x8FFFFFFF  }
0x9e: {  	s19 =	sld [smem:$0x3FDB];
	_ =	sdelay $0x1  }
0x9f: {  	s5 =	simm.s32 $_scs_section_size  }
0xa0: {  	s6 =	simm.s32 $_size__tile_overlayer_lowered;
	s7 =	simm.s32 $_tile_overlayer_lowered  }
0xa1: {  	s22 =	simm.s32 $0x1BFF;
	s21 =	sshll.u32 s7, $0x1;
	s4 =	sadd.s32 s5, s19  }
0xa2: {  	s8 =	simm.s32 $0x0;
	s20 =	sshll.u32 s6, $0x1;
	s6 =	sadd.s32 s21, s4  }
0xa3: {  	[timem:s8], [sflag:s22] =	dma.local [hbm:s6], s20  }
0xa4: {  	_ =	swait.ge [sflag:s22], s20  }
0xa5: {  	s5 =	ssub.s32 $0x0, s20;
	[sflag:s22] =	ssyncset.done $0x0  }
0xa6: {  	[sflag:s22] =	ssyncadd.s32 s5;
	_ =	sdelay $0x1  }
0xa7: {  	s23 =	simm.s32 $0x1B8B  }
0xa8: {  	_ =	swait.ge [sflag:s23], $0x1  }
0xa9: {  	[sflag:s23] =	ssyncset.done $0x0  }
0xaa: {  	s25 =	simm.s32 $0x1B8E;
	s24 =	sld [smem:$0x3FFE];
	[sflag:s23] =	ssyncadd.s32 $0xFFFFFFFF  }
0xab: {  	s26 =	simm.s32 $execute0_lowered;
	[smem:$0x3FD2] =	sst s25  }
0xac: {  	s6 =	sshll.u32 s26, $0x1;
	_ =	strace $0x8000004F;
	[dreg:$0x1] =	wrdreg $0xFFFFFFFF  }
0xad: {  	s28 =	simm.s32 $_size_execute0_lowered;
	s4 =	sadd.s32 s4, s6;
	[dreg:$0x0] =	wrdreg $0x0  }
0xae: {  	s6 =	sshll.u32 s28, $0x1;
	[dreg:$0x2] =	wrdreg s4  }
0xaf: {  	[dreg:$0x3] =	wrdreg s6  }
0xb0: {  	[dreg:$0x4] =	wrdreg $0xC0  }
0xb1: {  	_ =	task [dreg:s8], $0x5FFFF  }
0xb2: {  	[dreg:$0x1] =	wrdreg $0xFFFFFFFF  }
0xb3: {  	[dreg:$0x0] =	wrdreg $0x60  }
0xb4: {  	[dreg:$0x2] =	wrdreg s24  }
0xb5: {  	[dreg:$0x3] =	wrdreg s16  }
0xb6: {  	[dreg:$0x4] =	wrdreg s17  }
0xb7: {  	[dreg:$0x5] =	wrdreg $0xA8000  }
0xb8: {  	[dreg:$0x6] =	wrdreg $0x9  }
0xb9: {  	_ =	task.clear_ibuf [dreg:s8], $0x7FFFF;
	_ =	strace $0x9000004F  }
0xba: {  	s29 =	simm.s32 $0x9;
	_ =	strace $0x80000051  }
0xbb: {  	_ =	swait.ge [sflag:s29], $0x1  }
0xbc: {  	[sflag:s29] =	ssyncadd.s32 $0xFFFFFFFF  }
0xbd: {  	_ =	strace $0x90000051  }
0xbe: {  	_ =	sfence  }
0xbf: {  	s30 =	sld [smem:$0x0];
	_ =	sdelay $0x2  }
0xc0: {  	s31 =	sshll.u32 s1, $0xD;
	s1 =	sshrl.u32 s1, $0x2  }
0xc1: {  	s3 =	sand.u32 $0x4000, s31;
	s1 =	sadd.s32 s1, s30  }
0xc2: {  	s0 =	sor.u32 s3, s0;
	s1 =	sshll.u32 s1, $0x11  }
0xc3: {  	s0 =	sor.u32 s1, s0  }
0xc4: {  	s0 =	sadd.s32 $0x8F2B, s0  }
0xc5: {  	[sflag:s0] =	ssyncadd.remote.s32 $0x1  }
0xc6: {  	_ =	sfence.sel $0xFFFF  }
0xc7: {  	[dreg:$0x0] =	wrdreg $0xFFFFFFFF;
	(pc) =	sbr.abs _section_cstart, $3  }
0xc8: {  	[dreg:$0x1] =	wrdreg $0xFFFFFFFF  }
0xc9: {  	_ =	task.clear_ibuf [dreg:s8], $0x2FFFF;
	_ =	strace $0x9FFFFFFF  }
0xca: {  	(tm) =	ssettm $0x7FFFFFFF  }
0xcb: {  	_ =	shalt  }
tec
execute0_lowered:
.L_overlay_start_1:
0x0: {  	(tag) =	ssettag $0x1  }
0x1: {  	s0 =	rddreg [dreg:$0x0]  }
0x2: {  	s3 =	rddreg [dreg:$0x1]  }
0x3: {  	s7 =	rddreg [dreg:$0x2]  }
0x4: {  	s1 =	rddreg [dreg:$0x3]  }
0x5: {  	s2 =	simm.s32 $0x0;
	s5 =	srdreg.scid;
	s18 =	stileid.u32  }
0x6: {  	s21 =	simm.s32 $0x5;
	s28 =	simm.s32 $0x3;
	s29 =	simm.s32 $0x100  }
0x7: {  	s30 =	simm.s32 $0x2;
	s31 =	simm.s32 $0x1480;
	[smem:$0x7FF] =	sst s2  }
0x8: {  	s8 =	sadd.s32 $0x66800, s0;
	s4 =	sadd.s32 $0xBE00, s0;
	s12 =	smul.u32 $0xBB80, s18  }
0x9: {  	s9 =	sand.u32 $0x1, s5;
	s5 =	sadd.s32 $0x6800, s0;
	s22 =	smul.u32 $0x1F400, s18  }
0xa: {  	s6 =	sadd.s32 $0x65000, s0;
	s0 =	sadd.s32 $0xDDA00, s0;
	s13 =	smul.u32 $0x2F000, s18  }
0xb: {  	s14 =	smul.u32 $0x7D00, s18;
	_ =	strace $0x80000050;
	s10 =	ssub.s32 $0x2, s9  }
0xc: {  	p0 =	seq.s32 s9, $0x0;
	s11 =	sshrl.u32 s10, $0x1;
	s12 =	sadd.s32 $0x7D000, s12  }
0xd: {  	s13 =	sshrl.u32 s13, $0x2;
	s23 =	sshrl.u32 s14, $0x3;
	s4 =	smov.u32 @p0 s3  }
0xe: {  	s5 =	smov.u32 @p0 s7;
	p0 =	sne.s32 s9, $0x0;
	s7 =	simm.s32 $0x2780  }
0xf: {  	s10 =	ssub.s32 s10, s11;
	s16 =	sadd.s32 s12, s1;
	s12 =	sshrl.u32 s12, $0x3  }
0x10: {  	s11 =	sshrl.u32 s22, $0x2;
	s24 =	sadd.s32 s13, s1;
	s13 =	sadd.s32 s14, s1  }
0x11: {  	s25 =	sadd.s32 s0, s23;
	s3 =	sshll.u32 @p0 s18, $0x6;
	s22 =	simm.s32 $0x1400  }
0x12: {  	s15 =	sadd.s32 s8, s12;
	s17 =	sadd.s32 s11, s1;
	s8 =	sadd.s32 s8, s23  }
0x13: {  	s11 =	smul.u32 $0x50, s18;
	[dreg:$0x7] =	wrdreg s25;
	s0 =	sadd.s32 s0, s12  }
0x14: {  	s26 =	smax.u32 s10, $0x1;
	s14 =	smov.u32 s16;
	[dreg:$0x5] =	wrdreg s15  }
0x15: {  	s19 =	sshrl.u32 @!p0 s13, $0x3;
	s23 =	simm.s32 $0x80;
	[dreg:$0x6] =	wrdreg s8  }
0x16: {  	s25 =	simm.s32 $0x6800;
	s10 =	simm.s32 $0x0;
	[dreg:$0x8] =	wrdreg s0  }
0x17: {  	s8 =	sadd.s32 $0x7D000, s24;
	[dreg:$0x9] =	wrdreg s26;
	s15 =	sor.u32 @p0 $0x1C05, s3  }
0x18: {  	s0 =	sshrl.u32 @p0 s16, $0x3;
	s17 =	sshrl.u32 @p0 s17, $0x3;
	s16 =	smov.u32 s13  }
0x19: {  	s24 =	simm.s32 $0x2800;
	s26 =	simm.s32 $0x1;
	s3 =	simm.s32 $0x1380  }
0x1a: {  	[dreg:$0xa] =	wrdreg s0;
	s0 =	sshll.u32 @!p0 s18, $0x6;
	s20 =	sshrl.u32 @!p0 s8, $0x3  }
0x1b: {  	s8 =	simm.s32 $0x2700;
	s18 =	sor.u32 @!p0 $0x1C05, s0;
	s0 =	simm.s32 $0x4  }
.LBB2_1:
0x1c: {  	s9 =	rddreg [dreg:$0x5]  }
0x1d: {  	s12 =	rddreg [dreg:$0xa]  }
0x1e: {  	[spmem:s12], [sflag:s15] =	dma.local @p0 [hbm:s9], $0x1770  }
0x1f: {  	s9 =	simm.s32 @p0 $0x5  }
0x20: {  	_ =	swait.ge @p0 [sflag:s9], $0x1770  }
0x21: {  	[sflag:s9] =	ssyncset.done @p0 $0x0  }
0x22: {  	[sflag:s9] =	ssyncadd.s32 @p0 $0xFFFFE890  }
0x23: {  	[spmem:s17], [sflag:s15] =	dma.local @p0 [hbm:s6], $0xFA0  }
0x24: {  	_ =	swait.ge @p0 [sflag:s9], $0xFA0  }
0x25: {  	[sflag:s9] =	ssyncset.done @p0 $0x0  }
0x26: {  	[sflag:s9] =	ssyncadd.s32 @p0 $0xFFFFF060;
	s9 =	rddreg [dreg:$0x6]  }
0x27: {  	[spmem:s19], [sflag:s18] =	dma.local @!p0 [hbm:s9], $0xFA0  }
0x28: {  	s9 =	simm.s32 @!p0 $0x5  }
0x29: {  	_ =	swait.ge @!p0 [sflag:s9], $0xFA0  }
0x2a: {  	[sflag:s9] =	ssyncset.done @!p0 $0x0  }
0x2b: {  	[sflag:s9] =	ssyncadd.s32 @!p0 $0xFFFFF060  }
0x2c: {  	[spmem:s20], [sflag:s18] =	dma.local @!p0 [hbm:s6], $0x1780  }
0x2d: {  	_ =	swait.ge @!p0 [sflag:s9], $0x1780  }
0x2e: {  	[sflag:s9] =	ssyncset.done @!p0 $0x0  }
0x2f: {  	[sflag:s9] =	ssyncadd.s32 @!p0 $0xFFFFE880  }
0x30: {  	p2 =	por $0x1, $0x1;
	s9 =	simm.s32 $0x0;
	[bflag:$0x0] =	sbarrier.arrive $0xFFFF  }
.LBB2_2:
0x31: {  	s9 =	sadd.s32 s11, s9  }
0x32: {  	s9 =	sshll.u32 s9, $0x4  }
0x33: {  	s12 =	sadd.s32 s4, s9  }
0x34: {  	[tilespmem:s2], [sflag:$0x5] =	stream.linear.gather [hbm4b:s12+s2], $0x1400, $0x38;
	[tilespmem:$0x1E100] =	vst v63  }
0x35: {  	_ =	swait.ge [sflag:s21], $0x1400  }
0x36: {  	[sflag:s21] =	ssyncset.done $0x0  }
0x37: {  	s9 =	sadd.s32 s5, s9;
	[sflag:s21] =	ssyncadd.s32 $0xFFFFEC00  }
0x38: {  	[tilespmem:s22], [sflag:$0x5] =	stream.linear.gather [hbm4b:s9+s2], $0x1400, $0x38;
	[tilespmem:$0x1E100] =	vst v63  }
0x39: {  	_ =	swait.ge [sflag:s21], $0x1400  }
0x3a: {  	[sflag:s21] =	ssyncset.done $0x0  }
0x3b: {  	[sflag:s21] =	ssyncadd.s32 $0xFFFFEC00  }
0x3c: {  	[tilespmem:s24], [sflag:$0x1] =	stream.indirect.gather [spmem:s1], $0x80, s2, s23, $0xb8;
	[tilespmem:$0x1E100] =	vst v63  }
0x3d: {  	_ = 	snop  }
0x3e: {  	[tilespmem:s25], [sflag:$0x2] =	stream.indirect.gather [spmem:s1], $0x80, s23, s23, $0xb8;
	[tilespmem:$0x1E100] =	vst v63  }
0x3f: {  	_ =	swait.ge [sflag:s26], $0x4000  }
0x40: {  	[sflag:s26] =	ssyncset.done $0x0  }
0x41: {  	[sflag:s26] =	ssyncadd.s32 $0xFFFFC000  }
0x42: {  	[spmem:s1] =	stream.indirect.scatter.add.f32 [tilespmem:s24], [sflag:$0x3], $0x80, s22, s23, $0xb8;
	[tilespmem:$0x1E100] =	vst v63  }
0x43: {  	_ =	swait.ge [sflag:s28], $0x4000  }
0x44: {  	[sflag:s28] =	ssyncset.done $0x0  }
0x45: {  	[sflag:s28] =	ssyncadd.s32 $0xFFFFC000  }
0x46: {  	[tilespmem:s24], [sflag:$0x1] =	stream.indirect.gather [spmem:s1], $0x80, s29, s23, $0xb8;
	[tilespmem:$0x1E100] =	vst v63  }
0x47: {  	_ =	swait.ge [sflag:s30], $0x4000  }
0x48: {  	[sflag:s30] =	ssyncset.done $0x0  }
0x49: {  	[sflag:s30] =	ssyncadd.s32 $0xFFFFC000  }
0x4a: {  	[spmem:s1] =	stream.indirect.scatter.add.f32 [tilespmem:s25], [sflag:$0x4], $0x80, s31, s23, $0xb8;
	[tilespmem:$0x1E100] =	vst v63  }
0x4b: {  	_ =	swait.ge [sflag:s0], $0x4000  }
0x4c: {  	[sflag:s0] =	ssyncset.done $0x0  }
0x4d: {  	s13 =	simm.s32 $0x180;
	[sflag:s0] =	ssyncadd.s32 $0xFFFFC000  }
0x4e: {  	[tilespmem:s25], [sflag:$0x2] =	stream.indirect.gather [spmem:s1], $0x80, s13, s23, $0xb8;
	[tilespmem:$0x1E100] =	vst v63  }
0x4f: {  	_ =	swait.ge [sflag:s26], $0x4000  }
0x50: {  	[sflag:s26] =	ssyncset.done $0x0  }
0x51: {  	s12 =	simm.s32 $0x1500;
	[sflag:s26] =	ssyncadd.s32 $0xFFFFC000  }
0x52: {  	[spmem:s1] =	stream.indirect.scatter.add.f32 [tilespmem:s24], [sflag:$0x3], $0x80, s12, s23, $0xb8;
	[tilespmem:$0x1E100] =	vst v63  }
0x53: {  	_ =	swait.ge [sflag:s28], $0x4000  }
0x54: {  	[sflag:s28] =	ssyncset.done $0x0  }
0x55: {  	s13 =	simm.s32 $0x200;
	[sflag:s28] =	ssyncadd.s32 $0xFFFFC000  }
0x56: {  	[tilespmem:s24], [sflag:$0x1] =	stream.indirect.gather [spmem:s1], $0x80, s13, s23, $0xb8;
	[tilespmem:$0x1E100] =	vst v63  }
0x57: {  	_ =	swait.ge [sflag:s30], $0x4000  }
0x58: {  	p1 =	por p2, p2;
	[sflag:s30] =	ssyncset.done $0x0  }
0x59: {  	s9 =	simm.s32 $0xFFFFBC00;
	s12 =	simm.s32 $0x1580;
	[sflag:s30] =	ssyncadd.s32 $0xFFFFC000  }
.LBB2_3:
0x5a: {  	[spmem:s1] =	stream.indirect.scatter.add.f32 [tilespmem:s25], [sflag:$0x4], $0x80, s12, s23, $0xb8;
	[tilespmem:$0x1E100] =	vst v63  }
0x5b: {  	s12 =	smov.u32 s9  }
0x5c: {  	p2 =	sne.s32 s9, $0xFFFFFC00;
	s9 =	sadd.s32 $0x400, s9;
	_ =	swait.ge [sflag:s0], $0x4000  }
0x5d: {  	s12 =	sshra.s32 s12, $0x2;
	[sflag:s0] =	ssyncset.done $0x0  }
0x5e: {  	s13 =	sadd.s32 $0x1380, s12;
	[sflag:s0] =	ssyncadd.s32 $0xFFFFC000  }
0x5f: {  	[tilespmem:s25], [sflag:$0x2] =	stream.indirect.gather [spmem:s1], $0x80, s13, s23, $0xb8;
	[tilespmem:$0x1E100] =	vst v63  }
0x60: {  	_ =	swait.ge [sflag:s26], $0x4000  }
0x61: {  	[sflag:s26] =	ssyncset.done $0x0  }
0x62: {  	s13 =	sadd.s32 $0x2700, s12;
	[sflag:s26] =	ssyncadd.s32 $0xFFFFC000  }
0x63: {  	[spmem:s1] =	stream.indirect.scatter.add.f32 [tilespmem:s24], [sflag:$0x3], $0x80, s13, s23, $0xb8;
	[tilespmem:$0x1E100] =	vst v63  }
0x64: {  	_ =	swait.ge [sflag:s28], $0x4000  }
0x65: {  	[sflag:s28] =	ssyncset.done $0x0  }
.Ltmp0:
0x66: {  	s13 =	sadd.s32 $0x1400, s12;
	[sflag:s28] =	ssyncadd.s32 $0xFFFFC000;
	(pc) =	sbr.rel @p2 .LBB2_3-.Ltmp0, $4  }
0x67: {  	[tilespmem:s24], [sflag:$0x1] =	stream.indirect.gather [spmem:s1], $0x80, s13, s23, $0xb8;
	[tilespmem:$0x1E100] =	vst v63  }
0x68: {  	_ =	swait.ge [sflag:s30], $0x4000  }
0x69: {  	[sflag:s30] =	ssyncset.done $0x0  }
0x6a: {  	s12 =	sadd.s32 $0x2780, s12;
	[sflag:s30] =	ssyncadd.s32 $0xFFFFC000  }
0x6b: {  	[spmem:s1] =	stream.indirect.scatter.add.f32 [tilespmem:s25], [sflag:$0x4], $0x80, s12, s23, $0xb8;
	[tilespmem:$0x1E100] =	vst v63  }
0x6c: {  	_ =	swait.ge [sflag:s0], $0x4000  }
0x6d: {  	[sflag:s0] =	ssyncset.done $0x0  }
0x6e: {  	[sflag:s0] =	ssyncadd.s32 $0xFFFFC000  }
0x6f: {  	[tilespmem:s25], [sflag:$0x2] =	stream.indirect.gather [spmem:s1], $0x80, s3, s23, $0xb8;
	[tilespmem:$0x1E100] =	vst v63  }
0x70: {  	_ =	swait.ge [sflag:s26], $0x4000  }
0x71: {  	[sflag:s26] =	ssyncset.done $0x0  }
0x72: {  	[sflag:s26] =	ssyncadd.s32 $0xFFFFC000  }
0x73: {  	[spmem:s1] =	stream.indirect.scatter.add.f32 [tilespmem:s24], [sflag:$0x3], $0x80, s8, s23, $0xb8;
	[tilespmem:$0x1E100] =	vst v63  }
0x74: {  	_ =	swait.ge [sflag:s28], $0x4000  }
0x75: {  	[sflag:s28] =	ssyncset.done $0x0  }
0x76: {  	[sflag:s28] =	ssyncadd.s32 $0xFFFFC000  }
0x77: {  	_ =	swait.ge [sflag:s30], $0x4000  }
0x78: {  	[sflag:s30] =	ssyncset.done $0x0  }
.Ltmp1:
0x79: {  	[sflag:s30] =	ssyncadd.s32 $0xFFFFC000;
	(pc) =	sbr.rel @p1 .LBB2_2-.Ltmp1, $4  }
0x7a: {  	[spmem:s1] =	stream.indirect.scatter.add.f32 [tilespmem:s25], [sflag:$0x4], $0x80, s7, s23, $0xb8;
	[tilespmem:$0x1E100] =	vst v63  }
0x7b: {  	_ =	swait.ge [sflag:s0], $0x4000  }
0x7c: {  	[sflag:s0] =	ssyncset.done $0x0  }
0x7d: {  	s9 =	simm.s32 $0x28;
	p2 =	por $0x0, $0x0;
	[sflag:s0] =	ssyncadd.s32 $0xFFFFC000  }
0x7e: {  	[bflag:$0x0] =	sbarrier.arrive $0xFFFF  }
0x7f: {  	s9 =	sshrl.u32 @p0 s16, $0x3;
	s12 =	rddreg [dreg:$0x7]  }
0x80: {  	[hbm:s12], [sflag:s15] =	dma.local @p0 [spmem:s9], $0xFA0  }
0x81: {  	s9 =	simm.s32 @p0 $0x5  }
0x82: {  	_ =	swait.ge @p0 [sflag:s9], $0xFA0  }
0x83: {  	[sflag:s9] =	ssyncset.done @p0 $0x0  }
0x84: {  	s12 =	rddreg [dreg:$0x8];
	[sflag:s9] =	ssyncadd.s32 @p0 $0xFFFFF060;
	s9 =	sshrl.u32 @!p0 s14, $0x3  }
0x85: {  	[hbm:s12], [sflag:s18] =	dma.local @!p0 [spmem:s9], $0x1770  }
0x86: {  	s9 =	simm.s32 @!p0 $0x5  }
0x87: {  	_ =	swait.ge @!p0 [sflag:s9], $0x1770  }
0x88: {  	s10 =	sadd.s32 $0x1, s10;
	s13 =	rddreg [dreg:$0x9]  }
0x89: {  	p1 =	sne.s32 s10, s13  }
.Ltmp2:
0x8a: {  	_ = 	snop;
	(pc) =	sbr.rel @p1 .LBB2_1-.Ltmp2, $3  }
0x8b: {  	_ =	sdelay $0x1  }
0x8c: {  	[sflag:s9] =	ssyncset.done @!p0 $0x0  }
0x8d: {  	[sflag:s9] =	ssyncadd.s32 @!p0 $0xFFFFE890  }
0x8e: {  	_ =	sfence.sel $0x180000  }
0x8f: {  	[bflag:$0x0] =	sbarrier.arrive $0xFFFF  }
0x90: {  	_ =	strace $0x90000050  }
0x91: {  	s0 =	stileid.u32;
	[bflag:$0x2] =	sbarrier.arrive $0xFFFF  }
0x92: {  	p0 =	sne.s32 s0, $0x0;
	s0 =	rddreg [dreg:$0x4]  }
0x93: {  	s0 =	sadd.s32 @!p0 $0x100000, s0  }
0x94: {  	[sflag:s0] =	ssyncadd.tile.s32 @!p0 $0x1;
	_ =	shalt  }
.Lfunc_end2:
_tile_overlayer_lowered:
.L_overlay_start_2:
0x95: {  	(tag) =	ssettag $0x2  }
0x96: {  	s0 =	rddreg [dreg:$0x0];
	s2 =	stileid.u32  }
0x97: {  	s1 =	rddreg [dreg:$0x1];
	p0 =	sne.s32 s2, $0x0  }
0x98: {  	s3 =	rddreg [dreg:$0x2];
	[bflag:$0x3] =	sbarrier.arrive $0xFFFF;
	s2 =	simm.s32 @!p0 $0x1C05  }
0x99: {  	[timem:s3], [sflag:s2] =	dma.local @!p0 [hbm:s0], s1  }
0x9a: {  	s0 =	simm.s32 @!p0 $0x5  }
0x9b: {  	_ =	swait.ge @!p0 [sflag:s0], s1  }
0x9c: {  	s1 =	ssub.s32 @!p0 $0x0, s1;
	[sflag:s0] =	ssyncset.done @!p0 $0x0  }
0x9d: {  	[sflag:s0] =	ssyncadd.s32 @!p0 s1  }
0x9e: {  	[bflag:$0x3] =	sbarrier.arrive $0xFFFF  }
0x9f: {  	_ =	shalt  }

// kernel: kernel.24.cloned.1.call-start
scs
__scs_entry_jumppad:
0x0: {  	(pc) =	sbr.rel $0x88, $3  }
0x1: {  	(tag) =	ssettag $0x0;
	lr =	simm.s32 $0x1  }
0x2: {  	[smem:$0x3F8F] =	sst lr;
	_ =	strace $0xD0000000  }
0x3: {  	_ = 	snop  }
0x4: {  	_ = 	snop  }
0x5: {  	_ = 	snop  }
0x6: {  	_ = 	snop  }
0x7: {  	_ = 	snop  }
__scs_overlays_trampoline_lowered:
0x8: {  	[smem:$0x3F9E] =	sst s0  }
0x9: {  	[smem:$0x3F9F] =	sst s1  }
0xa: {  	[smem:$0x3FA0] =	sst s2  }
0xb: {  	[smem:$0x3FA1] =	sst s3  }
0xc: {  	[smem:$0x3FA2] =	sst s4  }
0xd: {  	[smem:$0x3FA3] =	sst s5  }
0xe: {  	[smem:$0x3FA4] =	sst s6  }
0xf: {  	[smem:$0x3FA5] =	sst s7  }
0x10: {  	[smem:$0x3FA6] =	sst s8  }
0x11: {  	[smem:$0x3FA7] =	sst s9;
	s0 =	simm.s32 @!p0 $0x0  }
0x12: {  	s1 =	sld [smem:$0x3F8D];
	s0 =	simm.s32 @p0 $0x1  }
0x13: {  	[smem:$0x3FA8] =	sst s0;
	s0 =	simm.s32 @!p1 $0x0  }
0x14: {  	s2 =	sld [smem:$0x3F8C];
	s0 =	simm.s32 @p1 $0x1  }
0x15: {  	[smem:$0x3FA9] =	sst s0;
	s0 =	simm.s32 @!p2 $0x0  }
0x16: {  	s3 =	sld [smem:$0x3FDB];
	s0 =	simm.s32 @p2 $0x1  }
0x17: {  	s4 =	simm.s32 $0x1BF5;
	[smem:$0x3FAB] =	sst s0  }
0x18: {  	s0 =	sld [smem:$0x3F8E];
	_ =	swait.ge [sflag:s4], $0x0  }
0x19: {  	s7 =	sld [smem:$0x3F8F]  }
0x1a: {  	s8 =	sadd.s32 $0xFFFFE003, lr  }
0x1b: {  	s9 =	sadd.s32 $0xFFFFFEF7, lr;
	s5 =	simm.s32 $0xFFFFFFFF;
	p2 =	slt.u32 s8, $0xFFFFF086  }
0x1c: {  	p1 =	slt.u32 s9, $0xF7A;
	s5 =	simm.s32 @!p2 $0x0  }
0x1d: {  	s5 =	simm.s32 @p1 $0x1;
	p0 =	seq.s32 s7, s2  }
0x1e: {  	s7 =	smul.u32 @!p0 $0xF7A, s2;
	p2 =	seq.s32 @!p0 s5, $0x0  }
0x1f: {  	s9 =	smul.u32 $0xF7A, s1;
	s8 =	simm.s32 @!p0 $0x1BF5;
	p2 =	por !p2, p0  }
0x20: {  	[sflag:s8] =	ssyncset.s32 @!p0 $0xFFFFF086;
	s6 =	sadd.s32 @!p0 s3, s7;
	s7 =	simm.s32 @!p0 $0x108  }
0x21: {  	s3 =	sadd.s32 s3, s9;
	s6 =	sadd.s32 @!p0 $0x88, s6;
	s7 =	simm.s32 @p2 $0x1082  }
0x22: {  	[simem:s7], [sflag:s8] =	dma.local @!p0 [hbm:s6], $0xF7A  }
0x23: {  	s9 =	sor.u32 $0xD0000000, s2;
	s6 =	simm.s32 $0x108;
	_ =	swait.ge @!p0 [sflag:s8], $0x0  }
0x24: {  	s3 =	sadd.s32 $0x88, s3;
	s6 =	simm.s32 @!p1 $0x1082;
	[sflag:s4] =	ssyncset.s32 $0xFFFFF086  }
0x25: {  	[simem:s6], [sflag:s4] =	dma.local [hbm:s3], $0xF7A  }
0x26: {  	[smem:$0x3F8F] =	sst s1;
	(tag) =	ssettag s2;
	_ =	strace s9  }
0x27: {  	s1 =	sld [smem:$0x3F9F]  }
0x28: {  	s2 =	sld [smem:$0x3FA0]  }
0x29: {  	s4 =	sld [smem:$0x3FA2]  }
0x2a: {  	p0 =	seq.s32 s5, $0x0;
	s5 =	sld [smem:$0x3FA3]  }
0x2b: {  	s6 =	sld [smem:$0x3FA4]  }
0x2c: {  	s7 =	sld [smem:$0x3FA5]  }
0x2d: {  	s3 =	simm.s32 $0x108;
	s8 =	sld [smem:$0x3FA6]  }
0x2e: {  	s3 =	simm.s32 @!p0 $0x1082;
	s9 =	sld [smem:$0x3FA7]  }
0x2f: {  	lr =	sadd.s32 s0, s3;
	s0 =	sld [smem:$0x3F9E]  }
0x30: {  	s3 =	sld [smem:$0x3FA1]  }
0x31: {  	[smem:$0x3FAA] =	sst s10  }
0x32: {  	s10 =	sld [smem:$0x3FA8];
	_ =	sdelay $0x3  }
0x33: {  	p0 =	seq.s32 s10, $0x1;
	s10 =	sld [smem:$0x3FAA];
	_ =	sdelay $0x3  }
0x34: {  	[smem:$0x3FAA] =	sst s10  }
0x35: {  	s10 =	sld [smem:$0x3FA9];
	_ =	sdelay $0x3  }
0x36: {  	p1 =	seq.s32 s10, $0x1;
	s10 =	sld [smem:$0x3FAA];
	_ =	sdelay $0x3  }
0x37: {  	[smem:$0x3FAA] =	sst s10  }
0x38: {  	s10 =	sld [smem:$0x3FAB]  }
0x39: {  	_ = 	snop;
	(pc) =	sbr.ind lr, $3  }
0x3a: {  	_ = 	snop  }
0x3b: {  	_ = 	snop  }
0x3c: {  	p2 =	seq.s32 s10, $0x1;
	s10 =	sld [smem:$0x3FAA]  }
0x3d: {  	_ =	shalt  }
0x3e: {  	_ =	shalt  }
0x3f: {  	_ =	shalt  }
0x40: {  	_ =	shalt  }
0x41: {  	_ =	shalt  }
0x42: {  	_ =	shalt  }
0x43: {  	_ =	shalt  }
0x44: {  	_ =	shalt  }
0x45: {  	_ =	shalt  }
0x46: {  	_ =	shalt  }
0x47: {  	_ =	shalt  }
0x48: {  	_ =	shalt  }
0x49: {  	_ =	shalt  }
0x4a: {  	_ =	shalt  }
0x4b: {  	_ =	shalt  }
0x4c: {  	_ =	shalt  }
0x4d: {  	_ =	shalt  }
0x4e: {  	_ =	shalt  }
0x4f: {  	_ =	shalt  }
0x50: {  	_ =	shalt  }
0x51: {  	_ =	shalt  }
0x52: {  	_ =	shalt  }
0x53: {  	_ =	shalt  }
0x54: {  	_ =	shalt  }
0x55: {  	_ =	shalt  }
0x56: {  	_ =	shalt  }
0x57: {  	_ =	shalt  }
0x58: {  	_ =	shalt  }
0x59: {  	_ =	shalt  }
0x5a: {  	_ =	shalt  }
0x5b: {  	_ =	shalt  }
0x5c: {  	_ =	shalt  }
0x5d: {  	_ =	shalt  }
0x5e: {  	_ =	shalt  }
0x5f: {  	_ =	shalt  }
0x60: {  	_ =	shalt  }
0x61: {  	_ =	shalt  }
0x62: {  	_ =	shalt  }
0x63: {  	_ =	shalt  }
0x64: {  	_ =	shalt  }
0x65: {  	_ =	shalt  }
0x66: {  	_ =	shalt  }
0x67: {  	_ =	shalt  }
0x68: {  	_ =	shalt  }
0x69: {  	_ =	shalt  }
0x6a: {  	_ =	shalt  }
0x6b: {  	_ =	shalt  }
0x6c: {  	_ =	shalt  }
0x6d: {  	_ =	shalt  }
0x6e: {  	_ =	shalt  }
0x6f: {  	_ =	shalt  }
0x70: {  	_ =	shalt  }
0x71: {  	_ =	shalt  }
0x72: {  	_ =	shalt  }
0x73: {  	_ =	shalt  }
0x74: {  	_ =	shalt  }
0x75: {  	_ =	shalt  }
0x76: {  	_ =	shalt  }
0x77: {  	_ =	shalt  }
0x78: {  	_ =	shalt  }
0x79: {  	_ =	shalt  }
0x7a: {  	_ =	shalt  }
0x7b: {  	_ =	shalt  }
0x7c: {  	_ =	shalt  }
0x7d: {  	_ =	shalt  }
0x7e: {  	_ =	shalt  }
0x7f: {  	_ =	shalt  }
0x80: {  	_ =	shalt  }
0x81: {  	_ =	shalt  }
0x82: {  	_ =	shalt  }
0x83: {  	_ =	shalt  }
0x84: {  	_ =	shalt  }
0x85: {  	_ =	shalt  }
0x86: {  	_ =	shalt  }
0x87: {  	_ =	shalt  }
.Lfunc_end0:
.L_simem_size_0:
called_computation.4_lowered:
.L_overlay_start_0:
0x88: {  	s2 =	sld [smem:$0x3FD9]  }
0x89: {  	s3 =	sld [smem:$0x3FFE];
	_ =	sdelay $0x1  }
0x8a: {  	s1 =	srdreg.scid  }
0x8b: {  	s0 =	sand.u32 $0x1, s1  }
0x8c: {  	s14 =	sshll.u32 s0, $0xA;
	s2 =	sadd.s32 s3, s2  }
0x8d: {  	s2 =	sadd.s32 s2, s14  }
0x8e: {  	[smem:$0x3FB6] =	sst s2  }
0x8f: {  	_ = 	snop  }
0x90: {  	s2 =	sld [smem:$0x3FD0];
	_ =	sdelay $0x2  }
0x91: {  	s15 =	simm.s32 $0xB;
	s4 =	simm.s32 $0x10  }
0x92: {  	[smem:s4], [sflag:s15] =	dma.local [hbm:s2], $0x1  }
0x93: {  	_ =	swait.eq [sflag:s15], $0x1  }
0x94: {  	[sflag:s15] =	ssyncset.done $0x0  }
0x95: {  	s16 =	sld [smem:$0x11];
	[sflag:s15] =	ssyncadd.s32 $0xFFFFFFFF  }
0x96: {  	s17 =	sld [smem:$0x12];
	(tm) =	ssettm $0x1  }
0x97: {  	s18 =	sld [smem:$0x3FFB];
	_ =	sdelay $0x3  }
0x98: {  	_ =	strace s18  }
0x99: {  	s4 =	sld [smem:$0x3FFC];
	_ =	sdelay $0x3  }
0x9a: {  	_ =	strace s4  }
0x9b: {  	s4 =	sld [smem:$0x3FFD];
	_ =	sdelay $0x3  }
0x9c: {  	_ =	strace s4  }
0x9d: {  	_ =	strace $0x8FFFFFFF  }
0x9e: {  	s19 =	sld [smem:$0x3FDB];
	_ =	sdelay $0x1  }
0x9f: {  	s5 =	simm.s32 $_scs_section_size  }
0xa0: {  	s6 =	simm.s32 $_size__tile_overlayer_lowered;
	s7 =	simm.s32 $_tile_overlayer_lowered  }
0xa1: {  	s22 =	simm.s32 $0x1BFF;
	s21 =	sshll.u32 s7, $0x1;
	s4 =	sadd.s32 s5, s19  }
0xa2: {  	s8 =	simm.s32 $0x0;
	s20 =	sshll.u32 s6, $0x1;
	s6 =	sadd.s32 s21, s4  }
0xa3: {  	[timem:s8], [sflag:s22] =	dma.local [hbm:s6], s20  }
0xa4: {  	_ =	swait.ge [sflag:s22], s20  }
0xa5: {  	s5 =	ssub.s32 $0x0, s20;
	[sflag:s22] =	ssyncset.done $0x0  }
0xa6: {  	[sflag:s22] =	ssyncadd.s32 s5;
	_ =	sdelay $0x1  }
0xa7: {  	s23 =	simm.s32 $0x1B8B  }
0xa8: {  	_ =	swait.ge [sflag:s23], $0x1  }
0xa9: {  	[sflag:s23] =	ssyncset.done $0x0  }
0xaa: {  	s25 =	simm.s32 $0x1B8E;
	s24 =	sld [smem:$0x3FFE];
	[sflag:s23] =	ssyncadd.s32 $0xFFFFFFFF  }
0xab: {  	s26 =	simm.s32 $execute0_lowered;
	[smem:$0x3FD2] =	sst s25  }
0xac: {  	s6 =	sshll.u32 s26, $0x1;
	_ =	strace $0x80000052;
	[dreg:$0x1] =	wrdreg $0xFFFFFFFF  }
0xad: {  	s28 =	simm.s32 $_size_execute0_lowered;
	s4 =	sadd.s32 s4, s6;
	[dreg:$0x0] =	wrdreg $0x0  }
0xae: {  	s6 =	sshll.u32 s28, $0x1;
	[dreg:$0x2] =	wrdreg s4  }
0xaf: {  	[dreg:$0x3] =	wrdreg s6  }
0xb0: {  	[dreg:$0x4] =	wrdreg $0xC0  }
0xb1: {  	_ =	task [dreg:s8], $0x5FFFF  }
0xb2: {  	[dreg:$0x1] =	wrdreg $0xFFFFFFFF  }
0xb3: {  	[dreg:$0x0] =	wrdreg $0x60  }
0xb4: {  	[dreg:$0x2] =	wrdreg s24  }
0xb5: {  	[dreg:$0x3] =	wrdreg s16  }
0xb6: {  	[dreg:$0x4] =	wrdreg s17  }
0xb7: {  	[dreg:$0x5] =	wrdreg $0xA8000  }
0xb8: {  	[dreg:$0x6] =	wrdreg $0x9  }
0xb9: {  	_ =	task.clear_ibuf [dreg:s8], $0x7FFFF;
	_ =	strace $0x90000052  }
0xba: {  	s29 =	simm.s32 $0x9;
	_ =	strace $0x80000054  }
0xbb: {  	_ =	swait.ge [sflag:s29], $0x1  }
0xbc: {  	[sflag:s29] =	ssyncadd.s32 $0xFFFFFFFF  }
0xbd: {  	_ =	strace $0x90000054  }
0xbe: {  	_ =	sfence  }
0xbf: {  	s30 =	sld [smem:$0x0];
	_ =	sdelay $0x2  }
0xc0: {  	s31 =	sshll.u32 s1, $0xD;
	s1 =	sshrl.u32 s1, $0x2  }
0xc1: {  	s3 =	sand.u32 $0x4000, s31;
	s1 =	sadd.s32 s1, s30  }
0xc2: {  	s0 =	sor.u32 s3, s0;
	s1 =	sshll.u32 s1, $0x11  }
0xc3: {  	s0 =	sor.u32 s1, s0  }
0xc4: {  	s0 =	sadd.s32 $0x8F2B, s0  }
0xc5: {  	[sflag:s0] =	ssyncadd.remote.s32 $0x1  }
0xc6: {  	_ =	sfence.sel $0xFFFF  }
0xc7: {  	[dreg:$0x0] =	wrdreg $0xFFFFFFFF;
	(pc) =	sbr.abs _section_cstart, $3  }
0xc8: {  	[dreg:$0x1] =	wrdreg $0xFFFFFFFF  }
0xc9: {  	_ =	task.clear_ibuf [dreg:s8], $0x2FFFF;
	_ =	strace $0x9FFFFFFF  }
0xca: {  	(tm) =	ssettm $0x7FFFFFFF  }
0xcb: {  	_ =	shalt  }
tec
execute0_lowered:
.L_overlay_start_1:
0x0: {  	(tag) =	ssettag $0x1  }
0x1: {  	s0 =	rddreg [dreg:$0x0]  }
0x2: {  	s3 =	rddreg [dreg:$0x1]  }
0x3: {  	s7 =	rddreg [dreg:$0x2]  }
0x4: {  	s1 =	rddreg [dreg:$0x3]  }
0x5: {  	s2 =	simm.s32 $0x0;
	s5 =	srdreg.scid;
	s18 =	stileid.u32  }
0x6: {  	s21 =	simm.s32 $0x5;
	s28 =	simm.s32 $0x3;
	s29 =	simm.s32 $0x100  }
0x7: {  	s30 =	simm.s32 $0x2;
	s31 =	simm.s32 $0x1480;
	[smem:$0x7FF] =	sst s2  }
0x8: {  	s8 =	sadd.s32 $0x66800, s0;
	s4 =	sadd.s32 $0xBE00, s0;
	s12 =	smul.u32 $0xBB80, s18  }
0x9: {  	s9 =	sand.u32 $0x1, s5;
	s5 =	sadd.s32 $0x6800, s0;
	s22 =	smul.u32 $0x1F400, s18  }
0xa: {  	s6 =	sadd.s32 $0x65000, s0;
	s0 =	sadd.s32 $0x104C00, s0;
	s13 =	smul.u32 $0x2F000, s18  }
0xb: {  	s14 =	smul.u32 $0x7D00, s18;
	_ =	strace $0x80000053;
	s10 =	ssub.s32 $0x2, s9  }
0xc: {  	p0 =	seq.s32 s9, $0x0;
	s11 =	sshrl.u32 s10, $0x1;
	s12 =	sadd.s32 $0x7D000, s12  }
0xd: {  	s13 =	sshrl.u32 s13, $0x2;
	s23 =	sshrl.u32 s14, $0x3;
	s4 =	smov.u32 @p0 s3  }
0xe: {  	s5 =	smov.u32 @p0 s7;
	p0 =	sne.s32 s9, $0x0;
	s7 =	simm.s32 $0x2780  }
0xf: {  	s10 =	ssub.s32 s10, s11;
	s16 =	sadd.s32 s12, s1;
	s12 =	sshrl.u32 s12, $0x3  }
0x10: {  	s11 =	sshrl.u32 s22, $0x2;
	s24 =	sadd.s32 s13, s1;
	s13 =	sadd.s32 s14, s1  }
0x11: {  	s25 =	sadd.s32 s0, s23;
	s3 =	sshll.u32 @p0 s18, $0x6;
	s22 =	simm.s32 $0x1400  }
0x12: {  	s15 =	sadd.s32 s8, s12;
	s17 =	sadd.s32 s11, s1;
	s8 =	sadd.s32 s8, s23  }
0x13: {  	s11 =	smul.u32 $0x50, s18;
	[dreg:$0x7] =	wrdreg s25;
	s0 =	sadd.s32 s0, s12  }
0x14: {  	s26 =	smax.u32 s10, $0x1;
	s14 =	smov.u32 s16;
	[dreg:$0x5] =	wrdreg s15  }
0x15: {  	s19 =	sshrl.u32 @!p0 s13, $0x3;
	s23 =	simm.s32 $0x80;
	[dreg:$0x6] =	wrdreg s8  }
0x16: {  	s25 =	simm.s32 $0x6800;
	s10 =	simm.s32 $0x0;
	[dreg:$0x8] =	wrdreg s0  }
0x17: {  	s8 =	sadd.s32 $0x7D000, s24;
	[dreg:$0x9] =	wrdreg s26;
	s15 =	sor.u32 @p0 $0x1C05, s3  }
0x18: {  	s0 =	sshrl.u32 @p0 s16, $0x3;
	s17 =	sshrl.u32 @p0 s17, $0x3;
	s16 =	smov.u32 s13  }
0x19: {  	s24 =	simm.s32 $0x2800;
	s26 =	simm.s32 $0x1;
	s3 =	simm.s32 $0x1380  }
0x1a: {  	[dreg:$0xa] =	wrdreg s0;
	s0 =	sshll.u32 @!p0 s18, $0x6;
	s20 =	sshrl.u32 @!p0 s8, $0x3  }
0x1b: {  	s8 =	simm.s32 $0x2700;
	s18 =	sor.u32 @!p0 $0x1C05, s0;
	s0 =	simm.s32 $0x4  }
.LBB2_1:
0x1c: {  	s9 =	rddreg [dreg:$0x5]  }
0x1d: {  	s12 =	rddreg [dreg:$0xa]  }
0x1e: {  	[spmem:s12], [sflag:s15] =	dma.local @p0 [hbm:s9], $0x1770  }
0x1f: {  	s9 =	simm.s32 @p0 $0x5  }
0x20: {  	_ =	swait.ge @p0 [sflag:s9], $0x1770  }
0x21: {  	[sflag:s9] =	ssyncset.done @p0 $0x0  }
0x22: {  	[sflag:s9] =	ssyncadd.s32 @p0 $0xFFFFE890  }
0x23: {  	[spmem:s17], [sflag:s15] =	dma.local @p0 [hbm:s6], $0xFA0  }
0x24: {  	_ =	swait.ge @p0 [sflag:s9], $0xFA0  }
0x25: {  	[sflag:s9] =	ssyncset.done @p0 $0x0  }
0x26: {  	[sflag:s9] =	ssyncadd.s32 @p0 $0xFFFFF060;
	s9 =	rddreg [dreg:$0x6]  }
0x27: {  	[spmem:s19], [sflag:s18] =	dma.local @!p0 [hbm:s9], $0xFA0  }
0x28: {  	s9 =	simm.s32 @!p0 $0x5  }
0x29: {  	_ =	swait.ge @!p0 [sflag:s9], $0xFA0  }
0x2a: {  	[sflag:s9] =	ssyncset.done @!p0 $0x0  }
0x2b: {  	[sflag:s9] =	ssyncadd.s32 @!p0 $0xFFFFF060  }
0x2c: {  	[spmem:s20], [sflag:s18] =	dma.local @!p0 [hbm:s6], $0x1780  }
0x2d: {  	_ =	swait.ge @!p0 [sflag:s9], $0x1780  }
0x2e: {  	[sflag:s9] =	ssyncset.done @!p0 $0x0  }
0x2f: {  	[sflag:s9] =	ssyncadd.s32 @!p0 $0xFFFFE880  }
0x30: {  	p2 =	por $0x1, $0x1;
	s9 =	simm.s32 $0x0;
	[bflag:$0x0] =	sbarrier.arrive $0xFFFF  }
.LBB2_2:
0x31: {  	s9 =	sadd.s32 s11, s9  }
0x32: {  	s9 =	sshll.u32 s9, $0x4  }
0x33: {  	s12 =	sadd.s32 s4, s9  }
0x34: {  	[tilespmem:s2], [sflag:$0x5] =	stream.linear.gather [hbm4b:s12+s2], $0x1400, $0x38;
	[tilespmem:$0x1E100] =	vst v63  }
0x35: {  	_ =	swait.ge [sflag:s21], $0x1400  }
0x36: {  	[sflag:s21] =	ssyncset.done $0x0  }
0x37: {  	s9 =	sadd.s32 s5, s9;
	[sflag:s21] =	ssyncadd.s32 $0xFFFFEC00  }
0x38: {  	[tilespmem:s22], [sflag:$0x5] =	stream.linear.gather [hbm4b:s9+s2], $0x1400, $0x38;
	[tilespmem:$0x1E100] =	vst v63  }
0x39: {  	_ =	swait.ge [sflag:s21], $0x1400  }
0x3a: {  	[sflag:s21] =	ssyncset.done $0x0  }
0x3b: {  	[sflag:s21] =	ssyncadd.s32 $0xFFFFEC00  }
0x3c: {  	[tilespmem:s24], [sflag:$0x1] =	stream.indirect.gather [spmem:s1], $0x80, s2, s23, $0xb8;
	[tilespmem:$0x1E100] =	vst v63  }
0x3d: {  	_ = 	snop  }
0x3e: {  	[tilespmem:s25], [sflag:$0x2] =	stream.indirect.gather [spmem:s1], $0x80, s23, s23, $0xb8;
	[tilespmem:$0x1E100] =	vst v63  }
0x3f: {  	_ =	swait.ge [sflag:s26], $0x4000  }
0x40: {  	[sflag:s26] =	ssyncset.done $0x0  }
0x41: {  	[sflag:s26] =	ssyncadd.s32 $0xFFFFC000  }
0x42: {  	[spmem:s1] =	stream.indirect.scatter.add.f32 [tilespmem:s24], [sflag:$0x3], $0x80, s22, s23, $0xb8;
	[tilespmem:$0x1E100] =	vst v63  }
0x43: {  	_ =	swait.ge [sflag:s28], $0x4000  }
0x44: {  	[sflag:s28] =	ssyncset.done $0x0  }
0x45: {  	[sflag:s28] =	ssyncadd.s32 $0xFFFFC000  }
0x46: {  	[tilespmem:s24], [sflag:$0x1] =	stream.indirect.gather [spmem:s1], $0x80, s29, s23, $0xb8;
	[tilespmem:$0x1E100] =	vst v63  }
0x47: {  	_ =	swait.ge [sflag:s30], $0x4000  }
0x48: {  	[sflag:s30] =	ssyncset.done $0x0  }
0x49: {  	[sflag:s30] =	ssyncadd.s32 $0xFFFFC000  }
0x4a: {  	[spmem:s1] =	stream.indirect.scatter.add.f32 [tilespmem:s25], [sflag:$0x4], $0x80, s31, s23, $0xb8;
	[tilespmem:$0x1E100] =	vst v63  }
0x4b: {  	_ =	swait.ge [sflag:s0], $0x4000  }
0x4c: {  	[sflag:s0] =	ssyncset.done $0x0  }
0x4d: {  	s13 =	simm.s32 $0x180;
	[sflag:s0] =	ssyncadd.s32 $0xFFFFC000  }
0x4e: {  	[tilespmem:s25], [sflag:$0x2] =	stream.indirect.gather [spmem:s1], $0x80, s13, s23, $0xb8;
	[tilespmem:$0x1E100] =	vst v63  }
0x4f: {  	_ =	swait.ge [sflag:s26], $0x4000  }
0x50: {  	[sflag:s26] =	ssyncset.done $0x0  }
0x51: {  	s12 =	simm.s32 $0x1500;
	[sflag:s26] =	ssyncadd.s32 $0xFFFFC000  }
0x52: {  	[spmem:s1] =	stream.indirect.scatter.add.f32 [tilespmem:s24], [sflag:$0x3], $0x80, s12, s23, $0xb8;
	[tilespmem:$0x1E100] =	vst v63  }
0x53: {  	_ =	swait.ge [sflag:s28], $0x4000  }
0x54: {  	[sflag:s28] =	ssyncset.done $0x0  }
0x55: {  	s13 =	simm.s32 $0x200;
	[sflag:s28] =	ssyncadd.s32 $0xFFFFC000  }
0x56: {  	[tilespmem:s24], [sflag:$0x1] =	stream.indirect.gather [spmem:s1], $0x80, s13, s23, $0xb8;
	[tilespmem:$0x1E100] =	vst v63  }
0x57: {  	_ =	swait.ge [sflag:s30], $0x4000  }
0x58: {  	p1 =	por p2, p2;
	[sflag:s30] =	ssyncset.done $0x0  }
0x59: {  	s9 =	simm.s32 $0xFFFFBC00;
	s12 =	simm.s32 $0x1580;
	[sflag:s30] =	ssyncadd.s32 $0xFFFFC000  }
.LBB2_3:
0x5a: {  	[spmem:s1] =	stream.indirect.scatter.add.f32 [tilespmem:s25], [sflag:$0x4], $0x80, s12, s23, $0xb8;
	[tilespmem:$0x1E100] =	vst v63  }
0x5b: {  	s12 =	smov.u32 s9  }
0x5c: {  	p2 =	sne.s32 s9, $0xFFFFFC00;
	s9 =	sadd.s32 $0x400, s9;
	_ =	swait.ge [sflag:s0], $0x4000  }
0x5d: {  	s12 =	sshra.s32 s12, $0x2;
	[sflag:s0] =	ssyncset.done $0x0  }
0x5e: {  	s13 =	sadd.s32 $0x1380, s12;
	[sflag:s0] =	ssyncadd.s32 $0xFFFFC000  }
0x5f: {  	[tilespmem:s25], [sflag:$0x2] =	stream.indirect.gather [spmem:s1], $0x80, s13, s23, $0xb8;
	[tilespmem:$0x1E100] =	vst v63  }
0x60: {  	_ =	swait.ge [sflag:s26], $0x4000  }
0x61: {  	[sflag:s26] =	ssyncset.done $0x0  }
0x62: {  	s13 =	sadd.s32 $0x2700, s12;
	[sflag:s26] =	ssyncadd.s32 $0xFFFFC000  }
0x63: {  	[spmem:s1] =	stream.indirect.scatter.add.f32 [tilespmem:s24], [sflag:$0x3], $0x80, s13, s23, $0xb8;
	[tilespmem:$0x1E100] =	vst v63  }
0x64: {  	_ =	swait.ge [sflag:s28], $0x4000  }
0x65: {  	[sflag:s28] =	ssyncset.done $0x0  }
.Ltmp0:
0x66: {  	s13 =	sadd.s32 $0x1400, s12;
	[sflag:s28] =	ssyncadd.s32 $0xFFFFC000;
	(pc) =	sbr.rel @p2 .LBB2_3-.Ltmp0, $4  }
0x67: {  	[tilespmem:s24], [sflag:$0x1] =	stream.indirect.gather [spmem:s1], $0x80, s13, s23, $0xb8;
	[tilespmem:$0x1E100] =	vst v63  }
0x68: {  	_ =	swait.ge [sflag:s30], $0x4000  }
0x69: {  	[sflag:s30] =	ssyncset.done $0x0  }
0x6a: {  	s12 =	sadd.s32 $0x2780, s12;
	[sflag:s30] =	ssyncadd.s32 $0xFFFFC000  }
0x6b: {  	[spmem:s1] =	stream.indirect.scatter.add.f32 [tilespmem:s25], [sflag:$0x4], $0x80, s12, s23, $0xb8;
	[tilespmem:$0x1E100] =	vst v63  }
0x6c: {  	_ =	swait.ge [sflag:s0], $0x4000  }
0x6d: {  	[sflag:s0] =	ssyncset.done $0x0  }
0x6e: {  	[sflag:s0] =	ssyncadd.s32 $0xFFFFC000  }
0x6f: {  	[tilespmem:s25], [sflag:$0x2] =	stream.indirect.gather [spmem:s1], $0x80, s3, s23, $0xb8;
	[tilespmem:$0x1E100] =	vst v63  }
0x70: {  	_ =	swait.ge [sflag:s26], $0x4000  }
0x71: {  	[sflag:s26] =	ssyncset.done $0x0  }
0x72: {  	[sflag:s26] =	ssyncadd.s32 $0xFFFFC000  }
0x73: {  	[spmem:s1] =	stream.indirect.scatter.add.f32 [tilespmem:s24], [sflag:$0x3], $0x80, s8, s23, $0xb8;
	[tilespmem:$0x1E100] =	vst v63  }
0x74: {  	_ =	swait.ge [sflag:s28], $0x4000  }
0x75: {  	[sflag:s28] =	ssyncset.done $0x0  }
0x76: {  	[sflag:s28] =	ssyncadd.s32 $0xFFFFC000  }
0x77: {  	_ =	swait.ge [sflag:s30], $0x4000  }
0x78: {  	[sflag:s30] =	ssyncset.done $0x0  }
.Ltmp1:
0x79: {  	[sflag:s30] =	ssyncadd.s32 $0xFFFFC000;
	(pc) =	sbr.rel @p1 .LBB2_2-.Ltmp1, $4  }
0x7a: {  	[spmem:s1] =	stream.indirect.scatter.add.f32 [tilespmem:s25], [sflag:$0x4], $0x80, s7, s23, $0xb8;
	[tilespmem:$0x1E100] =	vst v63  }
0x7b: {  	_ =	swait.ge [sflag:s0], $0x4000  }
0x7c: {  	[sflag:s0] =	ssyncset.done $0x0  }
0x7d: {  	s9 =	simm.s32 $0x28;
	p2 =	por $0x0, $0x0;
	[sflag:s0] =	ssyncadd.s32 $0xFFFFC000  }
0x7e: {  	[bflag:$0x0] =	sbarrier.arrive $0xFFFF  }
0x7f: {  	s9 =	sshrl.u32 @p0 s16, $0x3;
	s12 =	rddreg [dreg:$0x7]  }
0x80: {  	[hbm:s12], [sflag:s15] =	dma.local @p0 [spmem:s9], $0xFA0  }
0x81: {  	s9 =	simm.s32 @p0 $0x5  }
0x82: {  	_ =	swait.ge @p0 [sflag:s9], $0xFA0  }
0x83: {  	[sflag:s9] =	ssyncset.done @p0 $0x0  }
0x84: {  	s12 =	rddreg [dreg:$0x8];
	[sflag:s9] =	ssyncadd.s32 @p0 $0xFFFFF060;
	s9 =	sshrl.u32 @!p0 s14, $0x3  }
0x85: {  	[hbm:s12], [sflag:s18] =	dma.local @!p0 [spmem:s9], $0x1770  }
0x86: {  	s9 =	simm.s32 @!p0 $0x5  }
0x87: {  	_ =	swait.ge @!p0 [sflag:s9], $0x1770  }
0x88: {  	s10 =	sadd.s32 $0x1, s10;
	s13 =	rddreg [dreg:$0x9]  }
0x89: {  	p1 =	sne.s32 s10, s13  }
.Ltmp2:
0x8a: {  	_ = 	snop;
	(pc) =	sbr.rel @p1 .LBB2_1-.Ltmp2, $3  }
0x8b: {  	_ =	sdelay $0x1  }
0x8c: {  	[sflag:s9] =	ssyncset.done @!p0 $0x0  }
0x8d: {  	[sflag:s9] =	ssyncadd.s32 @!p0 $0xFFFFE890  }
0x8e: {  	_ =	sfence.sel $0x180000  }
0x8f: {  	[bflag:$0x0] =	sbarrier.arrive $0xFFFF  }
0x90: {  	_ =	strace $0x90000053  }
0x91: {  	s0 =	stileid.u32;
	[bflag:$0x2] =	sbarrier.arrive $0xFFFF  }
0x92: {  	p0 =	sne.s32 s0, $0x0;
	s0 =	rddreg [dreg:$0x4]  }
0x93: {  	s0 =	sadd.s32 @!p0 $0x100000, s0  }
0x94: {  	[sflag:s0] =	ssyncadd.tile.s32 @!p0 $0x1;
	_ =	shalt  }
.Lfunc_end2:
_tile_overlayer_lowered:
.L_overlay_start_2:
0x95: {  	(tag) =	ssettag $0x2  }
0x96: {  	s0 =	rddreg [dreg:$0x0];
	s2 =	stileid.u32  }
0x97: {  	s1 =	rddreg [dreg:$0x1];
	p0 =	sne.s32 s2, $0x0  }
0x98: {  	s3 =	rddreg [dreg:$0x2];
	[bflag:$0x3] =	sbarrier.arrive $0xFFFF;
	s2 =	simm.s32 @!p0 $0x1C05  }
0x99: {  	[timem:s3], [sflag:s2] =	dma.local @!p0 [hbm:s0], s1  }
0x9a: {  	s0 =	simm.s32 @!p0 $0x5  }
0x9b: {  	_ =	swait.ge @!p0 [sflag:s0], s1  }
0x9c: {  	s1 =	ssub.s32 @!p0 $0x0, s1;
	[sflag:s0] =	ssyncset.done @!p0 $0x0  }
0x9d: {  	[sflag:s0] =	ssyncadd.s32 @!p0 s1  }
0x9e: {  	[bflag:$0x3] =	sbarrier.arrive $0xFFFF  }
0x9f: {  	_ =	shalt  }

// kernel: kernel.27.cloned.1.call-start
scs
__scs_entry_jumppad:
0x0: {  	(pc) =	sbr.rel $0x88, $3  }
0x1: {  	(tag) =	ssettag $0x0;
	lr =	simm.s32 $0x1  }
0x2: {  	[smem:$0x3F8F] =	sst lr;
	_ =	strace $0xD0000000  }
0x3: {  	_ = 	snop  }
0x4: {  	_ = 	snop  }
0x5: {  	_ = 	snop  }
0x6: {  	_ = 	snop  }
0x7: {  	_ = 	snop  }
__scs_overlays_trampoline_lowered:
0x8: {  	[smem:$0x3F9E] =	sst s0  }
0x9: {  	[smem:$0x3F9F] =	sst s1  }
0xa: {  	[smem:$0x3FA0] =	sst s2  }
0xb: {  	[smem:$0x3FA1] =	sst s3  }
0xc: {  	[smem:$0x3FA2] =	sst s4  }
0xd: {  	[smem:$0x3FA3] =	sst s5  }
0xe: {  	[smem:$0x3FA4] =	sst s6  }
0xf: {  	[smem:$0x3FA5] =	sst s7  }
0x10: {  	[smem:$0x3FA6] =	sst s8  }
0x11: {  	[smem:$0x3FA7] =	sst s9;
	s0 =	simm.s32 @!p0 $0x0  }
0x12: {  	s1 =	sld [smem:$0x3F8D];
	s0 =	simm.s32 @p0 $0x1  }
0x13: {  	[smem:$0x3FA8] =	sst s0;
	s0 =	simm.s32 @!p1 $0x0  }
0x14: {  	s2 =	sld [smem:$0x3F8C];
	s0 =	simm.s32 @p1 $0x1  }
0x15: {  	[smem:$0x3FA9] =	sst s0;
	s0 =	simm.s32 @!p2 $0x0  }
0x16: {  	s3 =	sld [smem:$0x3FDB];
	s0 =	simm.s32 @p2 $0x1  }
0x17: {  	s4 =	simm.s32 $0x1BF5;
	[smem:$0x3FAB] =	sst s0  }
0x18: {  	s0 =	sld [smem:$0x3F8E];
	_ =	swait.ge [sflag:s4], $0x0  }
0x19: {  	s7 =	sld [smem:$0x3F8F]  }
0x1a: {  	s8 =	sadd.s32 $0xFFFFE003, lr  }
0x1b: {  	s9 =	sadd.s32 $0xFFFFFEF7, lr;
	s5 =	simm.s32 $0xFFFFFFFF;
	p2 =	slt.u32 s8, $0xFFFFF086  }
0x1c: {  	p1 =	slt.u32 s9, $0xF7A;
	s5 =	simm.s32 @!p2 $0x0  }
0x1d: {  	s5 =	simm.s32 @p1 $0x1;
	p0 =	seq.s32 s7, s2  }
0x1e: {  	s7 =	smul.u32 @!p0 $0xF7A, s2;
	p2 =	seq.s32 @!p0 s5, $0x0  }
0x1f: {  	s9 =	smul.u32 $0xF7A, s1;
	s8 =	simm.s32 @!p0 $0x1BF5;
	p2 =	por !p2, p0  }
0x20: {  	[sflag:s8] =	ssyncset.s32 @!p0 $0xFFFFF086;
	s6 =	sadd.s32 @!p0 s3, s7;
	s7 =	simm.s32 @!p0 $0x108  }
0x21: {  	s3 =	sadd.s32 s3, s9;
	s6 =	sadd.s32 @!p0 $0x88, s6;
	s7 =	simm.s32 @p2 $0x1082  }
0x22: {  	[simem:s7], [sflag:s8] =	dma.local @!p0 [hbm:s6], $0xF7A  }
0x23: {  	s9 =	sor.u32 $0xD0000000, s2;
	s6 =	simm.s32 $0x108;
	_ =	swait.ge @!p0 [sflag:s8], $0x0  }
0x24: {  	s3 =	sadd.s32 $0x88, s3;
	s6 =	simm.s32 @!p1 $0x1082;
	[sflag:s4] =	ssyncset.s32 $0xFFFFF086  }
0x25: {  	[simem:s6], [sflag:s4] =	dma.local [hbm:s3], $0xF7A  }
0x26: {  	[smem:$0x3F8F] =	sst s1;
	(tag) =	ssettag s2;
	_ =	strace s9  }
0x27: {  	s1 =	sld [smem:$0x3F9F]  }
0x28: {  	s2 =	sld [smem:$0x3FA0]  }
0x29: {  	s4 =	sld [smem:$0x3FA2]  }
0x2a: {  	p0 =	seq.s32 s5, $0x0;
	s5 =	sld [smem:$0x3FA3]  }
0x2b: {  	s6 =	sld [smem:$0x3FA4]  }
0x2c: {  	s7 =	sld [smem:$0x3FA5]  }
0x2d: {  	s3 =	simm.s32 $0x108;
	s8 =	sld [smem:$0x3FA6]  }
0x2e: {  	s3 =	simm.s32 @!p0 $0x1082;
	s9 =	sld [smem:$0x3FA7]  }
0x2f: {  	lr =	sadd.s32 s0, s3;
	s0 =	sld [smem:$0x3F9E]  }
0x30: {  	s3 =	sld [smem:$0x3FA1]  }
0x31: {  	[smem:$0x3FAA] =	sst s10  }
0x32: {  	s10 =	sld [smem:$0x3FA8];
	_ =	sdelay $0x3  }
0x33: {  	p0 =	seq.s32 s10, $0x1;
	s10 =	sld [smem:$0x3FAA];
	_ =	sdelay $0x3  }
0x34: {  	[smem:$0x3FAA] =	sst s10  }
0x35: {  	s10 =	sld [smem:$0x3FA9];
	_ =	sdelay $0x3  }
0x36: {  	p1 =	seq.s32 s10, $0x1;
	s10 =	sld [smem:$0x3FAA];
	_ =	sdelay $0x3  }
0x37: {  	[smem:$0x3FAA] =	sst s10  }
0x38: {  	s10 =	sld [smem:$0x3FAB]  }
0x39: {  	_ = 	snop;
	(pc) =	sbr.ind lr, $3  }
0x3a: {  	_ = 	snop  }
0x3b: {  	_ = 	snop  }
0x3c: {  	p2 =	seq.s32 s10, $0x1;
	s10 =	sld [smem:$0x3FAA]  }
0x3d: {  	_ =	shalt  }
0x3e: {  	_ =	shalt  }
0x3f: {  	_ =	shalt  }
0x40: {  	_ =	shalt  }
0x41: {  	_ =	shalt  }
0x42: {  	_ =	shalt  }
0x43: {  	_ =	shalt  }
0x44: {  	_ =	shalt  }
0x45: {  	_ =	shalt  }
0x46: {  	_ =	shalt  }
0x47: {  	_ =	shalt  }
0x48: {  	_ =	shalt  }
0x49: {  	_ =	shalt  }
0x4a: {  	_ =	shalt  }
0x4b: {  	_ =	shalt  }
0x4c: {  	_ =	shalt  }
0x4d: {  	_ =	shalt  }
0x4e: {  	_ =	shalt  }
0x4f: {  	_ =	shalt  }
0x50: {  	_ =	shalt  }
0x51: {  	_ =	shalt  }
0x52: {  	_ =	shalt  }
0x53: {  	_ =	shalt  }
0x54: {  	_ =	shalt  }
0x55: {  	_ =	shalt  }
0x56: {  	_ =	shalt  }
0x57: {  	_ =	shalt  }
0x58: {  	_ =	shalt  }
0x59: {  	_ =	shalt  }
0x5a: {  	_ =	shalt  }
0x5b: {  	_ =	shalt  }
0x5c: {  	_ =	shalt  }
0x5d: {  	_ =	shalt  }
0x5e: {  	_ =	shalt  }
0x5f: {  	_ =	shalt  }
0x60: {  	_ =	shalt  }
0x61: {  	_ =	shalt  }
0x62: {  	_ =	shalt  }
0x63: {  	_ =	shalt  }
0x64: {  	_ =	shalt  }
0x65: {  	_ =	shalt  }
0x66: {  	_ =	shalt  }
0x67: {  	_ =	shalt  }
0x68: {  	_ =	shalt  }
0x69: {  	_ =	shalt  }
0x6a: {  	_ =	shalt  }
0x6b: {  	_ =	shalt  }
0x6c: {  	_ =	shalt  }
0x6d: {  	_ =	shalt  }
0x6e: {  	_ =	shalt  }
0x6f: {  	_ =	shalt  }
0x70: {  	_ =	shalt  }
0x71: {  	_ =	shalt  }
0x72: {  	_ =	shalt  }
0x73: {  	_ =	shalt  }
0x74: {  	_ =	shalt  }
0x75: {  	_ =	shalt  }
0x76: {  	_ =	shalt  }
0x77: {  	_ =	shalt  }
0x78: {  	_ =	shalt  }
0x79: {  	_ =	shalt  }
0x7a: {  	_ =	shalt  }
0x7b: {  	_ =	shalt  }
0x7c: {  	_ =	shalt  }
0x7d: {  	_ =	shalt  }
0x7e: {  	_ =	shalt  }
0x7f: {  	_ =	shalt  }
0x80: {  	_ =	shalt  }
0x81: {  	_ =	shalt  }
0x82: {  	_ =	shalt  }
0x83: {  	_ =	shalt  }
0x84: {  	_ =	shalt  }
0x85: {  	_ =	shalt  }
0x86: {  	_ =	shalt  }
0x87: {  	_ =	shalt  }
.Lfunc_end0:
.L_simem_size_0:
called_computation.5_lowered:
.L_overlay_start_0:
0x88: {  	s2 =	sld [smem:$0x3FD9]  }
0x89: {  	s3 =	sld [smem:$0x3FFE];
	_ =	sdelay $0x1  }
0x8a: {  	s1 =	srdreg.scid  }
0x8b: {  	s0 =	sand.u32 $0x1, s1  }
0x8c: {  	s14 =	sshll.u32 s0, $0xA;
	s2 =	sadd.s32 s3, s2  }
0x8d: {  	s2 =	sadd.s32 s2, s14  }
0x8e: {  	[smem:$0x3FB6] =	sst s2  }
0x8f: {  	_ = 	snop  }
0x90: {  	s2 =	sld [smem:$0x3FD0];
	_ =	sdelay $0x2  }
0x91: {  	s4 =	simm.s32 $0xB;
	s5 =	simm.s32 $0x10;
	s15 =	sld [smem:$0x3FC4]  }
0x92: {  	[smem:s5], [sflag:s4] =	dma.local [hbm:s2], $0x1  }
0x93: {  	_ =	swait.eq [sflag:s4], $0x1  }
0x94: {  	[sflag:s4] =	ssyncset.done $0x0  }
0x95: {  	[sflag:s4] =	ssyncadd.s32 $0xFFFFFFFF  }
0x96: {  	s16 =	sld [smem:$0x10];
	(tm) =	ssettm $0x1  }
0x97: {  	s17 =	sld [smem:$0x3FFB];
	_ =	sdelay $0x3  }
0x98: {  	_ =	strace s17  }
0x99: {  	s4 =	sld [smem:$0x3FFC];
	_ =	sdelay $0x3  }
0x9a: {  	_ =	strace s4  }
0x9b: {  	s4 =	sld [smem:$0x3FFD];
	_ =	sdelay $0x3  }
0x9c: {  	_ =	strace s4  }
0x9d: {  	_ =	strace $0x8FFFFFFF  }
0x9e: {  	s18 =	sld [smem:$0x3FDB];
	_ =	sdelay $0x1  }
0x9f: {  	s19 =	simm.s32 $_scs_section_size  }
0xa0: {  	s6 =	simm.s32 $_size__tile_overlayer_lowered;
	s7 =	simm.s32 $_tile_overlayer_lowered  }
0xa1: {  	s22 =	simm.s32 $0x1BFF;
	s21 =	sshll.u32 s7, $0x1;
	s4 =	sadd.s32 s19, s18  }
0xa2: {  	s8 =	simm.s32 $0x0;
	s20 =	sshll.u32 s6, $0x1;
	s6 =	sadd.s32 s21, s4  }
0xa3: {  	[timem:s8], [sflag:s22] =	dma.local [hbm:s6], s20  }
0xa4: {  	_ =	swait.ge [sflag:s22], s20  }
0xa5: {  	s5 =	ssub.s32 $0x0, s20;
	[sflag:s22] =	ssyncset.done $0x0  }
0xa6: {  	[sflag:s22] =	ssyncadd.s32 s5;
	_ =	sdelay $0x1  }
0xa7: {  	s23 =	simm.s32 $0x1B8B  }
0xa8: {  	_ =	swait.ge [sflag:s23], $0x1  }
0xa9: {  	[sflag:s23] =	ssyncset.done $0x0  }
0xaa: {  	s25 =	simm.s32 $0x1B8E;
	s24 =	sld [smem:$0x3FFE];
	[sflag:s23] =	ssyncadd.s32 $0xFFFFFFFF  }
0xab: {  	s26 =	simm.s32 $execute0_lowered;
	[smem:$0x3FD2] =	sst s25  }
0xac: {  	s6 =	sshll.u32 s26, $0x1;
	_ =	strace $0x80000055;
	[dreg:$0x1] =	wrdreg $0xFFFFFFFF  }
0xad: {  	s28 =	simm.s32 $_size_execute0_lowered;
	s4 =	sadd.s32 s4, s6;
	[dreg:$0x0] =	wrdreg $0x0  }
0xae: {  	s6 =	sshll.u32 s28, $0x1;
	[dreg:$0x2] =	wrdreg s4  }
0xaf: {  	[dreg:$0x3] =	wrdreg s6  }
0xb0: {  	[dreg:$0x4] =	wrdreg $0xC0  }
0xb1: {  	_ =	task [dreg:s8], $0x5FFFF  }
0xb2: {  	[dreg:$0x1] =	wrdreg $0xFFFFFFFF  }
0xb3: {  	[dreg:$0x0] =	wrdreg $0x60  }
0xb4: {  	[dreg:$0x2] =	wrdreg s15  }
0xb5: {  	[dreg:$0x3] =	wrdreg s24  }
0xb6: {  	[dreg:$0x4] =	wrdreg s16  }
0xb7: {  	[dreg:$0x5] =	wrdreg $0x9  }
0xb8: {  	_ =	task.clear_ibuf [dreg:s8], $0x6FFFF;
	_ =	strace $0x90000055  }
0xb9: {  	s29 =	simm.s32 $0x9;
	_ =	strace $0x80000057  }
0xba: {  	_ =	swait.ge [sflag:s29], $0x1  }
0xbb: {  	[sflag:s29] =	ssyncadd.s32 $0xFFFFFFFF  }
0xbc: {  	_ =	strace $0x90000057  }
0xbd: {  	_ =	sfence  }
0xbe: {  	s30 =	sld [smem:$0x0];
	_ =	sdelay $0x2  }
0xbf: {  	s31 =	sshll.u32 s1, $0xD;
	s1 =	sshrl.u32 s1, $0x2  }
0xc0: {  	s3 =	sand.u32 $0x4000, s31;
	s1 =	sadd.s32 s1, s30  }
0xc1: {  	s0 =	sor.u32 s3, s0;
	s1 =	sshll.u32 s1, $0x11  }
0xc2: {  	s0 =	sor.u32 s1, s0  }
0xc3: {  	s0 =	sadd.s32 $0x8F2B, s0  }
0xc4: {  	[sflag:s0] =	ssyncadd.remote.s32 $0x1  }
0xc5: {  	_ =	sfence.sel $0xFFFF  }
0xc6: {  	[dreg:$0x0] =	wrdreg $0xFFFFFFFF;
	(pc) =	sbr.abs _section_cstart, $3  }
0xc7: {  	[dreg:$0x1] =	wrdreg $0xFFFFFFFF  }
0xc8: {  	_ =	task.clear_ibuf [dreg:s8], $0x2FFFF;
	_ =	strace $0x9FFFFFFF  }
0xc9: {  	(tm) =	ssettm $0x7FFFFFFF  }
tec
execute0_lowered:
.L_overlay_start_1:
0x0: {  	(tag) =	ssettag $0x1  }
0x1: {  	s2 =	rddreg [dreg:$0x0];
	s0 =	srdreg.scid  }
0x2: {  	s16 =	rddreg [dreg:$0x1];
	s17 =	sand.u32 $0x1, s0  }
0x3: {  	s4 =	rddreg [dreg:$0x2];
	s1 =	stileid.u32;
	s3 =	sshll.u32 s17, $0x4  }
0x4: {  	s0 =	rddreg [dreg:$0x3];
	s5 =	sshll.u32 s1, $0x4;
	s6 =	sor.u32 s1, s3  }
0x5: {  	s5 =	sand.u32 $0x70, s5;
	s3 =	simm.s32 $0x0;
	s7 =	sshll.u32 s6, $0x4  }
0x6: {  	s4 =	sadd.s32 s4, s5;
	[smem:$0x7FF] =	sst s3;
	s7 =	sand.u32 $0x180, s7  }
0x7: {  	_ =	strace $0x80000056;
	s5 =	sadd.s32 s7, s4;
	s4 =	simm.s32 $0x2  }
0x8: {  	[tilespmem:s3], [sflag:$0x2] =	stream.linear.gather [hbm4b:s5+s3], $0x80, $0x38;
	[tilespmem:$0x3080] =	vst v63  }
0x9: {  	_ =	swait.ge [sflag:s4], $0x80  }
0xa: {  	s8 =	simm.s32 $0x1;
	s9 =	smul.u32 $0x1800, s6;
	[sflag:s4] =	ssyncset.done $0x0  }
0xb: {  	s6 =	simm.s32 $0x60;
	s7 =	simm.s32 $0x80;
	[sflag:s4] =	ssyncadd.s32 $0xFFFFFF80  }
0xc: {  	[tilespmem:s7], [sflag:$0x1] =	stream.indirect.gather [hbm4b:s2+s6], $0x80, s3, s6, $0xb8;
	[tilespmem:$0x3080] =	vst v63  }
0xd: {  	_ =	swait.ge [sflag:s8], $0x3000  }
0xe: {  	s10 =	simm.s32 $0x400;
	s18 =	sadd.s32 s9, s16;
	[sflag:s8] =	ssyncset.done $0x0  }
0xf: {  	s11 =	simm.s32 $0x1000;
	s9 =	sadd.s32 $0x60000, s18;
	[sflag:s8] =	ssyncadd.s32 $0xFFFFD000  }
0x10: {  	[hbm4b:s9+s10] =	stream.strided.scatter [tilespmem:s7], [sflag:$0x2], $0x3000, s11, s10, $0x38;
	[tilespmem:$0x3080] =	vst v63  }
0x11: {  	_ =	swait.ge [sflag:s4], $0x3000  }
0x12: {  	[sflag:s4] =	ssyncset.done $0x0  }
0x13: {  	s12 =	sadd.s32 $0x38E00, s16;
	[sflag:s4] =	ssyncadd.s32 $0xFFFFD000  }
0x14: {  	[tilespmem:s7], [sflag:$0x1] =	stream.indirect.gather [hbm4b:s12+s6], $0x80, s3, s6, $0xb8;
	[tilespmem:$0x3080] =	vst v63  }
0x15: {  	_ =	swait.ge [sflag:s8], $0x3000  }
0x16: {  	[sflag:s8] =	ssyncset.done $0x0  }
0x17: {  	s13 =	sadd.s32 $0x60080, s18;
	[sflag:s8] =	ssyncadd.s32 $0xFFFFD000  }
0x18: {  	[hbm4b:s13+s10] =	stream.strided.scatter [tilespmem:s7], [sflag:$0x2], $0x3000, s11, s10, $0x38;
	[tilespmem:$0x3080] =	vst v63  }
0x19: {  	_ =	swait.ge [sflag:s4], $0x3000  }
0x1a: {  	[sflag:s4] =	ssyncset.done $0x0  }
0x1b: {  	s14 =	sadd.s32 $0xDDA00, s16;
	[sflag:s4] =	ssyncadd.s32 $0xFFFFD000  }
0x1c: {  	[tilespmem:s7], [sflag:$0x1] =	stream.indirect.gather [hbm4b:s14+s6], $0x80, s3, s6, $0xb8;
	[tilespmem:$0x3080] =	vst v63  }
0x1d: {  	_ =	swait.ge [sflag:s8], $0x3000  }
0x1e: {  	[sflag:s8] =	ssyncset.done $0x0  }
0x1f: {  	s17 =	ssub.s32 $0x2, s17;
	s15 =	sadd.s32 $0x60100, s18;
	[sflag:s8] =	ssyncadd.s32 $0xFFFFD000  }
0x20: {  	[hbm4b:s15+s10] =	stream.strided.scatter [tilespmem:s7], [sflag:$0x2], $0x3000, s11, s10, $0x38;
	[tilespmem:$0x3080] =	vst v63  }
0x21: {  	s19 =	sshrl.u32 s17, $0x1;
	_ =	swait.ge [sflag:s4], $0x3000  }
0x22: {  	s19 =	ssub.s32 s17, s19;
	[sflag:s4] =	ssyncset.done $0x0  }
0x23: {  	s31 =	smax.u32 s19, $0x1;
	s16 =	sadd.s32 $0x6800, s16;
	[sflag:s4] =	ssyncadd.s32 $0xFFFFD000  }
0x24: {  	[tilespmem:s7], [sflag:$0x1] =	stream.indirect.gather [hbm4b:s16+s6], $0x80, s3, s6, $0xb8;
	[tilespmem:$0x3080] =	vst v63  }
0x25: {  	p0 =	sne.s32 s31, $0x1;
	_ =	swait.ge [sflag:s8], $0x3000  }
.Ltmp0:
0x26: {  	[sflag:s8] =	ssyncset.done $0x0;
	(pc) =	sbr.rel @!p0 .LBB2_2-.Ltmp0, $4  }
0x27: {  	s17 =	sadd.s32 $0x60180, s18;
	[sflag:s8] =	ssyncadd.s32 $0xFFFFD000  }
0x28: {  	[hbm4b:s17+s10] =	stream.strided.scatter [tilespmem:s7], [sflag:$0x2], $0x3000, s11, s10, $0x38;
	[tilespmem:$0x3080] =	vst v63  }
0x29: {  	_ =	swait.ge [sflag:s4], $0x3000  }
0x2a: {  	s18 =	sadd.s32 $0xFFFFFFFF, s31;
	[sflag:s4] =	ssyncset.done $0x0  }
.LBB2_1:
0x2b: {  	p0 =	sne.s32 s18, $0x1;
	s18 =	sadd.s32 $0xFFFFFFFF, s18;
	[sflag:s4] =	ssyncadd.s32 $0xFFFFD000  }
0x2c: {  	[tilespmem:s3], [sflag:$0x2] =	stream.linear.gather [hbm4b:s5+s3], $0x80, $0x38;
	[tilespmem:$0x3080] =	vst v63  }
0x2d: {  	_ =	swait.ge [sflag:s4], $0x80  }
0x2e: {  	[sflag:s4] =	ssyncset.done $0x0  }
0x2f: {  	[sflag:s4] =	ssyncadd.s32 $0xFFFFFF80  }
0x30: {  	[tilespmem:s7], [sflag:$0x1] =	stream.indirect.gather [hbm4b:s2+s6], $0x80, s3, s6, $0xb8;
	[tilespmem:$0x3080] =	vst v63  }
0x31: {  	_ =	swait.ge [sflag:s8], $0x3000  }
0x32: {  	[sflag:s8] =	ssyncset.done $0x0  }
0x33: {  	[sflag:s8] =	ssyncadd.s32 $0xFFFFD000  }
0x34: {  	[hbm4b:s9+s10] =	stream.strided.scatter [tilespmem:s7], [sflag:$0x2], $0x3000, s11, s10, $0x38;
	[tilespmem:$0x3080] =	vst v63  }
0x35: {  	_ =	swait.ge [sflag:s4], $0x3000  }
0x36: {  	[sflag:s4] =	ssyncset.done $0x0  }
0x37: {  	[sflag:s4] =	ssyncadd.s32 $0xFFFFD000  }
0x38: {  	[tilespmem:s7], [sflag:$0x1] =	stream.indirect.gather [hbm4b:s12+s6], $0x80, s3, s6, $0xb8;
	[tilespmem:$0x3080] =	vst v63  }
0x39: {  	_ =	swait.ge [sflag:s8], $0x3000  }
0x3a: {  	[sflag:s8] =	ssyncset.done $0x0  }
0x3b: {  	[sflag:s8] =	ssyncadd.s32 $0xFFFFD000  }
0x3c: {  	[hbm4b:s13+s10] =	stream.strided.scatter [tilespmem:s7], [sflag:$0x2], $0x3000, s11, s10, $0x38;
	[tilespmem:$0x3080] =	vst v63  }
0x3d: {  	_ =	swait.ge [sflag:s4], $0x3000  }
0x3e: {  	[sflag:s4] =	ssyncset.done $0x0  }
0x3f: {  	[sflag:s4] =	ssyncadd.s32 $0xFFFFD000  }
0x40: {  	[tilespmem:s7], [sflag:$0x1] =	stream.indirect.gather [hbm4b:s14+s6], $0x80, s3, s6, $0xb8;
	[tilespmem:$0x3080] =	vst v63  }
0x41: {  	_ =	swait.ge [sflag:s8], $0x3000  }
0x42: {  	[sflag:s8] =	ssyncset.done $0x0  }
0x43: {  	[sflag:s8] =	ssyncadd.s32 $0xFFFFD000  }
0x44: {  	[hbm4b:s15+s10] =	stream.strided.scatter [tilespmem:s7], [sflag:$0x2], $0x3000, s11, s10, $0x38;
	[tilespmem:$0x3080] =	vst v63  }
0x45: {  	_ =	swait.ge [sflag:s4], $0x3000  }
0x46: {  	[sflag:s4] =	ssyncset.done $0x0  }
0x47: {  	[sflag:s4] =	ssyncadd.s32 $0xFFFFD000  }
0x48: {  	[tilespmem:s7], [sflag:$0x1] =	stream.indirect.gather [hbm4b:s16+s6], $0x80, s3, s6, $0xb8;
	[tilespmem:$0x3080] =	vst v63  }
0x49: {  	_ =	swait.ge [sflag:s8], $0x3000  }
.Ltmp1:
0x4a: {  	[sflag:s8] =	ssyncset.done $0x0;
	(pc) =	sbr.rel @p0 .LBB2_1-.Ltmp1, $4  }
0x4b: {  	[sflag:s8] =	ssyncadd.s32 $0xFFFFD000  }
0x4c: {  	[hbm4b:s17+s10] =	stream.strided.scatter [tilespmem:s7], [sflag:$0x2], $0x3000, s11, s10, $0x38;
	[tilespmem:$0x3080] =	vst v63  }
0x4d: {  	_ =	swait.ge [sflag:s4], $0x3000  }
0x4e: {  	[sflag:s4] =	ssyncset.done $0x0  }
.LBB2_2:
0x4f: {  	[sflag:s4] =	ssyncadd.s32 $0xFFFFD000  }
0x50: {  	_ =	sfence.sel $0x180000  }
0x51: {  	[bflag:$0x0] =	sbarrier.arrive $0xFFFF  }
0x52: {  	p0 =	sne.s32 s1, $0x0;
	_ =	strace $0x90000056  }
0x53: {  	s0 =	sadd.s32 @!p0 $0x100000, s0;
	[bflag:$0x2] =	sbarrier.arrive $0xFFFF  }
0x54: {  	[sflag:s0] =	ssyncadd.tile.s32 @!p0 $0x1;
	_ =	shalt  }
.Lfunc_end2:
_tile_overlayer_lowered:
.L_overlay_start_2:
0x55: {  	(tag) =	ssettag $0x2  }
0x56: {  	s0 =	rddreg [dreg:$0x0];
	s2 =	stileid.u32  }
0x57: {  	s1 =	rddreg [dreg:$0x1];
	p0 =	sne.s32 s2, $0x0  }
0x58: {  	s3 =	rddreg [dreg:$0x2];
	[bflag:$0x3] =	sbarrier.arrive $0xFFFF;
	s2 =	simm.s32 @!p0 $0x1C02  }
0x59: {  	[timem:s3], [sflag:s2] =	dma.local @!p0 [hbm:s0], s1  }
0x5a: {  	s0 =	simm.s32 @!p0 $0x2  }
0x5b: {  	_ =	swait.ge @!p0 [sflag:s0], s1  }
0x5c: {  	s1 =	ssub.s32 @!p0 $0x0, s1;
	[sflag:s0] =	ssyncset.done @!p0 $0x0  }
0x5d: {  	[sflag:s0] =	ssyncadd.s32 @!p0 s1  }
0x5e: {  	[bflag:$0x3] =	sbarrier.arrive $0xFFFF  }
0x5f: {  	_ =	shalt  }

</sc_bundles>
